<compile_context>
chip_gen: v7x
topology: tpu7x:2x2x1
jax: 0.10.2.dev20260603
libtpu: 0.0.44.dev20260713+nightly
codegen_flags: <defaults>
</compile_context>

<pallas_src>
import functools

import jax
import jax.numpy as jnp
from jax import lax
from jax.experimental import pallas as pl
from jax.experimental.pallas import tpu as pltpu
from jax.experimental.pallas import tpu_sc as plsc

N_NODES = 10000
N_EDGES = 320000
D_FEAT = 128
UNITS = 128

L = 16
NC = 2
NS = 16
N_HALF = 5120
ACC_ROWS = N_HALF + 8
DUMP = N_HALF
EPT = N_EDGES // NS
B = 80
NB = EPT // B
ROWS_PER_SUB = N_HALF // NS
NVJ = D_FEAT // L
E_UN = 4


def _sc_spmm(x, row32, col32, vals_rep):
  mesh = plsc.VectorSubcoreMesh(core_axis_name="c", subcore_axis_name="s")

  @functools.partial(
      pl.kernel,
      out_type=jax.ShapeDtypeStruct((NC, N_HALF, D_FEAT), jnp.float32),
      mesh=mesh,
      scratch_types=[
          pltpu.VMEM((B,), jnp.int32), pltpu.VMEM((B,), jnp.int32),
          pltpu.VMEM((B,), jnp.int32), pltpu.VMEM((B,), jnp.int32),
          pltpu.VMEM((B,), jnp.int32), pltpu.VMEM((B,), jnp.int32),
          pltpu.VMEM((B,), jnp.float32), pltpu.VMEM((B,), jnp.float32),
          pltpu.VMEM((B, D_FEAT), jnp.float32),
          pltpu.VMEM((B, D_FEAT), jnp.float32),
          pltpu.VMEM_SHARED((ACC_ROWS, D_FEAT), jnp.float32),
          pltpu.SemaphoreType.DMA, pltpu.SemaphoreType.DMA,
          pltpu.SemaphoreType.DMA, pltpu.SemaphoreType.DMA,
          pltpu.SemaphoreType.DMA, pltpu.SemaphoreType.DMA,
      ],
  )
  def spmm(x_hbm, row_hbm, col_hbm, vals_hbm, out_hbm,
           col0, col1, rowb0, rowb1, idx0, idx1, vals_b0, vals_b1,
           rows0, rows1, acc_sh,
           isem0, isem1, gsem0, gsem1, ssem0, ssem1):
    c = lax.axis_index("c")
    s = lax.axis_index("s")
    lo = c * N_HALF
    tbase = s * EPT

    colb = [col0, col1]
    rowb = [rowb0, rowb1]
    idxb = [idx0, idx1]
    valsb = [vals_b0, vals_b1]
    rowsb = [rows0, rows1]
    isem = [isem0, isem1]
    gsem = [gsem0, gsem1]
    ssem = [ssem0, ssem1]

    def zero_row(r, carry):
      for j in range(NVJ):
        rows0[r, pl.ds(j * L, L)] = jnp.zeros((L,), jnp.float32)
      return carry
    lax.fori_loop(0, B, zero_row, 0)
    for t in range(ROWS_PER_SUB // B):
      pltpu.sync_copy(rows0,
                      acc_sh.at[pl.ds(s * ROWS_PER_SUB + t * B, B)])

    @pl.when(s == NS - 1)
    def _zero_dump():
      pltpu.sync_copy(rows0.at[pl.ds(0, ACC_ROWS - N_HALF)],
                      acc_sh.at[pl.ds(N_HALF, ACC_ROWS - N_HALF)])

    plsc.subcore_barrier()

    def issue_idx(k, p):
      base = tbase + k * B
      pltpu.async_copy(row_hbm.at[pl.ds(base, B)], rowb[p], isem[p])
      pltpu.async_copy(col_hbm.at[pl.ds(base, B)], colb[p], isem[p])
      pltpu.async_copy(vals_hbm.at[pl.ds(base, B)], valsb[p], isem[p])

    def wait_idx(p):
      pltpu.make_async_copy(row_hbm.at[pl.ds(0, B)], rowb[p], isem[p]).wait()
      pltpu.make_async_copy(col_hbm.at[pl.ds(0, B)], colb[p], isem[p]).wait()
      pltpu.make_async_copy(vals_hbm.at[pl.ds(0, B)], valsb[p],
                            isem[p]).wait()

    def activity(p):
      bmin = rowb[p][pl.ds(0, L)][0]
      bmax = rowb[p][pl.ds(B - L, L)][L - 1]
      return jnp.logical_and(bmax >= lo, bmin < lo + N_HALF)

    def issue_gather(p):
      pltpu.async_copy(x_hbm.at[colb[p]], rowsb[p], gsem[p])

    def wait_gather(p):
      pltpu.make_async_copy(x_hbm.at[pl.ds(0, B)], rowsb[p], gsem[p]).wait()

    def wait_scatter(p):
      pltpu.make_async_copy(rowsb[p], acc_sh.at[pl.ds(0, B)], ssem[p]).wait()

    def process(p):
      wait_gather(p)

      def mkidx(t, carry2):
        li = rowb[p][pl.ds(t * L, L)] - lo
        ok = jnp.logical_and(li >= 0, li < N_HALF)
        idxb[p][pl.ds(t * L, L)] = jnp.where(ok, li, DUMP)
        return carry2
      lax.fori_loop(0, B // L, mkidx, 0)

      def scale(g, carry2):
        vchunk = valsb[p][pl.ds(g * L, L)]
        for u in range(L):
          e = g * L + u
          bval = jnp.full((L,), vchunk[u], jnp.float32)
          for j in range(NVJ):
            sl = pl.ds(j * L, L)
            rowsb[p][e, sl] = rowsb[p][e, sl] * bval
        return carry2
      lax.fori_loop(0, B // L, scale, 0)

      pltpu.async_copy(rowsb[p], acc_sh.at[idxb[p]], ssem[p], add=True)

    issue_idx(0, 0)
    issue_idx(1, 1)
    wait_idx(0)

    @pl.when(activity(0))
    def _g0():
      issue_gather(0)

    def body(k, a_km1):
      is_even = (k % 2) == 0
      has_next = k + 1 < NB

      for p in (0, 1):
        q = 1 - p
        sel = is_even if p == 0 else jnp.logical_not(is_even)

        @pl.when(jnp.logical_and(sel, has_next))
        def _b_stage(p=p, q=q):
          wait_idx(q)

          @pl.when(a_km1 != 0)
          def _drain(q=q):
            wait_scatter(q)

          @pl.when(activity(q))
          def _g(q=q):
            issue_gather(q)

      a0 = activity(0)
      a1 = activity(1)
      a_k = jnp.where(is_even, a0, a1)
      for p in (0, 1):
        sel = is_even if p == 0 else jnp.logical_not(is_even)

        @pl.when(jnp.logical_and(sel, a_k))
        def _c_stage(p=p):
          process(p)

      for p in (0, 1):
        sel = is_even if p == 0 else jnp.logical_not(is_even)

        @pl.when(jnp.logical_and(sel, k + 2 < NB))
        def _a_stage(p=p):
          issue_idx(k + 2, p)

      return a_k.astype(jnp.int32)

    a_last = lax.fori_loop(0, NB, body, jnp.int32(0))

    p_last = (NB - 1) % 2
    p_prev = (NB - 2) % 2

    @pl.when(activity(p_prev))
    def _drain_prev():
      wait_scatter(p_prev)

    @pl.when(a_last != 0)
    def _drain_last():
      wait_scatter(p_last)

    plsc.subcore_barrier()
    pltpu.sync_copy(acc_sh.at[pl.ds(s * ROWS_PER_SUB, ROWS_PER_SUB)],
                    out_hbm.at[c, pl.ds(s * ROWS_PER_SUB, ROWS_PER_SUB)])

  return spmm(x, row32, col32, vals_rep)


def _tc_transform(agg, w, bias2d):
  BM = 2000

  def mm(a_ref, w_ref, b_ref, o_ref):
    o_ref[...] = (
        jnp.dot(a_ref[...], w_ref[...], preferred_element_type=jnp.float32)
        + b_ref[...])

  return pl.pallas_call(
      mm,
      grid=(N_NODES // BM,),
      in_specs=[
          pl.BlockSpec((BM, D_FEAT), lambda i: (i, 0)),
          pl.BlockSpec((D_FEAT, UNITS), lambda i: (0, 0)),
          pl.BlockSpec((1, UNITS), lambda i: (0, 0)),
      ],
      out_specs=pl.BlockSpec((BM, UNITS), lambda i: (i, 0)),
      out_shape=jax.ShapeDtypeStruct((N_NODES, UNITS), jnp.float32),
  )(agg, w, bias2d)


def kernel(x, adj_row, adj_col, adj_vals, kernel, bias):
  row32 = adj_row.astype(jnp.int32)
  col32 = adj_col.astype(jnp.int32)
  halves = _sc_spmm(x, row32, col32, adj_vals.astype(jnp.float32))
  agg = halves.reshape(NC * N_HALF, D_FEAT)
  return _tc_transform(agg, kernel, bias.reshape(1, UNITS))

# --- scband reference (transcript-rebuilt; emitter-appended) ---
"""Pipeline reference for scband-graph-convoluation-18485539242154 (READ-ONLY COPY).

The authoritative reference and input builder live on the scoring server;
editing this copy changes nothing except your own understanding.
"""

import jax, jax.numpy as jnp
import numpy as np

N_NODES = 10000
N_EDGES = 320000
D_FEAT = 128
UNITS = 128


def setup_inputs(seed: int = 0) -> dict:
    key = jax.random.key(seed)
    k_x, k_row, k_col, k_vals, k_w = jax.random.split(key, 5)
    x = jax.random.normal(k_x, (N_NODES, D_FEAT), dtype=jnp.float32)
    adj_row = jnp.sort(jax.random.randint(k_row, (N_EDGES,), 0, N_NODES, dtype=jnp.int64))
    adj_col = jax.random.randint(k_col, (N_EDGES,), 0, N_NODES, dtype=jnp.int64)
    adj_vals = jax.random.uniform(k_vals, (N_EDGES,), dtype=jnp.float32)
    # glorot uniform for kernel
    limit = jnp.sqrt(6.0 / (D_FEAT + UNITS))
    kernel = jax.random.uniform(k_w, (D_FEAT, UNITS), dtype=jnp.float32, minval=-limit, maxval=limit)
    bias = jnp.zeros((UNITS,), dtype=jnp.float32)
    return {"x": x, "adj_row": adj_row, "adj_col": adj_col, "adj_vals": adj_vals, "kernel": kernel, "bias": bias}


def reference(x, adj_row, adj_col, adj_vals, kernel, bias):
    # sparse_tensor_dense_matmul(A, x): out[r] += A[r, c] * x[c] over COO entries
    gathered = adj_vals[:, None] * jnp.take(x, adj_col, axis=0)
    agg = jax.ops.segment_sum(gathered, adj_row, num_segments=N_NODES)
    out = jnp.matmul(agg, kernel) + bias
    # activation = tf.identity
    return out

if __name__ == "__main__":
    import jax
    _d = setup_inputs()
    print(jax.jit(kernel)(*tuple(_d.values())))

</pallas_src>

<mosaic_0001>
#map = affine_map<(d0, d1) -> (0, 0)>
#map1 = affine_map<(d0, d1) -> (0)>
#map2 = affine_map<(d0, d1) -> (0, 0, 0)>
module attributes {stable_mosaic.version = 14 : i64} {
  func.func @spmm(%arg0: i32, %arg1: i32, %arg2: memref<10000x128xf32, #tpu.memory_space<hbm>>, %arg3: memref<320000xi32, #tpu.memory_space<hbm>>, %arg4: memref<320000xi32, #tpu.memory_space<hbm>>, %arg5: memref<320000xf32, #tpu.memory_space<hbm>>, %arg6: memref<2x5120x128xf32, #tpu.memory_space<hbm>>, %arg7: memref<80xi32, #tpu.memory_space<vmem>>, %arg8: memref<80xi32, #tpu.memory_space<vmem>>, %arg9: memref<80xi32, #tpu.memory_space<vmem>>, %arg10: memref<80xi32, #tpu.memory_space<vmem>>, %arg11: memref<80xi32, #tpu.memory_space<vmem>>, %arg12: memref<80xi32, #tpu.memory_space<vmem>>, %arg13: memref<80xf32, #tpu.memory_space<vmem>>, %arg14: memref<80xf32, #tpu.memory_space<vmem>>, %arg15: memref<80x128xf32, #tpu.memory_space<vmem>>, %arg16: memref<80x128xf32, #tpu.memory_space<vmem>>, %arg17: memref<5128x128xf32, #tpu.memory_space<vmem_shared>>, %arg18: memref<!tpu.dma_semaphore, #tpu.memory_space<semaphore_mem>>, %arg19: memref<!tpu.dma_semaphore, #tpu.memory_space<semaphore_mem>>, %arg20: memref<!tpu.dma_semaphore, #tpu.memory_space<semaphore_mem>>, %arg21: memref<!tpu.dma_semaphore, #tpu.memory_space<semaphore_mem>>, %arg22: memref<!tpu.dma_semaphore, #tpu.memory_space<semaphore_mem>>, %arg23: memref<!tpu.dma_semaphore, #tpu.memory_space<semaphore_mem>>) attributes {dimension_semantics = [#tpu.dimension_semantics<core_parallel>, #tpu.dimension_semantics<subcore_parallel>], iteration_bounds = array<i64: 2, 16>, scalar_prefetch = 0 : i64, scratch_operands = 17 : i64, tpu.core_type = #tpu.core_type<sc_vector_subcore>, window_params = [{transform_indices = #map}, {transform_indices = #map1}, {transform_indices = #map1}, {transform_indices = #map1}, {transform_indices = #map2}]} {
    %mul3A = arith.constant 5120 : i32
    %mul3A_0 = arith.muli %arg0, %mul3A : i32
    %mul3A_1 = arith.constant 20000 : i32
    %mul3A_2 = arith.muli %arg1, %mul3A_1 : i32
    %scan3A = arith.constant 0 : i32
    %scan3A_3 = arith.constant 0 : i32
    %scan3A_4 = arith.constant 80 : i32
    %scan3A_5 = arith.addi %scan3A_3, %scan3A_4 : i32
    %scan3A_6 = arith.constant 1 : i32
    scf.for %scan3A_97 = %scan3A_3 to %scan3A_5 step %scan3A_6  : i32 {
      %broadcast_in_dim3A = arith.constant 0.000000e+00 : f32
      %broadcast_in_dim3A_98 = vector.broadcast %broadcast_in_dim3A : f32 to vector<16xf32>
      %swap3A = arith.index_cast %scan3A_97 : i32 to index
      %swap3A_99 = arith.constant 0 : index
      %swap3A_100 = tpu.vector_load %arg15[%swap3A, %swap3A_99] {strides = array<i32>} : memref<80x128xf32, #tpu.memory_space<vmem>>, vector<1x16xf32>,
      %swap3A_101 = vector.shape_cast %swap3A_100 : vector<1x16xf32> to vector<16xf32>
      %swap3A_102 = vector.shape_cast %broadcast_in_dim3A_98 : vector<16xf32> to vector<1x16xf32>
      tpu.vector_store %arg15[%swap3A, %swap3A_99], %swap3A_102 {strides = array<i32>} : memref<80x128xf32, #tpu.memory_space<vmem>>, vector<1x16xf32>,
      %broadcast_in_dim3A_103 = arith.constant 0.000000e+00 : f32
      %broadcast_in_dim3A_104 = vector.broadcast %broadcast_in_dim3A_103 : f32 to vector<16xf32>
      %swap3A_105 = arith.index_cast %scan3A_97 : i32 to index
      %swap3A_106 = arith.constant 16 : index
      %swap3A_107 = tpu.vector_load %arg15[%swap3A_105, %swap3A_106] {strides = array<i32>} : memref<80x128xf32, #tpu.memory_space<vmem>>, vector<1x16xf32>,
      %swap3A_108 = vector.shape_cast %swap3A_107 : vector<1x16xf32> to vector<16xf32>
      %swap3A_109 = vector.shape_cast %broadcast_in_dim3A_104 : vector<16xf32> to vector<1x16xf32>
      tpu.vector_store %arg15[%swap3A_105, %swap3A_106], %swap3A_109 {strides = array<i32>} : memref<80x128xf32, #tpu.memory_space<vmem>>, vector<1x16xf32>,
      %broadcast_in_dim3A_110 = arith.constant 0.000000e+00 : f32
      %broadcast_in_dim3A_111 = vector.broadcast %broadcast_in_dim3A_110 : f32 to vector<16xf32>
      %swap3A_112 = arith.index_cast %scan3A_97 : i32 to index
      %swap3A_113 = arith.constant 32 : index
      %swap3A_114 = tpu.vector_load %arg15[%swap3A_112, %swap3A_113] {strides = array<i32>} : memref<80x128xf32, #tpu.memory_space<vmem>>, vector<1x16xf32>,
      %swap3A_115 = vector.shape_cast %swap3A_114 : vector<1x16xf32> to vector<16xf32>
      %swap3A_116 = vector.shape_cast %broadcast_in_dim3A_111 : vector<16xf32> to vector<1x16xf32>
      tpu.vector_store %arg15[%swap3A_112, %swap3A_113], %swap3A_116 {strides = array<i32>} : memref<80x128xf32, #tpu.memory_space<vmem>>, vector<1x16xf32>,
      %broadcast_in_dim3A_117 = arith.constant 0.000000e+00 : f32
      %broadcast_in_dim3A_118 = vector.broadcast %broadcast_in_dim3A_117 : f32 to vector<16xf32>
      %swap3A_119 = arith.index_cast %scan3A_97 : i32 to index
      %swap3A_120 = arith.constant 48 : index
      %swap3A_121 = tpu.vector_load %arg15[%swap3A_119, %swap3A_120] {strides = array<i32>} : memref<80x128xf32, #tpu.memory_space<vmem>>, vector<1x16xf32>,
      %swap3A_122 = vector.shape_cast %swap3A_121 : vector<1x16xf32> to vector<16xf32>
      %swap3A_123 = vector.shape_cast %broadcast_in_dim3A_118 : vector<16xf32> to vector<1x16xf32>
      tpu.vector_store %arg15[%swap3A_119, %swap3A_120], %swap3A_123 {strides = array<i32>} : memref<80x128xf32, #tpu.memory_space<vmem>>, vector<1x16xf32>,
      %broadcast_in_dim3A_124 = arith.constant 0.000000e+00 : f32
      %broadcast_in_dim3A_125 = vector.broadcast %broadcast_in_dim3A_124 : f32 to vector<16xf32>
      %swap3A_126 = arith.index_cast %scan3A_97 : i32 to index
      %swap3A_127 = arith.constant 64 : index
      %swap3A_128 = tpu.vector_load %arg15[%swap3A_126, %swap3A_127] {strides = array<i32>} : memref<80x128xf32, #tpu.memory_space<vmem>>, vector<1x16xf32>,
      %swap3A_129 = vector.shape_cast %swap3A_128 : vector<1x16xf32> to vector<16xf32>
      %swap3A_130 = vector.shape_cast %broadcast_in_dim3A_125 : vector<16xf32> to vector<1x16xf32>
      tpu.vector_store %arg15[%swap3A_126, %swap3A_127], %swap3A_130 {strides = array<i32>} : memref<80x128xf32, #tpu.memory_space<vmem>>, vector<1x16xf32>,
      %broadcast_in_dim3A_131 = arith.constant 0.000000e+00 : f32
      %broadcast_in_dim3A_132 = vector.broadcast %broadcast_in_dim3A_131 : f32 to vector<16xf32>
      %swap3A_133 = arith.index_cast %scan3A_97 : i32 to index
      %swap3A_134 = arith.constant 80 : index
      %swap3A_135 = tpu.vector_load %arg15[%swap3A_133, %swap3A_134] {strides = array<i32>} : memref<80x128xf32, #tpu.memory_space<vmem>>, vector<1x16xf32>,
      %swap3A_136 = vector.shape_cast %swap3A_135 : vector<1x16xf32> to vector<16xf32>
      %swap3A_137 = vector.shape_cast %broadcast_in_dim3A_132 : vector<16xf32> to vector<1x16xf32>
      tpu.vector_store %arg15[%swap3A_133, %swap3A_134], %swap3A_137 {strides = array<i32>} : memref<80x128xf32, #tpu.memory_space<vmem>>, vector<1x16xf32>,
      %broadcast_in_dim3A_138 = arith.constant 0.000000e+00 : f32
      %broadcast_in_dim3A_139 = vector.broadcast %broadcast_in_dim3A_138 : f32 to vector<16xf32>
      %swap3A_140 = arith.index_cast %scan3A_97 : i32 to index
      %swap3A_141 = arith.constant 96 : index
      %swap3A_142 = tpu.vector_load %arg15[%swap3A_140, %swap3A_141] {strides = array<i32>} : memref<80x128xf32, #tpu.memory_space<vmem>>, vector<1x16xf32>,
      %swap3A_143 = vector.shape_cast %swap3A_142 : vector<1x16xf32> to vector<16xf32>
      %swap3A_144 = vector.shape_cast %broadcast_in_dim3A_139 : vector<16xf32> to vector<1x16xf32>
      tpu.vector_store %arg15[%swap3A_140, %swap3A_141], %swap3A_144 {strides = array<i32>} : memref<80x128xf32, #tpu.memory_space<vmem>>, vector<1x16xf32>,
      %broadcast_in_dim3A_145 = arith.constant 0.000000e+00 : f32
      %broadcast_in_dim3A_146 = vector.broadcast %broadcast_in_dim3A_145 : f32 to vector<16xf32>
      %swap3A_147 = arith.index_cast %scan3A_97 : i32 to index
      %swap3A_148 = arith.constant 112 : index
      %swap3A_149 = tpu.vector_load %arg15[%swap3A_147, %swap3A_148] {strides = array<i32>} : memref<80x128xf32, #tpu.memory_space<vmem>>, vector<1x16xf32>,
      %swap3A_150 = vector.shape_cast %swap3A_149 : vector<1x16xf32> to vector<16xf32>
      %swap3A_151 = vector.shape_cast %broadcast_in_dim3A_146 : vector<16xf32> to vector<1x16xf32>
      tpu.vector_store %arg15[%swap3A_147, %swap3A_148], %swap3A_151 {strides = array<i32>} : memref<80x128xf32, #tpu.memory_space<vmem>>, vector<1x16xf32>,
    }
    %scan3A_7 = arith.constant 80 : i32
    %mul3A_8 = arith.constant 320 : i32
    %mul3A_9 = arith.muli %arg1, %mul3A_8 : i32
    %add3A = arith.constant 0 : i32
    %add3A_10 = arith.addi %mul3A_9, %add3A : i32
    "tpu.region"() ({
      %run_scoped3A = tpu.sem_alloc : memref<!tpu.dma_semaphore, #tpu.memory_space<semaphore_mem>>
      %dma_start3A_97 = arith.constant 0 : i32
      %dma_start3A_98 = tpu.memref_slice %arg17[%add3A_10, %dma_start3A_97] : memref<5128x128xf32, #tpu.memory_space<vmem_shared>> -> memref<80x128xf32, #tpu.memory_space<vmem_shared>>
      %dma_start3A_99 = arith.constant 0 : i32
      %dma_start3A_100 = tpu.memref_slice %arg17[%add3A_10, %dma_start3A_99] : memref<5128x128xf32, #tpu.memory_space<vmem_shared>> -> memref<80x128xf32, #tpu.memory_space<vmem_shared>>
      tpu.enqueue_dma source(%arg15 : memref<80x128xf32, #tpu.memory_space<vmem>>) target(%dma_start3A_100 : memref<80x128xf32, #tpu.memory_space<vmem_shared>>) target_semaphore(%run_scoped3A : memref<!tpu.dma_semaphore, #tpu.memory_space<semaphore_mem>>)
      %dma_wait3A_101 = arith.constant 0 : i32
      %dma_wait3A_102 = tpu.memref_slice %arg17[%add3A_10, %dma_wait3A_101] : memref<5128x128xf32, #tpu.memory_space<vmem_shared>> -> memref<80x128xf32, #tpu.memory_space<vmem_shared>>
      %dma_wait3A_103 = arith.constant 0 : i32
      %dma_wait3A_104 = tpu.memref_slice %arg17[%add3A_10, %dma_wait3A_103] : memref<5128x128xf32, #tpu.memory_space<vmem_shared>> -> memref<80x128xf32, #tpu.memory_space<vmem_shared>>
      tpu.wait_dma2 semaphore(%run_scoped3A : memref<!tpu.dma_semaphore, #tpu.memory_space<semaphore_mem>>) src(%arg15 : memref<80x128xf32, #tpu.memory_space<vmem>>) dst(%dma_wait3A_104 : memref<80x128xf32, #tpu.memory_space<vmem_shared>>)
      tpu.yield
    }) : () -> ()
    %mul3A_11 = arith.constant 320 : i32
    %mul3A_12 = arith.muli %arg1, %mul3A_11 : i32
    %add3A_13 = arith.constant 80 : i32
    %add3A_14 = arith.addi %mul3A_12, %add3A_13 : i32
    "tpu.region"() ({
      %run_scoped3A = tpu.sem_alloc : memref<!tpu.dma_semaphore, #tpu.memory_space<semaphore_mem>>
      %dma_start3A_97 = arith.constant 0 : i32
      %dma_start3A_98 = tpu.memref_slice %arg17[%add3A_14, %dma_start3A_97] : memref<5128x128xf32, #tpu.memory_space<vmem_shared>> -> memref<80x128xf32, #tpu.memory_space<vmem_shared>>
      %dma_start3A_99 = arith.constant 0 : i32
      %dma_start3A_100 = tpu.memref_slice %arg17[%add3A_14, %dma_start3A_99] : memref<5128x128xf32, #tpu.memory_space<vmem_shared>> -> memref<80x128xf32, #tpu.memory_space<vmem_shared>>
      tpu.enqueue_dma source(%arg15 : memref<80x128xf32, #tpu.memory_space<vmem>>) target(%dma_start3A_100 : memref<80x128xf32, #tpu.memory_space<vmem_shared>>) target_semaphore(%run_scoped3A : memref<!tpu.dma_semaphore, #tpu.memory_space<semaphore_mem>>)
      %dma_wait3A_101 = arith.constant 0 : i32
      %dma_wait3A_102 = tpu.memref_slice %arg17[%add3A_14, %dma_wait3A_101] : memref<5128x128xf32, #tpu.memory_space<vmem_shared>> -> memref<80x128xf32, #tpu.memory_space<vmem_shared>>
      %dma_wait3A_103 = arith.constant 0 : i32
      %dma_wait3A_104 = tpu.memref_slice %arg17[%add3A_14, %dma_wait3A_103] : memref<5128x128xf32, #tpu.memory_space<vmem_shared>> -> memref<80x128xf32, #tpu.memory_space<vmem_shared>>
      tpu.wait_dma2 semaphore(%run_scoped3A : memref<!tpu.dma_semaphore, #tpu.memory_space<semaphore_mem>>) src(%arg15 : memref<80x128xf32, #tpu.memory_space<vmem>>) dst(%dma_wait3A_104 : memref<80x128xf32, #tpu.memory_space<vmem_shared>>)
      tpu.yield
    }) : () -> ()
    %mul3A_15 = arith.constant 320 : i32
    %mul3A_16 = arith.muli %arg1, %mul3A_15 : i32
    %add3A_17 = arith.constant 160 : i32
    %add3A_18 = arith.addi %mul3A_16, %add3A_17 : i32
    "tpu.region"() ({
      %run_scoped3A = tpu.sem_alloc : memref<!tpu.dma_semaphore, #tpu.memory_space<semaphore_mem>>
      %dma_start3A_97 = arith.constant 0 : i32
      %dma_start3A_98 = tpu.memref_slice %arg17[%add3A_18, %dma_start3A_97] : memref<5128x128xf32, #tpu.memory_space<vmem_shared>> -> memref<80x128xf32, #tpu.memory_space<vmem_shared>>
      %dma_start3A_99 = arith.constant 0 : i32
      %dma_start3A_100 = tpu.memref_slice %arg17[%add3A_18, %dma_start3A_99] : memref<5128x128xf32, #tpu.memory_space<vmem_shared>> -> memref<80x128xf32, #tpu.memory_space<vmem_shared>>
      tpu.enqueue_dma source(%arg15 : memref<80x128xf32, #tpu.memory_space<vmem>>) target(%dma_start3A_100 : memref<80x128xf32, #tpu.memory_space<vmem_shared>>) target_semaphore(%run_scoped3A : memref<!tpu.dma_semaphore, #tpu.memory_space<semaphore_mem>>)
      %dma_wait3A_101 = arith.constant 0 : i32
      %dma_wait3A_102 = tpu.memref_slice %arg17[%add3A_18, %dma_wait3A_101] : memref<5128x128xf32, #tpu.memory_space<vmem_shared>> -> memref<80x128xf32, #tpu.memory_space<vmem_shared>>
      %dma_wait3A_103 = arith.constant 0 : i32
      %dma_wait3A_104 = tpu.memref_slice %arg17[%add3A_18, %dma_wait3A_103] : memref<5128x128xf32, #tpu.memory_space<vmem_shared>> -> memref<80x128xf32, #tpu.memory_space<vmem_shared>>
      tpu.wait_dma2 semaphore(%run_scoped3A : memref<!tpu.dma_semaphore, #tpu.memory_space<semaphore_mem>>) src(%arg15 : memref<80x128xf32, #tpu.memory_space<vmem>>) dst(%dma_wait3A_104 : memref<80x128xf32, #tpu.memory_space<vmem_shared>>)
      tpu.yield
    }) : () -> ()
    %mul3A_19 = arith.constant 320 : i32
    %mul3A_20 = arith.muli %arg1, %mul3A_19 : i32
    %add3A_21 = arith.constant 240 : i32
    %add3A_22 = arith.addi %mul3A_20, %add3A_21 : i32
    "tpu.region"() ({
      %run_scoped3A = tpu.sem_alloc : memref<!tpu.dma_semaphore, #tpu.memory_space<semaphore_mem>>
      %dma_start3A_97 = arith.constant 0 : i32
      %dma_start3A_98 = tpu.memref_slice %arg17[%add3A_22, %dma_start3A_97] : memref<5128x128xf32, #tpu.memory_space<vmem_shared>> -> memref<80x128xf32, #tpu.memory_space<vmem_shared>>
      %dma_start3A_99 = arith.constant 0 : i32
      %dma_start3A_100 = tpu.memref_slice %arg17[%add3A_22, %dma_start3A_99] : memref<5128x128xf32, #tpu.memory_space<vmem_shared>> -> memref<80x128xf32, #tpu.memory_space<vmem_shared>>
      tpu.enqueue_dma source(%arg15 : memref<80x128xf32, #tpu.memory_space<vmem>>) target(%dma_start3A_100 : memref<80x128xf32, #tpu.memory_space<vmem_shared>>) target_semaphore(%run_scoped3A : memref<!tpu.dma_semaphore, #tpu.memory_space<semaphore_mem>>)
      %dma_wait3A_101 = arith.constant 0 : i32
      %dma_wait3A_102 = tpu.memref_slice %arg17[%add3A_22, %dma_wait3A_101] : memref<5128x128xf32, #tpu.memory_space<vmem_shared>> -> memref<80x128xf32, #tpu.memory_space<vmem_shared>>
      %dma_wait3A_103 = arith.constant 0 : i32
      %dma_wait3A_104 = tpu.memref_slice %arg17[%add3A_22, %dma_wait3A_103] : memref<5128x128xf32, #tpu.memory_space<vmem_shared>> -> memref<80x128xf32, #tpu.memory_space<vmem_shared>>
      tpu.wait_dma2 semaphore(%run_scoped3A : memref<!tpu.dma_semaphore, #tpu.memory_space<semaphore_mem>>) src(%arg15 : memref<80x128xf32, #tpu.memory_space<vmem>>) dst(%dma_wait3A_104 : memref<80x128xf32, #tpu.memory_space<vmem_shared>>)
      tpu.yield
    }) : () -> ()
    %eq3A = arith.constant 15 : i32
    %eq3A_23 = arith.cmpi eq, %arg1, %eq3A : i32
    %convert_element_type3A = arith.extui %eq3A_23 : i1 to i32
    %cond3A = arith.constant 0 : i32
    %cond3A_24 = arith.cmpi ne, %convert_element_type3A, %cond3A : i32
    scf.if %cond3A_24 {
      "tpu.region"() ({
        %run_scoped3A = tpu.sem_alloc : memref<!tpu.dma_semaphore, #tpu.memory_space<semaphore_mem>>
        %dma_start3A_97 = arith.constant 0 : i32
        %dma_start3A_98 = arith.constant 0 : i32
        %dma_start3A_99 = tpu.memref_slice %arg15[%dma_start3A_97, %dma_start3A_98] : memref<80x128xf32, #tpu.memory_space<vmem>> -> memref<8x128xf32, #tpu.memory_space<vmem>>
        %dma_start3A_100 = arith.constant 5120 : i32
        %dma_start3A_101 = arith.constant 0 : i32
        %dma_start3A_102 = tpu.memref_slice %arg17[%dma_start3A_100, %dma_start3A_101] : memref<5128x128xf32, #tpu.memory_space<vmem_shared>> -> memref<8x128xf32, #tpu.memory_space<vmem_shared>>
        %dma_start3A_103 = arith.constant 5120 : i32
        %dma_start3A_104 = arith.constant 0 : i32
        %dma_start3A_105 = tpu.memref_slice %arg17[%dma_start3A_103, %dma_start3A_104] : memref<5128x128xf32, #tpu.memory_space<vmem_shared>> -> memref<8x128xf32, #tpu.memory_space<vmem_shared>>
        %dma_start3A_106 = arith.constant 0 : i32
        %dma_start3A_107 = arith.constant 0 : i32
        %dma_start3A_108 = tpu.memref_slice %arg15[%dma_start3A_106, %dma_start3A_107] : memref<80x128xf32, #tpu.memory_space<vmem>> -> memref<8x128xf32, #tpu.memory_space<vmem>>
        tpu.enqueue_dma source(%dma_start3A_108 : memref<8x128xf32, #tpu.memory_space<vmem>>) target(%dma_start3A_105 : memref<8x128xf32, #tpu.memory_space<vmem_shared>>) target_semaphore(%run_scoped3A : memref<!tpu.dma_semaphore, #tpu.memory_space<semaphore_mem>>)
        %dma_wait3A_109 = arith.constant 0 : i32
        %dma_wait3A_110 = arith.constant 0 : i32
        %dma_wait3A_111 = tpu.memref_slice %arg15[%dma_wait3A_109, %dma_wait3A_110] : memref<80x128xf32, #tpu.memory_space<vmem>> -> memref<8x128xf32, #tpu.memory_space<vmem>>
        %dma_wait3A_112 = arith.constant 5120 : i32
        %dma_wait3A_113 = arith.constant 0 : i32
        %dma_wait3A_114 = tpu.memref_slice %arg17[%dma_wait3A_112, %dma_wait3A_113] : memref<5128x128xf32, #tpu.memory_space<vmem_shared>> -> memref<8x128xf32, #tpu.memory_space<vmem_shared>>
        %dma_wait3A_115 = arith.constant 5120 : i32
        %dma_wait3A_116 = arith.constant 0 : i32
        %dma_wait3A_117 = tpu.memref_slice %arg17[%dma_wait3A_115, %dma_wait3A_116] : memref<5128x128xf32, #tpu.memory_space<vmem_shared>> -> memref<8x128xf32, #tpu.memory_space<vmem_shared>>
        %dma_wait3A_118 = arith.constant 0 : i32
        %dma_wait3A_119 = arith.constant 0 : i32
        %dma_wait3A_120 = tpu.memref_slice %arg15[%dma_wait3A_118, %dma_wait3A_119] : memref<80x128xf32, #tpu.memory_space<vmem>> -> memref<8x128xf32, #tpu.memory_space<vmem>>
        tpu.wait_dma2 semaphore(%run_scoped3A : memref<!tpu.dma_semaphore, #tpu.memory_space<semaphore_mem>>) src(%dma_wait3A_120 : memref<8x128xf32, #tpu.memory_space<vmem>>) dst(%dma_wait3A_117 : memref<8x128xf32, #tpu.memory_space<vmem_shared>>)
        tpu.yield
      }) : () -> ()
    } else {
    }
    %barrier3A = arith.constant 0 : index
    tpu.barrier barrier_id(%barrier3A)
    %add3A_25 = arith.constant 0 : i32
    %add3A_26 = arith.addi %mul3A_2, %add3A_25 : i32
    %dma_start3A = tpu.memref_slice %arg3[%add3A_26] : memref<320000xi32, #tpu.memory_space<hbm>> -> memref<80xi32, #tpu.memory_space<hbm>>
    %dma_start3A_27 = tpu.memref_slice %arg3[%add3A_26] : memref<320000xi32, #tpu.memory_space<hbm>> -> memref<80xi32, #tpu.memory_space<hbm>>
    tpu.enqueue_dma source(%dma_start3A_27 : memref<80xi32, #tpu.memory_space<hbm>>) target(%arg9 : memref<80xi32, #tpu.memory_space<vmem>>) target_semaphore(%arg18 : memref<!tpu.dma_semaphore, #tpu.memory_space<semaphore_mem>>)
    %dma_start3A_28 = tpu.memref_slice %arg4[%add3A_26] : memref<320000xi32, #tpu.memory_space<hbm>> -> memref<80xi32, #tpu.memory_space<hbm>>
    %dma_start3A_29 = tpu.memref_slice %arg4[%add3A_26] : memref<320000xi32, #tpu.memory_space<hbm>> -> memref<80xi32, #tpu.memory_space<hbm>>
    tpu.enqueue_dma source(%dma_start3A_29 : memref<80xi32, #tpu.memory_space<hbm>>) target(%arg7 : memref<80xi32, #tpu.memory_space<vmem>>) target_semaphore(%arg18 : memref<!tpu.dma_semaphore, #tpu.memory_space<semaphore_mem>>)
    %dma_start3A_30 = tpu.memref_slice %arg5[%add3A_26] : memref<320000xf32, #tpu.memory_space<hbm>> -> memref<80xf32, #tpu.memory_space<hbm>>
    %dma_start3A_31 = tpu.memref_slice %arg5[%add3A_26] : memref<320000xf32, #tpu.memory_space<hbm>> -> memref<80xf32, #tpu.memory_space<hbm>>
    tpu.enqueue_dma source(%dma_start3A_31 : memref<80xf32, #tpu.memory_space<hbm>>) target(%arg13 : memref<80xf32, #tpu.memory_space<vmem>>) target_semaphore(%arg18 : memref<!tpu.dma_semaphore, #tpu.memory_space<semaphore_mem>>)
    %add3A_32 = arith.constant 80 : i32
    %add3A_33 = arith.addi %mul3A_2, %add3A_32 : i32
    %dma_start3A_34 = tpu.memref_slice %arg3[%add3A_33] : memref<320000xi32, #tpu.memory_space<hbm>> -> memref<80xi32, #tpu.memory_space<hbm>>
    %dma_start3A_35 = tpu.memref_slice %arg3[%add3A_33] : memref<320000xi32, #tpu.memory_space<hbm>> -> memref<80xi32, #tpu.memory_space<hbm>>
    tpu.enqueue_dma source(%dma_start3A_35 : memref<80xi32, #tpu.memory_space<hbm>>) target(%arg10 : memref<80xi32, #tpu.memory_space<vmem>>) target_semaphore(%arg19 : memref<!tpu.dma_semaphore, #tpu.memory_space<semaphore_mem>>)
    %dma_start3A_36 = tpu.memref_slice %arg4[%add3A_33] : memref<320000xi32, #tpu.memory_space<hbm>> -> memref<80xi32, #tpu.memory_space<hbm>>
    %dma_start3A_37 = tpu.memref_slice %arg4[%add3A_33] : memref<320000xi32, #tpu.memory_space<hbm>> -> memref<80xi32, #tpu.memory_space<hbm>>
    tpu.enqueue_dma source(%dma_start3A_37 : memref<80xi32, #tpu.memory_space<hbm>>) target(%arg8 : memref<80xi32, #tpu.memory_space<vmem>>) target_semaphore(%arg19 : memref<!tpu.dma_semaphore, #tpu.memory_space<semaphore_mem>>)
    %dma_start3A_38 = tpu.memref_slice %arg5[%add3A_33] : memref<320000xf32, #tpu.memory_space<hbm>> -> memref<80xf32, #tpu.memory_space<hbm>>
    %dma_start3A_39 = tpu.memref_slice %arg5[%add3A_33] : memref<320000xf32, #tpu.memory_space<hbm>> -> memref<80xf32, #tpu.memory_space<hbm>>
    tpu.enqueue_dma source(%dma_start3A_39 : memref<80xf32, #tpu.memory_space<hbm>>) target(%arg14 : memref<80xf32, #tpu.memory_space<vmem>>) target_semaphore(%arg19 : memref<!tpu.dma_semaphore, #tpu.memory_space<semaphore_mem>>)
    %dma_wait3A = arith.constant 0 : i32
    %dma_wait3A_40 = tpu.memref_slice %arg3[%dma_wait3A] : memref<320000xi32, #tpu.memory_space<hbm>> -> memref<80xi32, #tpu.memory_space<hbm>>
    %dma_wait3A_41 = arith.constant 0 : i32
    %dma_wait3A_42 = tpu.memref_slice %arg3[%dma_wait3A_41] : memref<320000xi32, #tpu.memory_space<hbm>> -> memref<80xi32, #tpu.memory_space<hbm>>
    tpu.wait_dma2 semaphore(%arg18 : memref<!tpu.dma_semaphore, #tpu.memory_space<semaphore_mem>>) src(%dma_wait3A_42 : memref<80xi32, #tpu.memory_space<hbm>>) dst(%arg9 : memref<80xi32, #tpu.memory_space<vmem>>)
    %dma_wait3A_43 = arith.constant 0 : i32
    %dma_wait3A_44 = tpu.memref_slice %arg4[%dma_wait3A_43] : memref<320000xi32, #tpu.memory_space<hbm>> -> memref<80xi32, #tpu.memory_space<hbm>>
    %dma_wait3A_45 = arith.constant 0 : i32
    %dma_wait3A_46 = tpu.memref_slice %arg4[%dma_wait3A_45] : memref<320000xi32, #tpu.memory_space<hbm>> -> memref<80xi32, #tpu.memory_space<hbm>>
    tpu.wait_dma2 semaphore(%arg18 : memref<!tpu.dma_semaphore, #tpu.memory_space<semaphore_mem>>) src(%dma_wait3A_46 : memref<80xi32, #tpu.memory_space<hbm>>) dst(%arg7 : memref<80xi32, #tpu.memory_space<vmem>>)
    %dma_wait3A_47 = arith.constant 0 : i32
    %dma_wait3A_48 = tpu.memref_slice %arg5[%dma_wait3A_47] : memref<320000xf32, #tpu.memory_space<hbm>> -> memref<80xf32, #tpu.memory_space<hbm>>
    %dma_wait3A_49 = arith.constant 0 : i32
    %dma_wait3A_50 = tpu.memref_slice %arg5[%dma_wait3A_49] : memref<320000xf32, #tpu.memory_space<hbm>> -> memref<80xf32, #tpu.memory_space<hbm>>
    tpu.wait_dma2 semaphore(%arg18 : memref<!tpu.dma_semaphore, #tpu.memory_space<semaphore_mem>>) src(%dma_wait3A_50 : memref<80xf32, #tpu.memory_space<hbm>>) dst(%arg13 : memref<80xf32, #tpu.memory_space<vmem>>)
    %get3A = arith.constant 0 : index
    %get3A_51 = tpu.vector_load %arg9[%get3A] {strides = array<i32>} : memref<80xi32, #tpu.memory_space<vmem>>, vector<16xi32>,
    %get3A_52 = vector.shape_cast %get3A_51 : vector<16xi32> to vector<16xi32>
    %slice3A = vector.extract_strided_slice %get3A_52 {offsets = [0], sizes = [1], strides = [1]} : vector<16xi32> to vector<1xi32>
    %squeeze3A = vector.extract %slice3A[0] : i32 from vector<1xi32>
    %get3A_53 = arith.constant 64 : index
    %get3A_54 = tpu.vector_load %arg9[%get3A_53] {strides = array<i32>} : memref<80xi32, #tpu.memory_space<vmem>>, vector<16xi32>,
    %get3A_55 = vector.shape_cast %get3A_54 : vector<16xi32> to vector<16xi32>
    %slice3A_56 = vector.extract_strided_slice %get3A_55 {offsets = [15], sizes = [1], strides = [1]} : vector<16xi32> to vector<1xi32>
    %squeeze3A_57 = vector.extract %slice3A_56[0] : i32 from vector<1xi32>
    %ge3A = arith.cmpi sge, %squeeze3A_57, %mul3A_0 : i32
    %add3A_58 = arith.constant 5120 : i32
    %add3A_59 = arith.addi %mul3A_0, %add3A_58 : i32
    %lt3A = arith.cmpi slt, %squeeze3A, %add3A_59 : i32
    %and3A = arith.andi %ge3A, %lt3A : i1
    %convert_element_type3A_60 = arith.extui %and3A : i1 to i32
    %cond3A_61 = arith.constant 0 : i32
    %cond3A_62 = arith.cmpi ne, %convert_element_type3A_60, %cond3A_61 : i32
    scf.if %cond3A_62 {
      %dma_start3A_97 = arith.constant 0 : i32
      %dma_start3A_98 = arith.constant 0 : i32
      %dma_start3A_99 = tpu.memref_slice %arg2[%dma_start3A_97, %dma_start3A_98] : memref<10000x128xf32, #tpu.memory_space<hbm>> -> memref<10000x128xf32, #tpu.memory_space<hbm>>
      tpu.enqueue_indirect_dma source(%dma_start3A_99 : memref<10000x128xf32, #tpu.memory_space<hbm>>) target(%arg15 : memref<80x128xf32, #tpu.memory_space<vmem>>) offsets(%arg7 : memref<80xi32, #tpu.memory_space<vmem>>) semaphore(%arg20 : memref<!tpu.dma_semaphore, #tpu.memory_space<semaphore_mem>>)
    } else {
    }
    %scan3A_63 = arith.constant 0 : i32
    %scan3A_64 = arith.constant 0 : i32
    %scan3A_65 = arith.constant 250 : i32
    %scan3A_66 = arith.addi %scan3A_64, %scan3A_65 : i32
    %scan3A_67 = arith.constant 1 : i32
    %scan3A_68 = scf.for %scan3A_97 = %scan3A_64 to %scan3A_66 step %scan3A_67 iter_args(%scan3A_98 = %scan3A_63) -> (i32)  : i32 {
      %jit3A = arith.constant 2 : i32
      %eq3A_99 = arith.constant 0 : i32
      %eq3A_100 = arith.cmpi eq, %jit3A, %eq3A_99 : i32
      %jit3A_101 = arith.constant 1 : i32
      %select_n3A = arith.select %eq3A_100, %jit3A_101, %jit3A : i32
      %rem3A = arith.remsi %scan3A_97, %select_n3A : i32
      %ne3A_102 = arith.constant 0 : i32
      %ne3A_103 = arith.cmpi ne, %rem3A, %ne3A_102 : i32
      %lt3A_104 = arith.constant 0 : i32
      %lt3A_105 = arith.cmpi slt, %rem3A, %lt3A_104 : i32
      %lt3A_106 = arith.constant 0 : i32
      %lt3A_107 = arith.cmpi slt, %select_n3A, %lt3A_106 : i32
      %ne3A_108 = arith.xori %lt3A_105, %lt3A_107 : i1
      %and3A_109 = arith.andi %ne3A_108, %ne3A_103 : i1
      %add3A_110 = arith.addi %rem3A, %select_n3A : i32
      %select_n3A_111 = arith.select %and3A_109, %add3A_110, %rem3A : i32
      %eq3A_112 = arith.constant 0 : i32
      %eq3A_113 = arith.cmpi eq, %select_n3A_111, %eq3A_112 : i32
      %add3A_114 = arith.constant 1 : i32
      %add3A_115 = arith.addi %scan3A_97, %add3A_114 : i32
      %lt3A_116 = arith.constant 250 : i32
      %lt3A_117 = arith.cmpi slt, %add3A_115, %lt3A_116 : i32
      %and3A_118 = arith.andi %eq3A_113, %lt3A_117 : i1
      %convert_element_type3A_119 = arith.extui %and3A_118 : i1 to i32
      %cond3A_120 = arith.constant 0 : i32
      %cond3A_121 = arith.cmpi ne, %convert_element_type3A_119, %cond3A_120 : i32
      scf.if %cond3A_121 {
        %dma_wait3A_187 = arith.constant 0 : i32
        %dma_wait3A_188 = tpu.memref_slice %arg3[%dma_wait3A_187] : memref<320000xi32, #tpu.memory_space<hbm>> -> memref<80xi32, #tpu.memory_space<hbm>>
        %dma_wait3A_189 = arith.constant 0 : i32
        %dma_wait3A_190 = tpu.memref_slice %arg3[%dma_wait3A_189] : memref<320000xi32, #tpu.memory_space<hbm>> -> memref<80xi32, #tpu.memory_space<hbm>>
        tpu.wait_dma2 semaphore(%arg19 : memref<!tpu.dma_semaphore, #tpu.memory_space<semaphore_mem>>) src(%dma_wait3A_190 : memref<80xi32, #tpu.memory_space<hbm>>) dst(%arg10 : memref<80xi32, #tpu.memory_space<vmem>>)
        %dma_wait3A_191 = arith.constant 0 : i32
        %dma_wait3A_192 = tpu.memref_slice %arg4[%dma_wait3A_191] : memref<320000xi32, #tpu.memory_space<hbm>> -> memref<80xi32, #tpu.memory_space<hbm>>
        %dma_wait3A_193 = arith.constant 0 : i32
        %dma_wait3A_194 = tpu.memref_slice %arg4[%dma_wait3A_193] : memref<320000xi32, #tpu.memory_space<hbm>> -> memref<80xi32, #tpu.memory_space<hbm>>
        tpu.wait_dma2 semaphore(%arg19 : memref<!tpu.dma_semaphore, #tpu.memory_space<semaphore_mem>>) src(%dma_wait3A_194 : memref<80xi32, #tpu.memory_space<hbm>>) dst(%arg8 : memref<80xi32, #tpu.memory_space<vmem>>)
        %dma_wait3A_195 = arith.constant 0 : i32
        %dma_wait3A_196 = tpu.memref_slice %arg5[%dma_wait3A_195] : memref<320000xf32, #tpu.memory_space<hbm>> -> memref<80xf32, #tpu.memory_space<hbm>>
        %dma_wait3A_197 = arith.constant 0 : i32
        %dma_wait3A_198 = tpu.memref_slice %arg5[%dma_wait3A_197] : memref<320000xf32, #tpu.memory_space<hbm>> -> memref<80xf32, #tpu.memory_space<hbm>>
        tpu.wait_dma2 semaphore(%arg19 : memref<!tpu.dma_semaphore, #tpu.memory_space<semaphore_mem>>) src(%dma_wait3A_198 : memref<80xf32, #tpu.memory_space<hbm>>) dst(%arg14 : memref<80xf32, #tpu.memory_space<vmem>>)
        %ne3A_199 = arith.constant 0 : i32
        %ne3A_200 = arith.cmpi ne, %scan3A_98, %ne3A_199 : i32
        %convert_element_type3A_201 = arith.extui %ne3A_200 : i1 to i32
        %cond3A_202 = arith.constant 0 : i32
        %cond3A_203 = arith.cmpi ne, %convert_element_type3A_201, %cond3A_202 : i32
        scf.if %cond3A_203 {
          %dma_wait3A_222 = arith.constant 0 : i32
          %dma_wait3A_223 = arith.constant 0 : i32
          %dma_wait3A_224 = tpu.memref_slice %arg17[%dma_wait3A_222, %dma_wait3A_223] : memref<5128x128xf32, #tpu.memory_space<vmem_shared>> -> memref<80x128xf32, #tpu.memory_space<vmem_shared>>
          %dma_wait3A_225 = arith.constant 0 : i32
          %dma_wait3A_226 = arith.constant 0 : i32
          %dma_wait3A_227 = tpu.memref_slice %arg17[%dma_wait3A_225, %dma_wait3A_226] : memref<5128x128xf32, #tpu.memory_space<vmem_shared>> -> memref<80x128xf32, #tpu.memory_space<vmem_shared>>
          tpu.wait_dma2 semaphore(%arg23 : memref<!tpu.dma_semaphore, #tpu.memory_space<semaphore_mem>>) src(%arg16 : memref<80x128xf32, #tpu.memory_space<vmem>>) dst(%dma_wait3A_227 : memref<80x128xf32, #tpu.memory_space<vmem_shared>>)
        } else {
        }
        %get3A_204 = arith.constant 0 : index
        %get3A_205 = tpu.vector_load %arg10[%get3A_204] {strides = array<i32>} : memref<80xi32, #tpu.memory_space<vmem>>, vector<16xi32>,
        %get3A_206 = vector.shape_cast %get3A_205 : vector<16xi32> to vector<16xi32>
        %slice3A_207 = vector.extract_strided_slice %get3A_206 {offsets = [0], sizes = [1], strides = [1]} : vector<16xi32> to vector<1xi32>
        %squeeze3A_208 = vector.extract %slice3A_207[0] : i32 from vector<1xi32>
        %get3A_209 = arith.constant 64 : index
        %get3A_210 = tpu.vector_load %arg10[%get3A_209] {strides = array<i32>} : memref<80xi32, #tpu.memory_space<vmem>>, vector<16xi32>,
        %get3A_211 = vector.shape_cast %get3A_210 : vector<16xi32> to vector<16xi32>
        %slice3A_212 = vector.extract_strided_slice %get3A_211 {offsets = [15], sizes = [1], strides = [1]} : vector<16xi32> to vector<1xi32>
        %squeeze3A_213 = vector.extract %slice3A_212[0] : i32 from vector<1xi32>
        %ge3A_214 = arith.cmpi sge, %squeeze3A_213, %mul3A_0 : i32
        %add3A_215 = arith.constant 5120 : i32
        %add3A_216 = arith.addi %mul3A_0, %add3A_215 : i32
        %lt3A_217 = arith.cmpi slt, %squeeze3A_208, %add3A_216 : i32
        %and3A_218 = arith.andi %ge3A_214, %lt3A_217 : i1
        %convert_element_type3A_219 = arith.extui %and3A_218 : i1 to i32
        %cond3A_220 = arith.constant 0 : i32
        %cond3A_221 = arith.cmpi ne, %convert_element_type3A_219, %cond3A_220 : i32
        scf.if %cond3A_221 {
          %dma_start3A_222 = arith.constant 0 : i32
          %dma_start3A_223 = arith.constant 0 : i32
          %dma_start3A_224 = tpu.memref_slice %arg2[%dma_start3A_222, %dma_start3A_223] : memref<10000x128xf32, #tpu.memory_space<hbm>> -> memref<10000x128xf32, #tpu.memory_space<hbm>>
          tpu.enqueue_indirect_dma source(%dma_start3A_224 : memref<10000x128xf32, #tpu.memory_space<hbm>>) target(%arg16 : memref<80x128xf32, #tpu.memory_space<vmem>>) offsets(%arg8 : memref<80xi32, #tpu.memory_space<vmem>>) semaphore(%arg21 : memref<!tpu.dma_semaphore, #tpu.memory_space<semaphore_mem>>)
        } else {
        }
      } else {
      }
      %not3A = arith.constant true
      %not3A_122 = arith.xori %eq3A_113, %not3A : i1
      %and3A_123 = arith.andi %not3A_122, %lt3A_117 : i1
      %convert_element_type3A_124 = arith.extui %and3A_123 : i1 to i32
      %cond3A_125 = arith.constant 0 : i32
      %cond3A_126 = arith.cmpi ne, %convert_element_type3A_124, %cond3A_125 : i32
      scf.if %cond3A_126 {
        %dma_wait3A_187 = arith.constant 0 : i32
        %dma_wait3A_188 = tpu.memref_slice %arg3[%dma_wait3A_187] : memref<320000xi32, #tpu.memory_space<hbm>> -> memref<80xi32, #tpu.memory_space<hbm>>
        %dma_wait3A_189 = arith.constant 0 : i32
        %dma_wait3A_190 = tpu.memref_slice %arg3[%dma_wait3A_189] : memref<320000xi32, #tpu.memory_space<hbm>> -> memref<80xi32, #tpu.memory_space<hbm>>
        tpu.wait_dma2 semaphore(%arg18 : memref<!tpu.dma_semaphore, #tpu.memory_space<semaphore_mem>>) src(%dma_wait3A_190 : memref<80xi32, #tpu.memory_space<hbm>>) dst(%arg9 : memref<80xi32, #tpu.memory_space<vmem>>)
        %dma_wait3A_191 = arith.constant 0 : i32
        %dma_wait3A_192 = tpu.memref_slice %arg4[%dma_wait3A_191] : memref<320000xi32, #tpu.memory_space<hbm>> -> memref<80xi32, #tpu.memory_space<hbm>>
        %dma_wait3A_193 = arith.constant 0 : i32
        %dma_wait3A_194 = tpu.memref_slice %arg4[%dma_wait3A_193] : memref<320000xi32, #tpu.memory_space<hbm>> -> memref<80xi32, #tpu.memory_space<hbm>>
        tpu.wait_dma2 semaphore(%arg18 : memref<!tpu.dma_semaphore, #tpu.memory_space<semaphore_mem>>) src(%dma_wait3A_194 : memref<80xi32, #tpu.memory_space<hbm>>) dst(%arg7 : memref<80xi32, #tpu.memory_space<vmem>>)
        %dma_wait3A_195 = arith.constant 0 : i32
        %dma_wait3A_196 = tpu.memref_slice %arg5[%dma_wait3A_195] : memref<320000xf32, #tpu.memory_space<hbm>> -> memref<80xf32, #tpu.memory_space<hbm>>
        %dma_wait3A_197 = arith.constant 0 : i32
        %dma_wait3A_198 = tpu.memref_slice %arg5[%dma_wait3A_197] : memref<320000xf32, #tpu.memory_space<hbm>> -> memref<80xf32, #tpu.memory_space<hbm>>
        tpu.wait_dma2 semaphore(%arg18 : memref<!tpu.dma_semaphore, #tpu.memory_space<semaphore_mem>>) src(%dma_wait3A_198 : memref<80xf32, #tpu.memory_space<hbm>>) dst(%arg13 : memref<80xf32, #tpu.memory_space<vmem>>)
        %ne3A_199 = arith.constant 0 : i32
        %ne3A_200 = arith.cmpi ne, %scan3A_98, %ne3A_199 : i32
        %convert_element_type3A_201 = arith.extui %ne3A_200 : i1 to i32
        %cond3A_202 = arith.constant 0 : i32
        %cond3A_203 = arith.cmpi ne, %convert_element_type3A_201, %cond3A_202 : i32
        scf.if %cond3A_203 {
          %dma_wait3A_222 = arith.constant 0 : i32
          %dma_wait3A_223 = arith.constant 0 : i32
          %dma_wait3A_224 = tpu.memref_slice %arg17[%dma_wait3A_222, %dma_wait3A_223] : memref<5128x128xf32, #tpu.memory_space<vmem_shared>> -> memref<80x128xf32, #tpu.memory_space<vmem_shared>>
          %dma_wait3A_225 = arith.constant 0 : i32
          %dma_wait3A_226 = arith.constant 0 : i32
          %dma_wait3A_227 = tpu.memref_slice %arg17[%dma_wait3A_225, %dma_wait3A_226] : memref<5128x128xf32, #tpu.memory_space<vmem_shared>> -> memref<80x128xf32, #tpu.memory_space<vmem_shared>>
          tpu.wait_dma2 semaphore(%arg22 : memref<!tpu.dma_semaphore, #tpu.memory_space<semaphore_mem>>) src(%arg15 : memref<80x128xf32, #tpu.memory_space<vmem>>) dst(%dma_wait3A_227 : memref<80x128xf32, #tpu.memory_space<vmem_shared>>)
        } else {
        }
        %get3A_204 = arith.constant 0 : index
        %get3A_205 = tpu.vector_load %arg9[%get3A_204] {strides = array<i32>} : memref<80xi32, #tpu.memory_space<vmem>>, vector<16xi32>,
        %get3A_206 = vector.shape_cast %get3A_205 : vector<16xi32> to vector<16xi32>
        %slice3A_207 = vector.extract_strided_slice %get3A_206 {offsets = [0], sizes = [1], strides = [1]} : vector<16xi32> to vector<1xi32>
        %squeeze3A_208 = vector.extract %slice3A_207[0] : i32 from vector<1xi32>
        %get3A_209 = arith.constant 64 : index
        %get3A_210 = tpu.vector_load %arg9[%get3A_209] {strides = array<i32>} : memref<80xi32, #tpu.memory_space<vmem>>, vector<16xi32>,
        %get3A_211 = vector.shape_cast %get3A_210 : vector<16xi32> to vector<16xi32>
        %slice3A_212 = vector.extract_strided_slice %get3A_211 {offsets = [15], sizes = [1], strides = [1]} : vector<16xi32> to vector<1xi32>
        %squeeze3A_213 = vector.extract %slice3A_212[0] : i32 from vector<1xi32>
        %ge3A_214 = arith.cmpi sge, %squeeze3A_213, %mul3A_0 : i32
        %add3A_215 = arith.constant 5120 : i32
        %add3A_216 = arith.addi %mul3A_0, %add3A_215 : i32
        %lt3A_217 = arith.cmpi slt, %squeeze3A_208, %add3A_216 : i32
        %and3A_218 = arith.andi %ge3A_214, %lt3A_217 : i1
        %convert_element_type3A_219 = arith.extui %and3A_218 : i1 to i32
        %cond3A_220 = arith.constant 0 : i32
        %cond3A_221 = arith.cmpi ne, %convert_element_type3A_219, %cond3A_220 : i32
        scf.if %cond3A_221 {
          %dma_start3A_222 = arith.constant 0 : i32
          %dma_start3A_223 = arith.constant 0 : i32
          %dma_start3A_224 = tpu.memref_slice %arg2[%dma_start3A_222, %dma_start3A_223] : memref<10000x128xf32, #tpu.memory_space<hbm>> -> memref<10000x128xf32, #tpu.memory_space<hbm>>
          tpu.enqueue_indirect_dma source(%dma_start3A_224 : memref<10000x128xf32, #tpu.memory_space<hbm>>) target(%arg15 : memref<80x128xf32, #tpu.memory_space<vmem>>) offsets(%arg7 : memref<80xi32, #tpu.memory_space<vmem>>) semaphore(%arg20 : memref<!tpu.dma_semaphore, #tpu.memory_space<semaphore_mem>>)
        } else {
        }
      } else {
      }
      %get3A_127 = arith.constant 0 : index
      %get3A_128 = tpu.vector_load %arg9[%get3A_127] {strides = array<i32>} : memref<80xi32, #tpu.memory_space<vmem>>, vector<16xi32>,
      %get3A_129 = vector.shape_cast %get3A_128 : vector<16xi32> to vector<16xi32>
      %slice3A_130 = vector.extract_strided_slice %get3A_129 {offsets = [0], sizes = [1], strides = [1]} : vector<16xi32> to vector<1xi32>
      %squeeze3A_131 = vector.extract %slice3A_130[0] : i32 from vector<1xi32>
      %get3A_132 = arith.constant 64 : index
      %get3A_133 = tpu.vector_load %arg9[%get3A_132] {strides = array<i32>} : memref<80xi32, #tpu.memory_space<vmem>>, vector<16xi32>,
      %get3A_134 = vector.shape_cast %get3A_133 : vector<16xi32> to vector<16xi32>
      %slice3A_135 = vector.extract_strided_slice %get3A_134 {offsets = [15], sizes = [1], strides = [1]} : vector<16xi32> to vector<1xi32>
      %squeeze3A_136 = vector.extract %slice3A_135[0] : i32 from vector<1xi32>
      %ge3A_137 = arith.cmpi sge, %squeeze3A_136, %mul3A_0 : i32
      %add3A_138 = arith.constant 5120 : i32
      %add3A_139 = arith.addi %mul3A_0, %add3A_138 : i32
      %lt3A_140 = arith.cmpi slt, %squeeze3A_131, %add3A_139 : i32
      %and3A_141 = arith.andi %ge3A_137, %lt3A_140 : i1
      %get3A_142 = arith.constant 0 : index
      %get3A_143 = tpu.vector_load %arg10[%get3A_142] {strides = array<i32>} : memref<80xi32, #tpu.memory_space<vmem>>, vector<16xi32>,
      %get3A_144 = vector.shape_cast %get3A_143 : vector<16xi32> to vector<16xi32>
      %slice3A_145 = vector.extract_strided_slice %get3A_144 {offsets = [0], sizes = [1], strides = [1]} : vector<16xi32> to vector<1xi32>
      %squeeze3A_146 = vector.extract %slice3A_145[0] : i32 from vector<1xi32>
      %get3A_147 = arith.constant 64 : index
      %get3A_148 = tpu.vector_load %arg10[%get3A_147] {strides = array<i32>} : memref<80xi32, #tpu.memory_space<vmem>>, vector<16xi32>,
      %get3A_149 = vector.shape_cast %get3A_148 : vector<16xi32> to vector<16xi32>
      %slice3A_150 = vector.extract_strided_slice %get3A_149 {offsets = [15], sizes = [1], strides = [1]} : vector<16xi32> to vector<1xi32>
      %squeeze3A_151 = vector.extract %slice3A_150[0] : i32 from vector<1xi32>
      %ge3A_152 = arith.cmpi sge, %squeeze3A_151, %mul3A_0 : i32
      %add3A_153 = arith.constant 5120 : i32
      %add3A_154 = arith.addi %mul3A_0, %add3A_153 : i32
      %lt3A_155 = arith.cmpi slt, %squeeze3A_146, %add3A_154 : i32
      %and3A_156 = arith.andi %ge3A_152, %lt3A_155 : i1
      %select_n3A_157 = arith.select %eq3A_113, %and3A_141, %and3A_156 : i1
      %and3A_158 = arith.andi %eq3A_113, %select_n3A_157 : i1
      %convert_element_type3A_159 = arith.extui %and3A_158 : i1 to i32
      %cond3A_160 = arith.constant 0 : i32
      %cond3A_161 = arith.cmpi ne, %convert_element_type3A_159, %cond3A_160 : i32
      scf.if %cond3A_161 {
        %dma_wait3A_187 = arith.constant 0 : i32
        %dma_wait3A_188 = arith.constant 0 : i32
        %dma_wait3A_189 = tpu.memref_slice %arg2[%dma_wait3A_187, %dma_wait3A_188] : memref<10000x128xf32, #tpu.memory_space<hbm>> -> memref<80x128xf32, #tpu.memory_space<hbm>>
        %dma_wait3A_190 = arith.constant 0 : i32
        %dma_wait3A_191 = arith.constant 0 : i32
        %dma_wait3A_192 = tpu.memref_slice %arg2[%dma_wait3A_190, %dma_wait3A_191] : memref<10000x128xf32, #tpu.memory_space<hbm>> -> memref<80x128xf32, #tpu.memory_space<hbm>>
        tpu.wait_dma2 semaphore(%arg20 : memref<!tpu.dma_semaphore, #tpu.memory_space<semaphore_mem>>) src(%dma_wait3A_192 : memref<80x128xf32, #tpu.memory_space<hbm>>) dst(%arg15 : memref<80x128xf32, #tpu.memory_space<vmem>>)
        %scan3A_193 = arith.constant 0 : i32
        %scan3A_194 = arith.constant 0 : i32
        %scan3A_195 = arith.constant 5 : i32
        %scan3A_196 = arith.addi %scan3A_194, %scan3A_195 : i32
        %scan3A_197 = arith.constant 1 : i32
        scf.for %scan3A_208 = %scan3A_194 to %scan3A_196 step %scan3A_197  : i32 {
          %mul3A_209 = arith.constant 16 : i32
          %mul3A_210 = arith.muli %scan3A_208, %mul3A_209 : i32
          %get3A_211 = arith.index_cast %mul3A_210 : i32 to index
          %get3A_212 = tpu.vector_load %arg9[%get3A_211] {strides = array<i32>} : memref<80xi32, #tpu.memory_space<vmem>>, vector<16xi32>,
          %get3A_213 = vector.shape_cast %get3A_212 : vector<16xi32> to vector<16xi32>
          %sub3A = vector.broadcast %mul3A_0 : i32 to vector<16xi32>
          %sub3A_214 = arith.subi %get3A_213, %sub3A : vector<16xi32>
          %ge3A_215 = arith.constant 0 : i32
          %ge3A_216 = vector.broadcast %ge3A_215 : i32 to vector<16xi32>
          %ge3A_217 = arith.cmpi sge, %sub3A_214, %ge3A_216 : vector<16xi32>
          %lt3A_218 = arith.constant 5120 : i32
          %lt3A_219 = vector.broadcast %lt3A_218 : i32 to vector<16xi32>
          %lt3A_220 = arith.cmpi slt, %sub3A_214, %lt3A_219 : vector<16xi32>
          %and3A_221 = arith.andi %ge3A_217, %lt3A_220 : vector<16xi1>
          %jit3A_222 = arith.constant 5120 : i32
          %broadcast_in_dim3A = vector.broadcast %jit3A_222 : i32 to vector<16xi32>
          %select_n3A_223 = arith.select %and3A_221, %sub3A_214, %broadcast_in_dim3A : vector<16xi1>, vector<16xi32>
          %mul3A_224 = arith.constant 16 : i32
          %mul3A_225 = arith.muli %scan3A_208, %mul3A_224 : i32
          %swap3A = arith.index_cast %mul3A_225 : i32 to index
          %swap3A_226 = tpu.vector_load %arg11[%swap3A] {strides = array<i32>} : memref<80xi32, #tpu.memory_space<vmem>>, vector<16xi32>,
          %swap3A_227 = vector.shape_cast %swap3A_226 : vector<16xi32> to vector<16xi32>
          %swap3A_228 = vector.shape_cast %select_n3A_223 : vector<16xi32> to vector<16xi32>
          tpu.vector_store %arg11[%swap3A], %swap3A_228 {strides = array<i32>} : memref<80xi32, #tpu.memory_space<vmem>>, vector<16xi32>,
        }
        %scan3A_198 = arith.constant 5 : i32
        %scan3A_199 = arith.constant 0 : i32
        %scan3A_200 = arith.constant 0 : i32
        %scan3A_201 = arith.constant 5 : i32
        %scan3A_202 = arith.addi %scan3A_200, %scan3A_201 : i32
        %scan3A_203 = arith.constant 1 : i32
        scf.for %scan3A_208 = %scan3A_200 to %scan3A_202 step %scan3A_203  : i32 {
          %mul3A_209 = arith.constant 16 : i32
          %mul3A_210 = arith.muli %scan3A_208, %mul3A_209 : i32
          %get3A_211 = arith.index_cast %mul3A_210 : i32 to index
          %get3A_212 = tpu.vector_load %arg13[%get3A_211] {strides = array<i32>} : memref<80xf32, #tpu.memory_space<vmem>>, vector<16xf32>,
          %get3A_213 = vector.shape_cast %get3A_212 : vector<16xf32> to vector<16xf32>
          %mul3A_214 = arith.constant 16 : i32
          %mul3A_215 = arith.muli %scan3A_208, %mul3A_214 : i32
          %add3A_216 = arith.constant 0 : i32
          %add3A_217 = arith.addi %mul3A_215, %add3A_216 : i32
          %slice3A_218 = vector.extract_strided_slice %get3A_213 {offsets = [0], sizes = [1], strides = [1]} : vector<16xf32> to vector<1xf32>
          %squeeze3A_219 = vector.extract %slice3A_218[0] : f32 from vector<1xf32>
          %broadcast_in_dim3A = vector.broadcast %squeeze3A_219 : f32 to vector<16xf32>
          %get3A_220 = arith.index_cast %add3A_217 : i32 to index
          %get3A_221 = arith.constant 0 : index
          %get3A_222 = tpu.vector_load %arg15[%get3A_220, %get3A_221] {strides = array<i32>} : memref<80x128xf32, #tpu.memory_space<vmem>>, vector<1x16xf32>,
          %get3A_223 = vector.shape_cast %get3A_222 : vector<1x16xf32> to vector<16xf32>
          %mul3A_224 = arith.mulf %get3A_223, %broadcast_in_dim3A : vector<16xf32>
          %swap3A = arith.index_cast %add3A_217 : i32 to index
          %swap3A_225 = arith.constant 0 : index
          %swap3A_226 = tpu.vector_load %arg15[%swap3A, %swap3A_225] {strides = array<i32>} : memref<80x128xf32, #tpu.memory_space<vmem>>, vector<1x16xf32>,
          %swap3A_227 = vector.shape_cast %swap3A_226 : vector<1x16xf32> to vector<16xf32>
          %swap3A_228 = vector.shape_cast %mul3A_224 : vector<16xf32> to vector<1x16xf32>
          tpu.vector_store %arg15[%swap3A, %swap3A_225], %swap3A_228 {strides = array<i32>} : memref<80x128xf32, #tpu.memory_space<vmem>>, vector<1x16xf32>,
          %get3A_229 = arith.index_cast %add3A_217 : i32 to index
          %get3A_230 = arith.constant 16 : index
          %get3A_231 = tpu.vector_load %arg15[%get3A_229, %get3A_230] {strides = array<i32>} : memref<80x128xf32, #tpu.memory_space<vmem>>, vector<1x16xf32>,
          %get3A_232 = vector.shape_cast %get3A_231 : vector<1x16xf32> to vector<16xf32>
          %mul3A_233 = arith.mulf %get3A_232, %broadcast_in_dim3A : vector<16xf32>
          %swap3A_234 = arith.index_cast %add3A_217 : i32 to index
          %swap3A_235 = arith.constant 16 : index
          %swap3A_236 = tpu.vector_load %arg15[%swap3A_234, %swap3A_235] {strides = array<i32>} : memref<80x128xf32, #tpu.memory_space<vmem>>, vector<1x16xf32>,
          %swap3A_237 = vector.shape_cast %swap3A_236 : vector<1x16xf32> to vector<16xf32>
          %swap3A_238 = vector.shape_cast %mul3A_233 : vector<16xf32> to vector<1x16xf32>
          tpu.vector_store %arg15[%swap3A_234, %swap3A_235], %swap3A_238 {strides = array<i32>} : memref<80x128xf32, #tpu.memory_space<vmem>>, vector<1x16xf32>,
          %get3A_239 = arith.index_cast %add3A_217 : i32 to index
          %get3A_240 = arith.constant 32 : index
          %get3A_241 = tpu.vector_load %arg15[%get3A_239, %get3A_240] {strides = array<i32>} : memref<80x128xf32, #tpu.memory_space<vmem>>, vector<1x16xf32>,
          %get3A_242 = vector.shape_cast %get3A_241 : vector<1x16xf32> to vector<16xf32>
          %mul3A_243 = arith.mulf %get3A_242, %broadcast_in_dim3A : vector<16xf32>
          %swap3A_244 = arith.index_cast %add3A_217 : i32 to index
          %swap3A_245 = arith.constant 32 : index
          %swap3A_246 = tpu.vector_load %arg15[%swap3A_244, %swap3A_245] {strides = array<i32>} : memref<80x128xf32, #tpu.memory_space<vmem>>, vector<1x16xf32>,
          %swap3A_247 = vector.shape_cast %swap3A_246 : vector<1x16xf32> to vector<16xf32>
          %swap3A_248 = vector.shape_cast %mul3A_243 : vector<16xf32> to vector<1x16xf32>
          tpu.vector_store %arg15[%swap3A_244, %swap3A_245], %swap3A_248 {strides = array<i32>} : memref<80x128xf32, #tpu.memory_space<vmem>>, vector<1x16xf32>,
          %get3A_249 = arith.index_cast %add3A_217 : i32 to index
          %get3A_250 = arith.constant 48 : index
          %get3A_251 = tpu.vector_load %arg15[%get3A_249, %get3A_250] {strides = array<i32>} : memref<80x128xf32, #tpu.memory_space<vmem>>, vector<1x16xf32>,
          %get3A_252 = vector.shape_cast %get3A_251 : vector<1x16xf32> to vector<16xf32>
          %mul3A_253 = arith.mulf %get3A_252, %broadcast_in_dim3A : vector<16xf32>
          %swap3A_254 = arith.index_cast %add3A_217 : i32 to index
          %swap3A_255 = arith.constant 48 : index
          %swap3A_256 = tpu.vector_load %arg15[%swap3A_254, %swap3A_255] {strides = array<i32>} : memref<80x128xf32, #tpu.memory_space<vmem>>, vector<1x16xf32>,
          %swap3A_257 = vector.shape_cast %swap3A_256 : vector<1x16xf32> to vector<16xf32>
          %swap3A_258 = vector.shape_cast %mul3A_253 : vector<16xf32> to vector<1x16xf32>
          tpu.vector_store %arg15[%swap3A_254, %swap3A_255], %swap3A_258 {strides = array<i32>} : memref<80x128xf32, #tpu.memory_space<vmem>>, vector<1x16xf32>,
          %get3A_259 = arith.index_cast %add3A_217 : i32 to index
          %get3A_260 = arith.constant 64 : index
          %get3A_261 = tpu.vector_load %arg15[%get3A_259, %get3A_260] {strides = array<i32>} : memref<80x128xf32, #tpu.memory_space<vmem>>, vector<1x16xf32>,
          %get3A_262 = vector.shape_cast %get3A_261 : vector<1x16xf32> to vector<16xf32>
          %mul3A_263 = arith.mulf %get3A_262, %broadcast_in_dim3A : vector<16xf32>
          %swap3A_264 = arith.index_cast %add3A_217 : i32 to index
          %swap3A_265 = arith.constant 64 : index
          %swap3A_266 = tpu.vector_load %arg15[%swap3A_264, %swap3A_265] {strides = array<i32>} : memref<80x128xf32, #tpu.memory_space<vmem>>, vector<1x16xf32>,
          %swap3A_267 = vector.shape_cast %swap3A_266 : vector<1x16xf32> to vector<16xf32>
          %swap3A_268 = vector.shape_cast %mul3A_263 : vector<16xf32> to vector<1x16xf32>
          tpu.vector_store %arg15[%swap3A_264, %swap3A_265], %swap3A_268 {strides = array<i32>} : memref<80x128xf32, #tpu.memory_space<vmem>>, vector<1x16xf32>,
          %get3A_269 = arith.index_cast %add3A_217 : i32 to index
          %get3A_270 = arith.constant 80 : index
          %get3A_271 = tpu.vector_load %arg15[%get3A_269, %get3A_270] {strides = array<i32>} : memref<80x128xf32, #tpu.memory_space<vmem>>, vector<1x16xf32>,
          %get3A_272 = vector.shape_cast %get3A_271 : vector<1x16xf32> to vector<16xf32>
          %mul3A_273 = arith.mulf %get3A_272, %broadcast_in_dim3A : vector<16xf32>
          %swap3A_274 = arith.index_cast %add3A_217 : i32 to index
          %swap3A_275 = arith.constant 80 : index
          %swap3A_276 = tpu.vector_load %arg15[%swap3A_274, %swap3A_275] {strides = array<i32>} : memref<80x128xf32, #tpu.memory_space<vmem>>, vector<1x16xf32>,
          %swap3A_277 = vector.shape_cast %swap3A_276 : vector<1x16xf32> to vector<16xf32>
          %swap3A_278 = vector.shape_cast %mul3A_273 : vector<16xf32> to vector<1x16xf32>
          tpu.vector_store %arg15[%swap3A_274, %swap3A_275], %swap3A_278 {strides = array<i32>} : memref<80x128xf32, #tpu.memory_space<vmem>>, vector<1x16xf32>,
          %get3A_279 = arith.index_cast %add3A_217 : i32 to index
          %get3A_280 = arith.constant 96 : index
          %get3A_281 = tpu.vector_load %arg15[%get3A_279, %get3A_280] {strides = array<i32>} : memref<80x128xf32, #tpu.memory_space<vmem>>, vector<1x16xf32>,
          %get3A_282 = vector.shape_cast %get3A_281 : vector<1x16xf32> to vector<16xf32>
          %mul3A_283 = arith.mulf %get3A_282, %broadcast_in_dim3A : vector<16xf32>
          %swap3A_284 = arith.index_cast %add3A_217 : i32 to index
          %swap3A_285 = arith.constant 96 : index
          %swap3A_286 = tpu.vector_load %arg15[%swap3A_284, %swap3A_285] {strides = array<i32>} : memref<80x128xf32, #tpu.memory_space<vmem>>, vector<1x16xf32>,
          %swap3A_287 = vector.shape_cast %swap3A_286 : vector<1x16xf32> to vector<16xf32>
          %swap3A_288 = vector.shape_cast %mul3A_283 : vector<16xf32> to vector<1x16xf32>
          tpu.vector_store %arg15[%swap3A_284, %swap3A_285], %swap3A_288 {strides = array<i32>} : memref<80x128xf32, #tpu.memory_space<vmem>>, vector<1x16xf32>,
          %get3A_289 = arith.index_cast %add3A_217 : i32 to index
          %get3A_290 = arith.constant 112 : index
          %get3A_291 = tpu.vector_load %arg15[%get3A_289, %get3A_290] {strides = array<i32>} : memref<80x128xf32, #tpu.memory_space<vmem>>, vector<1x16xf32>,
          %get3A_292 = vector.shape_cast %get3A_291 : vector<1x16xf32> to vector<16xf32>
          %mul3A_293 = arith.mulf %get3A_292, %broadcast_in_dim3A : vector<16xf32>
          %swap3A_294 = arith.index_cast %add3A_217 : i32 to index
          %swap3A_295 = arith.constant 112 : index
          %swap3A_296 = tpu.vector_load %arg15[%swap3A_294, %swap3A_295] {strides = array<i32>} : memref<80x128xf32, #tpu.memory_space<vmem>>, vector<1x16xf32>,
          %swap3A_297 = vector.shape_cast %swap3A_296 : vector<1x16xf32> to vector<16xf32>
          %swap3A_298 = vector.shape_cast %mul3A_293 : vector<16xf32> to vector<1x16xf32>
          tpu.vector_store %arg15[%swap3A_294, %swap3A_295], %swap3A_298 {strides = array<i32>} : memref<80x128xf32, #tpu.memory_space<vmem>>, vector<1x16xf32>,
          %mul3A_299 = arith.constant 16 : i32
          %mul3A_300 = arith.muli %scan3A_208, %mul3A_299 : i32
          %add3A_301 = arith.constant 1 : i32
          %add3A_302 = arith.addi %mul3A_300, %add3A_301 : i32
          %slice3A_303 = vector.extract_strided_slice %get3A_213 {offsets = [1], sizes = [1], strides = [1]} : vector<16xf32> to vector<1xf32>
          %squeeze3A_304 = vector.extract %slice3A_303[0] : f32 from vector<1xf32>
          %broadcast_in_dim3A_305 = vector.broadcast %squeeze3A_304 : f32 to vector<16xf32>
          %get3A_306 = arith.index_cast %add3A_302 : i32 to index
          %get3A_307 = arith.constant 0 : index
          %get3A_308 = tpu.vector_load %arg15[%get3A_306, %get3A_307] {strides = array<i32>} : memref<80x128xf32, #tpu.memory_space<vmem>>, vector<1x16xf32>,
          %get3A_309 = vector.shape_cast %get3A_308 : vector<1x16xf32> to vector<16xf32>
          %mul3A_310 = arith.mulf %get3A_309, %broadcast_in_dim3A_305 : vector<16xf32>
          %swap3A_311 = arith.index_cast %add3A_302 : i32 to index
          %swap3A_312 = arith.constant 0 : index
          %swap3A_313 = tpu.vector_load %arg15[%swap3A_311, %swap3A_312] {strides = array<i32>} : memref<80x128xf32, #tpu.memory_space<vmem>>, vector<1x16xf32>,
          %swap3A_314 = vector.shape_cast %swap3A_313 : vector<1x16xf32> to vector<16xf32>
          %swap3A_315 = vector.shape_cast %mul3A_310 : vector<16xf32> to vector<1x16xf32>
          tpu.vector_store %arg15[%swap3A_311, %swap3A_312], %swap3A_315 {strides = array<i32>} : memref<80x128xf32, #tpu.memory_space<vmem>>, vector<1x16xf32>,
          %get3A_316 = arith.index_cast %add3A_302 : i32 to index
          %get3A_317 = arith.constant 16 : index
          %get3A_318 = tpu.vector_load %arg15[%get3A_316, %get3A_317] {strides = array<i32>} : memref<80x128xf32, #tpu.memory_space<vmem>>, vector<1x16xf32>,
          %get3A_319 = vector.shape_cast %get3A_318 : vector<1x16xf32> to vector<16xf32>
          %mul3A_320 = arith.mulf %get3A_319, %broadcast_in_dim3A_305 : vector<16xf32>
          %swap3A_321 = arith.index_cast %add3A_302 : i32 to index
          %swap3A_322 = arith.constant 16 : index
          %swap3A_323 = tpu.vector_load %arg15[%swap3A_321, %swap3A_322] {strides = array<i32>} : memref<80x128xf32, #tpu.memory_space<vmem>>, vector<1x16xf32>,
          %swap3A_324 = vector.shape_cast %swap3A_323 : vector<1x16xf32> to vector<16xf32>
          %swap3A_325 = vector.shape_cast %mul3A_320 : vector<16xf32> to vector<1x16xf32>
          tpu.vector_store %arg15[%swap3A_321, %swap3A_322], %swap3A_325 {strides = array<i32>} : memref<80x128xf32, #tpu.memory_space<vmem>>, vector<1x16xf32>,
          %get3A_326 = arith.index_cast %add3A_302 : i32 to index
          %get3A_327 = arith.constant 32 : index
          %get3A_328 = tpu.vector_load %arg15[%get3A_326, %get3A_327] {strides = array<i32>} : memref<80x128xf32, #tpu.memory_space<vmem>>, vector<1x16xf32>,
          %get3A_329 = vector.shape_cast %get3A_328 : vector<1x16xf32> to vector<16xf32>
          %mul3A_330 = arith.mulf %get3A_329, %broadcast_in_dim3A_305 : vector<16xf32>
          %swap3A_331 = arith.index_cast %add3A_302 : i32 to index
          %swap3A_332 = arith.constant 32 : index
          %swap3A_333 = tpu.vector_load %arg15[%swap3A_331, %swap3A_332] {strides = array<i32>} : memref<80x128xf32, #tpu.memory_space<vmem>>, vector<1x16xf32>,
          %swap3A_334 = vector.shape_cast %swap3A_333 : vector<1x16xf32> to vector<16xf32>
          %swap3A_335 = vector.shape_cast %mul3A_330 : vector<16xf32> to vector<1x16xf32>
          tpu.vector_store %arg15[%swap3A_331, %swap3A_332], %swap3A_335 {strides = array<i32>} : memref<80x128xf32, #tpu.memory_space<vmem>>, vector<1x16xf32>,
          %get3A_336 = arith.index_cast %add3A_302 : i32 to index
          %get3A_337 = arith.constant 48 : index
          %get3A_338 = tpu.vector_load %arg15[%get3A_336, %get3A_337] {strides = array<i32>} : memref<80x128xf32, #tpu.memory_space<vmem>>, vector<1x16xf32>,
          %get3A_339 = vector.shape_cast %get3A_338 : vector<1x16xf32> to vector<16xf32>
          %mul3A_340 = arith.mulf %get3A_339, %broadcast_in_dim3A_305 : vector<16xf32>
          %swap3A_341 = arith.index_cast %add3A_302 : i32 to index
          %swap3A_342 = arith.constant 48 : index
          %swap3A_343 = tpu.vector_load %arg15[%swap3A_341, %swap3A_342] {strides = array<i32>} : memref<80x128xf32, #tpu.memory_space<vmem>>, vector<1x16xf32>,
          %swap3A_344 = vector.shape_cast %swap3A_343 : vector<1x16xf32> to vector<16xf32>
          %swap3A_345 = vector.shape_cast %mul3A_340 : vector<16xf32> to vector<1x16xf32>
          tpu.vector_store %arg15[%swap3A_341, %swap3A_342], %swap3A_345 {strides = array<i32>} : memref<80x128xf32, #tpu.memory_space<vmem>>, vector<1x16xf32>,
          %get3A_346 = arith.index_cast %add3A_302 : i32 to index
          %get3A_347 = arith.constant 64 : index
          %get3A_348 = tpu.vector_load %arg15[%get3A_346, %get3A_347] {strides = array<i32>} : memref<80x128xf32, #tpu.memory_space<vmem>>, vector<1x16xf32>,
          %get3A_349 = vector.shape_cast %get3A_348 : vector<1x16xf32> to vector<16xf32>
          %mul3A_350 = arith.mulf %get3A_349, %broadcast_in_dim3A_305 : vector<16xf32>
          %swap3A_351 = arith.index_cast %add3A_302 : i32 to index
          %swap3A_352 = arith.constant 64 : index
          %swap3A_353 = tpu.vector_load %arg15[%swap3A_351, %swap3A_352] {strides = array<i32>} : memref<80x128xf32, #tpu.memory_space<vmem>>, vector<1x16xf32>,
          %swap3A_354 = vector.shape_cast %swap3A_353 : vector<1x16xf32> to vector<16xf32>
          %swap3A_355 = vector.shape_cast %mul3A_350 : vector<16xf32> to vector<1x16xf32>
          tpu.vector_store %arg15[%swap3A_351, %swap3A_352], %swap3A_355 {strides = array<i32>} : memref<80x128xf32, #tpu.memory_space<vmem>>, vector<1x16xf32>,
          %get3A_356 = arith.index_cast %add3A_302 : i32 to index
          %get3A_357 = arith.constant 80 : index
          %get3A_358 = tpu.vector_load %arg15[%get3A_356, %get3A_357] {strides = array<i32>} : memref<80x128xf32, #tpu.memory_space<vmem>>, vector<1x16xf32>,
          %get3A_359 = vector.shape_cast %get3A_358 : vector<1x16xf32> to vector<16xf32>
          %mul3A_360 = arith.mulf %get3A_359, %broadcast_in_dim3A_305 : vector<16xf32>
          %swap3A_361 = arith.index_cast %add3A_302 : i32 to index
          %swap3A_362 = arith.constant 80 : index
          %swap3A_363 = tpu.vector_load %arg15[%swap3A_361, %swap3A_362] {strides = array<i32>} : memref<80x128xf32, #tpu.memory_space<vmem>>, vector<1x16xf32>,
          %swap3A_364 = vector.shape_cast %swap3A_363 : vector<1x16xf32> to vector<16xf32>
          %swap3A_365 = vector.shape_cast %mul3A_360 : vector<16xf32> to vector<1x16xf32>
          tpu.vector_store %arg15[%swap3A_361, %swap3A_362], %swap3A_365 {strides = array<i32>} : memref<80x128xf32, #tpu.memory_space<vmem>>, vector<1x16xf32>,
          %get3A_366 = arith.index_cast %add3A_302 : i32 to index
          %get3A_367 = arith.constant 96 : index
          %get3A_368 = tpu.vector_load %arg15[%get3A_366, %get3A_367] {strides = array<i32>} : memref<80x128xf32, #tpu.memory_space<vmem>>, vector<1x16xf32>,
          %get3A_369 = vector.shape_cast %get3A_368 : vector<1x16xf32> to vector<16xf32>
          %mul3A_370 = arith.mulf %get3A_369, %broadcast_in_dim3A_305 : vector<16xf32>
          %swap3A_371 = arith.index_cast %add3A_302 : i32 to index
          %swap3A_372 = arith.constant 96 : index
          %swap3A_373 = tpu.vector_load %arg15[%swap3A_371, %swap3A_372] {strides = array<i32>} : memref<80x128xf32, #tpu.memory_space<vmem>>, vector<1x16xf32>,
          %swap3A_374 = vector.shape_cast %swap3A_373 : vector<1x16xf32> to vector<16xf32>
          %swap3A_375 = vector.shape_cast %mul3A_370 : vector<16xf32> to vector<1x16xf32>
          tpu.vector_store %arg15[%swap3A_371, %swap3A_372], %swap3A_375 {strides = array<i32>} : memref<80x128xf32, #tpu.memory_space<vmem>>, vector<1x16xf32>,
          %get3A_376 = arith.index_cast %add3A_302 : i32 to index
          %get3A_377 = arith.constant 112 : index
          %get3A_378 = tpu.vector_load %arg15[%get3A_376, %get3A_377] {strides = array<i32>} : memref<80x128xf32, #tpu.memory_space<vmem>>, vector<1x16xf32>,
          %get3A_379 = vector.shape_cast %get3A_378 : vector<1x16xf32> to vector<16xf32>
          %mul3A_380 = arith.mulf %get3A_379, %broadcast_in_dim3A_305 : vector<16xf32>
          %swap3A_381 = arith.index_cast %add3A_302 : i32 to index
          %swap3A_382 = arith.constant 112 : index
          %swap3A_383 = tpu.vector_load %arg15[%swap3A_381, %swap3A_382] {strides = array<i32>} : memref<80x128xf32, #tpu.memory_space<vmem>>, vector<1x16xf32>,
          %swap3A_384 = vector.shape_cast %swap3A_383 : vector<1x16xf32> to vector<16xf32>
          %swap3A_385 = vector.shape_cast %mul3A_380 : vector<16xf32> to vector<1x16xf32>
          tpu.vector_store %arg15[%swap3A_381, %swap3A_382], %swap3A_385 {strides = array<i32>} : memref<80x128xf32, #tpu.memory_space<vmem>>, vector<1x16xf32>,
          %mul3A_386 = arith.constant 16 : i32
          %mul3A_387 = arith.muli %scan3A_208, %mul3A_386 : i32
          %add3A_388 = arith.constant 2 : i32
          %add3A_389 = arith.addi %mul3A_387, %add3A_388 : i32
          %slice3A_390 = vector.extract_strided_slice %get3A_213 {offsets = [2], sizes = [1], strides = [1]} : vector<16xf32> to vector<1xf32>
          %squeeze3A_391 = vector.extract %slice3A_390[0] : f32 from vector<1xf32>
          %broadcast_in_dim3A_392 = vector.broadcast %squeeze3A_391 : f32 to vector<16xf32>
          %get3A_393 = arith.index_cast %add3A_389 : i32 to index
          %get3A_394 = arith.constant 0 : index
          %get3A_395 = tpu.vector_load %arg15[%get3A_393, %get3A_394] {strides = array<i32>} : memref<80x128xf32, #tpu.memory_space<vmem>>, vector<1x16xf32>,
          %get3A_396 = vector.shape_cast %get3A_395 : vector<1x16xf32> to vector<16xf32>
          %mul3A_397 = arith.mulf %get3A_396, %broadcast_in_dim3A_392 : vector<16xf32>
          %swap3A_398 = arith.index_cast %add3A_389 : i32 to index
          %swap3A_399 = arith.constant 0 : index
          %swap3A_400 = tpu.vector_load %arg15[%swap3A_398, %swap3A_399] {strides = array<i32>} : memref<80x128xf32, #tpu.memory_space<vmem>>, vector<1x16xf32>,
          %swap3A_401 = vector.shape_cast %swap3A_400 : vector<1x16xf32> to vector<16xf32>
          %swap3A_402 = vector.shape_cast %mul3A_397 : vector<16xf32> to vector<1x16xf32>
          tpu.vector_store %arg15[%swap3A_398, %swap3A_399], %swap3A_402 {strides = array<i32>} : memref<80x128xf32, #tpu.memory_space<vmem>>, vector<1x16xf32>,
          %get3A_403 = arith.index_cast %add3A_389 : i32 to index
          %get3A_404 = arith.constant 16 : index
          %get3A_405 = tpu.vector_load %arg15[%get3A_403, %get3A_404] {strides = array<i32>} : memref<80x128xf32, #tpu.memory_space<vmem>>, vector<1x16xf32>,
          %get3A_406 = vector.shape_cast %get3A_405 : vector<1x16xf32> to vector<16xf32>
          %mul3A_407 = arith.mulf %get3A_406, %broadcast_in_dim3A_392 : vector<16xf32>
          %swap3A_408 = arith.index_cast %add3A_389 : i32 to index
          %swap3A_409 = arith.constant 16 : index
          %swap3A_410 = tpu.vector_load %arg15[%swap3A_408, %swap3A_409] {strides = array<i32>} : memref<80x128xf32, #tpu.memory_space<vmem>>, vector<1x16xf32>,
          %swap3A_411 = vector.shape_cast %swap3A_410 : vector<1x16xf32> to vector<16xf32>
          %swap3A_412 = vector.shape_cast %mul3A_407 : vector<16xf32> to vector<1x16xf32>
          tpu.vector_store %arg15[%swap3A_408, %swap3A_409], %swap3A_412 {strides = array<i32>} : memref<80x128xf32, #tpu.memory_space<vmem>>, vector<1x16xf32>,
          %get3A_413 = arith.index_cast %add3A_389 : i32 to index
          %get3A_414 = arith.constant 32 : index
          %get3A_415 = tpu.vector_load %arg15[%get3A_413, %get3A_414] {strides = array<i32>} : memref<80x128xf32, #tpu.memory_space<vmem>>, vector<1x16xf32>,
          %get3A_416 = vector.shape_cast %get3A_415 : vector<1x16xf32> to vector<16xf32>
          %mul3A_417 = arith.mulf %get3A_416, %broadcast_in_dim3A_392 : vector<16xf32>
          %swap3A_418 = arith.index_cast %add3A_389 : i32 to index
          %swap3A_419 = arith.constant 32 : index
          %swap3A_420 = tpu.vector_load %arg15[%swap3A_418, %swap3A_419] {strides = array<i32>} : memref<80x128xf32, #tpu.memory_space<vmem>>, vector<1x16xf32>,
          %swap3A_421 = vector.shape_cast %swap3A_420 : vector<1x16xf32> to vector<16xf32>
          %swap3A_422 = vector.shape_cast %mul3A_417 : vector<16xf32> to vector<1x16xf32>
          tpu.vector_store %arg15[%swap3A_418, %swap3A_419], %swap3A_422 {strides = array<i32>} : memref<80x128xf32, #tpu.memory_space<vmem>>, vector<1x16xf32>,
          %get3A_423 = arith.index_cast %add3A_389 : i32 to index
          %get3A_424 = arith.constant 48 : index
          %get3A_425 = tpu.vector_load %arg15[%get3A_423, %get3A_424] {strides = array<i32>} : memref<80x128xf32, #tpu.memory_space<vmem>>, vector<1x16xf32>,
          %get3A_426 = vector.shape_cast %get3A_425 : vector<1x16xf32> to vector<16xf32>
          %mul3A_427 = arith.mulf %get3A_426, %broadcast_in_dim3A_392 : vector<16xf32>
          %swap3A_428 = arith.index_cast %add3A_389 : i32 to index
          %swap3A_429 = arith.constant 48 : index
          %swap3A_430 = tpu.vector_load %arg15[%swap3A_428, %swap3A_429] {strides = array<i32>} : memref<80x128xf32, #tpu.memory_space<vmem>>, vector<1x16xf32>,
          %swap3A_431 = vector.shape_cast %swap3A_430 : vector<1x16xf32> to vector<16xf32>
          %swap3A_432 = vector.shape_cast %mul3A_427 : vector<16xf32> to vector<1x16xf32>
          tpu.vector_store %arg15[%swap3A_428, %swap3A_429], %swap3A_432 {strides = array<i32>} : memref<80x128xf32, #tpu.memory_space<vmem>>, vector<1x16xf32>,
          %get3A_433 = arith.index_cast %add3A_389 : i32 to index
          %get3A_434 = arith.constant 64 : index
          %get3A_435 = tpu.vector_load %arg15[%get3A_433, %get3A_434] {strides = array<i32>} : memref<80x128xf32, #tpu.memory_space<vmem>>, vector<1x16xf32>,
          %get3A_436 = vector.shape_cast %get3A_435 : vector<1x16xf32> to vector<16xf32>
          %mul3A_437 = arith.mulf %get3A_436, %broadcast_in_dim3A_392 : vector<16xf32>
          %swap3A_438 = arith.index_cast %add3A_389 : i32 to index
          %swap3A_439 = arith.constant 64 : index
          %swap3A_440 = tpu.vector_load %arg15[%swap3A_438, %swap3A_439] {strides = array<i32>} : memref<80x128xf32, #tpu.memory_space<vmem>>, vector<1x16xf32>,
          %swap3A_441 = vector.shape_cast %swap3A_440 : vector<1x16xf32> to vector<16xf32>
          %swap3A_442 = vector.shape_cast %mul3A_437 : vector<16xf32> to vector<1x16xf32>
          tpu.vector_store %arg15[%swap3A_438, %swap3A_439], %swap3A_442 {strides = array<i32>} : memref<80x128xf32, #tpu.memory_space<vmem>>, vector<1x16xf32>,
          %get3A_443 = arith.index_cast %add3A_389 : i32 to index
          %get3A_444 = arith.constant 80 : index
          %get3A_445 = tpu.vector_load %arg15[%get3A_443, %get3A_444] {strides = array<i32>} : memref<80x128xf32, #tpu.memory_space<vmem>>, vector<1x16xf32>,
          %get3A_446 = vector.shape_cast %get3A_445 : vector<1x16xf32> to vector<16xf32>
          %mul3A_447 = arith.mulf %get3A_446, %broadcast_in_dim3A_392 : vector<16xf32>
          %swap3A_448 = arith.index_cast %add3A_389 : i32 to index
          %swap3A_449 = arith.constant 80 : index
          %swap3A_450 = tpu.vector_load %arg15[%swap3A_448, %swap3A_449] {strides = array<i32>} : memref<80x128xf32, #tpu.memory_space<vmem>>, vector<1x16xf32>,
          %swap3A_451 = vector.shape_cast %swap3A_450 : vector<1x16xf32> to vector<16xf32>
          %swap3A_452 = vector.shape_cast %mul3A_447 : vector<16xf32> to vector<1x16xf32>
          tpu.vector_store %arg15[%swap3A_448, %swap3A_449], %swap3A_452 {strides = array<i32>} : memref<80x128xf32, #tpu.memory_space<vmem>>, vector<1x16xf32>,
          %get3A_453 = arith.index_cast %add3A_389 : i32 to index
          %get3A_454 = arith.constant 96 : index
          %get3A_455 = tpu.vector_load %arg15[%get3A_453, %get3A_454] {strides = array<i32>} : memref<80x128xf32, #tpu.memory_space<vmem>>, vector<1x16xf32>,
          %get3A_456 = vector.shape_cast %get3A_455 : vector<1x16xf32> to vector<16xf32>
          %mul3A_457 = arith.mulf %get3A_456, %broadcast_in_dim3A_392 : vector<16xf32>
          %swap3A_458 = arith.index_cast %add3A_389 : i32 to index
          %swap3A_459 = arith.constant 96 : index
          %swap3A_460 = tpu.vector_load %arg15[%swap3A_458, %swap3A_459] {strides = array<i32>} : memref<80x128xf32, #tpu.memory_space<vmem>>, vector<1x16xf32>,
          %swap3A_461 = vector.shape_cast %swap3A_460 : vector<1x16xf32> to vector<16xf32>
          %swap3A_462 = vector.shape_cast %mul3A_457 : vector<16xf32> to vector<1x16xf32>
          tpu.vector_store %arg15[%swap3A_458, %swap3A_459], %swap3A_462 {strides = array<i32>} : memref<80x128xf32, #tpu.memory_space<vmem>>, vector<1x16xf32>,
          %get3A_463 = arith.index_cast %add3A_389 : i32 to index
          %get3A_464 = arith.constant 112 : index
          %get3A_465 = tpu.vector_load %arg15[%get3A_463, %get3A_464] {strides = array<i32>} : memref<80x128xf32, #tpu.memory_space<vmem>>, vector<1x16xf32>,
          %get3A_466 = vector.shape_cast %get3A_465 : vector<1x16xf32> to vector<16xf32>
          %mul3A_467 = arith.mulf %get3A_466, %broadcast_in_dim3A_392 : vector<16xf32>
          %swap3A_468 = arith.index_cast %add3A_389 : i32 to index
          %swap3A_469 = arith.constant 112 : index
          %swap3A_470 = tpu.vector_load %arg15[%swap3A_468, %swap3A_469] {strides = array<i32>} : memref<80x128xf32, #tpu.memory_space<vmem>>, vector<1x16xf32>,
          %swap3A_471 = vector.shape_cast %swap3A_470 : vector<1x16xf32> to vector<16xf32>
          %swap3A_472 = vector.shape_cast %mul3A_467 : vector<16xf32> to vector<1x16xf32>
          tpu.vector_store %arg15[%swap3A_468, %swap3A_469], %swap3A_472 {strides = array<i32>} : memref<80x128xf32, #tpu.memory_space<vmem>>, vector<1x16xf32>,
          %mul3A_473 = arith.constant 16 : i32
          %mul3A_474 = arith.muli %scan3A_208, %mul3A_473 : i32
          %add3A_475 = arith.constant 3 : i32
          %add3A_476 = arith.addi %mul3A_474, %add3A_475 : i32
          %slice3A_477 = vector.extract_strided_slice %get3A_213 {offsets = [3], sizes = [1], strides = [1]} : vector<16xf32> to vector<1xf32>
          %squeeze3A_478 = vector.extract %slice3A_477[0] : f32 from vector<1xf32>
          %broadcast_in_dim3A_479 = vector.broadcast %squeeze3A_478 : f32 to vector<16xf32>
          %get3A_480 = arith.index_cast %add3A_476 : i32 to index
          %get3A_481 = arith.constant 0 : index
          %get3A_482 = tpu.vector_load %arg15[%get3A_480, %get3A_481] {strides = array<i32>} : memref<80x128xf32, #tpu.memory_space<vmem>>, vector<1x16xf32>,
          %get3A_483 = vector.shape_cast %get3A_482 : vector<1x16xf32> to vector<16xf32>
          %mul3A_484 = arith.mulf %get3A_483, %broadcast_in_dim3A_479 : vector<16xf32>
          %swap3A_485 = arith.index_cast %add3A_476 : i32 to index
          %swap3A_486 = arith.constant 0 : index
          %swap3A_487 = tpu.vector_load %arg15[%swap3A_485, %swap3A_486] {strides = array<i32>} : memref<80x128xf32, #tpu.memory_space<vmem>>, vector<1x16xf32>,
          %swap3A_488 = vector.shape_cast %swap3A_487 : vector<1x16xf32> to vector<16xf32>
          %swap3A_489 = vector.shape_cast %mul3A_484 : vector<16xf32> to vector<1x16xf32>
          tpu.vector_store %arg15[%swap3A_485, %swap3A_486], %swap3A_489 {strides = array<i32>} : memref<80x128xf32, #tpu.memory_space<vmem>>, vector<1x16xf32>,
          %get3A_490 = arith.index_cast %add3A_476 : i32 to index
          %get3A_491 = arith.constant 16 : index
          %get3A_492 = tpu.vector_load %arg15[%get3A_490, %get3A_491] {strides = array<i32>} : memref<80x128xf32, #tpu.memory_space<vmem>>, vector<1x16xf32>,
          %get3A_493 = vector.shape_cast %get3A_492 : vector<1x16xf32> to vector<16xf32>
          %mul3A_494 = arith.mulf %get3A_493, %broadcast_in_dim3A_479 : vector<16xf32>
          %swap3A_495 = arith.index_cast %add3A_476 : i32 to index
          %swap3A_496 = arith.constant 16 : index
          %swap3A_497 = tpu.vector_load %arg15[%swap3A_495, %swap3A_496] {strides = array<i32>} : memref<80x128xf32, #tpu.memory_space<vmem>>, vector<1x16xf32>,
          %swap3A_498 = vector.shape_cast %swap3A_497 : vector<1x16xf32> to vector<16xf32>
          %swap3A_499 = vector.shape_cast %mul3A_494 : vector<16xf32> to vector<1x16xf32>
          tpu.vector_store %arg15[%swap3A_495, %swap3A_496], %swap3A_499 {strides = array<i32>} : memref<80x128xf32, #tpu.memory_space<vmem>>, vector<1x16xf32>,
          %get3A_500 = arith.index_cast %add3A_476 : i32 to index
          %get3A_501 = arith.constant 32 : index
          %get3A_502 = tpu.vector_load %arg15[%get3A_500, %get3A_501] {strides = array<i32>} : memref<80x128xf32, #tpu.memory_space<vmem>>, vector<1x16xf32>,
          %get3A_503 = vector.shape_cast %get3A_502 : vector<1x16xf32> to vector<16xf32>
          %mul3A_504 = arith.mulf %get3A_503, %broadcast_in_dim3A_479 : vector<16xf32>
          %swap3A_505 = arith.index_cast %add3A_476 : i32 to index
          %swap3A_506 = arith.constant 32 : index
          %swap3A_507 = tpu.vector_load %arg15[%swap3A_505, %swap3A_506] {strides = array<i32>} : memref<80x128xf32, #tpu.memory_space<vmem>>, vector<1x16xf32>,
          %swap3A_508 = vector.shape_cast %swap3A_507 : vector<1x16xf32> to vector<16xf32>
          %swap3A_509 = vector.shape_cast %mul3A_504 : vector<16xf32> to vector<1x16xf32>
          tpu.vector_store %arg15[%swap3A_505, %swap3A_506], %swap3A_509 {strides = array<i32>} : memref<80x128xf32, #tpu.memory_space<vmem>>, vector<1x16xf32>,
          %get3A_510 = arith.index_cast %add3A_476 : i32 to index
          %get3A_511 = arith.constant 48 : index
          %get3A_512 = tpu.vector_load %arg15[%get3A_510, %get3A_511] {strides = array<i32>} : memref<80x128xf32, #tpu.memory_space<vmem>>, vector<1x16xf32>,
          %get3A_513 = vector.shape_cast %get3A_512 : vector<1x16xf32> to vector<16xf32>
          %mul3A_514 = arith.mulf %get3A_513, %broadcast_in_dim3A_479 : vector<16xf32>
          %swap3A_515 = arith.index_cast %add3A_476 : i32 to index
          %swap3A_516 = arith.constant 48 : index
          %swap3A_517 = tpu.vector_load %arg15[%swap3A_515, %swap3A_516] {strides = array<i32>} : memref<80x128xf32, #tpu.memory_space<vmem>>, vector<1x16xf32>,
          %swap3A_518 = vector.shape_cast %swap3A_517 : vector<1x16xf32> to vector<16xf32>
          %swap3A_519 = vector.shape_cast %mul3A_514 : vector<16xf32> to vector<1x16xf32>
          tpu.vector_store %arg15[%swap3A_515, %swap3A_516], %swap3A_519 {strides = array<i32>} : memref<80x128xf32, #tpu.memory_space<vmem>>, vector<1x16xf32>,
          %get3A_520 = arith.index_cast %add3A_476 : i32 to index
          %get3A_521 = arith.constant 64 : index
          %get3A_522 = tpu.vector_load %arg15[%get3A_520, %get3A_521] {strides = array<i32>} : memref<80x128xf32, #tpu.memory_space<vmem>>, vector<1x16xf32>,
          %get3A_523 = vector.shape_cast %get3A_522 : vector<1x16xf32> to vector<16xf32>
          %mul3A_524 = arith.mulf %get3A_523, %broadcast_in_dim3A_479 : vector<16xf32>
          %swap3A_525 = arith.index_cast %add3A_476 : i32 to index
          %swap3A_526 = arith.constant 64 : index
          %swap3A_527 = tpu.vector_load %arg15[%swap3A_525, %swap3A_526] {strides = array<i32>} : memref<80x128xf32, #tpu.memory_space<vmem>>, vector<1x16xf32>,
          %swap3A_528 = vector.shape_cast %swap3A_527 : vector<1x16xf32> to vector<16xf32>
          %swap3A_529 = vector.shape_cast %mul3A_524 : vector<16xf32> to vector<1x16xf32>
          tpu.vector_store %arg15[%swap3A_525, %swap3A_526], %swap3A_529 {strides = array<i32>} : memref<80x128xf32, #tpu.memory_space<vmem>>, vector<1x16xf32>,
          %get3A_530 = arith.index_cast %add3A_476 : i32 to index
          %get3A_531 = arith.constant 80 : index
          %get3A_532 = tpu.vector_load %arg15[%get3A_530, %get3A_531] {strides = array<i32>} : memref<80x128xf32, #tpu.memory_space<vmem>>, vector<1x16xf32>,
          %get3A_533 = vector.shape_cast %get3A_532 : vector<1x16xf32> to vector<16xf32>
          %mul3A_534 = arith.mulf %get3A_533, %broadcast_in_dim3A_479 : vector<16xf32>
          %swap3A_535 = arith.index_cast %add3A_476 : i32 to index
          %swap3A_536 = arith.constant 80 : index
          %swap3A_537 = tpu.vector_load %arg15[%swap3A_535, %swap3A_536] {strides = array<i32>} : memref<80x128xf32, #tpu.memory_space<vmem>>, vector<1x16xf32>,
          %swap3A_538 = vector.shape_cast %swap3A_537 : vector<1x16xf32> to vector<16xf32>
          %swap3A_539 = vector.shape_cast %mul3A_534 : vector<16xf32> to vector<1x16xf32>
          tpu.vector_store %arg15[%swap3A_535, %swap3A_536], %swap3A_539 {strides = array<i32>} : memref<80x128xf32, #tpu.memory_space<vmem>>, vector<1x16xf32>,
          %get3A_540 = arith.index_cast %add3A_476 : i32 to index
          %get3A_541 = arith.constant 96 : index
          %get3A_542 = tpu.vector_load %arg15[%get3A_540, %get3A_541] {strides = array<i32>} : memref<80x128xf32, #tpu.memory_space<vmem>>, vector<1x16xf32>,
          %get3A_543 = vector.shape_cast %get3A_542 : vector<1x16xf32> to vector<16xf32>
          %mul3A_544 = arith.mulf %get3A_543, %broadcast_in_dim3A_479 : vector<16xf32>
          %swap3A_545 = arith.index_cast %add3A_476 : i32 to index
          %swap3A_546 = arith.constant 96 : index
          %swap3A_547 = tpu.vector_load %arg15[%swap3A_545, %swap3A_546] {strides = array<i32>} : memref<80x128xf32, #tpu.memory_space<vmem>>, vector<1x16xf32>,
          %swap3A_548 = vector.shape_cast %swap3A_547 : vector<1x16xf32> to vector<16xf32>
          %swap3A_549 = vector.shape_cast %mul3A_544 : vector<16xf32> to vector<1x16xf32>
          tpu.vector_store %arg15[%swap3A_545, %swap3A_546], %swap3A_549 {strides = array<i32>} : memref<80x128xf32, #tpu.memory_space<vmem>>, vector<1x16xf32>,
          %get3A_550 = arith.index_cast %add3A_476 : i32 to index
          %get3A_551 = arith.constant 112 : index
          %get3A_552 = tpu.vector_load %arg15[%get3A_550, %get3A_551] {strides = array<i32>} : memref<80x128xf32, #tpu.memory_space<vmem>>, vector<1x16xf32>,
          %get3A_553 = vector.shape_cast %get3A_552 : vector<1x16xf32> to vector<16xf32>
          %mul3A_554 = arith.mulf %get3A_553, %broadcast_in_dim3A_479 : vector<16xf32>
          %swap3A_555 = arith.index_cast %add3A_476 : i32 to index
          %swap3A_556 = arith.constant 112 : index
          %swap3A_557 = tpu.vector_load %arg15[%swap3A_555, %swap3A_556] {strides = array<i32>} : memref<80x128xf32, #tpu.memory_space<vmem>>, vector<1x16xf32>,
          %swap3A_558 = vector.shape_cast %swap3A_557 : vector<1x16xf32> to vector<16xf32>
          %swap3A_559 = vector.shape_cast %mul3A_554 : vector<16xf32> to vector<1x16xf32>
          tpu.vector_store %arg15[%swap3A_555, %swap3A_556], %swap3A_559 {strides = array<i32>} : memref<80x128xf32, #tpu.memory_space<vmem>>, vector<1x16xf32>,
          %mul3A_560 = arith.constant 16 : i32
          %mul3A_561 = arith.muli %scan3A_208, %mul3A_560 : i32
          %add3A_562 = arith.constant 4 : i32
          %add3A_563 = arith.addi %mul3A_561, %add3A_562 : i32
          %slice3A_564 = vector.extract_strided_slice %get3A_213 {offsets = [4], sizes = [1], strides = [1]} : vector<16xf32> to vector<1xf32>
          %squeeze3A_565 = vector.extract %slice3A_564[0] : f32 from vector<1xf32>
          %broadcast_in_dim3A_566 = vector.broadcast %squeeze3A_565 : f32 to vector<16xf32>
          %get3A_567 = arith.index_cast %add3A_563 : i32 to index
          %get3A_568 = arith.constant 0 : index
          %get3A_569 = tpu.vector_load %arg15[%get3A_567, %get3A_568] {strides = array<i32>} : memref<80x128xf32, #tpu.memory_space<vmem>>, vector<1x16xf32>,
          %get3A_570 = vector.shape_cast %get3A_569 : vector<1x16xf32> to vector<16xf32>
          %mul3A_571 = arith.mulf %get3A_570, %broadcast_in_dim3A_566 : vector<16xf32>
          %swap3A_572 = arith.index_cast %add3A_563 : i32 to index
          %swap3A_573 = arith.constant 0 : index
          %swap3A_574 = tpu.vector_load %arg15[%swap3A_572, %swap3A_573] {strides = array<i32>} : memref<80x128xf32, #tpu.memory_space<vmem>>, vector<1x16xf32>,
          %swap3A_575 = vector.shape_cast %swap3A_574 : vector<1x16xf32> to vector<16xf32>
          %swap3A_576 = vector.shape_cast %mul3A_571 : vector<16xf32> to vector<1x16xf32>
          tpu.vector_store %arg15[%swap3A_572, %swap3A_573], %swap3A_576 {strides = array<i32>} : memref<80x128xf32, #tpu.memory_space<vmem>>, vector<1x16xf32>,
          %get3A_577 = arith.index_cast %add3A_563 : i32 to index
          %get3A_578 = arith.constant 16 : index
          %get3A_579 = tpu.vector_load %arg15[%get3A_577, %get3A_578] {strides = array<i32>} : memref<80x128xf32, #tpu.memory_space<vmem>>, vector<1x16xf32>,
          %get3A_580 = vector.shape_cast %get3A_579 : vector<1x16xf32> to vector<16xf32>
          %mul3A_581 = arith.mulf %get3A_580, %broadcast_in_dim3A_566 : vector<16xf32>
          %swap3A_582 = arith.index_cast %add3A_563 : i32 to index
          %swap3A_583 = arith.constant 16 : index
          %swap3A_584 = tpu.vector_load %arg15[%swap3A_582, %swap3A_583] {strides = array<i32>} : memref<80x128xf32, #tpu.memory_space<vmem>>, vector<1x16xf32>,
          %swap3A_585 = vector.shape_cast %swap3A_584 : vector<1x16xf32> to vector<16xf32>
          %swap3A_586 = vector.shape_cast %mul3A_581 : vector<16xf32> to vector<1x16xf32>
          tpu.vector_store %arg15[%swap3A_582, %swap3A_583], %swap3A_586 {strides = array<i32>} : memref<80x128xf32, #tpu.memory_space<vmem>>, vector<1x16xf32>,
          %get3A_587 = arith.index_cast %add3A_563 : i32 to index
          %get3A_588 = arith.constant 32 : index
          %get3A_589 = tpu.vector_load %arg15[%get3A_587, %get3A_588] {strides = array<i32>} : memref<80x128xf32, #tpu.memory_space<vmem>>, vector<1x16xf32>,
          %get3A_590 = vector.shape_cast %get3A_589 : vector<1x16xf32> to vector<16xf32>
          %mul3A_591 = arith.mulf %get3A_590, %broadcast_in_dim3A_566 : vector<16xf32>
          %swap3A_592 = arith.index_cast %add3A_563 : i32 to index
          %swap3A_593 = arith.constant 32 : index
          %swap3A_594 = tpu.vector_load %arg15[%swap3A_592, %swap3A_593] {strides = array<i32>} : memref<80x128xf32, #tpu.memory_space<vmem>>, vector<1x16xf32>,
          %swap3A_595 = vector.shape_cast %swap3A_594 : vector<1x16xf32> to vector<16xf32>
          %swap3A_596 = vector.shape_cast %mul3A_591 : vector<16xf32> to vector<1x16xf32>
          tpu.vector_store %arg15[%swap3A_592, %swap3A_593], %swap3A_596 {strides = array<i32>} : memref<80x128xf32, #tpu.memory_space<vmem>>, vector<1x16xf32>,
          %get3A_597 = arith.index_cast %add3A_563 : i32 to index
          %get3A_598 = arith.constant 48 : index
          %get3A_599 = tpu.vector_load %arg15[%get3A_597, %get3A_598] {strides = array<i32>} : memref<80x128xf32, #tpu.memory_space<vmem>>, vector<1x16xf32>,
          %get3A_600 = vector.shape_cast %get3A_599 : vector<1x16xf32> to vector<16xf32>
          %mul3A_601 = arith.mulf %get3A_600, %broadcast_in_dim3A_566 : vector<16xf32>
          %swap3A_602 = arith.index_cast %add3A_563 : i32 to index
          %swap3A_603 = arith.constant 48 : index
          %swap3A_604 = tpu.vector_load %arg15[%swap3A_602, %swap3A_603] {strides = array<i32>} : memref<80x128xf32, #tpu.memory_space<vmem>>, vector<1x16xf32>,
          %swap3A_605 = vector.shape_cast %swap3A_604 : vector<1x16xf32> to vector<16xf32>
          %swap3A_606 = vector.shape_cast %mul3A_601 : vector<16xf32> to vector<1x16xf32>
          tpu.vector_store %arg15[%swap3A_602, %swap3A_603], %swap3A_606 {strides = array<i32>} : memref<80x128xf32, #tpu.memory_space<vmem>>, vector<1x16xf32>,
          %get3A_607 = arith.index_cast %add3A_563 : i32 to index
          %get3A_608 = arith.constant 64 : index
          %get3A_609 = tpu.vector_load %arg15[%get3A_607, %get3A_608] {strides = array<i32>} : memref<80x128xf32, #tpu.memory_space<vmem>>, vector<1x16xf32>,
          %get3A_610 = vector.shape_cast %get3A_609 : vector<1x16xf32> to vector<16xf32>
          %mul3A_611 = arith.mulf %get3A_610, %broadcast_in_dim3A_566 : vector<16xf32>
          %swap3A_612 = arith.index_cast %add3A_563 : i32 to index
          %swap3A_613 = arith.constant 64 : index
          %swap3A_614 = tpu.vector_load %arg15[%swap3A_612, %swap3A_613] {strides = array<i32>} : memref<80x128xf32, #tpu.memory_space<vmem>>, vector<1x16xf32>,
          %swap3A_615 = vector.shape_cast %swap3A_614 : vector<1x16xf32> to vector<16xf32>
          %swap3A_616 = vector.shape_cast %mul3A_611 : vector<16xf32> to vector<1x16xf32>
          tpu.vector_store %arg15[%swap3A_612, %swap3A_613], %swap3A_616 {strides = array<i32>} : memref<80x128xf32, #tpu.memory_space<vmem>>, vector<1x16xf32>,
          %get3A_617 = arith.index_cast %add3A_563 : i32 to index
          %get3A_618 = arith.constant 80 : index
          %get3A_619 = tpu.vector_load %arg15[%get3A_617, %get3A_618] {strides = array<i32>} : memref<80x128xf32, #tpu.memory_space<vmem>>, vector<1x16xf32>,
          %get3A_620 = vector.shape_cast %get3A_619 : vector<1x16xf32> to vector<16xf32>
          %mul3A_621 = arith.mulf %get3A_620, %broadcast_in_dim3A_566 : vector<16xf32>
          %swap3A_622 = arith.index_cast %add3A_563 : i32 to index
          %swap3A_623 = arith.constant 80 : index
          %swap3A_624 = tpu.vector_load %arg15[%swap3A_622, %swap3A_623] {strides = array<i32>} : memref<80x128xf32, #tpu.memory_space<vmem>>, vector<1x16xf32>,
          %swap3A_625 = vector.shape_cast %swap3A_624 : vector<1x16xf32> to vector<16xf32>
          %swap3A_626 = vector.shape_cast %mul3A_621 : vector<16xf32> to vector<1x16xf32>
          tpu.vector_store %arg15[%swap3A_622, %swap3A_623], %swap3A_626 {strides = array<i32>} : memref<80x128xf32, #tpu.memory_space<vmem>>, vector<1x16xf32>,
          %get3A_627 = arith.index_cast %add3A_563 : i32 to index
          %get3A_628 = arith.constant 96 : index
          %get3A_629 = tpu.vector_load %arg15[%get3A_627, %get3A_628] {strides = array<i32>} : memref<80x128xf32, #tpu.memory_space<vmem>>, vector<1x16xf32>,
          %get3A_630 = vector.shape_cast %get3A_629 : vector<1x16xf32> to vector<16xf32>
          %mul3A_631 = arith.mulf %get3A_630, %broadcast_in_dim3A_566 : vector<16xf32>
          %swap3A_632 = arith.index_cast %add3A_563 : i32 to index
          %swap3A_633 = arith.constant 96 : index
          %swap3A_634 = tpu.vector_load %arg15[%swap3A_632, %swap3A_633] {strides = array<i32>} : memref<80x128xf32, #tpu.memory_space<vmem>>, vector<1x16xf32>,
          %swap3A_635 = vector.shape_cast %swap3A_634 : vector<1x16xf32> to vector<16xf32>
          %swap3A_636 = vector.shape_cast %mul3A_631 : vector<16xf32> to vector<1x16xf32>
          tpu.vector_store %arg15[%swap3A_632, %swap3A_633], %swap3A_636 {strides = array<i32>} : memref<80x128xf32, #tpu.memory_space<vmem>>, vector<1x16xf32>,
          %get3A_637 = arith.index_cast %add3A_563 : i32 to index
          %get3A_638 = arith.constant 112 : index
          %get3A_639 = tpu.vector_load %arg15[%get3A_637, %get3A_638] {strides = array<i32>} : memref<80x128xf32, #tpu.memory_space<vmem>>, vector<1x16xf32>,
          %get3A_640 = vector.shape_cast %get3A_639 : vector<1x16xf32> to vector<16xf32>
          %mul3A_641 = arith.mulf %get3A_640, %broadcast_in_dim3A_566 : vector<16xf32>
          %swap3A_642 = arith.index_cast %add3A_563 : i32 to index
          %swap3A_643 = arith.constant 112 : index
          %swap3A_644 = tpu.vector_load %arg15[%swap3A_642, %swap3A_643] {strides = array<i32>} : memref<80x128xf32, #tpu.memory_space<vmem>>, vector<1x16xf32>,
          %swap3A_645 = vector.shape_cast %swap3A_644 : vector<1x16xf32> to vector<16xf32>
          %swap3A_646 = vector.shape_cast %mul3A_641 : vector<16xf32> to vector<1x16xf32>
          tpu.vector_store %arg15[%swap3A_642, %swap3A_643], %swap3A_646 {strides = array<i32>} : memref<80x128xf32, #tpu.memory_space<vmem>>, vector<1x16xf32>,
          %mul3A_647 = arith.constant 16 : i32
          %mul3A_648 = arith.muli %scan3A_208, %mul3A_647 : i32
          %add3A_649 = arith.constant 5 : i32
          %add3A_650 = arith.addi %mul3A_648, %add3A_649 : i32
          %slice3A_651 = vector.extract_strided_slice %get3A_213 {offsets = [5], sizes = [1], strides = [1]} : vector<16xf32> to vector<1xf32>
          %squeeze3A_652 = vector.extract %slice3A_651[0] : f32 from vector<1xf32>
          %broadcast_in_dim3A_653 = vector.broadcast %squeeze3A_652 : f32 to vector<16xf32>
          %get3A_654 = arith.index_cast %add3A_650 : i32 to index
          %get3A_655 = arith.constant 0 : index
          %get3A_656 = tpu.vector_load %arg15[%get3A_654, %get3A_655] {strides = array<i32>} : memref<80x128xf32, #tpu.memory_space<vmem>>, vector<1x16xf32>,
          %get3A_657 = vector.shape_cast %get3A_656 : vector<1x16xf32> to vector<16xf32>
          %mul3A_658 = arith.mulf %get3A_657, %broadcast_in_dim3A_653 : vector<16xf32>
          %swap3A_659 = arith.index_cast %add3A_650 : i32 to index
          %swap3A_660 = arith.constant 0 : index
          %swap3A_661 = tpu.vector_load %arg15[%swap3A_659, %swap3A_660] {strides = array<i32>} : memref<80x128xf32, #tpu.memory_space<vmem>>, vector<1x16xf32>,
          %swap3A_662 = vector.shape_cast %swap3A_661 : vector<1x16xf32> to vector<16xf32>
          %swap3A_663 = vector.shape_cast %mul3A_658 : vector<16xf32> to vector<1x16xf32>
          tpu.vector_store %arg15[%swap3A_659, %swap3A_660], %swap3A_663 {strides = array<i32>} : memref<80x128xf32, #tpu.memory_space<vmem>>, vector<1x16xf32>,
          %get3A_664 = arith.index_cast %add3A_650 : i32 to index
          %get3A_665 = arith.constant 16 : index
          %get3A_666 = tpu.vector_load %arg15[%get3A_664, %get3A_665] {strides = array<i32>} : memref<80x128xf32, #tpu.memory_space<vmem>>, vector<1x16xf32>,
          %get3A_667 = vector.shape_cast %get3A_666 : vector<1x16xf32> to vector<16xf32>
          %mul3A_668 = arith.mulf %get3A_667, %broadcast_in_dim3A_653 : vector<16xf32>
          %swap3A_669 = arith.index_cast %add3A_650 : i32 to index
          %swap3A_670 = arith.constant 16 : index
          %swap3A_671 = tpu.vector_load %arg15[%swap3A_669, %swap3A_670] {strides = array<i32>} : memref<80x128xf32, #tpu.memory_space<vmem>>, vector<1x16xf32>,
          %swap3A_672 = vector.shape_cast %swap3A_671 : vector<1x16xf32> to vector<16xf32>
          %swap3A_673 = vector.shape_cast %mul3A_668 : vector<16xf32> to vector<1x16xf32>
          tpu.vector_store %arg15[%swap3A_669, %swap3A_670], %swap3A_673 {strides = array<i32>} : memref<80x128xf32, #tpu.memory_space<vmem>>, vector<1x16xf32>,
          %get3A_674 = arith.index_cast %add3A_650 : i32 to index
          %get3A_675 = arith.constant 32 : index
          %get3A_676 = tpu.vector_load %arg15[%get3A_674, %get3A_675] {strides = array<i32>} : memref<80x128xf32, #tpu.memory_space<vmem>>, vector<1x16xf32>,
          %get3A_677 = vector.shape_cast %get3A_676 : vector<1x16xf32> to vector<16xf32>
          %mul3A_678 = arith.mulf %get3A_677, %broadcast_in_dim3A_653 : vector<16xf32>
          %swap3A_679 = arith.index_cast %add3A_650 : i32 to index
          %swap3A_680 = arith.constant 32 : index
          %swap3A_681 = tpu.vector_load %arg15[%swap3A_679, %swap3A_680] {strides = array<i32>} : memref<80x128xf32, #tpu.memory_space<vmem>>, vector<1x16xf32>,
          %swap3A_682 = vector.shape_cast %swap3A_681 : vector<1x16xf32> to vector<16xf32>
          %swap3A_683 = vector.shape_cast %mul3A_678 : vector<16xf32> to vector<1x16xf32>
          tpu.vector_store %arg15[%swap3A_679, %swap3A_680], %swap3A_683 {strides = array<i32>} : memref<80x128xf32, #tpu.memory_space<vmem>>, vector<1x16xf32>,
          %get3A_684 = arith.index_cast %add3A_650 : i32 to index
          %get3A_685 = arith.constant 48 : index
          %get3A_686 = tpu.vector_load %arg15[%get3A_684, %get3A_685] {strides = array<i32>} : memref<80x128xf32, #tpu.memory_space<vmem>>, vector<1x16xf32>,
          %get3A_687 = vector.shape_cast %get3A_686 : vector<1x16xf32> to vector<16xf32>
          %mul3A_688 = arith.mulf %get3A_687, %broadcast_in_dim3A_653 : vector<16xf32>
          %swap3A_689 = arith.index_cast %add3A_650 : i32 to index
          %swap3A_690 = arith.constant 48 : index
          %swap3A_691 = tpu.vector_load %arg15[%swap3A_689, %swap3A_690] {strides = array<i32>} : memref<80x128xf32, #tpu.memory_space<vmem>>, vector<1x16xf32>,
          %swap3A_692 = vector.shape_cast %swap3A_691 : vector<1x16xf32> to vector<16xf32>
          %swap3A_693 = vector.shape_cast %mul3A_688 : vector<16xf32> to vector<1x16xf32>
          tpu.vector_store %arg15[%swap3A_689, %swap3A_690], %swap3A_693 {strides = array<i32>} : memref<80x128xf32, #tpu.memory_space<vmem>>, vector<1x16xf32>,
          %get3A_694 = arith.index_cast %add3A_650 : i32 to index
          %get3A_695 = arith.constant 64 : index
          %get3A_696 = tpu.vector_load %arg15[%get3A_694, %get3A_695] {strides = array<i32>} : memref<80x128xf32, #tpu.memory_space<vmem>>, vector<1x16xf32>,
          %get3A_697 = vector.shape_cast %get3A_696 : vector<1x16xf32> to vector<16xf32>
          %mul3A_698 = arith.mulf %get3A_697, %broadcast_in_dim3A_653 : vector<16xf32>
          %swap3A_699 = arith.index_cast %add3A_650 : i32 to index
          %swap3A_700 = arith.constant 64 : index
          %swap3A_701 = tpu.vector_load %arg15[%swap3A_699, %swap3A_700] {strides = array<i32>} : memref<80x128xf32, #tpu.memory_space<vmem>>, vector<1x16xf32>,
          %swap3A_702 = vector.shape_cast %swap3A_701 : vector<1x16xf32> to vector<16xf32>
          %swap3A_703 = vector.shape_cast %mul3A_698 : vector<16xf32> to vector<1x16xf32>
          tpu.vector_store %arg15[%swap3A_699, %swap3A_700], %swap3A_703 {strides = array<i32>} : memref<80x128xf32, #tpu.memory_space<vmem>>, vector<1x16xf32>,
          %get3A_704 = arith.index_cast %add3A_650 : i32 to index
          %get3A_705 = arith.constant 80 : index
          %get3A_706 = tpu.vector_load %arg15[%get3A_704, %get3A_705] {strides = array<i32>} : memref<80x128xf32, #tpu.memory_space<vmem>>, vector<1x16xf32>,
          %get3A_707 = vector.shape_cast %get3A_706 : vector<1x16xf32> to vector<16xf32>
          %mul3A_708 = arith.mulf %get3A_707, %broadcast_in_dim3A_653 : vector<16xf32>
          %swap3A_709 = arith.index_cast %add3A_650 : i32 to index
          %swap3A_710 = arith.constant 80 : index
          %swap3A_711 = tpu.vector_load %arg15[%swap3A_709, %swap3A_710] {strides = array<i32>} : memref<80x128xf32, #tpu.memory_space<vmem>>, vector<1x16xf32>,
          %swap3A_712 = vector.shape_cast %swap3A_711 : vector<1x16xf32> to vector<16xf32>
          %swap3A_713 = vector.shape_cast %mul3A_708 : vector<16xf32> to vector<1x16xf32>
          tpu.vector_store %arg15[%swap3A_709, %swap3A_710], %swap3A_713 {strides = array<i32>} : memref<80x128xf32, #tpu.memory_space<vmem>>, vector<1x16xf32>,
          %get3A_714 = arith.index_cast %add3A_650 : i32 to index
          %get3A_715 = arith.constant 96 : index
          %get3A_716 = tpu.vector_load %arg15[%get3A_714, %get3A_715] {strides = array<i32>} : memref<80x128xf32, #tpu.memory_space<vmem>>, vector<1x16xf32>,
          %get3A_717 = vector.shape_cast %get3A_716 : vector<1x16xf32> to vector<16xf32>
          %mul3A_718 = arith.mulf %get3A_717, %broadcast_in_dim3A_653 : vector<16xf32>
          %swap3A_719 = arith.index_cast %add3A_650 : i32 to index
          %swap3A_720 = arith.constant 96 : index
          %swap3A_721 = tpu.vector_load %arg15[%swap3A_719, %swap3A_720] {strides = array<i32>} : memref<80x128xf32, #tpu.memory_space<vmem>>, vector<1x16xf32>,
          %swap3A_722 = vector.shape_cast %swap3A_721 : vector<1x16xf32> to vector<16xf32>
          %swap3A_723 = vector.shape_cast %mul3A_718 : vector<16xf32> to vector<1x16xf32>
          tpu.vector_store %arg15[%swap3A_719, %swap3A_720], %swap3A_723 {strides = array<i32>} : memref<80x128xf32, #tpu.memory_space<vmem>>, vector<1x16xf32>,
          %get3A_724 = arith.index_cast %add3A_650 : i32 to index
          %get3A_725 = arith.constant 112 : index
          %get3A_726 = tpu.vector_load %arg15[%get3A_724, %get3A_725] {strides = array<i32>} : memref<80x128xf32, #tpu.memory_space<vmem>>, vector<1x16xf32>,
          %get3A_727 = vector.shape_cast %get3A_726 : vector<1x16xf32> to vector<16xf32>
          %mul3A_728 = arith.mulf %get3A_727, %broadcast_in_dim3A_653 : vector<16xf32>
          %swap3A_729 = arith.index_cast %add3A_650 : i32 to index
          %swap3A_730 = arith.constant 112 : index
          %swap3A_731 = tpu.vector_load %arg15[%swap3A_729, %swap3A_730] {strides = array<i32>} : memref<80x128xf32, #tpu.memory_space<vmem>>, vector<1x16xf32>,
          %swap3A_732 = vector.shape_cast %swap3A_731 : vector<1x16xf32> to vector<16xf32>
          %swap3A_733 = vector.shape_cast %mul3A_728 : vector<16xf32> to vector<1x16xf32>
          tpu.vector_store %arg15[%swap3A_729, %swap3A_730], %swap3A_733 {strides = array<i32>} : memref<80x128xf32, #tpu.memory_space<vmem>>, vector<1x16xf32>,
          %mul3A_734 = arith.constant 16 : i32
          %mul3A_735 = arith.muli %scan3A_208, %mul3A_734 : i32
          %add3A_736 = arith.constant 6 : i32
          %add3A_737 = arith.addi %mul3A_735, %add3A_736 : i32
          %slice3A_738 = vector.extract_strided_slice %get3A_213 {offsets = [6], sizes = [1], strides = [1]} : vector<16xf32> to vector<1xf32>
          %squeeze3A_739 = vector.extract %slice3A_738[0] : f32 from vector<1xf32>
          %broadcast_in_dim3A_740 = vector.broadcast %squeeze3A_739 : f32 to vector<16xf32>
          %get3A_741 = arith.index_cast %add3A_737 : i32 to index
          %get3A_742 = arith.constant 0 : index
          %get3A_743 = tpu.vector_load %arg15[%get3A_741, %get3A_742] {strides = array<i32>} : memref<80x128xf32, #tpu.memory_space<vmem>>, vector<1x16xf32>,
          %get3A_744 = vector.shape_cast %get3A_743 : vector<1x16xf32> to vector<16xf32>
          %mul3A_745 = arith.mulf %get3A_744, %broadcast_in_dim3A_740 : vector<16xf32>
          %swap3A_746 = arith.index_cast %add3A_737 : i32 to index
          %swap3A_747 = arith.constant 0 : index
          %swap3A_748 = tpu.vector_load %arg15[%swap3A_746, %swap3A_747] {strides = array<i32>} : memref<80x128xf32, #tpu.memory_space<vmem>>, vector<1x16xf32>,
          %swap3A_749 = vector.shape_cast %swap3A_748 : vector<1x16xf32> to vector<16xf32>
          %swap3A_750 = vector.shape_cast %mul3A_745 : vector<16xf32> to vector<1x16xf32>
          tpu.vector_store %arg15[%swap3A_746, %swap3A_747], %swap3A_750 {strides = array<i32>} : memref<80x128xf32, #tpu.memory_space<vmem>>, vector<1x16xf32>,
          %get3A_751 = arith.index_cast %add3A_737 : i32 to index
          %get3A_752 = arith.constant 16 : index
          %get3A_753 = tpu.vector_load %arg15[%get3A_751, %get3A_752] {strides = array<i32>} : memref<80x128xf32, #tpu.memory_space<vmem>>, vector<1x16xf32>,
          %get3A_754 = vector.shape_cast %get3A_753 : vector<1x16xf32> to vector<16xf32>
          %mul3A_755 = arith.mulf %get3A_754, %broadcast_in_dim3A_740 : vector<16xf32>
          %swap3A_756 = arith.index_cast %add3A_737 : i32 to index
          %swap3A_757 = arith.constant 16 : index
          %swap3A_758 = tpu.vector_load %arg15[%swap3A_756, %swap3A_757] {strides = array<i32>} : memref<80x128xf32, #tpu.memory_space<vmem>>, vector<1x16xf32>,
          %swap3A_759 = vector.shape_cast %swap3A_758 : vector<1x16xf32> to vector<16xf32>
          %swap3A_760 = vector.shape_cast %mul3A_755 : vector<16xf32> to vector<1x16xf32>
          tpu.vector_store %arg15[%swap3A_756, %swap3A_757], %swap3A_760 {strides = array<i32>} : memref<80x128xf32, #tpu.memory_space<vmem>>, vector<1x16xf32>,
          %get3A_761 = arith.index_cast %add3A_737 : i32 to index
          %get3A_762 = arith.constant 32 : index
          %get3A_763 = tpu.vector_load %arg15[%get3A_761, %get3A_762] {strides = array<i32>} : memref<80x128xf32, #tpu.memory_space<vmem>>, vector<1x16xf32>,
          %get3A_764 = vector.shape_cast %get3A_763 : vector<1x16xf32> to vector<16xf32>
          %mul3A_765 = arith.mulf %get3A_764, %broadcast_in_dim3A_740 : vector<16xf32>
          %swap3A_766 = arith.index_cast %add3A_737 : i32 to index
          %swap3A_767 = arith.constant 32 : index
          %swap3A_768 = tpu.vector_load %arg15[%swap3A_766, %swap3A_767] {strides = array<i32>} : memref<80x128xf32, #tpu.memory_space<vmem>>, vector<1x16xf32>,
          %swap3A_769 = vector.shape_cast %swap3A_768 : vector<1x16xf32> to vector<16xf32>
          %swap3A_770 = vector.shape_cast %mul3A_765 : vector<16xf32> to vector<1x16xf32>
          tpu.vector_store %arg15[%swap3A_766, %swap3A_767], %swap3A_770 {strides = array<i32>} : memref<80x128xf32, #tpu.memory_space<vmem>>, vector<1x16xf32>,
          %get3A_771 = arith.index_cast %add3A_737 : i32 to index
          %get3A_772 = arith.constant 48 : index
          %get3A_773 = tpu.vector_load %arg15[%get3A_771, %get3A_772] {strides = array<i32>} : memref<80x128xf32, #tpu.memory_space<vmem>>, vector<1x16xf32>,
          %get3A_774 = vector.shape_cast %get3A_773 : vector<1x16xf32> to vector<16xf32>
          %mul3A_775 = arith.mulf %get3A_774, %broadcast_in_dim3A_740 : vector<16xf32>
          %swap3A_776 = arith.index_cast %add3A_737 : i32 to index
          %swap3A_777 = arith.constant 48 : index
          %swap3A_778 = tpu.vector_load %arg15[%swap3A_776, %swap3A_777] {strides = array<i32>} : memref<80x128xf32, #tpu.memory_space<vmem>>, vector<1x16xf32>,
          %swap3A_779 = vector.shape_cast %swap3A_778 : vector<1x16xf32> to vector<16xf32>
          %swap3A_780 = vector.shape_cast %mul3A_775 : vector<16xf32> to vector<1x16xf32>
          tpu.vector_store %arg15[%swap3A_776, %swap3A_777], %swap3A_780 {strides = array<i32>} : memref<80x128xf32, #tpu.memory_space<vmem>>, vector<1x16xf32>,
          %get3A_781 = arith.index_cast %add3A_737 : i32 to index
          %get3A_782 = arith.constant 64 : index
          %get3A_783 = tpu.vector_load %arg15[%get3A_781, %get3A_782] {strides = array<i32>} : memref<80x128xf32, #tpu.memory_space<vmem>>, vector<1x16xf32>,
          %get3A_784 = vector.shape_cast %get3A_783 : vector<1x16xf32> to vector<16xf32>
          %mul3A_785 = arith.mulf %get3A_784, %broadcast_in_dim3A_740 : vector<16xf32>
          %swap3A_786 = arith.index_cast %add3A_737 : i32 to index
          %swap3A_787 = arith.constant 64 : index
          %swap3A_788 = tpu.vector_load %arg15[%swap3A_786, %swap3A_787] {strides = array<i32>} : memref<80x128xf32, #tpu.memory_space<vmem>>, vector<1x16xf32>,
          %swap3A_789 = vector.shape_cast %swap3A_788 : vector<1x16xf32> to vector<16xf32>
          %swap3A_790 = vector.shape_cast %mul3A_785 : vector<16xf32> to vector<1x16xf32>
          tpu.vector_store %arg15[%swap3A_786, %swap3A_787], %swap3A_790 {strides = array<i32>} : memref<80x128xf32, #tpu.memory_space<vmem>>, vector<1x16xf32>,
          %get3A_791 = arith.index_cast %add3A_737 : i32 to index
          %get3A_792 = arith.constant 80 : index
          %get3A_793 = tpu.vector_load %arg15[%get3A_791, %get3A_792] {strides = array<i32>} : memref<80x128xf32, #tpu.memory_space<vmem>>, vector<1x16xf32>,
          %get3A_794 = vector.shape_cast %get3A_793 : vector<1x16xf32> to vector<16xf32>
          %mul3A_795 = arith.mulf %get3A_794, %broadcast_in_dim3A_740 : vector<16xf32>
          %swap3A_796 = arith.index_cast %add3A_737 : i32 to index
          %swap3A_797 = arith.constant 80 : index
          %swap3A_798 = tpu.vector_load %arg15[%swap3A_796, %swap3A_797] {strides = array<i32>} : memref<80x128xf32, #tpu.memory_space<vmem>>, vector<1x16xf32>,
          %swap3A_799 = vector.shape_cast %swap3A_798 : vector<1x16xf32> to vector<16xf32>
          %swap3A_800 = vector.shape_cast %mul3A_795 : vector<16xf32> to vector<1x16xf32>
          tpu.vector_store %arg15[%swap3A_796, %swap3A_797], %swap3A_800 {strides = array<i32>} : memref<80x128xf32, #tpu.memory_space<vmem>>, vector<1x16xf32>,
          %get3A_801 = arith.index_cast %add3A_737 : i32 to index
          %get3A_802 = arith.constant 96 : index
          %get3A_803 = tpu.vector_load %arg15[%get3A_801, %get3A_802] {strides = array<i32>} : memref<80x128xf32, #tpu.memory_space<vmem>>, vector<1x16xf32>,
          %get3A_804 = vector.shape_cast %get3A_803 : vector<1x16xf32> to vector<16xf32>
          %mul3A_805 = arith.mulf %get3A_804, %broadcast_in_dim3A_740 : vector<16xf32>
          %swap3A_806 = arith.index_cast %add3A_737 : i32 to index
          %swap3A_807 = arith.constant 96 : index
          %swap3A_808 = tpu.vector_load %arg15[%swap3A_806, %swap3A_807] {strides = array<i32>} : memref<80x128xf32, #tpu.memory_space<vmem>>, vector<1x16xf32>,
          %swap3A_809 = vector.shape_cast %swap3A_808 : vector<1x16xf32> to vector<16xf32>
          %swap3A_810 = vector.shape_cast %mul3A_805 : vector<16xf32> to vector<1x16xf32>
          tpu.vector_store %arg15[%swap3A_806, %swap3A_807], %swap3A_810 {strides = array<i32>} : memref<80x128xf32, #tpu.memory_space<vmem>>, vector<1x16xf32>,
          %get3A_811 = arith.index_cast %add3A_737 : i32 to index
          %get3A_812 = arith.constant 112 : index
          %get3A_813 = tpu.vector_load %arg15[%get3A_811, %get3A_812] {strides = array<i32>} : memref<80x128xf32, #tpu.memory_space<vmem>>, vector<1x16xf32>,
          %get3A_814 = vector.shape_cast %get3A_813 : vector<1x16xf32> to vector<16xf32>
          %mul3A_815 = arith.mulf %get3A_814, %broadcast_in_dim3A_740 : vector<16xf32>
          %swap3A_816 = arith.index_cast %add3A_737 : i32 to index
          %swap3A_817 = arith.constant 112 : index
          %swap3A_818 = tpu.vector_load %arg15[%swap3A_816, %swap3A_817] {strides = array<i32>} : memref<80x128xf32, #tpu.memory_space<vmem>>, vector<1x16xf32>,
          %swap3A_819 = vector.shape_cast %swap3A_818 : vector<1x16xf32> to vector<16xf32>
          %swap3A_820 = vector.shape_cast %mul3A_815 : vector<16xf32> to vector<1x16xf32>
          tpu.vector_store %arg15[%swap3A_816, %swap3A_817], %swap3A_820 {strides = array<i32>} : memref<80x128xf32, #tpu.memory_space<vmem>>, vector<1x16xf32>,
          %mul3A_821 = arith.constant 16 : i32
          %mul3A_822 = arith.muli %scan3A_208, %mul3A_821 : i32
          %add3A_823 = arith.constant 7 : i32
          %add3A_824 = arith.addi %mul3A_822, %add3A_823 : i32
          %slice3A_825 = vector.extract_strided_slice %get3A_213 {offsets = [7], sizes = [1], strides = [1]} : vector<16xf32> to vector<1xf32>
          %squeeze3A_826 = vector.extract %slice3A_825[0] : f32 from vector<1xf32>
          %broadcast_in_dim3A_827 = vector.broadcast %squeeze3A_826 : f32 to vector<16xf32>
          %get3A_828 = arith.index_cast %add3A_824 : i32 to index
          %get3A_829 = arith.constant 0 : index
          %get3A_830 = tpu.vector_load %arg15[%get3A_828, %get3A_829] {strides = array<i32>} : memref<80x128xf32, #tpu.memory_space<vmem>>, vector<1x16xf32>,
          %get3A_831 = vector.shape_cast %get3A_830 : vector<1x16xf32> to vector<16xf32>
          %mul3A_832 = arith.mulf %get3A_831, %broadcast_in_dim3A_827 : vector<16xf32>
          %swap3A_833 = arith.index_cast %add3A_824 : i32 to index
          %swap3A_834 = arith.constant 0 : index
          %swap3A_835 = tpu.vector_load %arg15[%swap3A_833, %swap3A_834] {strides = array<i32>} : memref<80x128xf32, #tpu.memory_space<vmem>>, vector<1x16xf32>,
          %swap3A_836 = vector.shape_cast %swap3A_835 : vector<1x16xf32> to vector<16xf32>
          %swap3A_837 = vector.shape_cast %mul3A_832 : vector<16xf32> to vector<1x16xf32>
          tpu.vector_store %arg15[%swap3A_833, %swap3A_834], %swap3A_837 {strides = array<i32>} : memref<80x128xf32, #tpu.memory_space<vmem>>, vector<1x16xf32>,
          %get3A_838 = arith.index_cast %add3A_824 : i32 to index
          %get3A_839 = arith.constant 16 : index
          %get3A_840 = tpu.vector_load %arg15[%get3A_838, %get3A_839] {strides = array<i32>} : memref<80x128xf32, #tpu.memory_space<vmem>>, vector<1x16xf32>,
          %get3A_841 = vector.shape_cast %get3A_840 : vector<1x16xf32> to vector<16xf32>
          %mul3A_842 = arith.mulf %get3A_841, %broadcast_in_dim3A_827 : vector<16xf32>
          %swap3A_843 = arith.index_cast %add3A_824 : i32 to index
          %swap3A_844 = arith.constant 16 : index
          %swap3A_845 = tpu.vector_load %arg15[%swap3A_843, %swap3A_844] {strides = array<i32>} : memref<80x128xf32, #tpu.memory_space<vmem>>, vector<1x16xf32>,
          %swap3A_846 = vector.shape_cast %swap3A_845 : vector<1x16xf32> to vector<16xf32>
          %swap3A_847 = vector.shape_cast %mul3A_842 : vector<16xf32> to vector<1x16xf32>
          tpu.vector_store %arg15[%swap3A_843, %swap3A_844], %swap3A_847 {strides = array<i32>} : memref<80x128xf32, #tpu.memory_space<vmem>>, vector<1x16xf32>,
          %get3A_848 = arith.index_cast %add3A_824 : i32 to index
          %get3A_849 = arith.constant 32 : index
          %get3A_850 = tpu.vector_load %arg15[%get3A_848, %get3A_849] {strides = array<i32>} : memref<80x128xf32, #tpu.memory_space<vmem>>, vector<1x16xf32>,
          %get3A_851 = vector.shape_cast %get3A_850 : vector<1x16xf32> to vector<16xf32>
          %mul3A_852 = arith.mulf %get3A_851, %broadcast_in_dim3A_827 : vector<16xf32>
          %swap3A_853 = arith.index_cast %add3A_824 : i32 to index
          %swap3A_854 = arith.constant 32 : index
          %swap3A_855 = tpu.vector_load %arg15[%swap3A_853, %swap3A_854] {strides = array<i32>} : memref<80x128xf32, #tpu.memory_space<vmem>>, vector<1x16xf32>,
          %swap3A_856 = vector.shape_cast %swap3A_855 : vector<1x16xf32> to vector<16xf32>
          %swap3A_857 = vector.shape_cast %mul3A_852 : vector<16xf32> to vector<1x16xf32>
          tpu.vector_store %arg15[%swap3A_853, %swap3A_854], %swap3A_857 {strides = array<i32>} : memref<80x128xf32, #tpu.memory_space<vmem>>, vector<1x16xf32>,
          %get3A_858 = arith.index_cast %add3A_824 : i32 to index
          %get3A_859 = arith.constant 48 : index
          %get3A_860 = tpu.vector_load %arg15[%get3A_858, %get3A_859] {strides = array<i32>} : memref<80x128xf32, #tpu.memory_space<vmem>>, vector<1x16xf32>,
          %get3A_861 = vector.shape_cast %get3A_860 : vector<1x16xf32> to vector<16xf32>
          %mul3A_862 = arith.mulf %get3A_861, %broadcast_in_dim3A_827 : vector<16xf32>
          %swap3A_863 = arith.index_cast %add3A_824 : i32 to index
          %swap3A_864 = arith.constant 48 : index
          %swap3A_865 = tpu.vector_load %arg15[%swap3A_863, %swap3A_864] {strides = array<i32>} : memref<80x128xf32, #tpu.memory_space<vmem>>, vector<1x16xf32>,
          %swap3A_866 = vector.shape_cast %swap3A_865 : vector<1x16xf32> to vector<16xf32>
          %swap3A_867 = vector.shape_cast %mul3A_862 : vector<16xf32> to vector<1x16xf32>
          tpu.vector_store %arg15[%swap3A_863, %swap3A_864], %swap3A_867 {strides = array<i32>} : memref<80x128xf32, #tpu.memory_space<vmem>>, vector<1x16xf32>,
          %get3A_868 = arith.index_cast %add3A_824 : i32 to index
          %get3A_869 = arith.constant 64 : index
          %get3A_870 = tpu.vector_load %arg15[%get3A_868, %get3A_869] {strides = array<i32>} : memref<80x128xf32, #tpu.memory_space<vmem>>, vector<1x16xf32>,
          %get3A_871 = vector.shape_cast %get3A_870 : vector<1x16xf32> to vector<16xf32>
          %mul3A_872 = arith.mulf %get3A_871, %broadcast_in_dim3A_827 : vector<16xf32>
          %swap3A_873 = arith.index_cast %add3A_824 : i32 to index
          %swap3A_874 = arith.constant 64 : index
          %swap3A_875 = tpu.vector_load %arg15[%swap3A_873, %swap3A_874] {strides = array<i32>} : memref<80x128xf32, #tpu.memory_space<vmem>>, vector<1x16xf32>,
          %swap3A_876 = vector.shape_cast %swap3A_875 : vector<1x16xf32> to vector<16xf32>
          %swap3A_877 = vector.shape_cast %mul3A_872 : vector<16xf32> to vector<1x16xf32>
          tpu.vector_store %arg15[%swap3A_873, %swap3A_874], %swap3A_877 {strides = array<i32>} : memref<80x128xf32, #tpu.memory_space<vmem>>, vector<1x16xf32>,
          %get3A_878 = arith.index_cast %add3A_824 : i32 to index
          %get3A_879 = arith.constant 80 : index
          %get3A_880 = tpu.vector_load %arg15[%get3A_878, %get3A_879] {strides = array<i32>} : memref<80x128xf32, #tpu.memory_space<vmem>>, vector<1x16xf32>,
          %get3A_881 = vector.shape_cast %get3A_880 : vector<1x16xf32> to vector<16xf32>
          %mul3A_882 = arith.mulf %get3A_881, %broadcast_in_dim3A_827 : vector<16xf32>
          %swap3A_883 = arith.index_cast %add3A_824 : i32 to index
          %swap3A_884 = arith.constant 80 : index
          %swap3A_885 = tpu.vector_load %arg15[%swap3A_883, %swap3A_884] {strides = array<i32>} : memref<80x128xf32, #tpu.memory_space<vmem>>, vector<1x16xf32>,
          %swap3A_886 = vector.shape_cast %swap3A_885 : vector<1x16xf32> to vector<16xf32>
          %swap3A_887 = vector.shape_cast %mul3A_882 : vector<16xf32> to vector<1x16xf32>
          tpu.vector_store %arg15[%swap3A_883, %swap3A_884], %swap3A_887 {strides = array<i32>} : memref<80x128xf32, #tpu.memory_space<vmem>>, vector<1x16xf32>,
          %get3A_888 = arith.index_cast %add3A_824 : i32 to index
          %get3A_889 = arith.constant 96 : index
          %get3A_890 = tpu.vector_load %arg15[%get3A_888, %get3A_889] {strides = array<i32>} : memref<80x128xf32, #tpu.memory_space<vmem>>, vector<1x16xf32>,
          %get3A_891 = vector.shape_cast %get3A_890 : vector<1x16xf32> to vector<16xf32>
          %mul3A_892 = arith.mulf %get3A_891, %broadcast_in_dim3A_827 : vector<16xf32>
          %swap3A_893 = arith.index_cast %add3A_824 : i32 to index
          %swap3A_894 = arith.constant 96 : index
          %swap3A_895 = tpu.vector_load %arg15[%swap3A_893, %swap3A_894] {strides = array<i32>} : memref<80x128xf32, #tpu.memory_space<vmem>>, vector<1x16xf32>,
          %swap3A_896 = vector.shape_cast %swap3A_895 : vector<1x16xf32> to vector<16xf32>
          %swap3A_897 = vector.shape_cast %mul3A_892 : vector<16xf32> to vector<1x16xf32>
          tpu.vector_store %arg15[%swap3A_893, %swap3A_894], %swap3A_897 {strides = array<i32>} : memref<80x128xf32, #tpu.memory_space<vmem>>, vector<1x16xf32>,
          %get3A_898 = arith.index_cast %add3A_824 : i32 to index
          %get3A_899 = arith.constant 112 : index
          %get3A_900 = tpu.vector_load %arg15[%get3A_898, %get3A_899] {strides = array<i32>} : memref<80x128xf32, #tpu.memory_space<vmem>>, vector<1x16xf32>,
          %get3A_901 = vector.shape_cast %get3A_900 : vector<1x16xf32> to vector<16xf32>
          %mul3A_902 = arith.mulf %get3A_901, %broadcast_in_dim3A_827 : vector<16xf32>
          %swap3A_903 = arith.index_cast %add3A_824 : i32 to index
          %swap3A_904 = arith.constant 112 : index
          %swap3A_905 = tpu.vector_load %arg15[%swap3A_903, %swap3A_904] {strides = array<i32>} : memref<80x128xf32, #tpu.memory_space<vmem>>, vector<1x16xf32>,
          %swap3A_906 = vector.shape_cast %swap3A_905 : vector<1x16xf32> to vector<16xf32>
          %swap3A_907 = vector.shape_cast %mul3A_902 : vector<16xf32> to vector<1x16xf32>
          tpu.vector_store %arg15[%swap3A_903, %swap3A_904], %swap3A_907 {strides = array<i32>} : memref<80x128xf32, #tpu.memory_space<vmem>>, vector<1x16xf32>,
          %mul3A_908 = arith.constant 16 : i32
          %mul3A_909 = arith.muli %scan3A_208, %mul3A_908 : i32
          %add3A_910 = arith.constant 8 : i32
          %add3A_911 = arith.addi %mul3A_909, %add3A_910 : i32
          %slice3A_912 = vector.extract_strided_slice %get3A_213 {offsets = [8], sizes = [1], strides = [1]} : vector<16xf32> to vector<1xf32>
          %squeeze3A_913 = vector.extract %slice3A_912[0] : f32 from vector<1xf32>
          %broadcast_in_dim3A_914 = vector.broadcast %squeeze3A_913 : f32 to vector<16xf32>
          %get3A_915 = arith.index_cast %add3A_911 : i32 to index
          %get3A_916 = arith.constant 0 : index
          %get3A_917 = tpu.vector_load %arg15[%get3A_915, %get3A_916] {strides = array<i32>} : memref<80x128xf32, #tpu.memory_space<vmem>>, vector<1x16xf32>,
          %get3A_918 = vector.shape_cast %get3A_917 : vector<1x16xf32> to vector<16xf32>
          %mul3A_919 = arith.mulf %get3A_918, %broadcast_in_dim3A_914 : vector<16xf32>
          %swap3A_920 = arith.index_cast %add3A_911 : i32 to index
          %swap3A_921 = arith.constant 0 : index
          %swap3A_922 = tpu.vector_load %arg15[%swap3A_920, %swap3A_921] {strides = array<i32>} : memref<80x128xf32, #tpu.memory_space<vmem>>, vector<1x16xf32>,
          %swap3A_923 = vector.shape_cast %swap3A_922 : vector<1x16xf32> to vector<16xf32>
          %swap3A_924 = vector.shape_cast %mul3A_919 : vector<16xf32> to vector<1x16xf32>
          tpu.vector_store %arg15[%swap3A_920, %swap3A_921], %swap3A_924 {strides = array<i32>} : memref<80x128xf32, #tpu.memory_space<vmem>>, vector<1x16xf32>,
          %get3A_925 = arith.index_cast %add3A_911 : i32 to index
          %get3A_926 = arith.constant 16 : index
          %get3A_927 = tpu.vector_load %arg15[%get3A_925, %get3A_926] {strides = array<i32>} : memref<80x128xf32, #tpu.memory_space<vmem>>, vector<1x16xf32>,
          %get3A_928 = vector.shape_cast %get3A_927 : vector<1x16xf32> to vector<16xf32>
          %mul3A_929 = arith.mulf %get3A_928, %broadcast_in_dim3A_914 : vector<16xf32>
          %swap3A_930 = arith.index_cast %add3A_911 : i32 to index
          %swap3A_931 = arith.constant 16 : index
          %swap3A_932 = tpu.vector_load %arg15[%swap3A_930, %swap3A_931] {strides = array<i32>} : memref<80x128xf32, #tpu.memory_space<vmem>>, vector<1x16xf32>,
          %swap3A_933 = vector.shape_cast %swap3A_932 : vector<1x16xf32> to vector<16xf32>
          %swap3A_934 = vector.shape_cast %mul3A_929 : vector<16xf32> to vector<1x16xf32>
          tpu.vector_store %arg15[%swap3A_930, %swap3A_931], %swap3A_934 {strides = array<i32>} : memref<80x128xf32, #tpu.memory_space<vmem>>, vector<1x16xf32>,
          %get3A_935 = arith.index_cast %add3A_911 : i32 to index
          %get3A_936 = arith.constant 32 : index
          %get3A_937 = tpu.vector_load %arg15[%get3A_935, %get3A_936] {strides = array<i32>} : memref<80x128xf32, #tpu.memory_space<vmem>>, vector<1x16xf32>,
          %get3A_938 = vector.shape_cast %get3A_937 : vector<1x16xf32> to vector<16xf32>
          %mul3A_939 = arith.mulf %get3A_938, %broadcast_in_dim3A_914 : vector<16xf32>
          %swap3A_940 = arith.index_cast %add3A_911 : i32 to index
          %swap3A_941 = arith.constant 32 : index
          %swap3A_942 = tpu.vector_load %arg15[%swap3A_940, %swap3A_941] {strides = array<i32>} : memref<80x128xf32, #tpu.memory_space<vmem>>, vector<1x16xf32>,
          %swap3A_943 = vector.shape_cast %swap3A_942 : vector<1x16xf32> to vector<16xf32>
          %swap3A_944 = vector.shape_cast %mul3A_939 : vector<16xf32> to vector<1x16xf32>
          tpu.vector_store %arg15[%swap3A_940, %swap3A_941], %swap3A_944 {strides = array<i32>} : memref<80x128xf32, #tpu.memory_space<vmem>>, vector<1x16xf32>,
          %get3A_945 = arith.index_cast %add3A_911 : i32 to index
          %get3A_946 = arith.constant 48 : index
          %get3A_947 = tpu.vector_load %arg15[%get3A_945, %get3A_946] {strides = array<i32>} : memref<80x128xf32, #tpu.memory_space<vmem>>, vector<1x16xf32>,
          %get3A_948 = vector.shape_cast %get3A_947 : vector<1x16xf32> to vector<16xf32>
          %mul3A_949 = arith.mulf %get3A_948, %broadcast_in_dim3A_914 : vector<16xf32>
          %swap3A_950 = arith.index_cast %add3A_911 : i32 to index
          %swap3A_951 = arith.constant 48 : index
          %swap3A_952 = tpu.vector_load %arg15[%swap3A_950, %swap3A_951] {strides = array<i32>} : memref<80x128xf32, #tpu.memory_space<vmem>>, vector<1x16xf32>,
          %swap3A_953 = vector.shape_cast %swap3A_952 : vector<1x16xf32> to vector<16xf32>
          %swap3A_954 = vector.shape_cast %mul3A_949 : vector<16xf32> to vector<1x16xf32>
          tpu.vector_store %arg15[%swap3A_950, %swap3A_951], %swap3A_954 {strides = array<i32>} : memref<80x128xf32, #tpu.memory_space<vmem>>, vector<1x16xf32>,
          %get3A_955 = arith.index_cast %add3A_911 : i32 to index
          %get3A_956 = arith.constant 64 : index
          %get3A_957 = tpu.vector_load %arg15[%get3A_955, %get3A_956] {strides = array<i32>} : memref<80x128xf32, #tpu.memory_space<vmem>>, vector<1x16xf32>,
          %get3A_958 = vector.shape_cast %get3A_957 : vector<1x16xf32> to vector<16xf32>
          %mul3A_959 = arith.mulf %get3A_958, %broadcast_in_dim3A_914 : vector<16xf32>
          %swap3A_960 = arith.index_cast %add3A_911 : i32 to index
          %swap3A_961 = arith.constant 64 : index
          %swap3A_962 = tpu.vector_load %arg15[%swap3A_960, %swap3A_961] {strides = array<i32>} : memref<80x128xf32, #tpu.memory_space<vmem>>, vector<1x16xf32>,
          %swap3A_963 = vector.shape_cast %swap3A_962 : vector<1x16xf32> to vector<16xf32>
          %swap3A_964 = vector.shape_cast %mul3A_959 : vector<16xf32> to vector<1x16xf32>
          tpu.vector_store %arg15[%swap3A_960, %swap3A_961], %swap3A_964 {strides = array<i32>} : memref<80x128xf32, #tpu.memory_space<vmem>>, vector<1x16xf32>,
          %get3A_965 = arith.index_cast %add3A_911 : i32 to index
          %get3A_966 = arith.constant 80 : index
          %get3A_967 = tpu.vector_load %arg15[%get3A_965, %get3A_966] {strides = array<i32>} : memref<80x128xf32, #tpu.memory_space<vmem>>, vector<1x16xf32>,
          %get3A_968 = vector.shape_cast %get3A_967 : vector<1x16xf32> to vector<16xf32>
          %mul3A_969 = arith.mulf %get3A_968, %broadcast_in_dim3A_914 : vector<16xf32>
          %swap3A_970 = arith.index_cast %add3A_911 : i32 to index
          %swap3A_971 = arith.constant 80 : index
          %swap3A_972 = tpu.vector_load %arg15[%swap3A_970, %swap3A_971] {strides = array<i32>} : memref<80x128xf32, #tpu.memory_space<vmem>>, vector<1x16xf32>,
          %swap3A_973 = vector.shape_cast %swap3A_972 : vector<1x16xf32> to vector<16xf32>
          %swap3A_974 = vector.shape_cast %mul3A_969 : vector<16xf32> to vector<1x16xf32>
          tpu.vector_store %arg15[%swap3A_970, %swap3A_971], %swap3A_974 {strides = array<i32>} : memref<80x128xf32, #tpu.memory_space<vmem>>, vector<1x16xf32>,
          %get3A_975 = arith.index_cast %add3A_911 : i32 to index
          %get3A_976 = arith.constant 96 : index
          %get3A_977 = tpu.vector_load %arg15[%get3A_975, %get3A_976] {strides = array<i32>} : memref<80x128xf32, #tpu.memory_space<vmem>>, vector<1x16xf32>,
          %get3A_978 = vector.shape_cast %get3A_977 : vector<1x16xf32> to vector<16xf32>
          %mul3A_979 = arith.mulf %get3A_978, %broadcast_in_dim3A_914 : vector<16xf32>
          %swap3A_980 = arith.index_cast %add3A_911 : i32 to index
          %swap3A_981 = arith.constant 96 : index
          %swap3A_982 = tpu.vector_load %arg15[%swap3A_980, %swap3A_981] {strides = array<i32>} : memref<80x128xf32, #tpu.memory_space<vmem>>, vector<1x16xf32>,
          %swap3A_983 = vector.shape_cast %swap3A_982 : vector<1x16xf32> to vector<16xf32>
          %swap3A_984 = vector.shape_cast %mul3A_979 : vector<16xf32> to vector<1x16xf32>
          tpu.vector_store %arg15[%swap3A_980, %swap3A_981], %swap3A_984 {strides = array<i32>} : memref<80x128xf32, #tpu.memory_space<vmem>>, vector<1x16xf32>,
          %get3A_985 = arith.index_cast %add3A_911 : i32 to index
          %get3A_986 = arith.constant 112 : index
          %get3A_987 = tpu.vector_load %arg15[%get3A_985, %get3A_986] {strides = array<i32>} : memref<80x128xf32, #tpu.memory_space<vmem>>, vector<1x16xf32>,
          %get3A_988 = vector.shape_cast %get3A_987 : vector<1x16xf32> to vector<16xf32>
          %mul3A_989 = arith.mulf %get3A_988, %broadcast_in_dim3A_914 : vector<16xf32>
          %swap3A_990 = arith.index_cast %add3A_911 : i32 to index
          %swap3A_991 = arith.constant 112 : index
          %swap3A_992 = tpu.vector_load %arg15[%swap3A_990, %swap3A_991] {strides = array<i32>} : memref<80x128xf32, #tpu.memory_space<vmem>>, vector<1x16xf32>,
          %swap3A_993 = vector.shape_cast %swap3A_992 : vector<1x16xf32> to vector<16xf32>
          %swap3A_994 = vector.shape_cast %mul3A_989 : vector<16xf32> to vector<1x16xf32>
          tpu.vector_store %arg15[%swap3A_990, %swap3A_991], %swap3A_994 {strides = array<i32>} : memref<80x128xf32, #tpu.memory_space<vmem>>, vector<1x16xf32>,
          %mul3A_995 = arith.constant 16 : i32
          %mul3A_996 = arith.muli %scan3A_208, %mul3A_995 : i32
          %add3A_997 = arith.constant 9 : i32
          %add3A_998 = arith.addi %mul3A_996, %add3A_997 : i32
          %slice3A_999 = vector.extract_strided_slice %get3A_213 {offsets = [9], sizes = [1], strides = [1]} : vector<16xf32> to vector<1xf32>
          %squeeze3A_1000 = vector.extract %slice3A_999[0] : f32 from vector<1xf32>
          %broadcast_in_dim3A_1001 = vector.broadcast %squeeze3A_1000 : f32 to vector<16xf32>
          %get3A_1002 = arith.index_cast %add3A_998 : i32 to index
          %get3A_1003 = arith.constant 0 : index
          %get3A_1004 = tpu.vector_load %arg15[%get3A_1002, %get3A_1003] {strides = array<i32>} : memref<80x128xf32, #tpu.memory_space<vmem>>, vector<1x16xf32>,
          %get3A_1005 = vector.shape_cast %get3A_1004 : vector<1x16xf32> to vector<16xf32>
          %mul3A_1006 = arith.mulf %get3A_1005, %broadcast_in_dim3A_1001 : vector<16xf32>
          %swap3A_1007 = arith.index_cast %add3A_998 : i32 to index
          %swap3A_1008 = arith.constant 0 : index
          %swap3A_1009 = tpu.vector_load %arg15[%swap3A_1007, %swap3A_1008] {strides = array<i32>} : memref<80x128xf32, #tpu.memory_space<vmem>>, vector<1x16xf32>,
          %swap3A_1010 = vector.shape_cast %swap3A_1009 : vector<1x16xf32> to vector<16xf32>
          %swap3A_1011 = vector.shape_cast %mul3A_1006 : vector<16xf32> to vector<1x16xf32>
          tpu.vector_store %arg15[%swap3A_1007, %swap3A_1008], %swap3A_1011 {strides = array<i32>} : memref<80x128xf32, #tpu.memory_space<vmem>>, vector<1x16xf32>,
          %get3A_1012 = arith.index_cast %add3A_998 : i32 to index
          %get3A_1013 = arith.constant 16 : index
          %get3A_1014 = tpu.vector_load %arg15[%get3A_1012, %get3A_1013] {strides = array<i32>} : memref<80x128xf32, #tpu.memory_space<vmem>>, vector<1x16xf32>,
          %get3A_1015 = vector.shape_cast %get3A_1014 : vector<1x16xf32> to vector<16xf32>
          %mul3A_1016 = arith.mulf %get3A_1015, %broadcast_in_dim3A_1001 : vector<16xf32>
          %swap3A_1017 = arith.index_cast %add3A_998 : i32 to index
          %swap3A_1018 = arith.constant 16 : index
          %swap3A_1019 = tpu.vector_load %arg15[%swap3A_1017, %swap3A_1018] {strides = array<i32>} : memref<80x128xf32, #tpu.memory_space<vmem>>, vector<1x16xf32>,
          %swap3A_1020 = vector.shape_cast %swap3A_1019 : vector<1x16xf32> to vector<16xf32>
          %swap3A_1021 = vector.shape_cast %mul3A_1016 : vector<16xf32> to vector<1x16xf32>
          tpu.vector_store %arg15[%swap3A_1017, %swap3A_1018], %swap3A_1021 {strides = array<i32>} : memref<80x128xf32, #tpu.memory_space<vmem>>, vector<1x16xf32>,
          %get3A_1022 = arith.index_cast %add3A_998 : i32 to index
          %get3A_1023 = arith.constant 32 : index
          %get3A_1024 = tpu.vector_load %arg15[%get3A_1022, %get3A_1023] {strides = array<i32>} : memref<80x128xf32, #tpu.memory_space<vmem>>, vector<1x16xf32>,
          %get3A_1025 = vector.shape_cast %get3A_1024 : vector<1x16xf32> to vector<16xf32>
          %mul3A_1026 = arith.mulf %get3A_1025, %broadcast_in_dim3A_1001 : vector<16xf32>
          %swap3A_1027 = arith.index_cast %add3A_998 : i32 to index
          %swap3A_1028 = arith.constant 32 : index
          %swap3A_1029 = tpu.vector_load %arg15[%swap3A_1027, %swap3A_1028] {strides = array<i32>} : memref<80x128xf32, #tpu.memory_space<vmem>>, vector<1x16xf32>,
          %swap3A_1030 = vector.shape_cast %swap3A_1029 : vector<1x16xf32> to vector<16xf32>
          %swap3A_1031 = vector.shape_cast %mul3A_1026 : vector<16xf32> to vector<1x16xf32>
          tpu.vector_store %arg15[%swap3A_1027, %swap3A_1028], %swap3A_1031 {strides = array<i32>} : memref<80x128xf32, #tpu.memory_space<vmem>>, vector<1x16xf32>,
          %get3A_1032 = arith.index_cast %add3A_998 : i32 to index
          %get3A_1033 = arith.constant 48 : index
          %get3A_1034 = tpu.vector_load %arg15[%get3A_1032, %get3A_1033] {strides = array<i32>} : memref<80x128xf32, #tpu.memory_space<vmem>>, vector<1x16xf32>,
          %get3A_1035 = vector.shape_cast %get3A_1034 : vector<1x16xf32> to vector<16xf32>
          %mul3A_1036 = arith.mulf %get3A_1035, %broadcast_in_dim3A_1001 : vector<16xf32>
          %swap3A_1037 = arith.index_cast %add3A_998 : i32 to index
          %swap3A_1038 = arith.constant 48 : index
          %swap3A_1039 = tpu.vector_load %arg15[%swap3A_1037, %swap3A_1038] {strides = array<i32>} : memref<80x128xf32, #tpu.memory_space<vmem>>, vector<1x16xf32>,
          %swap3A_1040 = vector.shape_cast %swap3A_1039 : vector<1x16xf32> to vector<16xf32>
          %swap3A_1041 = vector.shape_cast %mul3A_1036 : vector<16xf32> to vector<1x16xf32>
          tpu.vector_store %arg15[%swap3A_1037, %swap3A_1038], %swap3A_1041 {strides = array<i32>} : memref<80x128xf32, #tpu.memory_space<vmem>>, vector<1x16xf32>,
          %get3A_1042 = arith.index_cast %add3A_998 : i32 to index
          %get3A_1043 = arith.constant 64 : index
          %get3A_1044 = tpu.vector_load %arg15[%get3A_1042, %get3A_1043] {strides = array<i32>} : memref<80x128xf32, #tpu.memory_space<vmem>>, vector<1x16xf32>,
          %get3A_1045 = vector.shape_cast %get3A_1044 : vector<1x16xf32> to vector<16xf32>
          %mul3A_1046 = arith.mulf %get3A_1045, %broadcast_in_dim3A_1001 : vector<16xf32>
          %swap3A_1047 = arith.index_cast %add3A_998 : i32 to index
          %swap3A_1048 = arith.constant 64 : index
          %swap3A_1049 = tpu.vector_load %arg15[%swap3A_1047, %swap3A_1048] {strides = array<i32>} : memref<80x128xf32, #tpu.memory_space<vmem>>, vector<1x16xf32>,
          %swap3A_1050 = vector.shape_cast %swap3A_1049 : vector<1x16xf32> to vector<16xf32>
          %swap3A_1051 = vector.shape_cast %mul3A_1046 : vector<16xf32> to vector<1x16xf32>
          tpu.vector_store %arg15[%swap3A_1047, %swap3A_1048], %swap3A_1051 {strides = array<i32>} : memref<80x128xf32, #tpu.memory_space<vmem>>, vector<1x16xf32>,
          %get3A_1052 = arith.index_cast %add3A_998 : i32 to index
          %get3A_1053 = arith.constant 80 : index
          %get3A_1054 = tpu.vector_load %arg15[%get3A_1052, %get3A_1053] {strides = array<i32>} : memref<80x128xf32, #tpu.memory_space<vmem>>, vector<1x16xf32>,
          %get3A_1055 = vector.shape_cast %get3A_1054 : vector<1x16xf32> to vector<16xf32>
          %mul3A_1056 = arith.mulf %get3A_1055, %broadcast_in_dim3A_1001 : vector<16xf32>
          %swap3A_1057 = arith.index_cast %add3A_998 : i32 to index
          %swap3A_1058 = arith.constant 80 : index
          %swap3A_1059 = tpu.vector_load %arg15[%swap3A_1057, %swap3A_1058] {strides = array<i32>} : memref<80x128xf32, #tpu.memory_space<vmem>>, vector<1x16xf32>,
          %swap3A_1060 = vector.shape_cast %swap3A_1059 : vector<1x16xf32> to vector<16xf32>
          %swap3A_1061 = vector.shape_cast %mul3A_1056 : vector<16xf32> to vector<1x16xf32>
          tpu.vector_store %arg15[%swap3A_1057, %swap3A_1058], %swap3A_1061 {strides = array<i32>} : memref<80x128xf32, #tpu.memory_space<vmem>>, vector<1x16xf32>,
          %get3A_1062 = arith.index_cast %add3A_998 : i32 to index
          %get3A_1063 = arith.constant 96 : index
          %get3A_1064 = tpu.vector_load %arg15[%get3A_1062, %get3A_1063] {strides = array<i32>} : memref<80x128xf32, #tpu.memory_space<vmem>>, vector<1x16xf32>,
          %get3A_1065 = vector.shape_cast %get3A_1064 : vector<1x16xf32> to vector<16xf32>
          %mul3A_1066 = arith.mulf %get3A_1065, %broadcast_in_dim3A_1001 : vector<16xf32>
          %swap3A_1067 = arith.index_cast %add3A_998 : i32 to index
          %swap3A_1068 = arith.constant 96 : index
          %swap3A_1069 = tpu.vector_load %arg15[%swap3A_1067, %swap3A_1068] {strides = array<i32>} : memref<80x128xf32, #tpu.memory_space<vmem>>, vector<1x16xf32>,
          %swap3A_1070 = vector.shape_cast %swap3A_1069 : vector<1x16xf32> to vector<16xf32>
          %swap3A_1071 = vector.shape_cast %mul3A_1066 : vector<16xf32> to vector<1x16xf32>
          tpu.vector_store %arg15[%swap3A_1067, %swap3A_1068], %swap3A_1071 {strides = array<i32>} : memref<80x128xf32, #tpu.memory_space<vmem>>, vector<1x16xf32>,
          %get3A_1072 = arith.index_cast %add3A_998 : i32 to index
          %get3A_1073 = arith.constant 112 : index
          %get3A_1074 = tpu.vector_load %arg15[%get3A_1072, %get3A_1073] {strides = array<i32>} : memref<80x128xf32, #tpu.memory_space<vmem>>, vector<1x16xf32>,
          %get3A_1075 = vector.shape_cast %get3A_1074 : vector<1x16xf32> to vector<16xf32>
          %mul3A_1076 = arith.mulf %get3A_1075, %broadcast_in_dim3A_1001 : vector<16xf32>
          %swap3A_1077 = arith.index_cast %add3A_998 : i32 to index
          %swap3A_1078 = arith.constant 112 : index
          %swap3A_1079 = tpu.vector_load %arg15[%swap3A_1077, %swap3A_1078] {strides = array<i32>} : memref<80x128xf32, #tpu.memory_space<vmem>>, vector<1x16xf32>,
          %swap3A_1080 = vector.shape_cast %swap3A_1079 : vector<1x16xf32> to vector<16xf32>
          %swap3A_1081 = vector.shape_cast %mul3A_1076 : vector<16xf32> to vector<1x16xf32>
          tpu.vector_store %arg15[%swap3A_1077, %swap3A_1078], %swap3A_1081 {strides = array<i32>} : memref<80x128xf32, #tpu.memory_space<vmem>>, vector<1x16xf32>,
          %mul3A_1082 = arith.constant 16 : i32
          %mul3A_1083 = arith.muli %scan3A_208, %mul3A_1082 : i32
          %add3A_1084 = arith.constant 10 : i32
          %add3A_1085 = arith.addi %mul3A_1083, %add3A_1084 : i32
          %slice3A_1086 = vector.extract_strided_slice %get3A_213 {offsets = [10], sizes = [1], strides = [1]} : vector<16xf32> to vector<1xf32>
          %squeeze3A_1087 = vector.extract %slice3A_1086[0] : f32 from vector<1xf32>
          %broadcast_in_dim3A_1088 = vector.broadcast %squeeze3A_1087 : f32 to vector<16xf32>
          %get3A_1089 = arith.index_cast %add3A_1085 : i32 to index
          %get3A_1090 = arith.constant 0 : index
          %get3A_1091 = tpu.vector_load %arg15[%get3A_1089, %get3A_1090] {strides = array<i32>} : memref<80x128xf32, #tpu.memory_space<vmem>>, vector<1x16xf32>,
          %get3A_1092 = vector.shape_cast %get3A_1091 : vector<1x16xf32> to vector<16xf32>
          %mul3A_1093 = arith.mulf %get3A_1092, %broadcast_in_dim3A_1088 : vector<16xf32>
          %swap3A_1094 = arith.index_cast %add3A_1085 : i32 to index
          %swap3A_1095 = arith.constant 0 : index
          %swap3A_1096 = tpu.vector_load %arg15[%swap3A_1094, %swap3A_1095] {strides = array<i32>} : memref<80x128xf32, #tpu.memory_space<vmem>>, vector<1x16xf32>,
          %swap3A_1097 = vector.shape_cast %swap3A_1096 : vector<1x16xf32> to vector<16xf32>
          %swap3A_1098 = vector.shape_cast %mul3A_1093 : vector<16xf32> to vector<1x16xf32>
          tpu.vector_store %arg15[%swap3A_1094, %swap3A_1095], %swap3A_1098 {strides = array<i32>} : memref<80x128xf32, #tpu.memory_space<vmem>>, vector<1x16xf32>,
          %get3A_1099 = arith.index_cast %add3A_1085 : i32 to index
          %get3A_1100 = arith.constant 16 : index
          %get3A_1101 = tpu.vector_load %arg15[%get3A_1099, %get3A_1100] {strides = array<i32>} : memref<80x128xf32, #tpu.memory_space<vmem>>, vector<1x16xf32>,
          %get3A_1102 = vector.shape_cast %get3A_1101 : vector<1x16xf32> to vector<16xf32>
          %mul3A_1103 = arith.mulf %get3A_1102, %broadcast_in_dim3A_1088 : vector<16xf32>
          %swap3A_1104 = arith.index_cast %add3A_1085 : i32 to index
          %swap3A_1105 = arith.constant 16 : index
          %swap3A_1106 = tpu.vector_load %arg15[%swap3A_1104, %swap3A_1105] {strides = array<i32>} : memref<80x128xf32, #tpu.memory_space<vmem>>, vector<1x16xf32>,
          %swap3A_1107 = vector.shape_cast %swap3A_1106 : vector<1x16xf32> to vector<16xf32>
          %swap3A_1108 = vector.shape_cast %mul3A_1103 : vector<16xf32> to vector<1x16xf32>
          tpu.vector_store %arg15[%swap3A_1104, %swap3A_1105], %swap3A_1108 {strides = array<i32>} : memref<80x128xf32, #tpu.memory_space<vmem>>, vector<1x16xf32>,
          %get3A_1109 = arith.index_cast %add3A_1085 : i32 to index
          %get3A_1110 = arith.constant 32 : index
          %get3A_1111 = tpu.vector_load %arg15[%get3A_1109, %get3A_1110] {strides = array<i32>} : memref<80x128xf32, #tpu.memory_space<vmem>>, vector<1x16xf32>,
          %get3A_1112 = vector.shape_cast %get3A_1111 : vector<1x16xf32> to vector<16xf32>
          %mul3A_1113 = arith.mulf %get3A_1112, %broadcast_in_dim3A_1088 : vector<16xf32>
          %swap3A_1114 = arith.index_cast %add3A_1085 : i32 to index
          %swap3A_1115 = arith.constant 32 : index
          %swap3A_1116 = tpu.vector_load %arg15[%swap3A_1114, %swap3A_1115] {strides = array<i32>} : memref<80x128xf32, #tpu.memory_space<vmem>>, vector<1x16xf32>,
          %swap3A_1117 = vector.shape_cast %swap3A_1116 : vector<1x16xf32> to vector<16xf32>
          %swap3A_1118 = vector.shape_cast %mul3A_1113 : vector<16xf32> to vector<1x16xf32>
          tpu.vector_store %arg15[%swap3A_1114, %swap3A_1115], %swap3A_1118 {strides = array<i32>} : memref<80x128xf32, #tpu.memory_space<vmem>>, vector<1x16xf32>,
          %get3A_1119 = arith.index_cast %add3A_1085 : i32 to index
          %get3A_1120 = arith.constant 48 : index
          %get3A_1121 = tpu.vector_load %arg15[%get3A_1119, %get3A_1120] {strides = array<i32>} : memref<80x128xf32, #tpu.memory_space<vmem>>, vector<1x16xf32>,
          %get3A_1122 = vector.shape_cast %get3A_1121 : vector<1x16xf32> to vector<16xf32>
          %mul3A_1123 = arith.mulf %get3A_1122, %broadcast_in_dim3A_1088 : vector<16xf32>
          %swap3A_1124 = arith.index_cast %add3A_1085 : i32 to index
          %swap3A_1125 = arith.constant 48 : index
          %swap3A_1126 = tpu.vector_load %arg15[%swap3A_1124, %swap3A_1125] {strides = array<i32>} : memref<80x128xf32, #tpu.memory_space<vmem>>, vector<1x16xf32>,
          %swap3A_1127 = vector.shape_cast %swap3A_1126 : vector<1x16xf32> to vector<16xf32>
          %swap3A_1128 = vector.shape_cast %mul3A_1123 : vector<16xf32> to vector<1x16xf32>
          tpu.vector_store %arg15[%swap3A_1124, %swap3A_1125], %swap3A_1128 {strides = array<i32>} : memref<80x128xf32, #tpu.memory_space<vmem>>, vector<1x16xf32>,
          %get3A_1129 = arith.index_cast %add3A_1085 : i32 to index
          %get3A_1130 = arith.constant 64 : index
          %get3A_1131 = tpu.vector_load %arg15[%get3A_1129, %get3A_1130] {strides = array<i32>} : memref<80x128xf32, #tpu.memory_space<vmem>>, vector<1x16xf32>,
          %get3A_1132 = vector.shape_cast %get3A_1131 : vector<1x16xf32> to vector<16xf32>
          %mul3A_1133 = arith.mulf %get3A_1132, %broadcast_in_dim3A_1088 : vector<16xf32>
          %swap3A_1134 = arith.index_cast %add3A_1085 : i32 to index
          %swap3A_1135 = arith.constant 64 : index
          %swap3A_1136 = tpu.vector_load %arg15[%swap3A_1134, %swap3A_1135] {strides = array<i32>} : memref<80x128xf32, #tpu.memory_space<vmem>>, vector<1x16xf32>,
          %swap3A_1137 = vector.shape_cast %swap3A_1136 : vector<1x16xf32> to vector<16xf32>
          %swap3A_1138 = vector.shape_cast %mul3A_1133 : vector<16xf32> to vector<1x16xf32>
          tpu.vector_store %arg15[%swap3A_1134, %swap3A_1135], %swap3A_1138 {strides = array<i32>} : memref<80x128xf32, #tpu.memory_space<vmem>>, vector<1x16xf32>,
          %get3A_1139 = arith.index_cast %add3A_1085 : i32 to index
          %get3A_1140 = arith.constant 80 : index
          %get3A_1141 = tpu.vector_load %arg15[%get3A_1139, %get3A_1140] {strides = array<i32>} : memref<80x128xf32, #tpu.memory_space<vmem>>, vector<1x16xf32>,
          %get3A_1142 = vector.shape_cast %get3A_1141 : vector<1x16xf32> to vector<16xf32>
          %mul3A_1143 = arith.mulf %get3A_1142, %broadcast_in_dim3A_1088 : vector<16xf32>
          %swap3A_1144 = arith.index_cast %add3A_1085 : i32 to index
          %swap3A_1145 = arith.constant 80 : index
          %swap3A_1146 = tpu.vector_load %arg15[%swap3A_1144, %swap3A_1145] {strides = array<i32>} : memref<80x128xf32, #tpu.memory_space<vmem>>, vector<1x16xf32>,
          %swap3A_1147 = vector.shape_cast %swap3A_1146 : vector<1x16xf32> to vector<16xf32>
          %swap3A_1148 = vector.shape_cast %mul3A_1143 : vector<16xf32> to vector<1x16xf32>
          tpu.vector_store %arg15[%swap3A_1144, %swap3A_1145], %swap3A_1148 {strides = array<i32>} : memref<80x128xf32, #tpu.memory_space<vmem>>, vector<1x16xf32>,
          %get3A_1149 = arith.index_cast %add3A_1085 : i32 to index
          %get3A_1150 = arith.constant 96 : index
          %get3A_1151 = tpu.vector_load %arg15[%get3A_1149, %get3A_1150] {strides = array<i32>} : memref<80x128xf32, #tpu.memory_space<vmem>>, vector<1x16xf32>,
          %get3A_1152 = vector.shape_cast %get3A_1151 : vector<1x16xf32> to vector<16xf32>
          %mul3A_1153 = arith.mulf %get3A_1152, %broadcast_in_dim3A_1088 : vector<16xf32>
          %swap3A_1154 = arith.index_cast %add3A_1085 : i32 to index
          %swap3A_1155 = arith.constant 96 : index
          %swap3A_1156 = tpu.vector_load %arg15[%swap3A_1154, %swap3A_1155] {strides = array<i32>} : memref<80x128xf32, #tpu.memory_space<vmem>>, vector<1x16xf32>,
          %swap3A_1157 = vector.shape_cast %swap3A_1156 : vector<1x16xf32> to vector<16xf32>
          %swap3A_1158 = vector.shape_cast %mul3A_1153 : vector<16xf32> to vector<1x16xf32>
          tpu.vector_store %arg15[%swap3A_1154, %swap3A_1155], %swap3A_1158 {strides = array<i32>} : memref<80x128xf32, #tpu.memory_space<vmem>>, vector<1x16xf32>,
          %get3A_1159 = arith.index_cast %add3A_1085 : i32 to index
          %get3A_1160 = arith.constant 112 : index
          %get3A_1161 = tpu.vector_load %arg15[%get3A_1159, %get3A_1160] {strides = array<i32>} : memref<80x128xf32, #tpu.memory_space<vmem>>, vector<1x16xf32>,
          %get3A_1162 = vector.shape_cast %get3A_1161 : vector<1x16xf32> to vector<16xf32>
          %mul3A_1163 = arith.mulf %get3A_1162, %broadcast_in_dim3A_1088 : vector<16xf32>
          %swap3A_1164 = arith.index_cast %add3A_1085 : i32 to index
          %swap3A_1165 = arith.constant 112 : index
          %swap3A_1166 = tpu.vector_load %arg15[%swap3A_1164, %swap3A_1165] {strides = array<i32>} : memref<80x128xf32, #tpu.memory_space<vmem>>, vector<1x16xf32>,
          %swap3A_1167 = vector.shape_cast %swap3A_1166 : vector<1x16xf32> to vector<16xf32>
          %swap3A_1168 = vector.shape_cast %mul3A_1163 : vector<16xf32> to vector<1x16xf32>
          tpu.vector_store %arg15[%swap3A_1164, %swap3A_1165], %swap3A_1168 {strides = array<i32>} : memref<80x128xf32, #tpu.memory_space<vmem>>, vector<1x16xf32>,
          %mul3A_1169 = arith.constant 16 : i32
          %mul3A_1170 = arith.muli %scan3A_208, %mul3A_1169 : i32
          %add3A_1171 = arith.constant 11 : i32
          %add3A_1172 = arith.addi %mul3A_1170, %add3A_1171 : i32
          %slice3A_1173 = vector.extract_strided_slice %get3A_213 {offsets = [11], sizes = [1], strides = [1]} : vector<16xf32> to vector<1xf32>
          %squeeze3A_1174 = vector.extract %slice3A_1173[0] : f32 from vector<1xf32>
          %broadcast_in_dim3A_1175 = vector.broadcast %squeeze3A_1174 : f32 to vector<16xf32>
          %get3A_1176 = arith.index_cast %add3A_1172 : i32 to index
          %get3A_1177 = arith.constant 0 : index
          %get3A_1178 = tpu.vector_load %arg15[%get3A_1176, %get3A_1177] {strides = array<i32>} : memref<80x128xf32, #tpu.memory_space<vmem>>, vector<1x16xf32>,
          %get3A_1179 = vector.shape_cast %get3A_1178 : vector<1x16xf32> to vector<16xf32>
          %mul3A_1180 = arith.mulf %get3A_1179, %broadcast_in_dim3A_1175 : vector<16xf32>
          %swap3A_1181 = arith.index_cast %add3A_1172 : i32 to index
          %swap3A_1182 = arith.constant 0 : index
          %swap3A_1183 = tpu.vector_load %arg15[%swap3A_1181, %swap3A_1182] {strides = array<i32>} : memref<80x128xf32, #tpu.memory_space<vmem>>, vector<1x16xf32>,
          %swap3A_1184 = vector.shape_cast %swap3A_1183 : vector<1x16xf32> to vector<16xf32>
          %swap3A_1185 = vector.shape_cast %mul3A_1180 : vector<16xf32> to vector<1x16xf32>
          tpu.vector_store %arg15[%swap3A_1181, %swap3A_1182], %swap3A_1185 {strides = array<i32>} : memref<80x128xf32, #tpu.memory_space<vmem>>, vector<1x16xf32>,
          %get3A_1186 = arith.index_cast %add3A_1172 : i32 to index
          %get3A_1187 = arith.constant 16 : index
          %get3A_1188 = tpu.vector_load %arg15[%get3A_1186, %get3A_1187] {strides = array<i32>} : memref<80x128xf32, #tpu.memory_space<vmem>>, vector<1x16xf32>,
          %get3A_1189 = vector.shape_cast %get3A_1188 : vector<1x16xf32> to vector<16xf32>
          %mul3A_1190 = arith.mulf %get3A_1189, %broadcast_in_dim3A_1175 : vector<16xf32>
          %swap3A_1191 = arith.index_cast %add3A_1172 : i32 to index
          %swap3A_1192 = arith.constant 16 : index
          %swap3A_1193 = tpu.vector_load %arg15[%swap3A_1191, %swap3A_1192] {strides = array<i32>} : memref<80x128xf32, #tpu.memory_space<vmem>>, vector<1x16xf32>,
          %swap3A_1194 = vector.shape_cast %swap3A_1193 : vector<1x16xf32> to vector<16xf32>
          %swap3A_1195 = vector.shape_cast %mul3A_1190 : vector<16xf32> to vector<1x16xf32>
          tpu.vector_store %arg15[%swap3A_1191, %swap3A_1192], %swap3A_1195 {strides = array<i32>} : memref<80x128xf32, #tpu.memory_space<vmem>>, vector<1x16xf32>,
          %get3A_1196 = arith.index_cast %add3A_1172 : i32 to index
          %get3A_1197 = arith.constant 32 : index
          %get3A_1198 = tpu.vector_load %arg15[%get3A_1196, %get3A_1197] {strides = array<i32>} : memref<80x128xf32, #tpu.memory_space<vmem>>, vector<1x16xf32>,
          %get3A_1199 = vector.shape_cast %get3A_1198 : vector<1x16xf32> to vector<16xf32>
          %mul3A_1200 = arith.mulf %get3A_1199, %broadcast_in_dim3A_1175 : vector<16xf32>
          %swap3A_1201 = arith.index_cast %add3A_1172 : i32 to index
          %swap3A_1202 = arith.constant 32 : index
          %swap3A_1203 = tpu.vector_load %arg15[%swap3A_1201, %swap3A_1202] {strides = array<i32>} : memref<80x128xf32, #tpu.memory_space<vmem>>, vector<1x16xf32>,
          %swap3A_1204 = vector.shape_cast %swap3A_1203 : vector<1x16xf32> to vector<16xf32>
          %swap3A_1205 = vector.shape_cast %mul3A_1200 : vector<16xf32> to vector<1x16xf32>
          tpu.vector_store %arg15[%swap3A_1201, %swap3A_1202], %swap3A_1205 {strides = array<i32>} : memref<80x128xf32, #tpu.memory_space<vmem>>, vector<1x16xf32>,
          %get3A_1206 = arith.index_cast %add3A_1172 : i32 to index
          %get3A_1207 = arith.constant 48 : index
          %get3A_1208 = tpu.vector_load %arg15[%get3A_1206, %get3A_1207] {strides = array<i32>} : memref<80x128xf32, #tpu.memory_space<vmem>>, vector<1x16xf32>,
          %get3A_1209 = vector.shape_cast %get3A_1208 : vector<1x16xf32> to vector<16xf32>
          %mul3A_1210 = arith.mulf %get3A_1209, %broadcast_in_dim3A_1175 : vector<16xf32>
          %swap3A_1211 = arith.index_cast %add3A_1172 : i32 to index
          %swap3A_1212 = arith.constant 48 : index
          %swap3A_1213 = tpu.vector_load %arg15[%swap3A_1211, %swap3A_1212] {strides = array<i32>} : memref<80x128xf32, #tpu.memory_space<vmem>>, vector<1x16xf32>,
          %swap3A_1214 = vector.shape_cast %swap3A_1213 : vector<1x16xf32> to vector<16xf32>
          %swap3A_1215 = vector.shape_cast %mul3A_1210 : vector<16xf32> to vector<1x16xf32>
          tpu.vector_store %arg15[%swap3A_1211, %swap3A_1212], %swap3A_1215 {strides = array<i32>} : memref<80x128xf32, #tpu.memory_space<vmem>>, vector<1x16xf32>,
          %get3A_1216 = arith.index_cast %add3A_1172 : i32 to index
          %get3A_1217 = arith.constant 64 : index
          %get3A_1218 = tpu.vector_load %arg15[%get3A_1216, %get3A_1217] {strides = array<i32>} : memref<80x128xf32, #tpu.memory_space<vmem>>, vector<1x16xf32>,
          %get3A_1219 = vector.shape_cast %get3A_1218 : vector<1x16xf32> to vector<16xf32>
          %mul3A_1220 = arith.mulf %get3A_1219, %broadcast_in_dim3A_1175 : vector<16xf32>
          %swap3A_1221 = arith.index_cast %add3A_1172 : i32 to index
          %swap3A_1222 = arith.constant 64 : index
          %swap3A_1223 = tpu.vector_load %arg15[%swap3A_1221, %swap3A_1222] {strides = array<i32>} : memref<80x128xf32, #tpu.memory_space<vmem>>, vector<1x16xf32>,
          %swap3A_1224 = vector.shape_cast %swap3A_1223 : vector<1x16xf32> to vector<16xf32>
          %swap3A_1225 = vector.shape_cast %mul3A_1220 : vector<16xf32> to vector<1x16xf32>
          tpu.vector_store %arg15[%swap3A_1221, %swap3A_1222], %swap3A_1225 {strides = array<i32>} : memref<80x128xf32, #tpu.memory_space<vmem>>, vector<1x16xf32>,
          %get3A_1226 = arith.index_cast %add3A_1172 : i32 to index
          %get3A_1227 = arith.constant 80 : index
          %get3A_1228 = tpu.vector_load %arg15[%get3A_1226, %get3A_1227] {strides = array<i32>} : memref<80x128xf32, #tpu.memory_space<vmem>>, vector<1x16xf32>,
          %get3A_1229 = vector.shape_cast %get3A_1228 : vector<1x16xf32> to vector<16xf32>
          %mul3A_1230 = arith.mulf %get3A_1229, %broadcast_in_dim3A_1175 : vector<16xf32>
          %swap3A_1231 = arith.index_cast %add3A_1172 : i32 to index
          %swap3A_1232 = arith.constant 80 : index
          %swap3A_1233 = tpu.vector_load %arg15[%swap3A_1231, %swap3A_1232] {strides = array<i32>} : memref<80x128xf32, #tpu.memory_space<vmem>>, vector<1x16xf32>,
          %swap3A_1234 = vector.shape_cast %swap3A_1233 : vector<1x16xf32> to vector<16xf32>
          %swap3A_1235 = vector.shape_cast %mul3A_1230 : vector<16xf32> to vector<1x16xf32>
          tpu.vector_store %arg15[%swap3A_1231, %swap3A_1232], %swap3A_1235 {strides = array<i32>} : memref<80x128xf32, #tpu.memory_space<vmem>>, vector<1x16xf32>,
          %get3A_1236 = arith.index_cast %add3A_1172 : i32 to index
          %get3A_1237 = arith.constant 96 : index
          %get3A_1238 = tpu.vector_load %arg15[%get3A_1236, %get3A_1237] {strides = array<i32>} : memref<80x128xf32, #tpu.memory_space<vmem>>, vector<1x16xf32>,
          %get3A_1239 = vector.shape_cast %get3A_1238 : vector<1x16xf32> to vector<16xf32>
          %mul3A_1240 = arith.mulf %get3A_1239, %broadcast_in_dim3A_1175 : vector<16xf32>
          %swap3A_1241 = arith.index_cast %add3A_1172 : i32 to index
          %swap3A_1242 = arith.constant 96 : index
          %swap3A_1243 = tpu.vector_load %arg15[%swap3A_1241, %swap3A_1242] {strides = array<i32>} : memref<80x128xf32, #tpu.memory_space<vmem>>, vector<1x16xf32>,
          %swap3A_1244 = vector.shape_cast %swap3A_1243 : vector<1x16xf32> to vector<16xf32>
          %swap3A_1245 = vector.shape_cast %mul3A_1240 : vector<16xf32> to vector<1x16xf32>
          tpu.vector_store %arg15[%swap3A_1241, %swap3A_1242], %swap3A_1245 {strides = array<i32>} : memref<80x128xf32, #tpu.memory_space<vmem>>, vector<1x16xf32>,
          %get3A_1246 = arith.index_cast %add3A_1172 : i32 to index
          %get3A_1247 = arith.constant 112 : index
          %get3A_1248 = tpu.vector_load %arg15[%get3A_1246, %get3A_1247] {strides = array<i32>} : memref<80x128xf32, #tpu.memory_space<vmem>>, vector<1x16xf32>,
          %get3A_1249 = vector.shape_cast %get3A_1248 : vector<1x16xf32> to vector<16xf32>
          %mul3A_1250 = arith.mulf %get3A_1249, %broadcast_in_dim3A_1175 : vector<16xf32>
          %swap3A_1251 = arith.index_cast %add3A_1172 : i32 to index
          %swap3A_1252 = arith.constant 112 : index
          %swap3A_1253 = tpu.vector_load %arg15[%swap3A_1251, %swap3A_1252] {strides = array<i32>} : memref<80x128xf32, #tpu.memory_space<vmem>>, vector<1x16xf32>,
          %swap3A_1254 = vector.shape_cast %swap3A_1253 : vector<1x16xf32> to vector<16xf32>
          %swap3A_1255 = vector.shape_cast %mul3A_1250 : vector<16xf32> to vector<1x16xf32>
          tpu.vector_store %arg15[%swap3A_1251, %swap3A_1252], %swap3A_1255 {strides = array<i32>} : memref<80x128xf32, #tpu.memory_space<vmem>>, vector<1x16xf32>,
          %mul3A_1256 = arith.constant 16 : i32
          %mul3A_1257 = arith.muli %scan3A_208, %mul3A_1256 : i32
          %add3A_1258 = arith.constant 12 : i32
          %add3A_1259 = arith.addi %mul3A_1257, %add3A_1258 : i32
          %slice3A_1260 = vector.extract_strided_slice %get3A_213 {offsets = [12], sizes = [1], strides = [1]} : vector<16xf32> to vector<1xf32>
          %squeeze3A_1261 = vector.extract %slice3A_1260[0] : f32 from vector<1xf32>
          %broadcast_in_dim3A_1262 = vector.broadcast %squeeze3A_1261 : f32 to vector<16xf32>
          %get3A_1263 = arith.index_cast %add3A_1259 : i32 to index
          %get3A_1264 = arith.constant 0 : index
          %get3A_1265 = tpu.vector_load %arg15[%get3A_1263, %get3A_1264] {strides = array<i32>} : memref<80x128xf32, #tpu.memory_space<vmem>>, vector<1x16xf32>,
          %get3A_1266 = vector.shape_cast %get3A_1265 : vector<1x16xf32> to vector<16xf32>
          %mul3A_1267 = arith.mulf %get3A_1266, %broadcast_in_dim3A_1262 : vector<16xf32>
          %swap3A_1268 = arith.index_cast %add3A_1259 : i32 to index
          %swap3A_1269 = arith.constant 0 : index
          %swap3A_1270 = tpu.vector_load %arg15[%swap3A_1268, %swap3A_1269] {strides = array<i32>} : memref<80x128xf32, #tpu.memory_space<vmem>>, vector<1x16xf32>,
          %swap3A_1271 = vector.shape_cast %swap3A_1270 : vector<1x16xf32> to vector<16xf32>
          %swap3A_1272 = vector.shape_cast %mul3A_1267 : vector<16xf32> to vector<1x16xf32>
          tpu.vector_store %arg15[%swap3A_1268, %swap3A_1269], %swap3A_1272 {strides = array<i32>} : memref<80x128xf32, #tpu.memory_space<vmem>>, vector<1x16xf32>,
          %get3A_1273 = arith.index_cast %add3A_1259 : i32 to index
          %get3A_1274 = arith.constant 16 : index
          %get3A_1275 = tpu.vector_load %arg15[%get3A_1273, %get3A_1274] {strides = array<i32>} : memref<80x128xf32, #tpu.memory_space<vmem>>, vector<1x16xf32>,
          %get3A_1276 = vector.shape_cast %get3A_1275 : vector<1x16xf32> to vector<16xf32>
          %mul3A_1277 = arith.mulf %get3A_1276, %broadcast_in_dim3A_1262 : vector<16xf32>
          %swap3A_1278 = arith.index_cast %add3A_1259 : i32 to index
          %swap3A_1279 = arith.constant 16 : index
          %swap3A_1280 = tpu.vector_load %arg15[%swap3A_1278, %swap3A_1279] {strides = array<i32>} : memref<80x128xf32, #tpu.memory_space<vmem>>, vector<1x16xf32>,
          %swap3A_1281 = vector.shape_cast %swap3A_1280 : vector<1x16xf32> to vector<16xf32>
          %swap3A_1282 = vector.shape_cast %mul3A_1277 : vector<16xf32> to vector<1x16xf32>
          tpu.vector_store %arg15[%swap3A_1278, %swap3A_1279], %swap3A_1282 {strides = array<i32>} : memref<80x128xf32, #tpu.memory_space<vmem>>, vector<1x16xf32>,
          %get3A_1283 = arith.index_cast %add3A_1259 : i32 to index
          %get3A_1284 = arith.constant 32 : index
          %get3A_1285 = tpu.vector_load %arg15[%get3A_1283, %get3A_1284] {strides = array<i32>} : memref<80x128xf32, #tpu.memory_space<vmem>>, vector<1x16xf32>,
          %get3A_1286 = vector.shape_cast %get3A_1285 : vector<1x16xf32> to vector<16xf32>
          %mul3A_1287 = arith.mulf %get3A_1286, %broadcast_in_dim3A_1262 : vector<16xf32>
          %swap3A_1288 = arith.index_cast %add3A_1259 : i32 to index
          %swap3A_1289 = arith.constant 32 : index
          %swap3A_1290 = tpu.vector_load %arg15[%swap3A_1288, %swap3A_1289] {strides = array<i32>} : memref<80x128xf32, #tpu.memory_space<vmem>>, vector<1x16xf32>,
          %swap3A_1291 = vector.shape_cast %swap3A_1290 : vector<1x16xf32> to vector<16xf32>
          %swap3A_1292 = vector.shape_cast %mul3A_1287 : vector<16xf32> to vector<1x16xf32>
          tpu.vector_store %arg15[%swap3A_1288, %swap3A_1289], %swap3A_1292 {strides = array<i32>} : memref<80x128xf32, #tpu.memory_space<vmem>>, vector<1x16xf32>,
          %get3A_1293 = arith.index_cast %add3A_1259 : i32 to index
          %get3A_1294 = arith.constant 48 : index
          %get3A_1295 = tpu.vector_load %arg15[%get3A_1293, %get3A_1294] {strides = array<i32>} : memref<80x128xf32, #tpu.memory_space<vmem>>, vector<1x16xf32>,
          %get3A_1296 = vector.shape_cast %get3A_1295 : vector<1x16xf32> to vector<16xf32>
          %mul3A_1297 = arith.mulf %get3A_1296, %broadcast_in_dim3A_1262 : vector<16xf32>
          %swap3A_1298 = arith.index_cast %add3A_1259 : i32 to index
          %swap3A_1299 = arith.constant 48 : index
          %swap3A_1300 = tpu.vector_load %arg15[%swap3A_1298, %swap3A_1299] {strides = array<i32>} : memref<80x128xf32, #tpu.memory_space<vmem>>, vector<1x16xf32>,
          %swap3A_1301 = vector.shape_cast %swap3A_1300 : vector<1x16xf32> to vector<16xf32>
          %swap3A_1302 = vector.shape_cast %mul3A_1297 : vector<16xf32> to vector<1x16xf32>
          tpu.vector_store %arg15[%swap3A_1298, %swap3A_1299], %swap3A_1302 {strides = array<i32>} : memref<80x128xf32, #tpu.memory_space<vmem>>, vector<1x16xf32>,
          %get3A_1303 = arith.index_cast %add3A_1259 : i32 to index
          %get3A_1304 = arith.constant 64 : index
          %get3A_1305 = tpu.vector_load %arg15[%get3A_1303, %get3A_1304] {strides = array<i32>} : memref<80x128xf32, #tpu.memory_space<vmem>>, vector<1x16xf32>,
          %get3A_1306 = vector.shape_cast %get3A_1305 : vector<1x16xf32> to vector<16xf32>
          %mul3A_1307 = arith.mulf %get3A_1306, %broadcast_in_dim3A_1262 : vector<16xf32>
          %swap3A_1308 = arith.index_cast %add3A_1259 : i32 to index
          %swap3A_1309 = arith.constant 64 : index
          %swap3A_1310 = tpu.vector_load %arg15[%swap3A_1308, %swap3A_1309] {strides = array<i32>} : memref<80x128xf32, #tpu.memory_space<vmem>>, vector<1x16xf32>,
          %swap3A_1311 = vector.shape_cast %swap3A_1310 : vector<1x16xf32> to vector<16xf32>
          %swap3A_1312 = vector.shape_cast %mul3A_1307 : vector<16xf32> to vector<1x16xf32>
          tpu.vector_store %arg15[%swap3A_1308, %swap3A_1309], %swap3A_1312 {strides = array<i32>} : memref<80x128xf32, #tpu.memory_space<vmem>>, vector<1x16xf32>,
          %get3A_1313 = arith.index_cast %add3A_1259 : i32 to index
          %get3A_1314 = arith.constant 80 : index
          %get3A_1315 = tpu.vector_load %arg15[%get3A_1313, %get3A_1314] {strides = array<i32>} : memref<80x128xf32, #tpu.memory_space<vmem>>, vector<1x16xf32>,
          %get3A_1316 = vector.shape_cast %get3A_1315 : vector<1x16xf32> to vector<16xf32>
          %mul3A_1317 = arith.mulf %get3A_1316, %broadcast_in_dim3A_1262 : vector<16xf32>
          %swap3A_1318 = arith.index_cast %add3A_1259 : i32 to index
          %swap3A_1319 = arith.constant 80 : index
          %swap3A_1320 = tpu.vector_load %arg15[%swap3A_1318, %swap3A_1319] {strides = array<i32>} : memref<80x128xf32, #tpu.memory_space<vmem>>, vector<1x16xf32>,
          %swap3A_1321 = vector.shape_cast %swap3A_1320 : vector<1x16xf32> to vector<16xf32>
          %swap3A_1322 = vector.shape_cast %mul3A_1317 : vector<16xf32> to vector<1x16xf32>
          tpu.vector_store %arg15[%swap3A_1318, %swap3A_1319], %swap3A_1322 {strides = array<i32>} : memref<80x128xf32, #tpu.memory_space<vmem>>, vector<1x16xf32>,
          %get3A_1323 = arith.index_cast %add3A_1259 : i32 to index
          %get3A_1324 = arith.constant 96 : index
          %get3A_1325 = tpu.vector_load %arg15[%get3A_1323, %get3A_1324] {strides = array<i32>} : memref<80x128xf32, #tpu.memory_space<vmem>>, vector<1x16xf32>,
          %get3A_1326 = vector.shape_cast %get3A_1325 : vector<1x16xf32> to vector<16xf32>
          %mul3A_1327 = arith.mulf %get3A_1326, %broadcast_in_dim3A_1262 : vector<16xf32>
          %swap3A_1328 = arith.index_cast %add3A_1259 : i32 to index
          %swap3A_1329 = arith.constant 96 : index
          %swap3A_1330 = tpu.vector_load %arg15[%swap3A_1328, %swap3A_1329] {strides = array<i32>} : memref<80x128xf32, #tpu.memory_space<vmem>>, vector<1x16xf32>,
          %swap3A_1331 = vector.shape_cast %swap3A_1330 : vector<1x16xf32> to vector<16xf32>
          %swap3A_1332 = vector.shape_cast %mul3A_1327 : vector<16xf32> to vector<1x16xf32>
          tpu.vector_store %arg15[%swap3A_1328, %swap3A_1329], %swap3A_1332 {strides = array<i32>} : memref<80x128xf32, #tpu.memory_space<vmem>>, vector<1x16xf32>,
          %get3A_1333 = arith.index_cast %add3A_1259 : i32 to index
          %get3A_1334 = arith.constant 112 : index
          %get3A_1335 = tpu.vector_load %arg15[%get3A_1333, %get3A_1334] {strides = array<i32>} : memref<80x128xf32, #tpu.memory_space<vmem>>, vector<1x16xf32>,
          %get3A_1336 = vector.shape_cast %get3A_1335 : vector<1x16xf32> to vector<16xf32>
          %mul3A_1337 = arith.mulf %get3A_1336, %broadcast_in_dim3A_1262 : vector<16xf32>
          %swap3A_1338 = arith.index_cast %add3A_1259 : i32 to index
          %swap3A_1339 = arith.constant 112 : index
          %swap3A_1340 = tpu.vector_load %arg15[%swap3A_1338, %swap3A_1339] {strides = array<i32>} : memref<80x128xf32, #tpu.memory_space<vmem>>, vector<1x16xf32>,
          %swap3A_1341 = vector.shape_cast %swap3A_1340 : vector<1x16xf32> to vector<16xf32>
          %swap3A_1342 = vector.shape_cast %mul3A_1337 : vector<16xf32> to vector<1x16xf32>
          tpu.vector_store %arg15[%swap3A_1338, %swap3A_1339], %swap3A_1342 {strides = array<i32>} : memref<80x128xf32, #tpu.memory_space<vmem>>, vector<1x16xf32>,
          %mul3A_1343 = arith.constant 16 : i32
          %mul3A_1344 = arith.muli %scan3A_208, %mul3A_1343 : i32
          %add3A_1345 = arith.constant 13 : i32
          %add3A_1346 = arith.addi %mul3A_1344, %add3A_1345 : i32
          %slice3A_1347 = vector.extract_strided_slice %get3A_213 {offsets = [13], sizes = [1], strides = [1]} : vector<16xf32> to vector<1xf32>
          %squeeze3A_1348 = vector.extract %slice3A_1347[0] : f32 from vector<1xf32>
          %broadcast_in_dim3A_1349 = vector.broadcast %squeeze3A_1348 : f32 to vector<16xf32>
          %get3A_1350 = arith.index_cast %add3A_1346 : i32 to index
          %get3A_1351 = arith.constant 0 : index
          %get3A_1352 = tpu.vector_load %arg15[%get3A_1350, %get3A_1351] {strides = array<i32>} : memref<80x128xf32, #tpu.memory_space<vmem>>, vector<1x16xf32>,
          %get3A_1353 = vector.shape_cast %get3A_1352 : vector<1x16xf32> to vector<16xf32>
          %mul3A_1354 = arith.mulf %get3A_1353, %broadcast_in_dim3A_1349 : vector<16xf32>
          %swap3A_1355 = arith.index_cast %add3A_1346 : i32 to index
          %swap3A_1356 = arith.constant 0 : index
          %swap3A_1357 = tpu.vector_load %arg15[%swap3A_1355, %swap3A_1356] {strides = array<i32>} : memref<80x128xf32, #tpu.memory_space<vmem>>, vector<1x16xf32>,
          %swap3A_1358 = vector.shape_cast %swap3A_1357 : vector<1x16xf32> to vector<16xf32>
          %swap3A_1359 = vector.shape_cast %mul3A_1354 : vector<16xf32> to vector<1x16xf32>
          tpu.vector_store %arg15[%swap3A_1355, %swap3A_1356], %swap3A_1359 {strides = array<i32>} : memref<80x128xf32, #tpu.memory_space<vmem>>, vector<1x16xf32>,
          %get3A_1360 = arith.index_cast %add3A_1346 : i32 to index
          %get3A_1361 = arith.constant 16 : index
          %get3A_1362 = tpu.vector_load %arg15[%get3A_1360, %get3A_1361] {strides = array<i32>} : memref<80x128xf32, #tpu.memory_space<vmem>>, vector<1x16xf32>,
          %get3A_1363 = vector.shape_cast %get3A_1362 : vector<1x16xf32> to vector<16xf32>
          %mul3A_1364 = arith.mulf %get3A_1363, %broadcast_in_dim3A_1349 : vector<16xf32>
          %swap3A_1365 = arith.index_cast %add3A_1346 : i32 to index
          %swap3A_1366 = arith.constant 16 : index
          %swap3A_1367 = tpu.vector_load %arg15[%swap3A_1365, %swap3A_1366] {strides = array<i32>} : memref<80x128xf32, #tpu.memory_space<vmem>>, vector<1x16xf32>,
          %swap3A_1368 = vector.shape_cast %swap3A_1367 : vector<1x16xf32> to vector<16xf32>
          %swap3A_1369 = vector.shape_cast %mul3A_1364 : vector<16xf32> to vector<1x16xf32>
          tpu.vector_store %arg15[%swap3A_1365, %swap3A_1366], %swap3A_1369 {strides = array<i32>} : memref<80x128xf32, #tpu.memory_space<vmem>>, vector<1x16xf32>,
          %get3A_1370 = arith.index_cast %add3A_1346 : i32 to index
          %get3A_1371 = arith.constant 32 : index
          %get3A_1372 = tpu.vector_load %arg15[%get3A_1370, %get3A_1371] {strides = array<i32>} : memref<80x128xf32, #tpu.memory_space<vmem>>, vector<1x16xf32>,
          %get3A_1373 = vector.shape_cast %get3A_1372 : vector<1x16xf32> to vector<16xf32>
          %mul3A_1374 = arith.mulf %get3A_1373, %broadcast_in_dim3A_1349 : vector<16xf32>
          %swap3A_1375 = arith.index_cast %add3A_1346 : i32 to index
          %swap3A_1376 = arith.constant 32 : index
          %swap3A_1377 = tpu.vector_load %arg15[%swap3A_1375, %swap3A_1376] {strides = array<i32>} : memref<80x128xf32, #tpu.memory_space<vmem>>, vector<1x16xf32>,
          %swap3A_1378 = vector.shape_cast %swap3A_1377 : vector<1x16xf32> to vector<16xf32>
          %swap3A_1379 = vector.shape_cast %mul3A_1374 : vector<16xf32> to vector<1x16xf32>
          tpu.vector_store %arg15[%swap3A_1375, %swap3A_1376], %swap3A_1379 {strides = array<i32>} : memref<80x128xf32, #tpu.memory_space<vmem>>, vector<1x16xf32>,
          %get3A_1380 = arith.index_cast %add3A_1346 : i32 to index
          %get3A_1381 = arith.constant 48 : index
          %get3A_1382 = tpu.vector_load %arg15[%get3A_1380, %get3A_1381] {strides = array<i32>} : memref<80x128xf32, #tpu.memory_space<vmem>>, vector<1x16xf32>,
          %get3A_1383 = vector.shape_cast %get3A_1382 : vector<1x16xf32> to vector<16xf32>
          %mul3A_1384 = arith.mulf %get3A_1383, %broadcast_in_dim3A_1349 : vector<16xf32>
          %swap3A_1385 = arith.index_cast %add3A_1346 : i32 to index
          %swap3A_1386 = arith.constant 48 : index
          %swap3A_1387 = tpu.vector_load %arg15[%swap3A_1385, %swap3A_1386] {strides = array<i32>} : memref<80x128xf32, #tpu.memory_space<vmem>>, vector<1x16xf32>,
          %swap3A_1388 = vector.shape_cast %swap3A_1387 : vector<1x16xf32> to vector<16xf32>
          %swap3A_1389 = vector.shape_cast %mul3A_1384 : vector<16xf32> to vector<1x16xf32>
          tpu.vector_store %arg15[%swap3A_1385, %swap3A_1386], %swap3A_1389 {strides = array<i32>} : memref<80x128xf32, #tpu.memory_space<vmem>>, vector<1x16xf32>,
          %get3A_1390 = arith.index_cast %add3A_1346 : i32 to index
          %get3A_1391 = arith.constant 64 : index
          %get3A_1392 = tpu.vector_load %arg15[%get3A_1390, %get3A_1391] {strides = array<i32>} : memref<80x128xf32, #tpu.memory_space<vmem>>, vector<1x16xf32>,
          %get3A_1393 = vector.shape_cast %get3A_1392 : vector<1x16xf32> to vector<16xf32>
          %mul3A_1394 = arith.mulf %get3A_1393, %broadcast_in_dim3A_1349 : vector<16xf32>
          %swap3A_1395 = arith.index_cast %add3A_1346 : i32 to index
          %swap3A_1396 = arith.constant 64 : index
          %swap3A_1397 = tpu.vector_load %arg15[%swap3A_1395, %swap3A_1396] {strides = array<i32>} : memref<80x128xf32, #tpu.memory_space<vmem>>, vector<1x16xf32>,
          %swap3A_1398 = vector.shape_cast %swap3A_1397 : vector<1x16xf32> to vector<16xf32>
          %swap3A_1399 = vector.shape_cast %mul3A_1394 : vector<16xf32> to vector<1x16xf32>
          tpu.vector_store %arg15[%swap3A_1395, %swap3A_1396], %swap3A_1399 {strides = array<i32>} : memref<80x128xf32, #tpu.memory_space<vmem>>, vector<1x16xf32>,
          %get3A_1400 = arith.index_cast %add3A_1346 : i32 to index
          %get3A_1401 = arith.constant 80 : index
          %get3A_1402 = tpu.vector_load %arg15[%get3A_1400, %get3A_1401] {strides = array<i32>} : memref<80x128xf32, #tpu.memory_space<vmem>>, vector<1x16xf32>,
          %get3A_1403 = vector.shape_cast %get3A_1402 : vector<1x16xf32> to vector<16xf32>
          %mul3A_1404 = arith.mulf %get3A_1403, %broadcast_in_dim3A_1349 : vector<16xf32>
          %swap3A_1405 = arith.index_cast %add3A_1346 : i32 to index
          %swap3A_1406 = arith.constant 80 : index
          %swap3A_1407 = tpu.vector_load %arg15[%swap3A_1405, %swap3A_1406] {strides = array<i32>} : memref<80x128xf32, #tpu.memory_space<vmem>>, vector<1x16xf32>,
          %swap3A_1408 = vector.shape_cast %swap3A_1407 : vector<1x16xf32> to vector<16xf32>
          %swap3A_1409 = vector.shape_cast %mul3A_1404 : vector<16xf32> to vector<1x16xf32>
          tpu.vector_store %arg15[%swap3A_1405, %swap3A_1406], %swap3A_1409 {strides = array<i32>} : memref<80x128xf32, #tpu.memory_space<vmem>>, vector<1x16xf32>,
          %get3A_1410 = arith.index_cast %add3A_1346 : i32 to index
          %get3A_1411 = arith.constant 96 : index
          %get3A_1412 = tpu.vector_load %arg15[%get3A_1410, %get3A_1411] {strides = array<i32>} : memref<80x128xf32, #tpu.memory_space<vmem>>, vector<1x16xf32>,
          %get3A_1413 = vector.shape_cast %get3A_1412 : vector<1x16xf32> to vector<16xf32>
          %mul3A_1414 = arith.mulf %get3A_1413, %broadcast_in_dim3A_1349 : vector<16xf32>
          %swap3A_1415 = arith.index_cast %add3A_1346 : i32 to index
          %swap3A_1416 = arith.constant 96 : index
          %swap3A_1417 = tpu.vector_load %arg15[%swap3A_1415, %swap3A_1416] {strides = array<i32>} : memref<80x128xf32, #tpu.memory_space<vmem>>, vector<1x16xf32>,
          %swap3A_1418 = vector.shape_cast %swap3A_1417 : vector<1x16xf32> to vector<16xf32>
          %swap3A_1419 = vector.shape_cast %mul3A_1414 : vector<16xf32> to vector<1x16xf32>
          tpu.vector_store %arg15[%swap3A_1415, %swap3A_1416], %swap3A_1419 {strides = array<i32>} : memref<80x128xf32, #tpu.memory_space<vmem>>, vector<1x16xf32>,
          %get3A_1420 = arith.index_cast %add3A_1346 : i32 to index
          %get3A_1421 = arith.constant 112 : index
          %get3A_1422 = tpu.vector_load %arg15[%get3A_1420, %get3A_1421] {strides = array<i32>} : memref<80x128xf32, #tpu.memory_space<vmem>>, vector<1x16xf32>,
          %get3A_1423 = vector.shape_cast %get3A_1422 : vector<1x16xf32> to vector<16xf32>
          %mul3A_1424 = arith.mulf %get3A_1423, %broadcast_in_dim3A_1349 : vector<16xf32>
          %swap3A_1425 = arith.index_cast %add3A_1346 : i32 to index
          %swap3A_1426 = arith.constant 112 : index
          %swap3A_1427 = tpu.vector_load %arg15[%swap3A_1425, %swap3A_1426] {strides = array<i32>} : memref<80x128xf32, #tpu.memory_space<vmem>>, vector<1x16xf32>,
          %swap3A_1428 = vector.shape_cast %swap3A_1427 : vector<1x16xf32> to vector<16xf32>
          %swap3A_1429 = vector.shape_cast %mul3A_1424 : vector<16xf32> to vector<1x16xf32>
          tpu.vector_store %arg15[%swap3A_1425, %swap3A_1426], %swap3A_1429 {strides = array<i32>} : memref<80x128xf32, #tpu.memory_space<vmem>>, vector<1x16xf32>,
          %mul3A_1430 = arith.constant 16 : i32
          %mul3A_1431 = arith.muli %scan3A_208, %mul3A_1430 : i32
          %add3A_1432 = arith.constant 14 : i32
          %add3A_1433 = arith.addi %mul3A_1431, %add3A_1432 : i32
          %slice3A_1434 = vector.extract_strided_slice %get3A_213 {offsets = [14], sizes = [1], strides = [1]} : vector<16xf32> to vector<1xf32>
          %squeeze3A_1435 = vector.extract %slice3A_1434[0] : f32 from vector<1xf32>
          %broadcast_in_dim3A_1436 = vector.broadcast %squeeze3A_1435 : f32 to vector<16xf32>
          %get3A_1437 = arith.index_cast %add3A_1433 : i32 to index
          %get3A_1438 = arith.constant 0 : index
          %get3A_1439 = tpu.vector_load %arg15[%get3A_1437, %get3A_1438] {strides = array<i32>} : memref<80x128xf32, #tpu.memory_space<vmem>>, vector<1x16xf32>,
          %get3A_1440 = vector.shape_cast %get3A_1439 : vector<1x16xf32> to vector<16xf32>
          %mul3A_1441 = arith.mulf %get3A_1440, %broadcast_in_dim3A_1436 : vector<16xf32>
          %swap3A_1442 = arith.index_cast %add3A_1433 : i32 to index
          %swap3A_1443 = arith.constant 0 : index
          %swap3A_1444 = tpu.vector_load %arg15[%swap3A_1442, %swap3A_1443] {strides = array<i32>} : memref<80x128xf32, #tpu.memory_space<vmem>>, vector<1x16xf32>,
          %swap3A_1445 = vector.shape_cast %swap3A_1444 : vector<1x16xf32> to vector<16xf32>
          %swap3A_1446 = vector.shape_cast %mul3A_1441 : vector<16xf32> to vector<1x16xf32>
          tpu.vector_store %arg15[%swap3A_1442, %swap3A_1443], %swap3A_1446 {strides = array<i32>} : memref<80x128xf32, #tpu.memory_space<vmem>>, vector<1x16xf32>,
          %get3A_1447 = arith.index_cast %add3A_1433 : i32 to index
          %get3A_1448 = arith.constant 16 : index
          %get3A_1449 = tpu.vector_load %arg15[%get3A_1447, %get3A_1448] {strides = array<i32>} : memref<80x128xf32, #tpu.memory_space<vmem>>, vector<1x16xf32>,
          %get3A_1450 = vector.shape_cast %get3A_1449 : vector<1x16xf32> to vector<16xf32>
          %mul3A_1451 = arith.mulf %get3A_1450, %broadcast_in_dim3A_1436 : vector<16xf32>
          %swap3A_1452 = arith.index_cast %add3A_1433 : i32 to index
          %swap3A_1453 = arith.constant 16 : index
          %swap3A_1454 = tpu.vector_load %arg15[%swap3A_1452, %swap3A_1453] {strides = array<i32>} : memref<80x128xf32, #tpu.memory_space<vmem>>, vector<1x16xf32>,
          %swap3A_1455 = vector.shape_cast %swap3A_1454 : vector<1x16xf32> to vector<16xf32>
          %swap3A_1456 = vector.shape_cast %mul3A_1451 : vector<16xf32> to vector<1x16xf32>
          tpu.vector_store %arg15[%swap3A_1452, %swap3A_1453], %swap3A_1456 {strides = array<i32>} : memref<80x128xf32, #tpu.memory_space<vmem>>, vector<1x16xf32>,
          %get3A_1457 = arith.index_cast %add3A_1433 : i32 to index
          %get3A_1458 = arith.constant 32 : index
          %get3A_1459 = tpu.vector_load %arg15[%get3A_1457, %get3A_1458] {strides = array<i32>} : memref<80x128xf32, #tpu.memory_space<vmem>>, vector<1x16xf32>,
          %get3A_1460 = vector.shape_cast %get3A_1459 : vector<1x16xf32> to vector<16xf32>
          %mul3A_1461 = arith.mulf %get3A_1460, %broadcast_in_dim3A_1436 : vector<16xf32>
          %swap3A_1462 = arith.index_cast %add3A_1433 : i32 to index
          %swap3A_1463 = arith.constant 32 : index
          %swap3A_1464 = tpu.vector_load %arg15[%swap3A_1462, %swap3A_1463] {strides = array<i32>} : memref<80x128xf32, #tpu.memory_space<vmem>>, vector<1x16xf32>,
          %swap3A_1465 = vector.shape_cast %swap3A_1464 : vector<1x16xf32> to vector<16xf32>
          %swap3A_1466 = vector.shape_cast %mul3A_1461 : vector<16xf32> to vector<1x16xf32>
          tpu.vector_store %arg15[%swap3A_1462, %swap3A_1463], %swap3A_1466 {strides = array<i32>} : memref<80x128xf32, #tpu.memory_space<vmem>>, vector<1x16xf32>,
          %get3A_1467 = arith.index_cast %add3A_1433 : i32 to index
          %get3A_1468 = arith.constant 48 : index
          %get3A_1469 = tpu.vector_load %arg15[%get3A_1467, %get3A_1468] {strides = array<i32>} : memref<80x128xf32, #tpu.memory_space<vmem>>, vector<1x16xf32>,
          %get3A_1470 = vector.shape_cast %get3A_1469 : vector<1x16xf32> to vector<16xf32>
          %mul3A_1471 = arith.mulf %get3A_1470, %broadcast_in_dim3A_1436 : vector<16xf32>
          %swap3A_1472 = arith.index_cast %add3A_1433 : i32 to index
          %swap3A_1473 = arith.constant 48 : index
          %swap3A_1474 = tpu.vector_load %arg15[%swap3A_1472, %swap3A_1473] {strides = array<i32>} : memref<80x128xf32, #tpu.memory_space<vmem>>, vector<1x16xf32>,
          %swap3A_1475 = vector.shape_cast %swap3A_1474 : vector<1x16xf32> to vector<16xf32>
          %swap3A_1476 = vector.shape_cast %mul3A_1471 : vector<16xf32> to vector<1x16xf32>
          tpu.vector_store %arg15[%swap3A_1472, %swap3A_1473], %swap3A_1476 {strides = array<i32>} : memref<80x128xf32, #tpu.memory_space<vmem>>, vector<1x16xf32>,
          %get3A_1477 = arith.index_cast %add3A_1433 : i32 to index
          %get3A_1478 = arith.constant 64 : index
          %get3A_1479 = tpu.vector_load %arg15[%get3A_1477, %get3A_1478] {strides = array<i32>} : memref<80x128xf32, #tpu.memory_space<vmem>>, vector<1x16xf32>,
          %get3A_1480 = vector.shape_cast %get3A_1479 : vector<1x16xf32> to vector<16xf32>
          %mul3A_1481 = arith.mulf %get3A_1480, %broadcast_in_dim3A_1436 : vector<16xf32>
          %swap3A_1482 = arith.index_cast %add3A_1433 : i32 to index
          %swap3A_1483 = arith.constant 64 : index
          %swap3A_1484 = tpu.vector_load %arg15[%swap3A_1482, %swap3A_1483] {strides = array<i32>} : memref<80x128xf32, #tpu.memory_space<vmem>>, vector<1x16xf32>,
          %swap3A_1485 = vector.shape_cast %swap3A_1484 : vector<1x16xf32> to vector<16xf32>
          %swap3A_1486 = vector.shape_cast %mul3A_1481 : vector<16xf32> to vector<1x16xf32>
          tpu.vector_store %arg15[%swap3A_1482, %swap3A_1483], %swap3A_1486 {strides = array<i32>} : memref<80x128xf32, #tpu.memory_space<vmem>>, vector<1x16xf32>,
          %get3A_1487 = arith.index_cast %add3A_1433 : i32 to index
          %get3A_1488 = arith.constant 80 : index
          %get3A_1489 = tpu.vector_load %arg15[%get3A_1487, %get3A_1488] {strides = array<i32>} : memref<80x128xf32, #tpu.memory_space<vmem>>, vector<1x16xf32>,
          %get3A_1490 = vector.shape_cast %get3A_1489 : vector<1x16xf32> to vector<16xf32>
          %mul3A_1491 = arith.mulf %get3A_1490, %broadcast_in_dim3A_1436 : vector<16xf32>
          %swap3A_1492 = arith.index_cast %add3A_1433 : i32 to index
          %swap3A_1493 = arith.constant 80 : index
          %swap3A_1494 = tpu.vector_load %arg15[%swap3A_1492, %swap3A_1493] {strides = array<i32>} : memref<80x128xf32, #tpu.memory_space<vmem>>, vector<1x16xf32>,
          %swap3A_1495 = vector.shape_cast %swap3A_1494 : vector<1x16xf32> to vector<16xf32>
          %swap3A_1496 = vector.shape_cast %mul3A_1491 : vector<16xf32> to vector<1x16xf32>
          tpu.vector_store %arg15[%swap3A_1492, %swap3A_1493], %swap3A_1496 {strides = array<i32>} : memref<80x128xf32, #tpu.memory_space<vmem>>, vector<1x16xf32>,
          %get3A_1497 = arith.index_cast %add3A_1433 : i32 to index
          %get3A_1498 = arith.constant 96 : index
          %get3A_1499 = tpu.vector_load %arg15[%get3A_1497, %get3A_1498] {strides = array<i32>} : memref<80x128xf32, #tpu.memory_space<vmem>>, vector<1x16xf32>,
          %get3A_1500 = vector.shape_cast %get3A_1499 : vector<1x16xf32> to vector<16xf32>
          %mul3A_1501 = arith.mulf %get3A_1500, %broadcast_in_dim3A_1436 : vector<16xf32>
          %swap3A_1502 = arith.index_cast %add3A_1433 : i32 to index
          %swap3A_1503 = arith.constant 96 : index
          %swap3A_1504 = tpu.vector_load %arg15[%swap3A_1502, %swap3A_1503] {strides = array<i32>} : memref<80x128xf32, #tpu.memory_space<vmem>>, vector<1x16xf32>,
          %swap3A_1505 = vector.shape_cast %swap3A_1504 : vector<1x16xf32> to vector<16xf32>
          %swap3A_1506 = vector.shape_cast %mul3A_1501 : vector<16xf32> to vector<1x16xf32>
          tpu.vector_store %arg15[%swap3A_1502, %swap3A_1503], %swap3A_1506 {strides = array<i32>} : memref<80x128xf32, #tpu.memory_space<vmem>>, vector<1x16xf32>,
          %get3A_1507 = arith.index_cast %add3A_1433 : i32 to index
          %get3A_1508 = arith.constant 112 : index
          %get3A_1509 = tpu.vector_load %arg15[%get3A_1507, %get3A_1508] {strides = array<i32>} : memref<80x128xf32, #tpu.memory_space<vmem>>, vector<1x16xf32>,
          %get3A_1510 = vector.shape_cast %get3A_1509 : vector<1x16xf32> to vector<16xf32>
          %mul3A_1511 = arith.mulf %get3A_1510, %broadcast_in_dim3A_1436 : vector<16xf32>
          %swap3A_1512 = arith.index_cast %add3A_1433 : i32 to index
          %swap3A_1513 = arith.constant 112 : index
          %swap3A_1514 = tpu.vector_load %arg15[%swap3A_1512, %swap3A_1513] {strides = array<i32>} : memref<80x128xf32, #tpu.memory_space<vmem>>, vector<1x16xf32>,
          %swap3A_1515 = vector.shape_cast %swap3A_1514 : vector<1x16xf32> to vector<16xf32>
          %swap3A_1516 = vector.shape_cast %mul3A_1511 : vector<16xf32> to vector<1x16xf32>
          tpu.vector_store %arg15[%swap3A_1512, %swap3A_1513], %swap3A_1516 {strides = array<i32>} : memref<80x128xf32, #tpu.memory_space<vmem>>, vector<1x16xf32>,
          %mul3A_1517 = arith.constant 16 : i32
          %mul3A_1518 = arith.muli %scan3A_208, %mul3A_1517 : i32
          %add3A_1519 = arith.constant 15 : i32
          %add3A_1520 = arith.addi %mul3A_1518, %add3A_1519 : i32
          %slice3A_1521 = vector.extract_strided_slice %get3A_213 {offsets = [15], sizes = [1], strides = [1]} : vector<16xf32> to vector<1xf32>
          %squeeze3A_1522 = vector.extract %slice3A_1521[0] : f32 from vector<1xf32>
          %broadcast_in_dim3A_1523 = vector.broadcast %squeeze3A_1522 : f32 to vector<16xf32>
          %get3A_1524 = arith.index_cast %add3A_1520 : i32 to index
          %get3A_1525 = arith.constant 0 : index
          %get3A_1526 = tpu.vector_load %arg15[%get3A_1524, %get3A_1525] {strides = array<i32>} : memref<80x128xf32, #tpu.memory_space<vmem>>, vector<1x16xf32>,
          %get3A_1527 = vector.shape_cast %get3A_1526 : vector<1x16xf32> to vector<16xf32>
          %mul3A_1528 = arith.mulf %get3A_1527, %broadcast_in_dim3A_1523 : vector<16xf32>
          %swap3A_1529 = arith.index_cast %add3A_1520 : i32 to index
          %swap3A_1530 = arith.constant 0 : index
          %swap3A_1531 = tpu.vector_load %arg15[%swap3A_1529, %swap3A_1530] {strides = array<i32>} : memref<80x128xf32, #tpu.memory_space<vmem>>, vector<1x16xf32>,
          %swap3A_1532 = vector.shape_cast %swap3A_1531 : vector<1x16xf32> to vector<16xf32>
          %swap3A_1533 = vector.shape_cast %mul3A_1528 : vector<16xf32> to vector<1x16xf32>
          tpu.vector_store %arg15[%swap3A_1529, %swap3A_1530], %swap3A_1533 {strides = array<i32>} : memref<80x128xf32, #tpu.memory_space<vmem>>, vector<1x16xf32>,
          %get3A_1534 = arith.index_cast %add3A_1520 : i32 to index
          %get3A_1535 = arith.constant 16 : index
          %get3A_1536 = tpu.vector_load %arg15[%get3A_1534, %get3A_1535] {strides = array<i32>} : memref<80x128xf32, #tpu.memory_space<vmem>>, vector<1x16xf32>,
          %get3A_1537 = vector.shape_cast %get3A_1536 : vector<1x16xf32> to vector<16xf32>
          %mul3A_1538 = arith.mulf %get3A_1537, %broadcast_in_dim3A_1523 : vector<16xf32>
          %swap3A_1539 = arith.index_cast %add3A_1520 : i32 to index
          %swap3A_1540 = arith.constant 16 : index
          %swap3A_1541 = tpu.vector_load %arg15[%swap3A_1539, %swap3A_1540] {strides = array<i32>} : memref<80x128xf32, #tpu.memory_space<vmem>>, vector<1x16xf32>,
          %swap3A_1542 = vector.shape_cast %swap3A_1541 : vector<1x16xf32> to vector<16xf32>
          %swap3A_1543 = vector.shape_cast %mul3A_1538 : vector<16xf32> to vector<1x16xf32>
          tpu.vector_store %arg15[%swap3A_1539, %swap3A_1540], %swap3A_1543 {strides = array<i32>} : memref<80x128xf32, #tpu.memory_space<vmem>>, vector<1x16xf32>,
          %get3A_1544 = arith.index_cast %add3A_1520 : i32 to index
          %get3A_1545 = arith.constant 32 : index
          %get3A_1546 = tpu.vector_load %arg15[%get3A_1544, %get3A_1545] {strides = array<i32>} : memref<80x128xf32, #tpu.memory_space<vmem>>, vector<1x16xf32>,
          %get3A_1547 = vector.shape_cast %get3A_1546 : vector<1x16xf32> to vector<16xf32>
          %mul3A_1548 = arith.mulf %get3A_1547, %broadcast_in_dim3A_1523 : vector<16xf32>
          %swap3A_1549 = arith.index_cast %add3A_1520 : i32 to index
          %swap3A_1550 = arith.constant 32 : index
          %swap3A_1551 = tpu.vector_load %arg15[%swap3A_1549, %swap3A_1550] {strides = array<i32>} : memref<80x128xf32, #tpu.memory_space<vmem>>, vector<1x16xf32>,
          %swap3A_1552 = vector.shape_cast %swap3A_1551 : vector<1x16xf32> to vector<16xf32>
          %swap3A_1553 = vector.shape_cast %mul3A_1548 : vector<16xf32> to vector<1x16xf32>
          tpu.vector_store %arg15[%swap3A_1549, %swap3A_1550], %swap3A_1553 {strides = array<i32>} : memref<80x128xf32, #tpu.memory_space<vmem>>, vector<1x16xf32>,
          %get3A_1554 = arith.index_cast %add3A_1520 : i32 to index
          %get3A_1555 = arith.constant 48 : index
          %get3A_1556 = tpu.vector_load %arg15[%get3A_1554, %get3A_1555] {strides = array<i32>} : memref<80x128xf32, #tpu.memory_space<vmem>>, vector<1x16xf32>,
          %get3A_1557 = vector.shape_cast %get3A_1556 : vector<1x16xf32> to vector<16xf32>
          %mul3A_1558 = arith.mulf %get3A_1557, %broadcast_in_dim3A_1523 : vector<16xf32>
          %swap3A_1559 = arith.index_cast %add3A_1520 : i32 to index
          %swap3A_1560 = arith.constant 48 : index
          %swap3A_1561 = tpu.vector_load %arg15[%swap3A_1559, %swap3A_1560] {strides = array<i32>} : memref<80x128xf32, #tpu.memory_space<vmem>>, vector<1x16xf32>,
          %swap3A_1562 = vector.shape_cast %swap3A_1561 : vector<1x16xf32> to vector<16xf32>
          %swap3A_1563 = vector.shape_cast %mul3A_1558 : vector<16xf32> to vector<1x16xf32>
          tpu.vector_store %arg15[%swap3A_1559, %swap3A_1560], %swap3A_1563 {strides = array<i32>} : memref<80x128xf32, #tpu.memory_space<vmem>>, vector<1x16xf32>,
          %get3A_1564 = arith.index_cast %add3A_1520 : i32 to index
          %get3A_1565 = arith.constant 64 : index
          %get3A_1566 = tpu.vector_load %arg15[%get3A_1564, %get3A_1565] {strides = array<i32>} : memref<80x128xf32, #tpu.memory_space<vmem>>, vector<1x16xf32>,
          %get3A_1567 = vector.shape_cast %get3A_1566 : vector<1x16xf32> to vector<16xf32>
          %mul3A_1568 = arith.mulf %get3A_1567, %broadcast_in_dim3A_1523 : vector<16xf32>
          %swap3A_1569 = arith.index_cast %add3A_1520 : i32 to index
          %swap3A_1570 = arith.constant 64 : index
          %swap3A_1571 = tpu.vector_load %arg15[%swap3A_1569, %swap3A_1570] {strides = array<i32>} : memref<80x128xf32, #tpu.memory_space<vmem>>, vector<1x16xf32>,
          %swap3A_1572 = vector.shape_cast %swap3A_1571 : vector<1x16xf32> to vector<16xf32>
          %swap3A_1573 = vector.shape_cast %mul3A_1568 : vector<16xf32> to vector<1x16xf32>
          tpu.vector_store %arg15[%swap3A_1569, %swap3A_1570], %swap3A_1573 {strides = array<i32>} : memref<80x128xf32, #tpu.memory_space<vmem>>, vector<1x16xf32>,
          %get3A_1574 = arith.index_cast %add3A_1520 : i32 to index
          %get3A_1575 = arith.constant 80 : index
          %get3A_1576 = tpu.vector_load %arg15[%get3A_1574, %get3A_1575] {strides = array<i32>} : memref<80x128xf32, #tpu.memory_space<vmem>>, vector<1x16xf32>,
          %get3A_1577 = vector.shape_cast %get3A_1576 : vector<1x16xf32> to vector<16xf32>
          %mul3A_1578 = arith.mulf %get3A_1577, %broadcast_in_dim3A_1523 : vector<16xf32>
          %swap3A_1579 = arith.index_cast %add3A_1520 : i32 to index
          %swap3A_1580 = arith.constant 80 : index
          %swap3A_1581 = tpu.vector_load %arg15[%swap3A_1579, %swap3A_1580] {strides = array<i32>} : memref<80x128xf32, #tpu.memory_space<vmem>>, vector<1x16xf32>,
          %swap3A_1582 = vector.shape_cast %swap3A_1581 : vector<1x16xf32> to vector<16xf32>
          %swap3A_1583 = vector.shape_cast %mul3A_1578 : vector<16xf32> to vector<1x16xf32>
          tpu.vector_store %arg15[%swap3A_1579, %swap3A_1580], %swap3A_1583 {strides = array<i32>} : memref<80x128xf32, #tpu.memory_space<vmem>>, vector<1x16xf32>,
          %get3A_1584 = arith.index_cast %add3A_1520 : i32 to index
          %get3A_1585 = arith.constant 96 : index
          %get3A_1586 = tpu.vector_load %arg15[%get3A_1584, %get3A_1585] {strides = array<i32>} : memref<80x128xf32, #tpu.memory_space<vmem>>, vector<1x16xf32>,
          %get3A_1587 = vector.shape_cast %get3A_1586 : vector<1x16xf32> to vector<16xf32>
          %mul3A_1588 = arith.mulf %get3A_1587, %broadcast_in_dim3A_1523 : vector<16xf32>
          %swap3A_1589 = arith.index_cast %add3A_1520 : i32 to index
          %swap3A_1590 = arith.constant 96 : index
          %swap3A_1591 = tpu.vector_load %arg15[%swap3A_1589, %swap3A_1590] {strides = array<i32>} : memref<80x128xf32, #tpu.memory_space<vmem>>, vector<1x16xf32>,
          %swap3A_1592 = vector.shape_cast %swap3A_1591 : vector<1x16xf32> to vector<16xf32>
          %swap3A_1593 = vector.shape_cast %mul3A_1588 : vector<16xf32> to vector<1x16xf32>
          tpu.vector_store %arg15[%swap3A_1589, %swap3A_1590], %swap3A_1593 {strides = array<i32>} : memref<80x128xf32, #tpu.memory_space<vmem>>, vector<1x16xf32>,
          %get3A_1594 = arith.index_cast %add3A_1520 : i32 to index
          %get3A_1595 = arith.constant 112 : index
          %get3A_1596 = tpu.vector_load %arg15[%get3A_1594, %get3A_1595] {strides = array<i32>} : memref<80x128xf32, #tpu.memory_space<vmem>>, vector<1x16xf32>,
          %get3A_1597 = vector.shape_cast %get3A_1596 : vector<1x16xf32> to vector<16xf32>
          %mul3A_1598 = arith.mulf %get3A_1597, %broadcast_in_dim3A_1523 : vector<16xf32>
          %swap3A_1599 = arith.index_cast %add3A_1520 : i32 to index
          %swap3A_1600 = arith.constant 112 : index
          %swap3A_1601 = tpu.vector_load %arg15[%swap3A_1599, %swap3A_1600] {strides = array<i32>} : memref<80x128xf32, #tpu.memory_space<vmem>>, vector<1x16xf32>,
          %swap3A_1602 = vector.shape_cast %swap3A_1601 : vector<1x16xf32> to vector<16xf32>
          %swap3A_1603 = vector.shape_cast %mul3A_1598 : vector<16xf32> to vector<1x16xf32>
          tpu.vector_store %arg15[%swap3A_1599, %swap3A_1600], %swap3A_1603 {strides = array<i32>} : memref<80x128xf32, #tpu.memory_space<vmem>>, vector<1x16xf32>,
        }
        %scan3A_204 = arith.constant 5 : i32
        %dma_start3A_205 = arith.constant 0 : i32
        %dma_start3A_206 = arith.constant 0 : i32
        %dma_start3A_207 = tpu.memref_slice %arg17[%dma_start3A_205, %dma_start3A_206] : memref<5128x128xf32, #tpu.memory_space<vmem_shared>> -> memref<5128x128xf32, #tpu.memory_space<vmem_shared>>
        tpu.enqueue_indirect_dma source(%arg15 : memref<80x128xf32, #tpu.memory_space<vmem>>) target(%dma_start3A_207 : memref<5128x128xf32, #tpu.memory_space<vmem_shared>>) offsets(%arg11 : memref<80xi32, #tpu.memory_space<vmem>>) semaphore(%arg22 : memref<!tpu.dma_semaphore, #tpu.memory_space<semaphore_mem>>) {add = true}
      } else {
      }
      %not3A_162 = arith.constant true
      %not3A_163 = arith.xori %eq3A_113, %not3A_162 : i1
      %and3A_164 = arith.andi %not3A_163, %select_n3A_157 : i1
      %convert_element_type3A_165 = arith.extui %and3A_164 : i1 to i32
      %cond3A_166 = arith.constant 0 : i32
      %cond3A_167 = arith.cmpi ne, %convert_element_type3A_165, %cond3A_166 : i32
      scf.if %cond3A_167 {
        %dma_wait3A_187 = arith.constant 0 : i32
        %dma_wait3A_188 = arith.constant 0 : i32
        %dma_wait3A_189 = tpu.memref_slice %arg2[%dma_wait3A_187, %dma_wait3A_188] : memref<10000x128xf32, #tpu.memory_space<hbm>> -> memref<80x128xf32, #tpu.memory_space<hbm>>
        %dma_wait3A_190 = arith.constant 0 : i32
        %dma_wait3A_191 = arith.constant 0 : i32
        %dma_wait3A_192 = tpu.memref_slice %arg2[%dma_wait3A_190, %dma_wait3A_191] : memref<10000x128xf32, #tpu.memory_space<hbm>> -> memref<80x128xf32, #tpu.memory_space<hbm>>
        tpu.wait_dma2 semaphore(%arg21 : memref<!tpu.dma_semaphore, #tpu.memory_space<semaphore_mem>>) src(%dma_wait3A_192 : memref<80x128xf32, #tpu.memory_space<hbm>>) dst(%arg16 : memref<80x128xf32, #tpu.memory_space<vmem>>)
        %scan3A_193 = arith.constant 0 : i32
        %scan3A_194 = arith.constant 0 : i32
        %scan3A_195 = arith.constant 5 : i32
        %scan3A_196 = arith.addi %scan3A_194, %scan3A_195 : i32
        %scan3A_197 = arith.constant 1 : i32
        scf.for %scan3A_208 = %scan3A_194 to %scan3A_196 step %scan3A_197  : i32 {
          %mul3A_209 = arith.constant 16 : i32
          %mul3A_210 = arith.muli %scan3A_208, %mul3A_209 : i32
          %get3A_211 = arith.index_cast %mul3A_210 : i32 to index
          %get3A_212 = tpu.vector_load %arg10[%get3A_211] {strides = array<i32>} : memref<80xi32, #tpu.memory_space<vmem>>, vector<16xi32>,
          %get3A_213 = vector.shape_cast %get3A_212 : vector<16xi32> to vector<16xi32>
          %sub3A = vector.broadcast %mul3A_0 : i32 to vector<16xi32>
          %sub3A_214 = arith.subi %get3A_213, %sub3A : vector<16xi32>
          %ge3A_215 = arith.constant 0 : i32
          %ge3A_216 = vector.broadcast %ge3A_215 : i32 to vector<16xi32>
          %ge3A_217 = arith.cmpi sge, %sub3A_214, %ge3A_216 : vector<16xi32>
          %lt3A_218 = arith.constant 5120 : i32
          %lt3A_219 = vector.broadcast %lt3A_218 : i32 to vector<16xi32>
          %lt3A_220 = arith.cmpi slt, %sub3A_214, %lt3A_219 : vector<16xi32>
          %and3A_221 = arith.andi %ge3A_217, %lt3A_220 : vector<16xi1>
          %jit3A_222 = arith.constant 5120 : i32
          %broadcast_in_dim3A = vector.broadcast %jit3A_222 : i32 to vector<16xi32>
          %select_n3A_223 = arith.select %and3A_221, %sub3A_214, %broadcast_in_dim3A : vector<16xi1>, vector<16xi32>
          %mul3A_224 = arith.constant 16 : i32
          %mul3A_225 = arith.muli %scan3A_208, %mul3A_224 : i32
          %swap3A = arith.index_cast %mul3A_225 : i32 to index
          %swap3A_226 = tpu.vector_load %arg12[%swap3A] {strides = array<i32>} : memref<80xi32, #tpu.memory_space<vmem>>, vector<16xi32>,
          %swap3A_227 = vector.shape_cast %swap3A_226 : vector<16xi32> to vector<16xi32>
          %swap3A_228 = vector.shape_cast %select_n3A_223 : vector<16xi32> to vector<16xi32>
          tpu.vector_store %arg12[%swap3A], %swap3A_228 {strides = array<i32>} : memref<80xi32, #tpu.memory_space<vmem>>, vector<16xi32>,
        }
        %scan3A_198 = arith.constant 5 : i32
        %scan3A_199 = arith.constant 0 : i32
        %scan3A_200 = arith.constant 0 : i32
        %scan3A_201 = arith.constant 5 : i32
        %scan3A_202 = arith.addi %scan3A_200, %scan3A_201 : i32
        %scan3A_203 = arith.constant 1 : i32
        scf.for %scan3A_208 = %scan3A_200 to %scan3A_202 step %scan3A_203  : i32 {
          %mul3A_209 = arith.constant 16 : i32
          %mul3A_210 = arith.muli %scan3A_208, %mul3A_209 : i32
          %get3A_211 = arith.index_cast %mul3A_210 : i32 to index
          %get3A_212 = tpu.vector_load %arg14[%get3A_211] {strides = array<i32>} : memref<80xf32, #tpu.memory_space<vmem>>, vector<16xf32>,
          %get3A_213 = vector.shape_cast %get3A_212 : vector<16xf32> to vector<16xf32>
          %mul3A_214 = arith.constant 16 : i32
          %mul3A_215 = arith.muli %scan3A_208, %mul3A_214 : i32
          %add3A_216 = arith.constant 0 : i32
          %add3A_217 = arith.addi %mul3A_215, %add3A_216 : i32
          %slice3A_218 = vector.extract_strided_slice %get3A_213 {offsets = [0], sizes = [1], strides = [1]} : vector<16xf32> to vector<1xf32>
          %squeeze3A_219 = vector.extract %slice3A_218[0] : f32 from vector<1xf32>
          %broadcast_in_dim3A = vector.broadcast %squeeze3A_219 : f32 to vector<16xf32>
          %get3A_220 = arith.index_cast %add3A_217 : i32 to index
          %get3A_221 = arith.constant 0 : index
          %get3A_222 = tpu.vector_load %arg16[%get3A_220, %get3A_221] {strides = array<i32>} : memref<80x128xf32, #tpu.memory_space<vmem>>, vector<1x16xf32>,
          %get3A_223 = vector.shape_cast %get3A_222 : vector<1x16xf32> to vector<16xf32>
          %mul3A_224 = arith.mulf %get3A_223, %broadcast_in_dim3A : vector<16xf32>
          %swap3A = arith.index_cast %add3A_217 : i32 to index
          %swap3A_225 = arith.constant 0 : index
          %swap3A_226 = tpu.vector_load %arg16[%swap3A, %swap3A_225] {strides = array<i32>} : memref<80x128xf32, #tpu.memory_space<vmem>>, vector<1x16xf32>,
          %swap3A_227 = vector.shape_cast %swap3A_226 : vector<1x16xf32> to vector<16xf32>
          %swap3A_228 = vector.shape_cast %mul3A_224 : vector<16xf32> to vector<1x16xf32>
          tpu.vector_store %arg16[%swap3A, %swap3A_225], %swap3A_228 {strides = array<i32>} : memref<80x128xf32, #tpu.memory_space<vmem>>, vector<1x16xf32>,
          %get3A_229 = arith.index_cast %add3A_217 : i32 to index
          %get3A_230 = arith.constant 16 : index
          %get3A_231 = tpu.vector_load %arg16[%get3A_229, %get3A_230] {strides = array<i32>} : memref<80x128xf32, #tpu.memory_space<vmem>>, vector<1x16xf32>,
          %get3A_232 = vector.shape_cast %get3A_231 : vector<1x16xf32> to vector<16xf32>
          %mul3A_233 = arith.mulf %get3A_232, %broadcast_in_dim3A : vector<16xf32>
          %swap3A_234 = arith.index_cast %add3A_217 : i32 to index
          %swap3A_235 = arith.constant 16 : index
          %swap3A_236 = tpu.vector_load %arg16[%swap3A_234, %swap3A_235] {strides = array<i32>} : memref<80x128xf32, #tpu.memory_space<vmem>>, vector<1x16xf32>,
          %swap3A_237 = vector.shape_cast %swap3A_236 : vector<1x16xf32> to vector<16xf32>
          %swap3A_238 = vector.shape_cast %mul3A_233 : vector<16xf32> to vector<1x16xf32>
          tpu.vector_store %arg16[%swap3A_234, %swap3A_235], %swap3A_238 {strides = array<i32>} : memref<80x128xf32, #tpu.memory_space<vmem>>, vector<1x16xf32>,
          %get3A_239 = arith.index_cast %add3A_217 : i32 to index
          %get3A_240 = arith.constant 32 : index
          %get3A_241 = tpu.vector_load %arg16[%get3A_239, %get3A_240] {strides = array<i32>} : memref<80x128xf32, #tpu.memory_space<vmem>>, vector<1x16xf32>,
          %get3A_242 = vector.shape_cast %get3A_241 : vector<1x16xf32> to vector<16xf32>
          %mul3A_243 = arith.mulf %get3A_242, %broadcast_in_dim3A : vector<16xf32>
          %swap3A_244 = arith.index_cast %add3A_217 : i32 to index
          %swap3A_245 = arith.constant 32 : index
          %swap3A_246 = tpu.vector_load %arg16[%swap3A_244, %swap3A_245] {strides = array<i32>} : memref<80x128xf32, #tpu.memory_space<vmem>>, vector<1x16xf32>,
          %swap3A_247 = vector.shape_cast %swap3A_246 : vector<1x16xf32> to vector<16xf32>
          %swap3A_248 = vector.shape_cast %mul3A_243 : vector<16xf32> to vector<1x16xf32>
          tpu.vector_store %arg16[%swap3A_244, %swap3A_245], %swap3A_248 {strides = array<i32>} : memref<80x128xf32, #tpu.memory_space<vmem>>, vector<1x16xf32>,
          %get3A_249 = arith.index_cast %add3A_217 : i32 to index
          %get3A_250 = arith.constant 48 : index
          %get3A_251 = tpu.vector_load %arg16[%get3A_249, %get3A_250] {strides = array<i32>} : memref<80x128xf32, #tpu.memory_space<vmem>>, vector<1x16xf32>,
          %get3A_252 = vector.shape_cast %get3A_251 : vector<1x16xf32> to vector<16xf32>
          %mul3A_253 = arith.mulf %get3A_252, %broadcast_in_dim3A : vector<16xf32>
          %swap3A_254 = arith.index_cast %add3A_217 : i32 to index
          %swap3A_255 = arith.constant 48 : index
          %swap3A_256 = tpu.vector_load %arg16[%swap3A_254, %swap3A_255] {strides = array<i32>} : memref<80x128xf32, #tpu.memory_space<vmem>>, vector<1x16xf32>,
          %swap3A_257 = vector.shape_cast %swap3A_256 : vector<1x16xf32> to vector<16xf32>
          %swap3A_258 = vector.shape_cast %mul3A_253 : vector<16xf32> to vector<1x16xf32>
          tpu.vector_store %arg16[%swap3A_254, %swap3A_255], %swap3A_258 {strides = array<i32>} : memref<80x128xf32, #tpu.memory_space<vmem>>, vector<1x16xf32>,
          %get3A_259 = arith.index_cast %add3A_217 : i32 to index
          %get3A_260 = arith.constant 64 : index
          %get3A_261 = tpu.vector_load %arg16[%get3A_259, %get3A_260] {strides = array<i32>} : memref<80x128xf32, #tpu.memory_space<vmem>>, vector<1x16xf32>,
          %get3A_262 = vector.shape_cast %get3A_261 : vector<1x16xf32> to vector<16xf32>
          %mul3A_263 = arith.mulf %get3A_262, %broadcast_in_dim3A : vector<16xf32>
          %swap3A_264 = arith.index_cast %add3A_217 : i32 to index
          %swap3A_265 = arith.constant 64 : index
          %swap3A_266 = tpu.vector_load %arg16[%swap3A_264, %swap3A_265] {strides = array<i32>} : memref<80x128xf32, #tpu.memory_space<vmem>>, vector<1x16xf32>,
          %swap3A_267 = vector.shape_cast %swap3A_266 : vector<1x16xf32> to vector<16xf32>
          %swap3A_268 = vector.shape_cast %mul3A_263 : vector<16xf32> to vector<1x16xf32>
          tpu.vector_store %arg16[%swap3A_264, %swap3A_265], %swap3A_268 {strides = array<i32>} : memref<80x128xf32, #tpu.memory_space<vmem>>, vector<1x16xf32>,
          %get3A_269 = arith.index_cast %add3A_217 : i32 to index
          %get3A_270 = arith.constant 80 : index
          %get3A_271 = tpu.vector_load %arg16[%get3A_269, %get3A_270] {strides = array<i32>} : memref<80x128xf32, #tpu.memory_space<vmem>>, vector<1x16xf32>,
          %get3A_272 = vector.shape_cast %get3A_271 : vector<1x16xf32> to vector<16xf32>
          %mul3A_273 = arith.mulf %get3A_272, %broadcast_in_dim3A : vector<16xf32>
          %swap3A_274 = arith.index_cast %add3A_217 : i32 to index
          %swap3A_275 = arith.constant 80 : index
          %swap3A_276 = tpu.vector_load %arg16[%swap3A_274, %swap3A_275] {strides = array<i32>} : memref<80x128xf32, #tpu.memory_space<vmem>>, vector<1x16xf32>,
          %swap3A_277 = vector.shape_cast %swap3A_276 : vector<1x16xf32> to vector<16xf32>
          %swap3A_278 = vector.shape_cast %mul3A_273 : vector<16xf32> to vector<1x16xf32>
          tpu.vector_store %arg16[%swap3A_274, %swap3A_275], %swap3A_278 {strides = array<i32>} : memref<80x128xf32, #tpu.memory_space<vmem>>, vector<1x16xf32>,
          %get3A_279 = arith.index_cast %add3A_217 : i32 to index
          %get3A_280 = arith.constant 96 : index
          %get3A_281 = tpu.vector_load %arg16[%get3A_279, %get3A_280] {strides = array<i32>} : memref<80x128xf32, #tpu.memory_space<vmem>>, vector<1x16xf32>,
          %get3A_282 = vector.shape_cast %get3A_281 : vector<1x16xf32> to vector<16xf32>
          %mul3A_283 = arith.mulf %get3A_282, %broadcast_in_dim3A : vector<16xf32>
          %swap3A_284 = arith.index_cast %add3A_217 : i32 to index
          %swap3A_285 = arith.constant 96 : index
          %swap3A_286 = tpu.vector_load %arg16[%swap3A_284, %swap3A_285] {strides = array<i32>} : memref<80x128xf32, #tpu.memory_space<vmem>>, vector<1x16xf32>,
          %swap3A_287 = vector.shape_cast %swap3A_286 : vector<1x16xf32> to vector<16xf32>
          %swap3A_288 = vector.shape_cast %mul3A_283 : vector<16xf32> to vector<1x16xf32>
          tpu.vector_store %arg16[%swap3A_284, %swap3A_285], %swap3A_288 {strides = array<i32>} : memref<80x128xf32, #tpu.memory_space<vmem>>, vector<1x16xf32>,
          %get3A_289 = arith.index_cast %add3A_217 : i32 to index
          %get3A_290 = arith.constant 112 : index
          %get3A_291 = tpu.vector_load %arg16[%get3A_289, %get3A_290] {strides = array<i32>} : memref<80x128xf32, #tpu.memory_space<vmem>>, vector<1x16xf32>,
          %get3A_292 = vector.shape_cast %get3A_291 : vector<1x16xf32> to vector<16xf32>
          %mul3A_293 = arith.mulf %get3A_292, %broadcast_in_dim3A : vector<16xf32>
          %swap3A_294 = arith.index_cast %add3A_217 : i32 to index
          %swap3A_295 = arith.constant 112 : index
          %swap3A_296 = tpu.vector_load %arg16[%swap3A_294, %swap3A_295] {strides = array<i32>} : memref<80x128xf32, #tpu.memory_space<vmem>>, vector<1x16xf32>,
          %swap3A_297 = vector.shape_cast %swap3A_296 : vector<1x16xf32> to vector<16xf32>
          %swap3A_298 = vector.shape_cast %mul3A_293 : vector<16xf32> to vector<1x16xf32>
          tpu.vector_store %arg16[%swap3A_294, %swap3A_295], %swap3A_298 {strides = array<i32>} : memref<80x128xf32, #tpu.memory_space<vmem>>, vector<1x16xf32>,
          %mul3A_299 = arith.constant 16 : i32
          %mul3A_300 = arith.muli %scan3A_208, %mul3A_299 : i32
          %add3A_301 = arith.constant 1 : i32
          %add3A_302 = arith.addi %mul3A_300, %add3A_301 : i32
          %slice3A_303 = vector.extract_strided_slice %get3A_213 {offsets = [1], sizes = [1], strides = [1]} : vector<16xf32> to vector<1xf32>
          %squeeze3A_304 = vector.extract %slice3A_303[0] : f32 from vector<1xf32>
          %broadcast_in_dim3A_305 = vector.broadcast %squeeze3A_304 : f32 to vector<16xf32>
          %get3A_306 = arith.index_cast %add3A_302 : i32 to index
          %get3A_307 = arith.constant 0 : index
          %get3A_308 = tpu.vector_load %arg16[%get3A_306, %get3A_307] {strides = array<i32>} : memref<80x128xf32, #tpu.memory_space<vmem>>, vector<1x16xf32>,
          %get3A_309 = vector.shape_cast %get3A_308 : vector<1x16xf32> to vector<16xf32>
          %mul3A_310 = arith.mulf %get3A_309, %broadcast_in_dim3A_305 : vector<16xf32>
          %swap3A_311 = arith.index_cast %add3A_302 : i32 to index
          %swap3A_312 = arith.constant 0 : index
          %swap3A_313 = tpu.vector_load %arg16[%swap3A_311, %swap3A_312] {strides = array<i32>} : memref<80x128xf32, #tpu.memory_space<vmem>>, vector<1x16xf32>,
          %swap3A_314 = vector.shape_cast %swap3A_313 : vector<1x16xf32> to vector<16xf32>
          %swap3A_315 = vector.shape_cast %mul3A_310 : vector<16xf32> to vector<1x16xf32>
          tpu.vector_store %arg16[%swap3A_311, %swap3A_312], %swap3A_315 {strides = array<i32>} : memref<80x128xf32, #tpu.memory_space<vmem>>, vector<1x16xf32>,
          %get3A_316 = arith.index_cast %add3A_302 : i32 to index
          %get3A_317 = arith.constant 16 : index
          %get3A_318 = tpu.vector_load %arg16[%get3A_316, %get3A_317] {strides = array<i32>} : memref<80x128xf32, #tpu.memory_space<vmem>>, vector<1x16xf32>,
          %get3A_319 = vector.shape_cast %get3A_318 : vector<1x16xf32> to vector<16xf32>
          %mul3A_320 = arith.mulf %get3A_319, %broadcast_in_dim3A_305 : vector<16xf32>
          %swap3A_321 = arith.index_cast %add3A_302 : i32 to index
          %swap3A_322 = arith.constant 16 : index
          %swap3A_323 = tpu.vector_load %arg16[%swap3A_321, %swap3A_322] {strides = array<i32>} : memref<80x128xf32, #tpu.memory_space<vmem>>, vector<1x16xf32>,
          %swap3A_324 = vector.shape_cast %swap3A_323 : vector<1x16xf32> to vector<16xf32>
          %swap3A_325 = vector.shape_cast %mul3A_320 : vector<16xf32> to vector<1x16xf32>
          tpu.vector_store %arg16[%swap3A_321, %swap3A_322], %swap3A_325 {strides = array<i32>} : memref<80x128xf32, #tpu.memory_space<vmem>>, vector<1x16xf32>,
          %get3A_326 = arith.index_cast %add3A_302 : i32 to index
          %get3A_327 = arith.constant 32 : index
          %get3A_328 = tpu.vector_load %arg16[%get3A_326, %get3A_327] {strides = array<i32>} : memref<80x128xf32, #tpu.memory_space<vmem>>, vector<1x16xf32>,
          %get3A_329 = vector.shape_cast %get3A_328 : vector<1x16xf32> to vector<16xf32>
          %mul3A_330 = arith.mulf %get3A_329, %broadcast_in_dim3A_305 : vector<16xf32>
          %swap3A_331 = arith.index_cast %add3A_302 : i32 to index
          %swap3A_332 = arith.constant 32 : index
          %swap3A_333 = tpu.vector_load %arg16[%swap3A_331, %swap3A_332] {strides = array<i32>} : memref<80x128xf32, #tpu.memory_space<vmem>>, vector<1x16xf32>,
          %swap3A_334 = vector.shape_cast %swap3A_333 : vector<1x16xf32> to vector<16xf32>
          %swap3A_335 = vector.shape_cast %mul3A_330 : vector<16xf32> to vector<1x16xf32>
          tpu.vector_store %arg16[%swap3A_331, %swap3A_332], %swap3A_335 {strides = array<i32>} : memref<80x128xf32, #tpu.memory_space<vmem>>, vector<1x16xf32>,
          %get3A_336 = arith.index_cast %add3A_302 : i32 to index
          %get3A_337 = arith.constant 48 : index
          %get3A_338 = tpu.vector_load %arg16[%get3A_336, %get3A_337] {strides = array<i32>} : memref<80x128xf32, #tpu.memory_space<vmem>>, vector<1x16xf32>,
          %get3A_339 = vector.shape_cast %get3A_338 : vector<1x16xf32> to vector<16xf32>
          %mul3A_340 = arith.mulf %get3A_339, %broadcast_in_dim3A_305 : vector<16xf32>
          %swap3A_341 = arith.index_cast %add3A_302 : i32 to index
          %swap3A_342 = arith.constant 48 : index
          %swap3A_343 = tpu.vector_load %arg16[%swap3A_341, %swap3A_342] {strides = array<i32>} : memref<80x128xf32, #tpu.memory_space<vmem>>, vector<1x16xf32>,
          %swap3A_344 = vector.shape_cast %swap3A_343 : vector<1x16xf32> to vector<16xf32>
          %swap3A_345 = vector.shape_cast %mul3A_340 : vector<16xf32> to vector<1x16xf32>
          tpu.vector_store %arg16[%swap3A_341, %swap3A_342], %swap3A_345 {strides = array<i32>} : memref<80x128xf32, #tpu.memory_space<vmem>>, vector<1x16xf32>,
          %get3A_346 = arith.index_cast %add3A_302 : i32 to index
          %get3A_347 = arith.constant 64 : index
          %get3A_348 = tpu.vector_load %arg16[%get3A_346, %get3A_347] {strides = array<i32>} : memref<80x128xf32, #tpu.memory_space<vmem>>, vector<1x16xf32>,
          %get3A_349 = vector.shape_cast %get3A_348 : vector<1x16xf32> to vector<16xf32>
          %mul3A_350 = arith.mulf %get3A_349, %broadcast_in_dim3A_305 : vector<16xf32>
          %swap3A_351 = arith.index_cast %add3A_302 : i32 to index
          %swap3A_352 = arith.constant 64 : index
          %swap3A_353 = tpu.vector_load %arg16[%swap3A_351, %swap3A_352] {strides = array<i32>} : memref<80x128xf32, #tpu.memory_space<vmem>>, vector<1x16xf32>,
          %swap3A_354 = vector.shape_cast %swap3A_353 : vector<1x16xf32> to vector<16xf32>
          %swap3A_355 = vector.shape_cast %mul3A_350 : vector<16xf32> to vector<1x16xf32>
          tpu.vector_store %arg16[%swap3A_351, %swap3A_352], %swap3A_355 {strides = array<i32>} : memref<80x128xf32, #tpu.memory_space<vmem>>, vector<1x16xf32>,
          %get3A_356 = arith.index_cast %add3A_302 : i32 to index
          %get3A_357 = arith.constant 80 : index
          %get3A_358 = tpu.vector_load %arg16[%get3A_356, %get3A_357] {strides = array<i32>} : memref<80x128xf32, #tpu.memory_space<vmem>>, vector<1x16xf32>,
          %get3A_359 = vector.shape_cast %get3A_358 : vector<1x16xf32> to vector<16xf32>
          %mul3A_360 = arith.mulf %get3A_359, %broadcast_in_dim3A_305 : vector<16xf32>
          %swap3A_361 = arith.index_cast %add3A_302 : i32 to index
          %swap3A_362 = arith.constant 80 : index
          %swap3A_363 = tpu.vector_load %arg16[%swap3A_361, %swap3A_362] {strides = array<i32>} : memref<80x128xf32, #tpu.memory_space<vmem>>, vector<1x16xf32>,
          %swap3A_364 = vector.shape_cast %swap3A_363 : vector<1x16xf32> to vector<16xf32>
          %swap3A_365 = vector.shape_cast %mul3A_360 : vector<16xf32> to vector<1x16xf32>
          tpu.vector_store %arg16[%swap3A_361, %swap3A_362], %swap3A_365 {strides = array<i32>} : memref<80x128xf32, #tpu.memory_space<vmem>>, vector<1x16xf32>,
          %get3A_366 = arith.index_cast %add3A_302 : i32 to index
          %get3A_367 = arith.constant 96 : index
          %get3A_368 = tpu.vector_load %arg16[%get3A_366, %get3A_367] {strides = array<i32>} : memref<80x128xf32, #tpu.memory_space<vmem>>, vector<1x16xf32>,
          %get3A_369 = vector.shape_cast %get3A_368 : vector<1x16xf32> to vector<16xf32>
          %mul3A_370 = arith.mulf %get3A_369, %broadcast_in_dim3A_305 : vector<16xf32>
          %swap3A_371 = arith.index_cast %add3A_302 : i32 to index
          %swap3A_372 = arith.constant 96 : index
          %swap3A_373 = tpu.vector_load %arg16[%swap3A_371, %swap3A_372] {strides = array<i32>} : memref<80x128xf32, #tpu.memory_space<vmem>>, vector<1x16xf32>,
          %swap3A_374 = vector.shape_cast %swap3A_373 : vector<1x16xf32> to vector<16xf32>
          %swap3A_375 = vector.shape_cast %mul3A_370 : vector<16xf32> to vector<1x16xf32>
          tpu.vector_store %arg16[%swap3A_371, %swap3A_372], %swap3A_375 {strides = array<i32>} : memref<80x128xf32, #tpu.memory_space<vmem>>, vector<1x16xf32>,
          %get3A_376 = arith.index_cast %add3A_302 : i32 to index
          %get3A_377 = arith.constant 112 : index
          %get3A_378 = tpu.vector_load %arg16[%get3A_376, %get3A_377] {strides = array<i32>} : memref<80x128xf32, #tpu.memory_space<vmem>>, vector<1x16xf32>,
          %get3A_379 = vector.shape_cast %get3A_378 : vector<1x16xf32> to vector<16xf32>
          %mul3A_380 = arith.mulf %get3A_379, %broadcast_in_dim3A_305 : vector<16xf32>
          %swap3A_381 = arith.index_cast %add3A_302 : i32 to index
          %swap3A_382 = arith.constant 112 : index
          %swap3A_383 = tpu.vector_load %arg16[%swap3A_381, %swap3A_382] {strides = array<i32>} : memref<80x128xf32, #tpu.memory_space<vmem>>, vector<1x16xf32>,
          %swap3A_384 = vector.shape_cast %swap3A_383 : vector<1x16xf32> to vector<16xf32>
          %swap3A_385 = vector.shape_cast %mul3A_380 : vector<16xf32> to vector<1x16xf32>
          tpu.vector_store %arg16[%swap3A_381, %swap3A_382], %swap3A_385 {strides = array<i32>} : memref<80x128xf32, #tpu.memory_space<vmem>>, vector<1x16xf32>,
          %mul3A_386 = arith.constant 16 : i32
          %mul3A_387 = arith.muli %scan3A_208, %mul3A_386 : i32
          %add3A_388 = arith.constant 2 : i32
          %add3A_389 = arith.addi %mul3A_387, %add3A_388 : i32
          %slice3A_390 = vector.extract_strided_slice %get3A_213 {offsets = [2], sizes = [1], strides = [1]} : vector<16xf32> to vector<1xf32>
          %squeeze3A_391 = vector.extract %slice3A_390[0] : f32 from vector<1xf32>
          %broadcast_in_dim3A_392 = vector.broadcast %squeeze3A_391 : f32 to vector<16xf32>
          %get3A_393 = arith.index_cast %add3A_389 : i32 to index
          %get3A_394 = arith.constant 0 : index
          %get3A_395 = tpu.vector_load %arg16[%get3A_393, %get3A_394] {strides = array<i32>} : memref<80x128xf32, #tpu.memory_space<vmem>>, vector<1x16xf32>,
          %get3A_396 = vector.shape_cast %get3A_395 : vector<1x16xf32> to vector<16xf32>
          %mul3A_397 = arith.mulf %get3A_396, %broadcast_in_dim3A_392 : vector<16xf32>
          %swap3A_398 = arith.index_cast %add3A_389 : i32 to index
          %swap3A_399 = arith.constant 0 : index
          %swap3A_400 = tpu.vector_load %arg16[%swap3A_398, %swap3A_399] {strides = array<i32>} : memref<80x128xf32, #tpu.memory_space<vmem>>, vector<1x16xf32>,
          %swap3A_401 = vector.shape_cast %swap3A_400 : vector<1x16xf32> to vector<16xf32>
          %swap3A_402 = vector.shape_cast %mul3A_397 : vector<16xf32> to vector<1x16xf32>
          tpu.vector_store %arg16[%swap3A_398, %swap3A_399], %swap3A_402 {strides = array<i32>} : memref<80x128xf32, #tpu.memory_space<vmem>>, vector<1x16xf32>,
          %get3A_403 = arith.index_cast %add3A_389 : i32 to index
          %get3A_404 = arith.constant 16 : index
          %get3A_405 = tpu.vector_load %arg16[%get3A_403, %get3A_404] {strides = array<i32>} : memref<80x128xf32, #tpu.memory_space<vmem>>, vector<1x16xf32>,
          %get3A_406 = vector.shape_cast %get3A_405 : vector<1x16xf32> to vector<16xf32>
          %mul3A_407 = arith.mulf %get3A_406, %broadcast_in_dim3A_392 : vector<16xf32>
          %swap3A_408 = arith.index_cast %add3A_389 : i32 to index
          %swap3A_409 = arith.constant 16 : index
          %swap3A_410 = tpu.vector_load %arg16[%swap3A_408, %swap3A_409] {strides = array<i32>} : memref<80x128xf32, #tpu.memory_space<vmem>>, vector<1x16xf32>,
          %swap3A_411 = vector.shape_cast %swap3A_410 : vector<1x16xf32> to vector<16xf32>
          %swap3A_412 = vector.shape_cast %mul3A_407 : vector<16xf32> to vector<1x16xf32>
          tpu.vector_store %arg16[%swap3A_408, %swap3A_409], %swap3A_412 {strides = array<i32>} : memref<80x128xf32, #tpu.memory_space<vmem>>, vector<1x16xf32>,
          %get3A_413 = arith.index_cast %add3A_389 : i32 to index
          %get3A_414 = arith.constant 32 : index
          %get3A_415 = tpu.vector_load %arg16[%get3A_413, %get3A_414] {strides = array<i32>} : memref<80x128xf32, #tpu.memory_space<vmem>>, vector<1x16xf32>,
          %get3A_416 = vector.shape_cast %get3A_415 : vector<1x16xf32> to vector<16xf32>
          %mul3A_417 = arith.mulf %get3A_416, %broadcast_in_dim3A_392 : vector<16xf32>
          %swap3A_418 = arith.index_cast %add3A_389 : i32 to index
          %swap3A_419 = arith.constant 32 : index
          %swap3A_420 = tpu.vector_load %arg16[%swap3A_418, %swap3A_419] {strides = array<i32>} : memref<80x128xf32, #tpu.memory_space<vmem>>, vector<1x16xf32>,
          %swap3A_421 = vector.shape_cast %swap3A_420 : vector<1x16xf32> to vector<16xf32>
          %swap3A_422 = vector.shape_cast %mul3A_417 : vector<16xf32> to vector<1x16xf32>
          tpu.vector_store %arg16[%swap3A_418, %swap3A_419], %swap3A_422 {strides = array<i32>} : memref<80x128xf32, #tpu.memory_space<vmem>>, vector<1x16xf32>,
          %get3A_423 = arith.index_cast %add3A_389 : i32 to index
          %get3A_424 = arith.constant 48 : index
          %get3A_425 = tpu.vector_load %arg16[%get3A_423, %get3A_424] {strides = array<i32>} : memref<80x128xf32, #tpu.memory_space<vmem>>, vector<1x16xf32>,
          %get3A_426 = vector.shape_cast %get3A_425 : vector<1x16xf32> to vector<16xf32>
          %mul3A_427 = arith.mulf %get3A_426, %broadcast_in_dim3A_392 : vector<16xf32>
          %swap3A_428 = arith.index_cast %add3A_389 : i32 to index
          %swap3A_429 = arith.constant 48 : index
          %swap3A_430 = tpu.vector_load %arg16[%swap3A_428, %swap3A_429] {strides = array<i32>} : memref<80x128xf32, #tpu.memory_space<vmem>>, vector<1x16xf32>,
          %swap3A_431 = vector.shape_cast %swap3A_430 : vector<1x16xf32> to vector<16xf32>
          %swap3A_432 = vector.shape_cast %mul3A_427 : vector<16xf32> to vector<1x16xf32>
          tpu.vector_store %arg16[%swap3A_428, %swap3A_429], %swap3A_432 {strides = array<i32>} : memref<80x128xf32, #tpu.memory_space<vmem>>, vector<1x16xf32>,
          %get3A_433 = arith.index_cast %add3A_389 : i32 to index
          %get3A_434 = arith.constant 64 : index
          %get3A_435 = tpu.vector_load %arg16[%get3A_433, %get3A_434] {strides = array<i32>} : memref<80x128xf32, #tpu.memory_space<vmem>>, vector<1x16xf32>,
          %get3A_436 = vector.shape_cast %get3A_435 : vector<1x16xf32> to vector<16xf32>
          %mul3A_437 = arith.mulf %get3A_436, %broadcast_in_dim3A_392 : vector<16xf32>
          %swap3A_438 = arith.index_cast %add3A_389 : i32 to index
          %swap3A_439 = arith.constant 64 : index
          %swap3A_440 = tpu.vector_load %arg16[%swap3A_438, %swap3A_439] {strides = array<i32>} : memref<80x128xf32, #tpu.memory_space<vmem>>, vector<1x16xf32>,
          %swap3A_441 = vector.shape_cast %swap3A_440 : vector<1x16xf32> to vector<16xf32>
          %swap3A_442 = vector.shape_cast %mul3A_437 : vector<16xf32> to vector<1x16xf32>
          tpu.vector_store %arg16[%swap3A_438, %swap3A_439], %swap3A_442 {strides = array<i32>} : memref<80x128xf32, #tpu.memory_space<vmem>>, vector<1x16xf32>,
          %get3A_443 = arith.index_cast %add3A_389 : i32 to index
          %get3A_444 = arith.constant 80 : index
          %get3A_445 = tpu.vector_load %arg16[%get3A_443, %get3A_444] {strides = array<i32>} : memref<80x128xf32, #tpu.memory_space<vmem>>, vector<1x16xf32>,
          %get3A_446 = vector.shape_cast %get3A_445 : vector<1x16xf32> to vector<16xf32>
          %mul3A_447 = arith.mulf %get3A_446, %broadcast_in_dim3A_392 : vector<16xf32>
          %swap3A_448 = arith.index_cast %add3A_389 : i32 to index
          %swap3A_449 = arith.constant 80 : index
          %swap3A_450 = tpu.vector_load %arg16[%swap3A_448, %swap3A_449] {strides = array<i32>} : memref<80x128xf32, #tpu.memory_space<vmem>>, vector<1x16xf32>,
          %swap3A_451 = vector.shape_cast %swap3A_450 : vector<1x16xf32> to vector<16xf32>
          %swap3A_452 = vector.shape_cast %mul3A_447 : vector<16xf32> to vector<1x16xf32>
          tpu.vector_store %arg16[%swap3A_448, %swap3A_449], %swap3A_452 {strides = array<i32>} : memref<80x128xf32, #tpu.memory_space<vmem>>, vector<1x16xf32>,
          %get3A_453 = arith.index_cast %add3A_389 : i32 to index
          %get3A_454 = arith.constant 96 : index
          %get3A_455 = tpu.vector_load %arg16[%get3A_453, %get3A_454] {strides = array<i32>} : memref<80x128xf32, #tpu.memory_space<vmem>>, vector<1x16xf32>,
          %get3A_456 = vector.shape_cast %get3A_455 : vector<1x16xf32> to vector<16xf32>
          %mul3A_457 = arith.mulf %get3A_456, %broadcast_in_dim3A_392 : vector<16xf32>
          %swap3A_458 = arith.index_cast %add3A_389 : i32 to index
          %swap3A_459 = arith.constant 96 : index
          %swap3A_460 = tpu.vector_load %arg16[%swap3A_458, %swap3A_459] {strides = array<i32>} : memref<80x128xf32, #tpu.memory_space<vmem>>, vector<1x16xf32>,
          %swap3A_461 = vector.shape_cast %swap3A_460 : vector<1x16xf32> to vector<16xf32>
          %swap3A_462 = vector.shape_cast %mul3A_457 : vector<16xf32> to vector<1x16xf32>
          tpu.vector_store %arg16[%swap3A_458, %swap3A_459], %swap3A_462 {strides = array<i32>} : memref<80x128xf32, #tpu.memory_space<vmem>>, vector<1x16xf32>,
          %get3A_463 = arith.index_cast %add3A_389 : i32 to index
          %get3A_464 = arith.constant 112 : index
          %get3A_465 = tpu.vector_load %arg16[%get3A_463, %get3A_464] {strides = array<i32>} : memref<80x128xf32, #tpu.memory_space<vmem>>, vector<1x16xf32>,
          %get3A_466 = vector.shape_cast %get3A_465 : vector<1x16xf32> to vector<16xf32>
          %mul3A_467 = arith.mulf %get3A_466, %broadcast_in_dim3A_392 : vector<16xf32>
          %swap3A_468 = arith.index_cast %add3A_389 : i32 to index
          %swap3A_469 = arith.constant 112 : index
          %swap3A_470 = tpu.vector_load %arg16[%swap3A_468, %swap3A_469] {strides = array<i32>} : memref<80x128xf32, #tpu.memory_space<vmem>>, vector<1x16xf32>,
          %swap3A_471 = vector.shape_cast %swap3A_470 : vector<1x16xf32> to vector<16xf32>
          %swap3A_472 = vector.shape_cast %mul3A_467 : vector<16xf32> to vector<1x16xf32>
          tpu.vector_store %arg16[%swap3A_468, %swap3A_469], %swap3A_472 {strides = array<i32>} : memref<80x128xf32, #tpu.memory_space<vmem>>, vector<1x16xf32>,
          %mul3A_473 = arith.constant 16 : i32
          %mul3A_474 = arith.muli %scan3A_208, %mul3A_473 : i32
          %add3A_475 = arith.constant 3 : i32
          %add3A_476 = arith.addi %mul3A_474, %add3A_475 : i32
          %slice3A_477 = vector.extract_strided_slice %get3A_213 {offsets = [3], sizes = [1], strides = [1]} : vector<16xf32> to vector<1xf32>
          %squeeze3A_478 = vector.extract %slice3A_477[0] : f32 from vector<1xf32>
          %broadcast_in_dim3A_479 = vector.broadcast %squeeze3A_478 : f32 to vector<16xf32>
          %get3A_480 = arith.index_cast %add3A_476 : i32 to index
          %get3A_481 = arith.constant 0 : index
          %get3A_482 = tpu.vector_load %arg16[%get3A_480, %get3A_481] {strides = array<i32>} : memref<80x128xf32, #tpu.memory_space<vmem>>, vector<1x16xf32>,
          %get3A_483 = vector.shape_cast %get3A_482 : vector<1x16xf32> to vector<16xf32>
          %mul3A_484 = arith.mulf %get3A_483, %broadcast_in_dim3A_479 : vector<16xf32>
          %swap3A_485 = arith.index_cast %add3A_476 : i32 to index
          %swap3A_486 = arith.constant 0 : index
          %swap3A_487 = tpu.vector_load %arg16[%swap3A_485, %swap3A_486] {strides = array<i32>} : memref<80x128xf32, #tpu.memory_space<vmem>>, vector<1x16xf32>,
          %swap3A_488 = vector.shape_cast %swap3A_487 : vector<1x16xf32> to vector<16xf32>
          %swap3A_489 = vector.shape_cast %mul3A_484 : vector<16xf32> to vector<1x16xf32>
          tpu.vector_store %arg16[%swap3A_485, %swap3A_486], %swap3A_489 {strides = array<i32>} : memref<80x128xf32, #tpu.memory_space<vmem>>, vector<1x16xf32>,
          %get3A_490 = arith.index_cast %add3A_476 : i32 to index
          %get3A_491 = arith.constant 16 : index
          %get3A_492 = tpu.vector_load %arg16[%get3A_490, %get3A_491] {strides = array<i32>} : memref<80x128xf32, #tpu.memory_space<vmem>>, vector<1x16xf32>,
          %get3A_493 = vector.shape_cast %get3A_492 : vector<1x16xf32> to vector<16xf32>
          %mul3A_494 = arith.mulf %get3A_493, %broadcast_in_dim3A_479 : vector<16xf32>
          %swap3A_495 = arith.index_cast %add3A_476 : i32 to index
          %swap3A_496 = arith.constant 16 : index
          %swap3A_497 = tpu.vector_load %arg16[%swap3A_495, %swap3A_496] {strides = array<i32>} : memref<80x128xf32, #tpu.memory_space<vmem>>, vector<1x16xf32>,
          %swap3A_498 = vector.shape_cast %swap3A_497 : vector<1x16xf32> to vector<16xf32>
          %swap3A_499 = vector.shape_cast %mul3A_494 : vector<16xf32> to vector<1x16xf32>
          tpu.vector_store %arg16[%swap3A_495, %swap3A_496], %swap3A_499 {strides = array<i32>} : memref<80x128xf32, #tpu.memory_space<vmem>>, vector<1x16xf32>,
          %get3A_500 = arith.index_cast %add3A_476 : i32 to index
          %get3A_501 = arith.constant 32 : index
          %get3A_502 = tpu.vector_load %arg16[%get3A_500, %get3A_501] {strides = array<i32>} : memref<80x128xf32, #tpu.memory_space<vmem>>, vector<1x16xf32>,
          %get3A_503 = vector.shape_cast %get3A_502 : vector<1x16xf32> to vector<16xf32>
          %mul3A_504 = arith.mulf %get3A_503, %broadcast_in_dim3A_479 : vector<16xf32>
          %swap3A_505 = arith.index_cast %add3A_476 : i32 to index
          %swap3A_506 = arith.constant 32 : index
          %swap3A_507 = tpu.vector_load %arg16[%swap3A_505, %swap3A_506] {strides = array<i32>} : memref<80x128xf32, #tpu.memory_space<vmem>>, vector<1x16xf32>,
          %swap3A_508 = vector.shape_cast %swap3A_507 : vector<1x16xf32> to vector<16xf32>
          %swap3A_509 = vector.shape_cast %mul3A_504 : vector<16xf32> to vector<1x16xf32>
          tpu.vector_store %arg16[%swap3A_505, %swap3A_506], %swap3A_509 {strides = array<i32>} : memref<80x128xf32, #tpu.memory_space<vmem>>, vector<1x16xf32>,
          %get3A_510 = arith.index_cast %add3A_476 : i32 to index
          %get3A_511 = arith.constant 48 : index
          %get3A_512 = tpu.vector_load %arg16[%get3A_510, %get3A_511] {strides = array<i32>} : memref<80x128xf32, #tpu.memory_space<vmem>>, vector<1x16xf32>,
          %get3A_513 = vector.shape_cast %get3A_512 : vector<1x16xf32> to vector<16xf32>
          %mul3A_514 = arith.mulf %get3A_513, %broadcast_in_dim3A_479 : vector<16xf32>
          %swap3A_515 = arith.index_cast %add3A_476 : i32 to index
          %swap3A_516 = arith.constant 48 : index
          %swap3A_517 = tpu.vector_load %arg16[%swap3A_515, %swap3A_516] {strides = array<i32>} : memref<80x128xf32, #tpu.memory_space<vmem>>, vector<1x16xf32>,
          %swap3A_518 = vector.shape_cast %swap3A_517 : vector<1x16xf32> to vector<16xf32>
          %swap3A_519 = vector.shape_cast %mul3A_514 : vector<16xf32> to vector<1x16xf32>
          tpu.vector_store %arg16[%swap3A_515, %swap3A_516], %swap3A_519 {strides = array<i32>} : memref<80x128xf32, #tpu.memory_space<vmem>>, vector<1x16xf32>,
          %get3A_520 = arith.index_cast %add3A_476 : i32 to index
          %get3A_521 = arith.constant 64 : index
          %get3A_522 = tpu.vector_load %arg16[%get3A_520, %get3A_521] {strides = array<i32>} : memref<80x128xf32, #tpu.memory_space<vmem>>, vector<1x16xf32>,
          %get3A_523 = vector.shape_cast %get3A_522 : vector<1x16xf32> to vector<16xf32>
          %mul3A_524 = arith.mulf %get3A_523, %broadcast_in_dim3A_479 : vector<16xf32>
          %swap3A_525 = arith.index_cast %add3A_476 : i32 to index
          %swap3A_526 = arith.constant 64 : index
          %swap3A_527 = tpu.vector_load %arg16[%swap3A_525, %swap3A_526] {strides = array<i32>} : memref<80x128xf32, #tpu.memory_space<vmem>>, vector<1x16xf32>,
          %swap3A_528 = vector.shape_cast %swap3A_527 : vector<1x16xf32> to vector<16xf32>
          %swap3A_529 = vector.shape_cast %mul3A_524 : vector<16xf32> to vector<1x16xf32>
          tpu.vector_store %arg16[%swap3A_525, %swap3A_526], %swap3A_529 {strides = array<i32>} : memref<80x128xf32, #tpu.memory_space<vmem>>, vector<1x16xf32>,
          %get3A_530 = arith.index_cast %add3A_476 : i32 to index
          %get3A_531 = arith.constant 80 : index
          %get3A_532 = tpu.vector_load %arg16[%get3A_530, %get3A_531] {strides = array<i32>} : memref<80x128xf32, #tpu.memory_space<vmem>>, vector<1x16xf32>,
          %get3A_533 = vector.shape_cast %get3A_532 : vector<1x16xf32> to vector<16xf32>
          %mul3A_534 = arith.mulf %get3A_533, %broadcast_in_dim3A_479 : vector<16xf32>
          %swap3A_535 = arith.index_cast %add3A_476 : i32 to index
          %swap3A_536 = arith.constant 80 : index
          %swap3A_537 = tpu.vector_load %arg16[%swap3A_535, %swap3A_536] {strides = array<i32>} : memref<80x128xf32, #tpu.memory_space<vmem>>, vector<1x16xf32>,
          %swap3A_538 = vector.shape_cast %swap3A_537 : vector<1x16xf32> to vector<16xf32>
          %swap3A_539 = vector.shape_cast %mul3A_534 : vector<16xf32> to vector<1x16xf32>
          tpu.vector_store %arg16[%swap3A_535, %swap3A_536], %swap3A_539 {strides = array<i32>} : memref<80x128xf32, #tpu.memory_space<vmem>>, vector<1x16xf32>,
          %get3A_540 = arith.index_cast %add3A_476 : i32 to index
          %get3A_541 = arith.constant 96 : index
          %get3A_542 = tpu.vector_load %arg16[%get3A_540, %get3A_541] {strides = array<i32>} : memref<80x128xf32, #tpu.memory_space<vmem>>, vector<1x16xf32>,
          %get3A_543 = vector.shape_cast %get3A_542 : vector<1x16xf32> to vector<16xf32>
          %mul3A_544 = arith.mulf %get3A_543, %broadcast_in_dim3A_479 : vector<16xf32>
          %swap3A_545 = arith.index_cast %add3A_476 : i32 to index
          %swap3A_546 = arith.constant 96 : index
          %swap3A_547 = tpu.vector_load %arg16[%swap3A_545, %swap3A_546] {strides = array<i32>} : memref<80x128xf32, #tpu.memory_space<vmem>>, vector<1x16xf32>,
          %swap3A_548 = vector.shape_cast %swap3A_547 : vector<1x16xf32> to vector<16xf32>
          %swap3A_549 = vector.shape_cast %mul3A_544 : vector<16xf32> to vector<1x16xf32>
          tpu.vector_store %arg16[%swap3A_545, %swap3A_546], %swap3A_549 {strides = array<i32>} : memref<80x128xf32, #tpu.memory_space<vmem>>, vector<1x16xf32>,
          %get3A_550 = arith.index_cast %add3A_476 : i32 to index
          %get3A_551 = arith.constant 112 : index
          %get3A_552 = tpu.vector_load %arg16[%get3A_550, %get3A_551] {strides = array<i32>} : memref<80x128xf32, #tpu.memory_space<vmem>>, vector<1x16xf32>,
          %get3A_553 = vector.shape_cast %get3A_552 : vector<1x16xf32> to vector<16xf32>
          %mul3A_554 = arith.mulf %get3A_553, %broadcast_in_dim3A_479 : vector<16xf32>
          %swap3A_555 = arith.index_cast %add3A_476 : i32 to index
          %swap3A_556 = arith.constant 112 : index
          %swap3A_557 = tpu.vector_load %arg16[%swap3A_555, %swap3A_556] {strides = array<i32>} : memref<80x128xf32, #tpu.memory_space<vmem>>, vector<1x16xf32>,
          %swap3A_558 = vector.shape_cast %swap3A_557 : vector<1x16xf32> to vector<16xf32>
          %swap3A_559 = vector.shape_cast %mul3A_554 : vector<16xf32> to vector<1x16xf32>
          tpu.vector_store %arg16[%swap3A_555, %swap3A_556], %swap3A_559 {strides = array<i32>} : memref<80x128xf32, #tpu.memory_space<vmem>>, vector<1x16xf32>,
          %mul3A_560 = arith.constant 16 : i32
          %mul3A_561 = arith.muli %scan3A_208, %mul3A_560 : i32
          %add3A_562 = arith.constant 4 : i32
          %add3A_563 = arith.addi %mul3A_561, %add3A_562 : i32
          %slice3A_564 = vector.extract_strided_slice %get3A_213 {offsets = [4], sizes = [1], strides = [1]} : vector<16xf32> to vector<1xf32>
          %squeeze3A_565 = vector.extract %slice3A_564[0] : f32 from vector<1xf32>
          %broadcast_in_dim3A_566 = vector.broadcast %squeeze3A_565 : f32 to vector<16xf32>
          %get3A_567 = arith.index_cast %add3A_563 : i32 to index
          %get3A_568 = arith.constant 0 : index
          %get3A_569 = tpu.vector_load %arg16[%get3A_567, %get3A_568] {strides = array<i32>} : memref<80x128xf32, #tpu.memory_space<vmem>>, vector<1x16xf32>,
          %get3A_570 = vector.shape_cast %get3A_569 : vector<1x16xf32> to vector<16xf32>
          %mul3A_571 = arith.mulf %get3A_570, %broadcast_in_dim3A_566 : vector<16xf32>
          %swap3A_572 = arith.index_cast %add3A_563 : i32 to index
          %swap3A_573 = arith.constant 0 : index
          %swap3A_574 = tpu.vector_load %arg16[%swap3A_572, %swap3A_573] {strides = array<i32>} : memref<80x128xf32, #tpu.memory_space<vmem>>, vector<1x16xf32>,
          %swap3A_575 = vector.shape_cast %swap3A_574 : vector<1x16xf32> to vector<16xf32>
          %swap3A_576 = vector.shape_cast %mul3A_571 : vector<16xf32> to vector<1x16xf32>
          tpu.vector_store %arg16[%swap3A_572, %swap3A_573], %swap3A_576 {strides = array<i32>} : memref<80x128xf32, #tpu.memory_space<vmem>>, vector<1x16xf32>,
          %get3A_577 = arith.index_cast %add3A_563 : i32 to index
          %get3A_578 = arith.constant 16 : index
          %get3A_579 = tpu.vector_load %arg16[%get3A_577, %get3A_578] {strides = array<i32>} : memref<80x128xf32, #tpu.memory_space<vmem>>, vector<1x16xf32>,
          %get3A_580 = vector.shape_cast %get3A_579 : vector<1x16xf32> to vector<16xf32>
          %mul3A_581 = arith.mulf %get3A_580, %broadcast_in_dim3A_566 : vector<16xf32>
          %swap3A_582 = arith.index_cast %add3A_563 : i32 to index
          %swap3A_583 = arith.constant 16 : index
          %swap3A_584 = tpu.vector_load %arg16[%swap3A_582, %swap3A_583] {strides = array<i32>} : memref<80x128xf32, #tpu.memory_space<vmem>>, vector<1x16xf32>,
          %swap3A_585 = vector.shape_cast %swap3A_584 : vector<1x16xf32> to vector<16xf32>
          %swap3A_586 = vector.shape_cast %mul3A_581 : vector<16xf32> to vector<1x16xf32>
          tpu.vector_store %arg16[%swap3A_582, %swap3A_583], %swap3A_586 {strides = array<i32>} : memref<80x128xf32, #tpu.memory_space<vmem>>, vector<1x16xf32>,
          %get3A_587 = arith.index_cast %add3A_563 : i32 to index
          %get3A_588 = arith.constant 32 : index
          %get3A_589 = tpu.vector_load %arg16[%get3A_587, %get3A_588] {strides = array<i32>} : memref<80x128xf32, #tpu.memory_space<vmem>>, vector<1x16xf32>,
          %get3A_590 = vector.shape_cast %get3A_589 : vector<1x16xf32> to vector<16xf32>
          %mul3A_591 = arith.mulf %get3A_590, %broadcast_in_dim3A_566 : vector<16xf32>
          %swap3A_592 = arith.index_cast %add3A_563 : i32 to index
          %swap3A_593 = arith.constant 32 : index
          %swap3A_594 = tpu.vector_load %arg16[%swap3A_592, %swap3A_593] {strides = array<i32>} : memref<80x128xf32, #tpu.memory_space<vmem>>, vector<1x16xf32>,
          %swap3A_595 = vector.shape_cast %swap3A_594 : vector<1x16xf32> to vector<16xf32>
          %swap3A_596 = vector.shape_cast %mul3A_591 : vector<16xf32> to vector<1x16xf32>
          tpu.vector_store %arg16[%swap3A_592, %swap3A_593], %swap3A_596 {strides = array<i32>} : memref<80x128xf32, #tpu.memory_space<vmem>>, vector<1x16xf32>,
          %get3A_597 = arith.index_cast %add3A_563 : i32 to index
          %get3A_598 = arith.constant 48 : index
          %get3A_599 = tpu.vector_load %arg16[%get3A_597, %get3A_598] {strides = array<i32>} : memref<80x128xf32, #tpu.memory_space<vmem>>, vector<1x16xf32>,
          %get3A_600 = vector.shape_cast %get3A_599 : vector<1x16xf32> to vector<16xf32>
          %mul3A_601 = arith.mulf %get3A_600, %broadcast_in_dim3A_566 : vector<16xf32>
          %swap3A_602 = arith.index_cast %add3A_563 : i32 to index
          %swap3A_603 = arith.constant 48 : index
          %swap3A_604 = tpu.vector_load %arg16[%swap3A_602, %swap3A_603] {strides = array<i32>} : memref<80x128xf32, #tpu.memory_space<vmem>>, vector<1x16xf32>,
          %swap3A_605 = vector.shape_cast %swap3A_604 : vector<1x16xf32> to vector<16xf32>
          %swap3A_606 = vector.shape_cast %mul3A_601 : vector<16xf32> to vector<1x16xf32>
          tpu.vector_store %arg16[%swap3A_602, %swap3A_603], %swap3A_606 {strides = array<i32>} : memref<80x128xf32, #tpu.memory_space<vmem>>, vector<1x16xf32>,
          %get3A_607 = arith.index_cast %add3A_563 : i32 to index
          %get3A_608 = arith.constant 64 : index
          %get3A_609 = tpu.vector_load %arg16[%get3A_607, %get3A_608] {strides = array<i32>} : memref<80x128xf32, #tpu.memory_space<vmem>>, vector<1x16xf32>,
          %get3A_610 = vector.shape_cast %get3A_609 : vector<1x16xf32> to vector<16xf32>
          %mul3A_611 = arith.mulf %get3A_610, %broadcast_in_dim3A_566 : vector<16xf32>
          %swap3A_612 = arith.index_cast %add3A_563 : i32 to index
          %swap3A_613 = arith.constant 64 : index
          %swap3A_614 = tpu.vector_load %arg16[%swap3A_612, %swap3A_613] {strides = array<i32>} : memref<80x128xf32, #tpu.memory_space<vmem>>, vector<1x16xf32>,
          %swap3A_615 = vector.shape_cast %swap3A_614 : vector<1x16xf32> to vector<16xf32>
          %swap3A_616 = vector.shape_cast %mul3A_611 : vector<16xf32> to vector<1x16xf32>
          tpu.vector_store %arg16[%swap3A_612, %swap3A_613], %swap3A_616 {strides = array<i32>} : memref<80x128xf32, #tpu.memory_space<vmem>>, vector<1x16xf32>,
          %get3A_617 = arith.index_cast %add3A_563 : i32 to index
          %get3A_618 = arith.constant 80 : index
          %get3A_619 = tpu.vector_load %arg16[%get3A_617, %get3A_618] {strides = array<i32>} : memref<80x128xf32, #tpu.memory_space<vmem>>, vector<1x16xf32>,
          %get3A_620 = vector.shape_cast %get3A_619 : vector<1x16xf32> to vector<16xf32>
          %mul3A_621 = arith.mulf %get3A_620, %broadcast_in_dim3A_566 : vector<16xf32>
          %swap3A_622 = arith.index_cast %add3A_563 : i32 to index
          %swap3A_623 = arith.constant 80 : index
          %swap3A_624 = tpu.vector_load %arg16[%swap3A_622, %swap3A_623] {strides = array<i32>} : memref<80x128xf32, #tpu.memory_space<vmem>>, vector<1x16xf32>,
          %swap3A_625 = vector.shape_cast %swap3A_624 : vector<1x16xf32> to vector<16xf32>
          %swap3A_626 = vector.shape_cast %mul3A_621 : vector<16xf32> to vector<1x16xf32>
          tpu.vector_store %arg16[%swap3A_622, %swap3A_623], %swap3A_626 {strides = array<i32>} : memref<80x128xf32, #tpu.memory_space<vmem>>, vector<1x16xf32>,
          %get3A_627 = arith.index_cast %add3A_563 : i32 to index
          %get3A_628 = arith.constant 96 : index
          %get3A_629 = tpu.vector_load %arg16[%get3A_627, %get3A_628] {strides = array<i32>} : memref<80x128xf32, #tpu.memory_space<vmem>>, vector<1x16xf32>,
          %get3A_630 = vector.shape_cast %get3A_629 : vector<1x16xf32> to vector<16xf32>
          %mul3A_631 = arith.mulf %get3A_630, %broadcast_in_dim3A_566 : vector<16xf32>
          %swap3A_632 = arith.index_cast %add3A_563 : i32 to index
          %swap3A_633 = arith.constant 96 : index
          %swap3A_634 = tpu.vector_load %arg16[%swap3A_632, %swap3A_633] {strides = array<i32>} : memref<80x128xf32, #tpu.memory_space<vmem>>, vector<1x16xf32>,
          %swap3A_635 = vector.shape_cast %swap3A_634 : vector<1x16xf32> to vector<16xf32>
          %swap3A_636 = vector.shape_cast %mul3A_631 : vector<16xf32> to vector<1x16xf32>
          tpu.vector_store %arg16[%swap3A_632, %swap3A_633], %swap3A_636 {strides = array<i32>} : memref<80x128xf32, #tpu.memory_space<vmem>>, vector<1x16xf32>,
          %get3A_637 = arith.index_cast %add3A_563 : i32 to index
          %get3A_638 = arith.constant 112 : index
          %get3A_639 = tpu.vector_load %arg16[%get3A_637, %get3A_638] {strides = array<i32>} : memref<80x128xf32, #tpu.memory_space<vmem>>, vector<1x16xf32>,
          %get3A_640 = vector.shape_cast %get3A_639 : vector<1x16xf32> to vector<16xf32>
          %mul3A_641 = arith.mulf %get3A_640, %broadcast_in_dim3A_566 : vector<16xf32>
          %swap3A_642 = arith.index_cast %add3A_563 : i32 to index
          %swap3A_643 = arith.constant 112 : index
          %swap3A_644 = tpu.vector_load %arg16[%swap3A_642, %swap3A_643] {strides = array<i32>} : memref<80x128xf32, #tpu.memory_space<vmem>>, vector<1x16xf32>,
          %swap3A_645 = vector.shape_cast %swap3A_644 : vector<1x16xf32> to vector<16xf32>
          %swap3A_646 = vector.shape_cast %mul3A_641 : vector<16xf32> to vector<1x16xf32>
          tpu.vector_store %arg16[%swap3A_642, %swap3A_643], %swap3A_646 {strides = array<i32>} : memref<80x128xf32, #tpu.memory_space<vmem>>, vector<1x16xf32>,
          %mul3A_647 = arith.constant 16 : i32
          %mul3A_648 = arith.muli %scan3A_208, %mul3A_647 : i32
          %add3A_649 = arith.constant 5 : i32
          %add3A_650 = arith.addi %mul3A_648, %add3A_649 : i32
          %slice3A_651 = vector.extract_strided_slice %get3A_213 {offsets = [5], sizes = [1], strides = [1]} : vector<16xf32> to vector<1xf32>
          %squeeze3A_652 = vector.extract %slice3A_651[0] : f32 from vector<1xf32>
          %broadcast_in_dim3A_653 = vector.broadcast %squeeze3A_652 : f32 to vector<16xf32>
          %get3A_654 = arith.index_cast %add3A_650 : i32 to index
          %get3A_655 = arith.constant 0 : index
          %get3A_656 = tpu.vector_load %arg16[%get3A_654, %get3A_655] {strides = array<i32>} : memref<80x128xf32, #tpu.memory_space<vmem>>, vector<1x16xf32>,
          %get3A_657 = vector.shape_cast %get3A_656 : vector<1x16xf32> to vector<16xf32>
          %mul3A_658 = arith.mulf %get3A_657, %broadcast_in_dim3A_653 : vector<16xf32>
          %swap3A_659 = arith.index_cast %add3A_650 : i32 to index
          %swap3A_660 = arith.constant 0 : index
          %swap3A_661 = tpu.vector_load %arg16[%swap3A_659, %swap3A_660] {strides = array<i32>} : memref<80x128xf32, #tpu.memory_space<vmem>>, vector<1x16xf32>,
          %swap3A_662 = vector.shape_cast %swap3A_661 : vector<1x16xf32> to vector<16xf32>
          %swap3A_663 = vector.shape_cast %mul3A_658 : vector<16xf32> to vector<1x16xf32>
          tpu.vector_store %arg16[%swap3A_659, %swap3A_660], %swap3A_663 {strides = array<i32>} : memref<80x128xf32, #tpu.memory_space<vmem>>, vector<1x16xf32>,
          %get3A_664 = arith.index_cast %add3A_650 : i32 to index
          %get3A_665 = arith.constant 16 : index
          %get3A_666 = tpu.vector_load %arg16[%get3A_664, %get3A_665] {strides = array<i32>} : memref<80x128xf32, #tpu.memory_space<vmem>>, vector<1x16xf32>,
          %get3A_667 = vector.shape_cast %get3A_666 : vector<1x16xf32> to vector<16xf32>
          %mul3A_668 = arith.mulf %get3A_667, %broadcast_in_dim3A_653 : vector<16xf32>
          %swap3A_669 = arith.index_cast %add3A_650 : i32 to index
          %swap3A_670 = arith.constant 16 : index
          %swap3A_671 = tpu.vector_load %arg16[%swap3A_669, %swap3A_670] {strides = array<i32>} : memref<80x128xf32, #tpu.memory_space<vmem>>, vector<1x16xf32>,
          %swap3A_672 = vector.shape_cast %swap3A_671 : vector<1x16xf32> to vector<16xf32>
          %swap3A_673 = vector.shape_cast %mul3A_668 : vector<16xf32> to vector<1x16xf32>
          tpu.vector_store %arg16[%swap3A_669, %swap3A_670], %swap3A_673 {strides = array<i32>} : memref<80x128xf32, #tpu.memory_space<vmem>>, vector<1x16xf32>,
          %get3A_674 = arith.index_cast %add3A_650 : i32 to index
          %get3A_675 = arith.constant 32 : index
          %get3A_676 = tpu.vector_load %arg16[%get3A_674, %get3A_675] {strides = array<i32>} : memref<80x128xf32, #tpu.memory_space<vmem>>, vector<1x16xf32>,
          %get3A_677 = vector.shape_cast %get3A_676 : vector<1x16xf32> to vector<16xf32>
          %mul3A_678 = arith.mulf %get3A_677, %broadcast_in_dim3A_653 : vector<16xf32>
          %swap3A_679 = arith.index_cast %add3A_650 : i32 to index
          %swap3A_680 = arith.constant 32 : index
          %swap3A_681 = tpu.vector_load %arg16[%swap3A_679, %swap3A_680] {strides = array<i32>} : memref<80x128xf32, #tpu.memory_space<vmem>>, vector<1x16xf32>,
          %swap3A_682 = vector.shape_cast %swap3A_681 : vector<1x16xf32> to vector<16xf32>
          %swap3A_683 = vector.shape_cast %mul3A_678 : vector<16xf32> to vector<1x16xf32>
          tpu.vector_store %arg16[%swap3A_679, %swap3A_680], %swap3A_683 {strides = array<i32>} : memref<80x128xf32, #tpu.memory_space<vmem>>, vector<1x16xf32>,
          %get3A_684 = arith.index_cast %add3A_650 : i32 to index
          %get3A_685 = arith.constant 48 : index
          %get3A_686 = tpu.vector_load %arg16[%get3A_684, %get3A_685] {strides = array<i32>} : memref<80x128xf32, #tpu.memory_space<vmem>>, vector<1x16xf32>,
          %get3A_687 = vector.shape_cast %get3A_686 : vector<1x16xf32> to vector<16xf32>
          %mul3A_688 = arith.mulf %get3A_687, %broadcast_in_dim3A_653 : vector<16xf32>
          %swap3A_689 = arith.index_cast %add3A_650 : i32 to index
          %swap3A_690 = arith.constant 48 : index
          %swap3A_691 = tpu.vector_load %arg16[%swap3A_689, %swap3A_690] {strides = array<i32>} : memref<80x128xf32, #tpu.memory_space<vmem>>, vector<1x16xf32>,
          %swap3A_692 = vector.shape_cast %swap3A_691 : vector<1x16xf32> to vector<16xf32>
          %swap3A_693 = vector.shape_cast %mul3A_688 : vector<16xf32> to vector<1x16xf32>
          tpu.vector_store %arg16[%swap3A_689, %swap3A_690], %swap3A_693 {strides = array<i32>} : memref<80x128xf32, #tpu.memory_space<vmem>>, vector<1x16xf32>,
          %get3A_694 = arith.index_cast %add3A_650 : i32 to index
          %get3A_695 = arith.constant 64 : index
          %get3A_696 = tpu.vector_load %arg16[%get3A_694, %get3A_695] {strides = array<i32>} : memref<80x128xf32, #tpu.memory_space<vmem>>, vector<1x16xf32>,
          %get3A_697 = vector.shape_cast %get3A_696 : vector<1x16xf32> to vector<16xf32>
          %mul3A_698 = arith.mulf %get3A_697, %broadcast_in_dim3A_653 : vector<16xf32>
          %swap3A_699 = arith.index_cast %add3A_650 : i32 to index
          %swap3A_700 = arith.constant 64 : index
          %swap3A_701 = tpu.vector_load %arg16[%swap3A_699, %swap3A_700] {strides = array<i32>} : memref<80x128xf32, #tpu.memory_space<vmem>>, vector<1x16xf32>,
          %swap3A_702 = vector.shape_cast %swap3A_701 : vector<1x16xf32> to vector<16xf32>
          %swap3A_703 = vector.shape_cast %mul3A_698 : vector<16xf32> to vector<1x16xf32>
          tpu.vector_store %arg16[%swap3A_699, %swap3A_700], %swap3A_703 {strides = array<i32>} : memref<80x128xf32, #tpu.memory_space<vmem>>, vector<1x16xf32>,
          %get3A_704 = arith.index_cast %add3A_650 : i32 to index
          %get3A_705 = arith.constant 80 : index
          %get3A_706 = tpu.vector_load %arg16[%get3A_704, %get3A_705] {strides = array<i32>} : memref<80x128xf32, #tpu.memory_space<vmem>>, vector<1x16xf32>,
          %get3A_707 = vector.shape_cast %get3A_706 : vector<1x16xf32> to vector<16xf32>
          %mul3A_708 = arith.mulf %get3A_707, %broadcast_in_dim3A_653 : vector<16xf32>
          %swap3A_709 = arith.index_cast %add3A_650 : i32 to index
          %swap3A_710 = arith.constant 80 : index
          %swap3A_711 = tpu.vector_load %arg16[%swap3A_709, %swap3A_710] {strides = array<i32>} : memref<80x128xf32, #tpu.memory_space<vmem>>, vector<1x16xf32>,
          %swap3A_712 = vector.shape_cast %swap3A_711 : vector<1x16xf32> to vector<16xf32>
          %swap3A_713 = vector.shape_cast %mul3A_708 : vector<16xf32> to vector<1x16xf32>
          tpu.vector_store %arg16[%swap3A_709, %swap3A_710], %swap3A_713 {strides = array<i32>} : memref<80x128xf32, #tpu.memory_space<vmem>>, vector<1x16xf32>,
          %get3A_714 = arith.index_cast %add3A_650 : i32 to index
          %get3A_715 = arith.constant 96 : index
          %get3A_716 = tpu.vector_load %arg16[%get3A_714, %get3A_715] {strides = array<i32>} : memref<80x128xf32, #tpu.memory_space<vmem>>, vector<1x16xf32>,
          %get3A_717 = vector.shape_cast %get3A_716 : vector<1x16xf32> to vector<16xf32>
          %mul3A_718 = arith.mulf %get3A_717, %broadcast_in_dim3A_653 : vector<16xf32>
          %swap3A_719 = arith.index_cast %add3A_650 : i32 to index
          %swap3A_720 = arith.constant 96 : index
          %swap3A_721 = tpu.vector_load %arg16[%swap3A_719, %swap3A_720] {strides = array<i32>} : memref<80x128xf32, #tpu.memory_space<vmem>>, vector<1x16xf32>,
          %swap3A_722 = vector.shape_cast %swap3A_721 : vector<1x16xf32> to vector<16xf32>
          %swap3A_723 = vector.shape_cast %mul3A_718 : vector<16xf32> to vector<1x16xf32>
          tpu.vector_store %arg16[%swap3A_719, %swap3A_720], %swap3A_723 {strides = array<i32>} : memref<80x128xf32, #tpu.memory_space<vmem>>, vector<1x16xf32>,
          %get3A_724 = arith.index_cast %add3A_650 : i32 to index
          %get3A_725 = arith.constant 112 : index
          %get3A_726 = tpu.vector_load %arg16[%get3A_724, %get3A_725] {strides = array<i32>} : memref<80x128xf32, #tpu.memory_space<vmem>>, vector<1x16xf32>,
          %get3A_727 = vector.shape_cast %get3A_726 : vector<1x16xf32> to vector<16xf32>
          %mul3A_728 = arith.mulf %get3A_727, %broadcast_in_dim3A_653 : vector<16xf32>
          %swap3A_729 = arith.index_cast %add3A_650 : i32 to index
          %swap3A_730 = arith.constant 112 : index
          %swap3A_731 = tpu.vector_load %arg16[%swap3A_729, %swap3A_730] {strides = array<i32>} : memref<80x128xf32, #tpu.memory_space<vmem>>, vector<1x16xf32>,
          %swap3A_732 = vector.shape_cast %swap3A_731 : vector<1x16xf32> to vector<16xf32>
          %swap3A_733 = vector.shape_cast %mul3A_728 : vector<16xf32> to vector<1x16xf32>
          tpu.vector_store %arg16[%swap3A_729, %swap3A_730], %swap3A_733 {strides = array<i32>} : memref<80x128xf32, #tpu.memory_space<vmem>>, vector<1x16xf32>,
          %mul3A_734 = arith.constant 16 : i32
          %mul3A_735 = arith.muli %scan3A_208, %mul3A_734 : i32
          %add3A_736 = arith.constant 6 : i32
          %add3A_737 = arith.addi %mul3A_735, %add3A_736 : i32
          %slice3A_738 = vector.extract_strided_slice %get3A_213 {offsets = [6], sizes = [1], strides = [1]} : vector<16xf32> to vector<1xf32>
          %squeeze3A_739 = vector.extract %slice3A_738[0] : f32 from vector<1xf32>
          %broadcast_in_dim3A_740 = vector.broadcast %squeeze3A_739 : f32 to vector<16xf32>
          %get3A_741 = arith.index_cast %add3A_737 : i32 to index
          %get3A_742 = arith.constant 0 : index
          %get3A_743 = tpu.vector_load %arg16[%get3A_741, %get3A_742] {strides = array<i32>} : memref<80x128xf32, #tpu.memory_space<vmem>>, vector<1x16xf32>,
          %get3A_744 = vector.shape_cast %get3A_743 : vector<1x16xf32> to vector<16xf32>
          %mul3A_745 = arith.mulf %get3A_744, %broadcast_in_dim3A_740 : vector<16xf32>
          %swap3A_746 = arith.index_cast %add3A_737 : i32 to index
          %swap3A_747 = arith.constant 0 : index
          %swap3A_748 = tpu.vector_load %arg16[%swap3A_746, %swap3A_747] {strides = array<i32>} : memref<80x128xf32, #tpu.memory_space<vmem>>, vector<1x16xf32>,
          %swap3A_749 = vector.shape_cast %swap3A_748 : vector<1x16xf32> to vector<16xf32>
          %swap3A_750 = vector.shape_cast %mul3A_745 : vector<16xf32> to vector<1x16xf32>
          tpu.vector_store %arg16[%swap3A_746, %swap3A_747], %swap3A_750 {strides = array<i32>} : memref<80x128xf32, #tpu.memory_space<vmem>>, vector<1x16xf32>,
          %get3A_751 = arith.index_cast %add3A_737 : i32 to index
          %get3A_752 = arith.constant 16 : index
          %get3A_753 = tpu.vector_load %arg16[%get3A_751, %get3A_752] {strides = array<i32>} : memref<80x128xf32, #tpu.memory_space<vmem>>, vector<1x16xf32>,
          %get3A_754 = vector.shape_cast %get3A_753 : vector<1x16xf32> to vector<16xf32>
          %mul3A_755 = arith.mulf %get3A_754, %broadcast_in_dim3A_740 : vector<16xf32>
          %swap3A_756 = arith.index_cast %add3A_737 : i32 to index
          %swap3A_757 = arith.constant 16 : index
          %swap3A_758 = tpu.vector_load %arg16[%swap3A_756, %swap3A_757] {strides = array<i32>} : memref<80x128xf32, #tpu.memory_space<vmem>>, vector<1x16xf32>,
          %swap3A_759 = vector.shape_cast %swap3A_758 : vector<1x16xf32> to vector<16xf32>
          %swap3A_760 = vector.shape_cast %mul3A_755 : vector<16xf32> to vector<1x16xf32>
          tpu.vector_store %arg16[%swap3A_756, %swap3A_757], %swap3A_760 {strides = array<i32>} : memref<80x128xf32, #tpu.memory_space<vmem>>, vector<1x16xf32>,
          %get3A_761 = arith.index_cast %add3A_737 : i32 to index
          %get3A_762 = arith.constant 32 : index
          %get3A_763 = tpu.vector_load %arg16[%get3A_761, %get3A_762] {strides = array<i32>} : memref<80x128xf32, #tpu.memory_space<vmem>>, vector<1x16xf32>,
          %get3A_764 = vector.shape_cast %get3A_763 : vector<1x16xf32> to vector<16xf32>
          %mul3A_765 = arith.mulf %get3A_764, %broadcast_in_dim3A_740 : vector<16xf32>
          %swap3A_766 = arith.index_cast %add3A_737 : i32 to index
          %swap3A_767 = arith.constant 32 : index
          %swap3A_768 = tpu.vector_load %arg16[%swap3A_766, %swap3A_767] {strides = array<i32>} : memref<80x128xf32, #tpu.memory_space<vmem>>, vector<1x16xf32>,
          %swap3A_769 = vector.shape_cast %swap3A_768 : vector<1x16xf32> to vector<16xf32>
          %swap3A_770 = vector.shape_cast %mul3A_765 : vector<16xf32> to vector<1x16xf32>
          tpu.vector_store %arg16[%swap3A_766, %swap3A_767], %swap3A_770 {strides = array<i32>} : memref<80x128xf32, #tpu.memory_space<vmem>>, vector<1x16xf32>,
          %get3A_771 = arith.index_cast %add3A_737 : i32 to index
          %get3A_772 = arith.constant 48 : index
          %get3A_773 = tpu.vector_load %arg16[%get3A_771, %get3A_772] {strides = array<i32>} : memref<80x128xf32, #tpu.memory_space<vmem>>, vector<1x16xf32>,
          %get3A_774 = vector.shape_cast %get3A_773 : vector<1x16xf32> to vector<16xf32>
          %mul3A_775 = arith.mulf %get3A_774, %broadcast_in_dim3A_740 : vector<16xf32>
          %swap3A_776 = arith.index_cast %add3A_737 : i32 to index
          %swap3A_777 = arith.constant 48 : index
          %swap3A_778 = tpu.vector_load %arg16[%swap3A_776, %swap3A_777] {strides = array<i32>} : memref<80x128xf32, #tpu.memory_space<vmem>>, vector<1x16xf32>,
          %swap3A_779 = vector.shape_cast %swap3A_778 : vector<1x16xf32> to vector<16xf32>
          %swap3A_780 = vector.shape_cast %mul3A_775 : vector<16xf32> to vector<1x16xf32>
          tpu.vector_store %arg16[%swap3A_776, %swap3A_777], %swap3A_780 {strides = array<i32>} : memref<80x128xf32, #tpu.memory_space<vmem>>, vector<1x16xf32>,
          %get3A_781 = arith.index_cast %add3A_737 : i32 to index
          %get3A_782 = arith.constant 64 : index
          %get3A_783 = tpu.vector_load %arg16[%get3A_781, %get3A_782] {strides = array<i32>} : memref<80x128xf32, #tpu.memory_space<vmem>>, vector<1x16xf32>,
          %get3A_784 = vector.shape_cast %get3A_783 : vector<1x16xf32> to vector<16xf32>
          %mul3A_785 = arith.mulf %get3A_784, %broadcast_in_dim3A_740 : vector<16xf32>
          %swap3A_786 = arith.index_cast %add3A_737 : i32 to index
          %swap3A_787 = arith.constant 64 : index
          %swap3A_788 = tpu.vector_load %arg16[%swap3A_786, %swap3A_787] {strides = array<i32>} : memref<80x128xf32, #tpu.memory_space<vmem>>, vector<1x16xf32>,
          %swap3A_789 = vector.shape_cast %swap3A_788 : vector<1x16xf32> to vector<16xf32>
          %swap3A_790 = vector.shape_cast %mul3A_785 : vector<16xf32> to vector<1x16xf32>
          tpu.vector_store %arg16[%swap3A_786, %swap3A_787], %swap3A_790 {strides = array<i32>} : memref<80x128xf32, #tpu.memory_space<vmem>>, vector<1x16xf32>,
          %get3A_791 = arith.index_cast %add3A_737 : i32 to index
          %get3A_792 = arith.constant 80 : index
          %get3A_793 = tpu.vector_load %arg16[%get3A_791, %get3A_792] {strides = array<i32>} : memref<80x128xf32, #tpu.memory_space<vmem>>, vector<1x16xf32>,
          %get3A_794 = vector.shape_cast %get3A_793 : vector<1x16xf32> to vector<16xf32>
          %mul3A_795 = arith.mulf %get3A_794, %broadcast_in_dim3A_740 : vector<16xf32>
          %swap3A_796 = arith.index_cast %add3A_737 : i32 to index
          %swap3A_797 = arith.constant 80 : index
          %swap3A_798 = tpu.vector_load %arg16[%swap3A_796, %swap3A_797] {strides = array<i32>} : memref<80x128xf32, #tpu.memory_space<vmem>>, vector<1x16xf32>,
          %swap3A_799 = vector.shape_cast %swap3A_798 : vector<1x16xf32> to vector<16xf32>
          %swap3A_800 = vector.shape_cast %mul3A_795 : vector<16xf32> to vector<1x16xf32>
          tpu.vector_store %arg16[%swap3A_796, %swap3A_797], %swap3A_800 {strides = array<i32>} : memref<80x128xf32, #tpu.memory_space<vmem>>, vector<1x16xf32>,
          %get3A_801 = arith.index_cast %add3A_737 : i32 to index
          %get3A_802 = arith.constant 96 : index
          %get3A_803 = tpu.vector_load %arg16[%get3A_801, %get3A_802] {strides = array<i32>} : memref<80x128xf32, #tpu.memory_space<vmem>>, vector<1x16xf32>,
          %get3A_804 = vector.shape_cast %get3A_803 : vector<1x16xf32> to vector<16xf32>
          %mul3A_805 = arith.mulf %get3A_804, %broadcast_in_dim3A_740 : vector<16xf32>
          %swap3A_806 = arith.index_cast %add3A_737 : i32 to index
          %swap3A_807 = arith.constant 96 : index
          %swap3A_808 = tpu.vector_load %arg16[%swap3A_806, %swap3A_807] {strides = array<i32>} : memref<80x128xf32, #tpu.memory_space<vmem>>, vector<1x16xf32>,
          %swap3A_809 = vector.shape_cast %swap3A_808 : vector<1x16xf32> to vector<16xf32>
          %swap3A_810 = vector.shape_cast %mul3A_805 : vector<16xf32> to vector<1x16xf32>
          tpu.vector_store %arg16[%swap3A_806, %swap3A_807], %swap3A_810 {strides = array<i32>} : memref<80x128xf32, #tpu.memory_space<vmem>>, vector<1x16xf32>,
          %get3A_811 = arith.index_cast %add3A_737 : i32 to index
          %get3A_812 = arith.constant 112 : index
          %get3A_813 = tpu.vector_load %arg16[%get3A_811, %get3A_812] {strides = array<i32>} : memref<80x128xf32, #tpu.memory_space<vmem>>, vector<1x16xf32>,
          %get3A_814 = vector.shape_cast %get3A_813 : vector<1x16xf32> to vector<16xf32>
          %mul3A_815 = arith.mulf %get3A_814, %broadcast_in_dim3A_740 : vector<16xf32>
          %swap3A_816 = arith.index_cast %add3A_737 : i32 to index
          %swap3A_817 = arith.constant 112 : index
          %swap3A_818 = tpu.vector_load %arg16[%swap3A_816, %swap3A_817] {strides = array<i32>} : memref<80x128xf32, #tpu.memory_space<vmem>>, vector<1x16xf32>,
          %swap3A_819 = vector.shape_cast %swap3A_818 : vector<1x16xf32> to vector<16xf32>
          %swap3A_820 = vector.shape_cast %mul3A_815 : vector<16xf32> to vector<1x16xf32>
          tpu.vector_store %arg16[%swap3A_816, %swap3A_817], %swap3A_820 {strides = array<i32>} : memref<80x128xf32, #tpu.memory_space<vmem>>, vector<1x16xf32>,
          %mul3A_821 = arith.constant 16 : i32
          %mul3A_822 = arith.muli %scan3A_208, %mul3A_821 : i32
          %add3A_823 = arith.constant 7 : i32
          %add3A_824 = arith.addi %mul3A_822, %add3A_823 : i32
          %slice3A_825 = vector.extract_strided_slice %get3A_213 {offsets = [7], sizes = [1], strides = [1]} : vector<16xf32> to vector<1xf32>
          %squeeze3A_826 = vector.extract %slice3A_825[0] : f32 from vector<1xf32>
          %broadcast_in_dim3A_827 = vector.broadcast %squeeze3A_826 : f32 to vector<16xf32>
          %get3A_828 = arith.index_cast %add3A_824 : i32 to index
          %get3A_829 = arith.constant 0 : index
          %get3A_830 = tpu.vector_load %arg16[%get3A_828, %get3A_829] {strides = array<i32>} : memref<80x128xf32, #tpu.memory_space<vmem>>, vector<1x16xf32>,
          %get3A_831 = vector.shape_cast %get3A_830 : vector<1x16xf32> to vector<16xf32>
          %mul3A_832 = arith.mulf %get3A_831, %broadcast_in_dim3A_827 : vector<16xf32>
          %swap3A_833 = arith.index_cast %add3A_824 : i32 to index
          %swap3A_834 = arith.constant 0 : index
          %swap3A_835 = tpu.vector_load %arg16[%swap3A_833, %swap3A_834] {strides = array<i32>} : memref<80x128xf32, #tpu.memory_space<vmem>>, vector<1x16xf32>,
          %swap3A_836 = vector.shape_cast %swap3A_835 : vector<1x16xf32> to vector<16xf32>
          %swap3A_837 = vector.shape_cast %mul3A_832 : vector<16xf32> to vector<1x16xf32>
          tpu.vector_store %arg16[%swap3A_833, %swap3A_834], %swap3A_837 {strides = array<i32>} : memref<80x128xf32, #tpu.memory_space<vmem>>, vector<1x16xf32>,
          %get3A_838 = arith.index_cast %add3A_824 : i32 to index
          %get3A_839 = arith.constant 16 : index
          %get3A_840 = tpu.vector_load %arg16[%get3A_838, %get3A_839] {strides = array<i32>} : memref<80x128xf32, #tpu.memory_space<vmem>>, vector<1x16xf32>,
          %get3A_841 = vector.shape_cast %get3A_840 : vector<1x16xf32> to vector<16xf32>
          %mul3A_842 = arith.mulf %get3A_841, %broadcast_in_dim3A_827 : vector<16xf32>
          %swap3A_843 = arith.index_cast %add3A_824 : i32 to index
          %swap3A_844 = arith.constant 16 : index
          %swap3A_845 = tpu.vector_load %arg16[%swap3A_843, %swap3A_844] {strides = array<i32>} : memref<80x128xf32, #tpu.memory_space<vmem>>, vector<1x16xf32>,
          %swap3A_846 = vector.shape_cast %swap3A_845 : vector<1x16xf32> to vector<16xf32>
          %swap3A_847 = vector.shape_cast %mul3A_842 : vector<16xf32> to vector<1x16xf32>
          tpu.vector_store %arg16[%swap3A_843, %swap3A_844], %swap3A_847 {strides = array<i32>} : memref<80x128xf32, #tpu.memory_space<vmem>>, vector<1x16xf32>,
          %get3A_848 = arith.index_cast %add3A_824 : i32 to index
          %get3A_849 = arith.constant 32 : index
          %get3A_850 = tpu.vector_load %arg16[%get3A_848, %get3A_849] {strides = array<i32>} : memref<80x128xf32, #tpu.memory_space<vmem>>, vector<1x16xf32>,
          %get3A_851 = vector.shape_cast %get3A_850 : vector<1x16xf32> to vector<16xf32>
          %mul3A_852 = arith.mulf %get3A_851, %broadcast_in_dim3A_827 : vector<16xf32>
          %swap3A_853 = arith.index_cast %add3A_824 : i32 to index
          %swap3A_854 = arith.constant 32 : index
          %swap3A_855 = tpu.vector_load %arg16[%swap3A_853, %swap3A_854] {strides = array<i32>} : memref<80x128xf32, #tpu.memory_space<vmem>>, vector<1x16xf32>,
          %swap3A_856 = vector.shape_cast %swap3A_855 : vector<1x16xf32> to vector<16xf32>
          %swap3A_857 = vector.shape_cast %mul3A_852 : vector<16xf32> to vector<1x16xf32>
          tpu.vector_store %arg16[%swap3A_853, %swap3A_854], %swap3A_857 {strides = array<i32>} : memref<80x128xf32, #tpu.memory_space<vmem>>, vector<1x16xf32>,
          %get3A_858 = arith.index_cast %add3A_824 : i32 to index
          %get3A_859 = arith.constant 48 : index
          %get3A_860 = tpu.vector_load %arg16[%get3A_858, %get3A_859] {strides = array<i32>} : memref<80x128xf32, #tpu.memory_space<vmem>>, vector<1x16xf32>,
          %get3A_861 = vector.shape_cast %get3A_860 : vector<1x16xf32> to vector<16xf32>
          %mul3A_862 = arith.mulf %get3A_861, %broadcast_in_dim3A_827 : vector<16xf32>
          %swap3A_863 = arith.index_cast %add3A_824 : i32 to index
          %swap3A_864 = arith.constant 48 : index
          %swap3A_865 = tpu.vector_load %arg16[%swap3A_863, %swap3A_864] {strides = array<i32>} : memref<80x128xf32, #tpu.memory_space<vmem>>, vector<1x16xf32>,
          %swap3A_866 = vector.shape_cast %swap3A_865 : vector<1x16xf32> to vector<16xf32>
          %swap3A_867 = vector.shape_cast %mul3A_862 : vector<16xf32> to vector<1x16xf32>
          tpu.vector_store %arg16[%swap3A_863, %swap3A_864], %swap3A_867 {strides = array<i32>} : memref<80x128xf32, #tpu.memory_space<vmem>>, vector<1x16xf32>,
          %get3A_868 = arith.index_cast %add3A_824 : i32 to index
          %get3A_869 = arith.constant 64 : index
          %get3A_870 = tpu.vector_load %arg16[%get3A_868, %get3A_869] {strides = array<i32>} : memref<80x128xf32, #tpu.memory_space<vmem>>, vector<1x16xf32>,
          %get3A_871 = vector.shape_cast %get3A_870 : vector<1x16xf32> to vector<16xf32>
          %mul3A_872 = arith.mulf %get3A_871, %broadcast_in_dim3A_827 : vector<16xf32>
          %swap3A_873 = arith.index_cast %add3A_824 : i32 to index
          %swap3A_874 = arith.constant 64 : index
          %swap3A_875 = tpu.vector_load %arg16[%swap3A_873, %swap3A_874] {strides = array<i32>} : memref<80x128xf32, #tpu.memory_space<vmem>>, vector<1x16xf32>,
          %swap3A_876 = vector.shape_cast %swap3A_875 : vector<1x16xf32> to vector<16xf32>
          %swap3A_877 = vector.shape_cast %mul3A_872 : vector<16xf32> to vector<1x16xf32>
          tpu.vector_store %arg16[%swap3A_873, %swap3A_874], %swap3A_877 {strides = array<i32>} : memref<80x128xf32, #tpu.memory_space<vmem>>, vector<1x16xf32>,
          %get3A_878 = arith.index_cast %add3A_824 : i32 to index
          %get3A_879 = arith.constant 80 : index
          %get3A_880 = tpu.vector_load %arg16[%get3A_878, %get3A_879] {strides = array<i32>} : memref<80x128xf32, #tpu.memory_space<vmem>>, vector<1x16xf32>,
          %get3A_881 = vector.shape_cast %get3A_880 : vector<1x16xf32> to vector<16xf32>
          %mul3A_882 = arith.mulf %get3A_881, %broadcast_in_dim3A_827 : vector<16xf32>
          %swap3A_883 = arith.index_cast %add3A_824 : i32 to index
          %swap3A_884 = arith.constant 80 : index
          %swap3A_885 = tpu.vector_load %arg16[%swap3A_883, %swap3A_884] {strides = array<i32>} : memref<80x128xf32, #tpu.memory_space<vmem>>, vector<1x16xf32>,
          %swap3A_886 = vector.shape_cast %swap3A_885 : vector<1x16xf32> to vector<16xf32>
          %swap3A_887 = vector.shape_cast %mul3A_882 : vector<16xf32> to vector<1x16xf32>
          tpu.vector_store %arg16[%swap3A_883, %swap3A_884], %swap3A_887 {strides = array<i32>} : memref<80x128xf32, #tpu.memory_space<vmem>>, vector<1x16xf32>,
          %get3A_888 = arith.index_cast %add3A_824 : i32 to index
          %get3A_889 = arith.constant 96 : index
          %get3A_890 = tpu.vector_load %arg16[%get3A_888, %get3A_889] {strides = array<i32>} : memref<80x128xf32, #tpu.memory_space<vmem>>, vector<1x16xf32>,
          %get3A_891 = vector.shape_cast %get3A_890 : vector<1x16xf32> to vector<16xf32>
          %mul3A_892 = arith.mulf %get3A_891, %broadcast_in_dim3A_827 : vector<16xf32>
          %swap3A_893 = arith.index_cast %add3A_824 : i32 to index
          %swap3A_894 = arith.constant 96 : index
          %swap3A_895 = tpu.vector_load %arg16[%swap3A_893, %swap3A_894] {strides = array<i32>} : memref<80x128xf32, #tpu.memory_space<vmem>>, vector<1x16xf32>,
          %swap3A_896 = vector.shape_cast %swap3A_895 : vector<1x16xf32> to vector<16xf32>
          %swap3A_897 = vector.shape_cast %mul3A_892 : vector<16xf32> to vector<1x16xf32>
          tpu.vector_store %arg16[%swap3A_893, %swap3A_894], %swap3A_897 {strides = array<i32>} : memref<80x128xf32, #tpu.memory_space<vmem>>, vector<1x16xf32>,
          %get3A_898 = arith.index_cast %add3A_824 : i32 to index
          %get3A_899 = arith.constant 112 : index
          %get3A_900 = tpu.vector_load %arg16[%get3A_898, %get3A_899] {strides = array<i32>} : memref<80x128xf32, #tpu.memory_space<vmem>>, vector<1x16xf32>,
          %get3A_901 = vector.shape_cast %get3A_900 : vector<1x16xf32> to vector<16xf32>
          %mul3A_902 = arith.mulf %get3A_901, %broadcast_in_dim3A_827 : vector<16xf32>
          %swap3A_903 = arith.index_cast %add3A_824 : i32 to index
          %swap3A_904 = arith.constant 112 : index
          %swap3A_905 = tpu.vector_load %arg16[%swap3A_903, %swap3A_904] {strides = array<i32>} : memref<80x128xf32, #tpu.memory_space<vmem>>, vector<1x16xf32>,
          %swap3A_906 = vector.shape_cast %swap3A_905 : vector<1x16xf32> to vector<16xf32>
          %swap3A_907 = vector.shape_cast %mul3A_902 : vector<16xf32> to vector<1x16xf32>
          tpu.vector_store %arg16[%swap3A_903, %swap3A_904], %swap3A_907 {strides = array<i32>} : memref<80x128xf32, #tpu.memory_space<vmem>>, vector<1x16xf32>,
          %mul3A_908 = arith.constant 16 : i32
          %mul3A_909 = arith.muli %scan3A_208, %mul3A_908 : i32
          %add3A_910 = arith.constant 8 : i32
          %add3A_911 = arith.addi %mul3A_909, %add3A_910 : i32
          %slice3A_912 = vector.extract_strided_slice %get3A_213 {offsets = [8], sizes = [1], strides = [1]} : vector<16xf32> to vector<1xf32>
          %squeeze3A_913 = vector.extract %slice3A_912[0] : f32 from vector<1xf32>
          %broadcast_in_dim3A_914 = vector.broadcast %squeeze3A_913 : f32 to vector<16xf32>
          %get3A_915 = arith.index_cast %add3A_911 : i32 to index
          %get3A_916 = arith.constant 0 : index
          %get3A_917 = tpu.vector_load %arg16[%get3A_915, %get3A_916] {strides = array<i32>} : memref<80x128xf32, #tpu.memory_space<vmem>>, vector<1x16xf32>,
          %get3A_918 = vector.shape_cast %get3A_917 : vector<1x16xf32> to vector<16xf32>
          %mul3A_919 = arith.mulf %get3A_918, %broadcast_in_dim3A_914 : vector<16xf32>
          %swap3A_920 = arith.index_cast %add3A_911 : i32 to index
          %swap3A_921 = arith.constant 0 : index
          %swap3A_922 = tpu.vector_load %arg16[%swap3A_920, %swap3A_921] {strides = array<i32>} : memref<80x128xf32, #tpu.memory_space<vmem>>, vector<1x16xf32>,
          %swap3A_923 = vector.shape_cast %swap3A_922 : vector<1x16xf32> to vector<16xf32>
          %swap3A_924 = vector.shape_cast %mul3A_919 : vector<16xf32> to vector<1x16xf32>
          tpu.vector_store %arg16[%swap3A_920, %swap3A_921], %swap3A_924 {strides = array<i32>} : memref<80x128xf32, #tpu.memory_space<vmem>>, vector<1x16xf32>,
          %get3A_925 = arith.index_cast %add3A_911 : i32 to index
          %get3A_926 = arith.constant 16 : index
          %get3A_927 = tpu.vector_load %arg16[%get3A_925, %get3A_926] {strides = array<i32>} : memref<80x128xf32, #tpu.memory_space<vmem>>, vector<1x16xf32>,
          %get3A_928 = vector.shape_cast %get3A_927 : vector<1x16xf32> to vector<16xf32>
          %mul3A_929 = arith.mulf %get3A_928, %broadcast_in_dim3A_914 : vector<16xf32>
          %swap3A_930 = arith.index_cast %add3A_911 : i32 to index
          %swap3A_931 = arith.constant 16 : index
          %swap3A_932 = tpu.vector_load %arg16[%swap3A_930, %swap3A_931] {strides = array<i32>} : memref<80x128xf32, #tpu.memory_space<vmem>>, vector<1x16xf32>,
          %swap3A_933 = vector.shape_cast %swap3A_932 : vector<1x16xf32> to vector<16xf32>
          %swap3A_934 = vector.shape_cast %mul3A_929 : vector<16xf32> to vector<1x16xf32>
          tpu.vector_store %arg16[%swap3A_930, %swap3A_931], %swap3A_934 {strides = array<i32>} : memref<80x128xf32, #tpu.memory_space<vmem>>, vector<1x16xf32>,
          %get3A_935 = arith.index_cast %add3A_911 : i32 to index
          %get3A_936 = arith.constant 32 : index
          %get3A_937 = tpu.vector_load %arg16[%get3A_935, %get3A_936] {strides = array<i32>} : memref<80x128xf32, #tpu.memory_space<vmem>>, vector<1x16xf32>,
          %get3A_938 = vector.shape_cast %get3A_937 : vector<1x16xf32> to vector<16xf32>
          %mul3A_939 = arith.mulf %get3A_938, %broadcast_in_dim3A_914 : vector<16xf32>
          %swap3A_940 = arith.index_cast %add3A_911 : i32 to index
          %swap3A_941 = arith.constant 32 : index
          %swap3A_942 = tpu.vector_load %arg16[%swap3A_940, %swap3A_941] {strides = array<i32>} : memref<80x128xf32, #tpu.memory_space<vmem>>, vector<1x16xf32>,
          %swap3A_943 = vector.shape_cast %swap3A_942 : vector<1x16xf32> to vector<16xf32>
          %swap3A_944 = vector.shape_cast %mul3A_939 : vector<16xf32> to vector<1x16xf32>
          tpu.vector_store %arg16[%swap3A_940, %swap3A_941], %swap3A_944 {strides = array<i32>} : memref<80x128xf32, #tpu.memory_space<vmem>>, vector<1x16xf32>,
          %get3A_945 = arith.index_cast %add3A_911 : i32 to index
          %get3A_946 = arith.constant 48 : index
          %get3A_947 = tpu.vector_load %arg16[%get3A_945, %get3A_946] {strides = array<i32>} : memref<80x128xf32, #tpu.memory_space<vmem>>, vector<1x16xf32>,
          %get3A_948 = vector.shape_cast %get3A_947 : vector<1x16xf32> to vector<16xf32>
          %mul3A_949 = arith.mulf %get3A_948, %broadcast_in_dim3A_914 : vector<16xf32>
          %swap3A_950 = arith.index_cast %add3A_911 : i32 to index
          %swap3A_951 = arith.constant 48 : index
          %swap3A_952 = tpu.vector_load %arg16[%swap3A_950, %swap3A_951] {strides = array<i32>} : memref<80x128xf32, #tpu.memory_space<vmem>>, vector<1x16xf32>,
          %swap3A_953 = vector.shape_cast %swap3A_952 : vector<1x16xf32> to vector<16xf32>
          %swap3A_954 = vector.shape_cast %mul3A_949 : vector<16xf32> to vector<1x16xf32>
          tpu.vector_store %arg16[%swap3A_950, %swap3A_951], %swap3A_954 {strides = array<i32>} : memref<80x128xf32, #tpu.memory_space<vmem>>, vector<1x16xf32>,
          %get3A_955 = arith.index_cast %add3A_911 : i32 to index
          %get3A_956 = arith.constant 64 : index
          %get3A_957 = tpu.vector_load %arg16[%get3A_955, %get3A_956] {strides = array<i32>} : memref<80x128xf32, #tpu.memory_space<vmem>>, vector<1x16xf32>,
          %get3A_958 = vector.shape_cast %get3A_957 : vector<1x16xf32> to vector<16xf32>
          %mul3A_959 = arith.mulf %get3A_958, %broadcast_in_dim3A_914 : vector<16xf32>
          %swap3A_960 = arith.index_cast %add3A_911 : i32 to index
          %swap3A_961 = arith.constant 64 : index
          %swap3A_962 = tpu.vector_load %arg16[%swap3A_960, %swap3A_961] {strides = array<i32>} : memref<80x128xf32, #tpu.memory_space<vmem>>, vector<1x16xf32>,
          %swap3A_963 = vector.shape_cast %swap3A_962 : vector<1x16xf32> to vector<16xf32>
          %swap3A_964 = vector.shape_cast %mul3A_959 : vector<16xf32> to vector<1x16xf32>
          tpu.vector_store %arg16[%swap3A_960, %swap3A_961], %swap3A_964 {strides = array<i32>} : memref<80x128xf32, #tpu.memory_space<vmem>>, vector<1x16xf32>,
          %get3A_965 = arith.index_cast %add3A_911 : i32 to index
          %get3A_966 = arith.constant 80 : index
          %get3A_967 = tpu.vector_load %arg16[%get3A_965, %get3A_966] {strides = array<i32>} : memref<80x128xf32, #tpu.memory_space<vmem>>, vector<1x16xf32>,
          %get3A_968 = vector.shape_cast %get3A_967 : vector<1x16xf32> to vector<16xf32>
          %mul3A_969 = arith.mulf %get3A_968, %broadcast_in_dim3A_914 : vector<16xf32>
          %swap3A_970 = arith.index_cast %add3A_911 : i32 to index
          %swap3A_971 = arith.constant 80 : index
          %swap3A_972 = tpu.vector_load %arg16[%swap3A_970, %swap3A_971] {strides = array<i32>} : memref<80x128xf32, #tpu.memory_space<vmem>>, vector<1x16xf32>,
          %swap3A_973 = vector.shape_cast %swap3A_972 : vector<1x16xf32> to vector<16xf32>
          %swap3A_974 = vector.shape_cast %mul3A_969 : vector<16xf32> to vector<1x16xf32>
          tpu.vector_store %arg16[%swap3A_970, %swap3A_971], %swap3A_974 {strides = array<i32>} : memref<80x128xf32, #tpu.memory_space<vmem>>, vector<1x16xf32>,
          %get3A_975 = arith.index_cast %add3A_911 : i32 to index
          %get3A_976 = arith.constant 96 : index
          %get3A_977 = tpu.vector_load %arg16[%get3A_975, %get3A_976] {strides = array<i32>} : memref<80x128xf32, #tpu.memory_space<vmem>>, vector<1x16xf32>,
          %get3A_978 = vector.shape_cast %get3A_977 : vector<1x16xf32> to vector<16xf32>
          %mul3A_979 = arith.mulf %get3A_978, %broadcast_in_dim3A_914 : vector<16xf32>
          %swap3A_980 = arith.index_cast %add3A_911 : i32 to index
          %swap3A_981 = arith.constant 96 : index
          %swap3A_982 = tpu.vector_load %arg16[%swap3A_980, %swap3A_981] {strides = array<i32>} : memref<80x128xf32, #tpu.memory_space<vmem>>, vector<1x16xf32>,
          %swap3A_983 = vector.shape_cast %swap3A_982 : vector<1x16xf32> to vector<16xf32>
          %swap3A_984 = vector.shape_cast %mul3A_979 : vector<16xf32> to vector<1x16xf32>
          tpu.vector_store %arg16[%swap3A_980, %swap3A_981], %swap3A_984 {strides = array<i32>} : memref<80x128xf32, #tpu.memory_space<vmem>>, vector<1x16xf32>,
          %get3A_985 = arith.index_cast %add3A_911 : i32 to index
          %get3A_986 = arith.constant 112 : index
          %get3A_987 = tpu.vector_load %arg16[%get3A_985, %get3A_986] {strides = array<i32>} : memref<80x128xf32, #tpu.memory_space<vmem>>, vector<1x16xf32>,
          %get3A_988 = vector.shape_cast %get3A_987 : vector<1x16xf32> to vector<16xf32>
          %mul3A_989 = arith.mulf %get3A_988, %broadcast_in_dim3A_914 : vector<16xf32>
          %swap3A_990 = arith.index_cast %add3A_911 : i32 to index
          %swap3A_991 = arith.constant 112 : index
          %swap3A_992 = tpu.vector_load %arg16[%swap3A_990, %swap3A_991] {strides = array<i32>} : memref<80x128xf32, #tpu.memory_space<vmem>>, vector<1x16xf32>,
          %swap3A_993 = vector.shape_cast %swap3A_992 : vector<1x16xf32> to vector<16xf32>
          %swap3A_994 = vector.shape_cast %mul3A_989 : vector<16xf32> to vector<1x16xf32>
          tpu.vector_store %arg16[%swap3A_990, %swap3A_991], %swap3A_994 {strides = array<i32>} : memref<80x128xf32, #tpu.memory_space<vmem>>, vector<1x16xf32>,
          %mul3A_995 = arith.constant 16 : i32
          %mul3A_996 = arith.muli %scan3A_208, %mul3A_995 : i32
          %add3A_997 = arith.constant 9 : i32
          %add3A_998 = arith.addi %mul3A_996, %add3A_997 : i32
          %slice3A_999 = vector.extract_strided_slice %get3A_213 {offsets = [9], sizes = [1], strides = [1]} : vector<16xf32> to vector<1xf32>
          %squeeze3A_1000 = vector.extract %slice3A_999[0] : f32 from vector<1xf32>
          %broadcast_in_dim3A_1001 = vector.broadcast %squeeze3A_1000 : f32 to vector<16xf32>
          %get3A_1002 = arith.index_cast %add3A_998 : i32 to index
          %get3A_1003 = arith.constant 0 : index
          %get3A_1004 = tpu.vector_load %arg16[%get3A_1002, %get3A_1003] {strides = array<i32>} : memref<80x128xf32, #tpu.memory_space<vmem>>, vector<1x16xf32>,
          %get3A_1005 = vector.shape_cast %get3A_1004 : vector<1x16xf32> to vector<16xf32>
          %mul3A_1006 = arith.mulf %get3A_1005, %broadcast_in_dim3A_1001 : vector<16xf32>
          %swap3A_1007 = arith.index_cast %add3A_998 : i32 to index
          %swap3A_1008 = arith.constant 0 : index
          %swap3A_1009 = tpu.vector_load %arg16[%swap3A_1007, %swap3A_1008] {strides = array<i32>} : memref<80x128xf32, #tpu.memory_space<vmem>>, vector<1x16xf32>,
          %swap3A_1010 = vector.shape_cast %swap3A_1009 : vector<1x16xf32> to vector<16xf32>
          %swap3A_1011 = vector.shape_cast %mul3A_1006 : vector<16xf32> to vector<1x16xf32>
          tpu.vector_store %arg16[%swap3A_1007, %swap3A_1008], %swap3A_1011 {strides = array<i32>} : memref<80x128xf32, #tpu.memory_space<vmem>>, vector<1x16xf32>,
          %get3A_1012 = arith.index_cast %add3A_998 : i32 to index
          %get3A_1013 = arith.constant 16 : index
          %get3A_1014 = tpu.vector_load %arg16[%get3A_1012, %get3A_1013] {strides = array<i32>} : memref<80x128xf32, #tpu.memory_space<vmem>>, vector<1x16xf32>,
          %get3A_1015 = vector.shape_cast %get3A_1014 : vector<1x16xf32> to vector<16xf32>
          %mul3A_1016 = arith.mulf %get3A_1015, %broadcast_in_dim3A_1001 : vector<16xf32>
          %swap3A_1017 = arith.index_cast %add3A_998 : i32 to index
          %swap3A_1018 = arith.constant 16 : index
          %swap3A_1019 = tpu.vector_load %arg16[%swap3A_1017, %swap3A_1018] {strides = array<i32>} : memref<80x128xf32, #tpu.memory_space<vmem>>, vector<1x16xf32>,
          %swap3A_1020 = vector.shape_cast %swap3A_1019 : vector<1x16xf32> to vector<16xf32>
          %swap3A_1021 = vector.shape_cast %mul3A_1016 : vector<16xf32> to vector<1x16xf32>
          tpu.vector_store %arg16[%swap3A_1017, %swap3A_1018], %swap3A_1021 {strides = array<i32>} : memref<80x128xf32, #tpu.memory_space<vmem>>, vector<1x16xf32>,
          %get3A_1022 = arith.index_cast %add3A_998 : i32 to index
          %get3A_1023 = arith.constant 32 : index
          %get3A_1024 = tpu.vector_load %arg16[%get3A_1022, %get3A_1023] {strides = array<i32>} : memref<80x128xf32, #tpu.memory_space<vmem>>, vector<1x16xf32>,
          %get3A_1025 = vector.shape_cast %get3A_1024 : vector<1x16xf32> to vector<16xf32>
          %mul3A_1026 = arith.mulf %get3A_1025, %broadcast_in_dim3A_1001 : vector<16xf32>
          %swap3A_1027 = arith.index_cast %add3A_998 : i32 to index
          %swap3A_1028 = arith.constant 32 : index
          %swap3A_1029 = tpu.vector_load %arg16[%swap3A_1027, %swap3A_1028] {strides = array<i32>} : memref<80x128xf32, #tpu.memory_space<vmem>>, vector<1x16xf32>,
          %swap3A_1030 = vector.shape_cast %swap3A_1029 : vector<1x16xf32> to vector<16xf32>
          %swap3A_1031 = vector.shape_cast %mul3A_1026 : vector<16xf32> to vector<1x16xf32>
          tpu.vector_store %arg16[%swap3A_1027, %swap3A_1028], %swap3A_1031 {strides = array<i32>} : memref<80x128xf32, #tpu.memory_space<vmem>>, vector<1x16xf32>,
          %get3A_1032 = arith.index_cast %add3A_998 : i32 to index
          %get3A_1033 = arith.constant 48 : index
          %get3A_1034 = tpu.vector_load %arg16[%get3A_1032, %get3A_1033] {strides = array<i32>} : memref<80x128xf32, #tpu.memory_space<vmem>>, vector<1x16xf32>,
          %get3A_1035 = vector.shape_cast %get3A_1034 : vector<1x16xf32> to vector<16xf32>
          %mul3A_1036 = arith.mulf %get3A_1035, %broadcast_in_dim3A_1001 : vector<16xf32>
          %swap3A_1037 = arith.index_cast %add3A_998 : i32 to index
          %swap3A_1038 = arith.constant 48 : index
          %swap3A_1039 = tpu.vector_load %arg16[%swap3A_1037, %swap3A_1038] {strides = array<i32>} : memref<80x128xf32, #tpu.memory_space<vmem>>, vector<1x16xf32>,
          %swap3A_1040 = vector.shape_cast %swap3A_1039 : vector<1x16xf32> to vector<16xf32>
          %swap3A_1041 = vector.shape_cast %mul3A_1036 : vector<16xf32> to vector<1x16xf32>
          tpu.vector_store %arg16[%swap3A_1037, %swap3A_1038], %swap3A_1041 {strides = array<i32>} : memref<80x128xf32, #tpu.memory_space<vmem>>, vector<1x16xf32>,
          %get3A_1042 = arith.index_cast %add3A_998 : i32 to index
          %get3A_1043 = arith.constant 64 : index
          %get3A_1044 = tpu.vector_load %arg16[%get3A_1042, %get3A_1043] {strides = array<i32>} : memref<80x128xf32, #tpu.memory_space<vmem>>, vector<1x16xf32>,
          %get3A_1045 = vector.shape_cast %get3A_1044 : vector<1x16xf32> to vector<16xf32>
          %mul3A_1046 = arith.mulf %get3A_1045, %broadcast_in_dim3A_1001 : vector<16xf32>
          %swap3A_1047 = arith.index_cast %add3A_998 : i32 to index
          %swap3A_1048 = arith.constant 64 : index
          %swap3A_1049 = tpu.vector_load %arg16[%swap3A_1047, %swap3A_1048] {strides = array<i32>} : memref<80x128xf32, #tpu.memory_space<vmem>>, vector<1x16xf32>,
          %swap3A_1050 = vector.shape_cast %swap3A_1049 : vector<1x16xf32> to vector<16xf32>
          %swap3A_1051 = vector.shape_cast %mul3A_1046 : vector<16xf32> to vector<1x16xf32>
          tpu.vector_store %arg16[%swap3A_1047, %swap3A_1048], %swap3A_1051 {strides = array<i32>} : memref<80x128xf32, #tpu.memory_space<vmem>>, vector<1x16xf32>,
          %get3A_1052 = arith.index_cast %add3A_998 : i32 to index
          %get3A_1053 = arith.constant 80 : index
          %get3A_1054 = tpu.vector_load %arg16[%get3A_1052, %get3A_1053] {strides = array<i32>} : memref<80x128xf32, #tpu.memory_space<vmem>>, vector<1x16xf32>,
          %get3A_1055 = vector.shape_cast %get3A_1054 : vector<1x16xf32> to vector<16xf32>
          %mul3A_1056 = arith.mulf %get3A_1055, %broadcast_in_dim3A_1001 : vector<16xf32>
          %swap3A_1057 = arith.index_cast %add3A_998 : i32 to index
          %swap3A_1058 = arith.constant 80 : index
          %swap3A_1059 = tpu.vector_load %arg16[%swap3A_1057, %swap3A_1058] {strides = array<i32>} : memref<80x128xf32, #tpu.memory_space<vmem>>, vector<1x16xf32>,
          %swap3A_1060 = vector.shape_cast %swap3A_1059 : vector<1x16xf32> to vector<16xf32>
          %swap3A_1061 = vector.shape_cast %mul3A_1056 : vector<16xf32> to vector<1x16xf32>
          tpu.vector_store %arg16[%swap3A_1057, %swap3A_1058], %swap3A_1061 {strides = array<i32>} : memref<80x128xf32, #tpu.memory_space<vmem>>, vector<1x16xf32>,
          %get3A_1062 = arith.index_cast %add3A_998 : i32 to index
          %get3A_1063 = arith.constant 96 : index
          %get3A_1064 = tpu.vector_load %arg16[%get3A_1062, %get3A_1063] {strides = array<i32>} : memref<80x128xf32, #tpu.memory_space<vmem>>, vector<1x16xf32>,
          %get3A_1065 = vector.shape_cast %get3A_1064 : vector<1x16xf32> to vector<16xf32>
          %mul3A_1066 = arith.mulf %get3A_1065, %broadcast_in_dim3A_1001 : vector<16xf32>
          %swap3A_1067 = arith.index_cast %add3A_998 : i32 to index
          %swap3A_1068 = arith.constant 96 : index
          %swap3A_1069 = tpu.vector_load %arg16[%swap3A_1067, %swap3A_1068] {strides = array<i32>} : memref<80x128xf32, #tpu.memory_space<vmem>>, vector<1x16xf32>,
          %swap3A_1070 = vector.shape_cast %swap3A_1069 : vector<1x16xf32> to vector<16xf32>
          %swap3A_1071 = vector.shape_cast %mul3A_1066 : vector<16xf32> to vector<1x16xf32>
          tpu.vector_store %arg16[%swap3A_1067, %swap3A_1068], %swap3A_1071 {strides = array<i32>} : memref<80x128xf32, #tpu.memory_space<vmem>>, vector<1x16xf32>,
          %get3A_1072 = arith.index_cast %add3A_998 : i32 to index
          %get3A_1073 = arith.constant 112 : index
          %get3A_1074 = tpu.vector_load %arg16[%get3A_1072, %get3A_1073] {strides = array<i32>} : memref<80x128xf32, #tpu.memory_space<vmem>>, vector<1x16xf32>,
          %get3A_1075 = vector.shape_cast %get3A_1074 : vector<1x16xf32> to vector<16xf32>
          %mul3A_1076 = arith.mulf %get3A_1075, %broadcast_in_dim3A_1001 : vector<16xf32>
          %swap3A_1077 = arith.index_cast %add3A_998 : i32 to index
          %swap3A_1078 = arith.constant 112 : index
          %swap3A_1079 = tpu.vector_load %arg16[%swap3A_1077, %swap3A_1078] {strides = array<i32>} : memref<80x128xf32, #tpu.memory_space<vmem>>, vector<1x16xf32>,
          %swap3A_1080 = vector.shape_cast %swap3A_1079 : vector<1x16xf32> to vector<16xf32>
          %swap3A_1081 = vector.shape_cast %mul3A_1076 : vector<16xf32> to vector<1x16xf32>
          tpu.vector_store %arg16[%swap3A_1077, %swap3A_1078], %swap3A_1081 {strides = array<i32>} : memref<80x128xf32, #tpu.memory_space<vmem>>, vector<1x16xf32>,
          %mul3A_1082 = arith.constant 16 : i32
          %mul3A_1083 = arith.muli %scan3A_208, %mul3A_1082 : i32
          %add3A_1084 = arith.constant 10 : i32
          %add3A_1085 = arith.addi %mul3A_1083, %add3A_1084 : i32
          %slice3A_1086 = vector.extract_strided_slice %get3A_213 {offsets = [10], sizes = [1], strides = [1]} : vector<16xf32> to vector<1xf32>
          %squeeze3A_1087 = vector.extract %slice3A_1086[0] : f32 from vector<1xf32>
          %broadcast_in_dim3A_1088 = vector.broadcast %squeeze3A_1087 : f32 to vector<16xf32>
          %get3A_1089 = arith.index_cast %add3A_1085 : i32 to index
          %get3A_1090 = arith.constant 0 : index
          %get3A_1091 = tpu.vector_load %arg16[%get3A_1089, %get3A_1090] {strides = array<i32>} : memref<80x128xf32, #tpu.memory_space<vmem>>, vector<1x16xf32>,
          %get3A_1092 = vector.shape_cast %get3A_1091 : vector<1x16xf32> to vector<16xf32>
          %mul3A_1093 = arith.mulf %get3A_1092, %broadcast_in_dim3A_1088 : vector<16xf32>
          %swap3A_1094 = arith.index_cast %add3A_1085 : i32 to index
          %swap3A_1095 = arith.constant 0 : index
          %swap3A_1096 = tpu.vector_load %arg16[%swap3A_1094, %swap3A_1095] {strides = array<i32>} : memref<80x128xf32, #tpu.memory_space<vmem>>, vector<1x16xf32>,
          %swap3A_1097 = vector.shape_cast %swap3A_1096 : vector<1x16xf32> to vector<16xf32>
          %swap3A_1098 = vector.shape_cast %mul3A_1093 : vector<16xf32> to vector<1x16xf32>
          tpu.vector_store %arg16[%swap3A_1094, %swap3A_1095], %swap3A_1098 {strides = array<i32>} : memref<80x128xf32, #tpu.memory_space<vmem>>, vector<1x16xf32>,
          %get3A_1099 = arith.index_cast %add3A_1085 : i32 to index
          %get3A_1100 = arith.constant 16 : index
          %get3A_1101 = tpu.vector_load %arg16[%get3A_1099, %get3A_1100] {strides = array<i32>} : memref<80x128xf32, #tpu.memory_space<vmem>>, vector<1x16xf32>,
          %get3A_1102 = vector.shape_cast %get3A_1101 : vector<1x16xf32> to vector<16xf32>
          %mul3A_1103 = arith.mulf %get3A_1102, %broadcast_in_dim3A_1088 : vector<16xf32>
          %swap3A_1104 = arith.index_cast %add3A_1085 : i32 to index
          %swap3A_1105 = arith.constant 16 : index
          %swap3A_1106 = tpu.vector_load %arg16[%swap3A_1104, %swap3A_1105] {strides = array<i32>} : memref<80x128xf32, #tpu.memory_space<vmem>>, vector<1x16xf32>,
          %swap3A_1107 = vector.shape_cast %swap3A_1106 : vector<1x16xf32> to vector<16xf32>
          %swap3A_1108 = vector.shape_cast %mul3A_1103 : vector<16xf32> to vector<1x16xf32>
          tpu.vector_store %arg16[%swap3A_1104, %swap3A_1105], %swap3A_1108 {strides = array<i32>} : memref<80x128xf32, #tpu.memory_space<vmem>>, vector<1x16xf32>,
          %get3A_1109 = arith.index_cast %add3A_1085 : i32 to index
          %get3A_1110 = arith.constant 32 : index
          %get3A_1111 = tpu.vector_load %arg16[%get3A_1109, %get3A_1110] {strides = array<i32>} : memref<80x128xf32, #tpu.memory_space<vmem>>, vector<1x16xf32>,
          %get3A_1112 = vector.shape_cast %get3A_1111 : vector<1x16xf32> to vector<16xf32>
          %mul3A_1113 = arith.mulf %get3A_1112, %broadcast_in_dim3A_1088 : vector<16xf32>
          %swap3A_1114 = arith.index_cast %add3A_1085 : i32 to index
          %swap3A_1115 = arith.constant 32 : index
          %swap3A_1116 = tpu.vector_load %arg16[%swap3A_1114, %swap3A_1115] {strides = array<i32>} : memref<80x128xf32, #tpu.memory_space<vmem>>, vector<1x16xf32>,
          %swap3A_1117 = vector.shape_cast %swap3A_1116 : vector<1x16xf32> to vector<16xf32>
          %swap3A_1118 = vector.shape_cast %mul3A_1113 : vector<16xf32> to vector<1x16xf32>
          tpu.vector_store %arg16[%swap3A_1114, %swap3A_1115], %swap3A_1118 {strides = array<i32>} : memref<80x128xf32, #tpu.memory_space<vmem>>, vector<1x16xf32>,
          %get3A_1119 = arith.index_cast %add3A_1085 : i32 to index
          %get3A_1120 = arith.constant 48 : index
          %get3A_1121 = tpu.vector_load %arg16[%get3A_1119, %get3A_1120] {strides = array<i32>} : memref<80x128xf32, #tpu.memory_space<vmem>>, vector<1x16xf32>,
          %get3A_1122 = vector.shape_cast %get3A_1121 : vector<1x16xf32> to vector<16xf32>
          %mul3A_1123 = arith.mulf %get3A_1122, %broadcast_in_dim3A_1088 : vector<16xf32>
          %swap3A_1124 = arith.index_cast %add3A_1085 : i32 to index
          %swap3A_1125 = arith.constant 48 : index
          %swap3A_1126 = tpu.vector_load %arg16[%swap3A_1124, %swap3A_1125] {strides = array<i32>} : memref<80x128xf32, #tpu.memory_space<vmem>>, vector<1x16xf32>,
          %swap3A_1127 = vector.shape_cast %swap3A_1126 : vector<1x16xf32> to vector<16xf32>
          %swap3A_1128 = vector.shape_cast %mul3A_1123 : vector<16xf32> to vector<1x16xf32>
          tpu.vector_store %arg16[%swap3A_1124, %swap3A_1125], %swap3A_1128 {strides = array<i32>} : memref<80x128xf32, #tpu.memory_space<vmem>>, vector<1x16xf32>,
          %get3A_1129 = arith.index_cast %add3A_1085 : i32 to index
          %get3A_1130 = arith.constant 64 : index
          %get3A_1131 = tpu.vector_load %arg16[%get3A_1129, %get3A_1130] {strides = array<i32>} : memref<80x128xf32, #tpu.memory_space<vmem>>, vector<1x16xf32>,
          %get3A_1132 = vector.shape_cast %get3A_1131 : vector<1x16xf32> to vector<16xf32>
          %mul3A_1133 = arith.mulf %get3A_1132, %broadcast_in_dim3A_1088 : vector<16xf32>
          %swap3A_1134 = arith.index_cast %add3A_1085 : i32 to index
          %swap3A_1135 = arith.constant 64 : index
          %swap3A_1136 = tpu.vector_load %arg16[%swap3A_1134, %swap3A_1135] {strides = array<i32>} : memref<80x128xf32, #tpu.memory_space<vmem>>, vector<1x16xf32>,
          %swap3A_1137 = vector.shape_cast %swap3A_1136 : vector<1x16xf32> to vector<16xf32>
          %swap3A_1138 = vector.shape_cast %mul3A_1133 : vector<16xf32> to vector<1x16xf32>
          tpu.vector_store %arg16[%swap3A_1134, %swap3A_1135], %swap3A_1138 {strides = array<i32>} : memref<80x128xf32, #tpu.memory_space<vmem>>, vector<1x16xf32>,
          %get3A_1139 = arith.index_cast %add3A_1085 : i32 to index
          %get3A_1140 = arith.constant 80 : index
          %get3A_1141 = tpu.vector_load %arg16[%get3A_1139, %get3A_1140] {strides = array<i32>} : memref<80x128xf32, #tpu.memory_space<vmem>>, vector<1x16xf32>,
          %get3A_1142 = vector.shape_cast %get3A_1141 : vector<1x16xf32> to vector<16xf32>
          %mul3A_1143 = arith.mulf %get3A_1142, %broadcast_in_dim3A_1088 : vector<16xf32>
          %swap3A_1144 = arith.index_cast %add3A_1085 : i32 to index
          %swap3A_1145 = arith.constant 80 : index
          %swap3A_1146 = tpu.vector_load %arg16[%swap3A_1144, %swap3A_1145] {strides = array<i32>} : memref<80x128xf32, #tpu.memory_space<vmem>>, vector<1x16xf32>,
          %swap3A_1147 = vector.shape_cast %swap3A_1146 : vector<1x16xf32> to vector<16xf32>
          %swap3A_1148 = vector.shape_cast %mul3A_1143 : vector<16xf32> to vector<1x16xf32>
          tpu.vector_store %arg16[%swap3A_1144, %swap3A_1145], %swap3A_1148 {strides = array<i32>} : memref<80x128xf32, #tpu.memory_space<vmem>>, vector<1x16xf32>,
          %get3A_1149 = arith.index_cast %add3A_1085 : i32 to index
          %get3A_1150 = arith.constant 96 : index
          %get3A_1151 = tpu.vector_load %arg16[%get3A_1149, %get3A_1150] {strides = array<i32>} : memref<80x128xf32, #tpu.memory_space<vmem>>, vector<1x16xf32>,
          %get3A_1152 = vector.shape_cast %get3A_1151 : vector<1x16xf32> to vector<16xf32>
          %mul3A_1153 = arith.mulf %get3A_1152, %broadcast_in_dim3A_1088 : vector<16xf32>
          %swap3A_1154 = arith.index_cast %add3A_1085 : i32 to index
          %swap3A_1155 = arith.constant 96 : index
          %swap3A_1156 = tpu.vector_load %arg16[%swap3A_1154, %swap3A_1155] {strides = array<i32>} : memref<80x128xf32, #tpu.memory_space<vmem>>, vector<1x16xf32>,
          %swap3A_1157 = vector.shape_cast %swap3A_1156 : vector<1x16xf32> to vector<16xf32>
          %swap3A_1158 = vector.shape_cast %mul3A_1153 : vector<16xf32> to vector<1x16xf32>
          tpu.vector_store %arg16[%swap3A_1154, %swap3A_1155], %swap3A_1158 {strides = array<i32>} : memref<80x128xf32, #tpu.memory_space<vmem>>, vector<1x16xf32>,
          %get3A_1159 = arith.index_cast %add3A_1085 : i32 to index
          %get3A_1160 = arith.constant 112 : index
          %get3A_1161 = tpu.vector_load %arg16[%get3A_1159, %get3A_1160] {strides = array<i32>} : memref<80x128xf32, #tpu.memory_space<vmem>>, vector<1x16xf32>,
          %get3A_1162 = vector.shape_cast %get3A_1161 : vector<1x16xf32> to vector<16xf32>
          %mul3A_1163 = arith.mulf %get3A_1162, %broadcast_in_dim3A_1088 : vector<16xf32>
          %swap3A_1164 = arith.index_cast %add3A_1085 : i32 to index
          %swap3A_1165 = arith.constant 112 : index
          %swap3A_1166 = tpu.vector_load %arg16[%swap3A_1164, %swap3A_1165] {strides = array<i32>} : memref<80x128xf32, #tpu.memory_space<vmem>>, vector<1x16xf32>,
          %swap3A_1167 = vector.shape_cast %swap3A_1166 : vector<1x16xf32> to vector<16xf32>
          %swap3A_1168 = vector.shape_cast %mul3A_1163 : vector<16xf32> to vector<1x16xf32>
          tpu.vector_store %arg16[%swap3A_1164, %swap3A_1165], %swap3A_1168 {strides = array<i32>} : memref<80x128xf32, #tpu.memory_space<vmem>>, vector<1x16xf32>,
          %mul3A_1169 = arith.constant 16 : i32
          %mul3A_1170 = arith.muli %scan3A_208, %mul3A_1169 : i32
          %add3A_1171 = arith.constant 11 : i32
          %add3A_1172 = arith.addi %mul3A_1170, %add3A_1171 : i32
          %slice3A_1173 = vector.extract_strided_slice %get3A_213 {offsets = [11], sizes = [1], strides = [1]} : vector<16xf32> to vector<1xf32>
          %squeeze3A_1174 = vector.extract %slice3A_1173[0] : f32 from vector<1xf32>
          %broadcast_in_dim3A_1175 = vector.broadcast %squeeze3A_1174 : f32 to vector<16xf32>
          %get3A_1176 = arith.index_cast %add3A_1172 : i32 to index
          %get3A_1177 = arith.constant 0 : index
          %get3A_1178 = tpu.vector_load %arg16[%get3A_1176, %get3A_1177] {strides = array<i32>} : memref<80x128xf32, #tpu.memory_space<vmem>>, vector<1x16xf32>,
          %get3A_1179 = vector.shape_cast %get3A_1178 : vector<1x16xf32> to vector<16xf32>
          %mul3A_1180 = arith.mulf %get3A_1179, %broadcast_in_dim3A_1175 : vector<16xf32>
          %swap3A_1181 = arith.index_cast %add3A_1172 : i32 to index
          %swap3A_1182 = arith.constant 0 : index
          %swap3A_1183 = tpu.vector_load %arg16[%swap3A_1181, %swap3A_1182] {strides = array<i32>} : memref<80x128xf32, #tpu.memory_space<vmem>>, vector<1x16xf32>,
          %swap3A_1184 = vector.shape_cast %swap3A_1183 : vector<1x16xf32> to vector<16xf32>
          %swap3A_1185 = vector.shape_cast %mul3A_1180 : vector<16xf32> to vector<1x16xf32>
          tpu.vector_store %arg16[%swap3A_1181, %swap3A_1182], %swap3A_1185 {strides = array<i32>} : memref<80x128xf32, #tpu.memory_space<vmem>>, vector<1x16xf32>,
          %get3A_1186 = arith.index_cast %add3A_1172 : i32 to index
          %get3A_1187 = arith.constant 16 : index
          %get3A_1188 = tpu.vector_load %arg16[%get3A_1186, %get3A_1187] {strides = array<i32>} : memref<80x128xf32, #tpu.memory_space<vmem>>, vector<1x16xf32>,
          %get3A_1189 = vector.shape_cast %get3A_1188 : vector<1x16xf32> to vector<16xf32>
          %mul3A_1190 = arith.mulf %get3A_1189, %broadcast_in_dim3A_1175 : vector<16xf32>
          %swap3A_1191 = arith.index_cast %add3A_1172 : i32 to index
          %swap3A_1192 = arith.constant 16 : index
          %swap3A_1193 = tpu.vector_load %arg16[%swap3A_1191, %swap3A_1192] {strides = array<i32>} : memref<80x128xf32, #tpu.memory_space<vmem>>, vector<1x16xf32>,
          %swap3A_1194 = vector.shape_cast %swap3A_1193 : vector<1x16xf32> to vector<16xf32>
          %swap3A_1195 = vector.shape_cast %mul3A_1190 : vector<16xf32> to vector<1x16xf32>
          tpu.vector_store %arg16[%swap3A_1191, %swap3A_1192], %swap3A_1195 {strides = array<i32>} : memref<80x128xf32, #tpu.memory_space<vmem>>, vector<1x16xf32>,
          %get3A_1196 = arith.index_cast %add3A_1172 : i32 to index
          %get3A_1197 = arith.constant 32 : index
          %get3A_1198 = tpu.vector_load %arg16[%get3A_1196, %get3A_1197] {strides = array<i32>} : memref<80x128xf32, #tpu.memory_space<vmem>>, vector<1x16xf32>,
          %get3A_1199 = vector.shape_cast %get3A_1198 : vector<1x16xf32> to vector<16xf32>
          %mul3A_1200 = arith.mulf %get3A_1199, %broadcast_in_dim3A_1175 : vector<16xf32>
          %swap3A_1201 = arith.index_cast %add3A_1172 : i32 to index
          %swap3A_1202 = arith.constant 32 : index
          %swap3A_1203 = tpu.vector_load %arg16[%swap3A_1201, %swap3A_1202] {strides = array<i32>} : memref<80x128xf32, #tpu.memory_space<vmem>>, vector<1x16xf32>,
          %swap3A_1204 = vector.shape_cast %swap3A_1203 : vector<1x16xf32> to vector<16xf32>
          %swap3A_1205 = vector.shape_cast %mul3A_1200 : vector<16xf32> to vector<1x16xf32>
          tpu.vector_store %arg16[%swap3A_1201, %swap3A_1202], %swap3A_1205 {strides = array<i32>} : memref<80x128xf32, #tpu.memory_space<vmem>>, vector<1x16xf32>,
          %get3A_1206 = arith.index_cast %add3A_1172 : i32 to index
          %get3A_1207 = arith.constant 48 : index
          %get3A_1208 = tpu.vector_load %arg16[%get3A_1206, %get3A_1207] {strides = array<i32>} : memref<80x128xf32, #tpu.memory_space<vmem>>, vector<1x16xf32>,
          %get3A_1209 = vector.shape_cast %get3A_1208 : vector<1x16xf32> to vector<16xf32>
          %mul3A_1210 = arith.mulf %get3A_1209, %broadcast_in_dim3A_1175 : vector<16xf32>
          %swap3A_1211 = arith.index_cast %add3A_1172 : i32 to index
          %swap3A_1212 = arith.constant 48 : index
          %swap3A_1213 = tpu.vector_load %arg16[%swap3A_1211, %swap3A_1212] {strides = array<i32>} : memref<80x128xf32, #tpu.memory_space<vmem>>, vector<1x16xf32>,
          %swap3A_1214 = vector.shape_cast %swap3A_1213 : vector<1x16xf32> to vector<16xf32>
          %swap3A_1215 = vector.shape_cast %mul3A_1210 : vector<16xf32> to vector<1x16xf32>
          tpu.vector_store %arg16[%swap3A_1211, %swap3A_1212], %swap3A_1215 {strides = array<i32>} : memref<80x128xf32, #tpu.memory_space<vmem>>, vector<1x16xf32>,
          %get3A_1216 = arith.index_cast %add3A_1172 : i32 to index
          %get3A_1217 = arith.constant 64 : index
          %get3A_1218 = tpu.vector_load %arg16[%get3A_1216, %get3A_1217] {strides = array<i32>} : memref<80x128xf32, #tpu.memory_space<vmem>>, vector<1x16xf32>,
          %get3A_1219 = vector.shape_cast %get3A_1218 : vector<1x16xf32> to vector<16xf32>
          %mul3A_1220 = arith.mulf %get3A_1219, %broadcast_in_dim3A_1175 : vector<16xf32>
          %swap3A_1221 = arith.index_cast %add3A_1172 : i32 to index
          %swap3A_1222 = arith.constant 64 : index
          %swap3A_1223 = tpu.vector_load %arg16[%swap3A_1221, %swap3A_1222] {strides = array<i32>} : memref<80x128xf32, #tpu.memory_space<vmem>>, vector<1x16xf32>,
          %swap3A_1224 = vector.shape_cast %swap3A_1223 : vector<1x16xf32> to vector<16xf32>
          %swap3A_1225 = vector.shape_cast %mul3A_1220 : vector<16xf32> to vector<1x16xf32>
          tpu.vector_store %arg16[%swap3A_1221, %swap3A_1222], %swap3A_1225 {strides = array<i32>} : memref<80x128xf32, #tpu.memory_space<vmem>>, vector<1x16xf32>,
          %get3A_1226 = arith.index_cast %add3A_1172 : i32 to index
          %get3A_1227 = arith.constant 80 : index
          %get3A_1228 = tpu.vector_load %arg16[%get3A_1226, %get3A_1227] {strides = array<i32>} : memref<80x128xf32, #tpu.memory_space<vmem>>, vector<1x16xf32>,
          %get3A_1229 = vector.shape_cast %get3A_1228 : vector<1x16xf32> to vector<16xf32>
          %mul3A_1230 = arith.mulf %get3A_1229, %broadcast_in_dim3A_1175 : vector<16xf32>
          %swap3A_1231 = arith.index_cast %add3A_1172 : i32 to index
          %swap3A_1232 = arith.constant 80 : index
          %swap3A_1233 = tpu.vector_load %arg16[%swap3A_1231, %swap3A_1232] {strides = array<i32>} : memref<80x128xf32, #tpu.memory_space<vmem>>, vector<1x16xf32>,
          %swap3A_1234 = vector.shape_cast %swap3A_1233 : vector<1x16xf32> to vector<16xf32>
          %swap3A_1235 = vector.shape_cast %mul3A_1230 : vector<16xf32> to vector<1x16xf32>
          tpu.vector_store %arg16[%swap3A_1231, %swap3A_1232], %swap3A_1235 {strides = array<i32>} : memref<80x128xf32, #tpu.memory_space<vmem>>, vector<1x16xf32>,
          %get3A_1236 = arith.index_cast %add3A_1172 : i32 to index
          %get3A_1237 = arith.constant 96 : index
          %get3A_1238 = tpu.vector_load %arg16[%get3A_1236, %get3A_1237] {strides = array<i32>} : memref<80x128xf32, #tpu.memory_space<vmem>>, vector<1x16xf32>,
          %get3A_1239 = vector.shape_cast %get3A_1238 : vector<1x16xf32> to vector<16xf32>
          %mul3A_1240 = arith.mulf %get3A_1239, %broadcast_in_dim3A_1175 : vector<16xf32>
          %swap3A_1241 = arith.index_cast %add3A_1172 : i32 to index
          %swap3A_1242 = arith.constant 96 : index
          %swap3A_1243 = tpu.vector_load %arg16[%swap3A_1241, %swap3A_1242] {strides = array<i32>} : memref<80x128xf32, #tpu.memory_space<vmem>>, vector<1x16xf32>,
          %swap3A_1244 = vector.shape_cast %swap3A_1243 : vector<1x16xf32> to vector<16xf32>
          %swap3A_1245 = vector.shape_cast %mul3A_1240 : vector<16xf32> to vector<1x16xf32>
          tpu.vector_store %arg16[%swap3A_1241, %swap3A_1242], %swap3A_1245 {strides = array<i32>} : memref<80x128xf32, #tpu.memory_space<vmem>>, vector<1x16xf32>,
          %get3A_1246 = arith.index_cast %add3A_1172 : i32 to index
          %get3A_1247 = arith.constant 112 : index
          %get3A_1248 = tpu.vector_load %arg16[%get3A_1246, %get3A_1247] {strides = array<i32>} : memref<80x128xf32, #tpu.memory_space<vmem>>, vector<1x16xf32>,
          %get3A_1249 = vector.shape_cast %get3A_1248 : vector<1x16xf32> to vector<16xf32>
          %mul3A_1250 = arith.mulf %get3A_1249, %broadcast_in_dim3A_1175 : vector<16xf32>
          %swap3A_1251 = arith.index_cast %add3A_1172 : i32 to index
          %swap3A_1252 = arith.constant 112 : index
          %swap3A_1253 = tpu.vector_load %arg16[%swap3A_1251, %swap3A_1252] {strides = array<i32>} : memref<80x128xf32, #tpu.memory_space<vmem>>, vector<1x16xf32>,
          %swap3A_1254 = vector.shape_cast %swap3A_1253 : vector<1x16xf32> to vector<16xf32>
          %swap3A_1255 = vector.shape_cast %mul3A_1250 : vector<16xf32> to vector<1x16xf32>
          tpu.vector_store %arg16[%swap3A_1251, %swap3A_1252], %swap3A_1255 {strides = array<i32>} : memref<80x128xf32, #tpu.memory_space<vmem>>, vector<1x16xf32>,
          %mul3A_1256 = arith.constant 16 : i32
          %mul3A_1257 = arith.muli %scan3A_208, %mul3A_1256 : i32
          %add3A_1258 = arith.constant 12 : i32
          %add3A_1259 = arith.addi %mul3A_1257, %add3A_1258 : i32
          %slice3A_1260 = vector.extract_strided_slice %get3A_213 {offsets = [12], sizes = [1], strides = [1]} : vector<16xf32> to vector<1xf32>
          %squeeze3A_1261 = vector.extract %slice3A_1260[0] : f32 from vector<1xf32>
          %broadcast_in_dim3A_1262 = vector.broadcast %squeeze3A_1261 : f32 to vector<16xf32>
          %get3A_1263 = arith.index_cast %add3A_1259 : i32 to index
          %get3A_1264 = arith.constant 0 : index
          %get3A_1265 = tpu.vector_load %arg16[%get3A_1263, %get3A_1264] {strides = array<i32>} : memref<80x128xf32, #tpu.memory_space<vmem>>, vector<1x16xf32>,
          %get3A_1266 = vector.shape_cast %get3A_1265 : vector<1x16xf32> to vector<16xf32>
          %mul3A_1267 = arith.mulf %get3A_1266, %broadcast_in_dim3A_1262 : vector<16xf32>
          %swap3A_1268 = arith.index_cast %add3A_1259 : i32 to index
          %swap3A_1269 = arith.constant 0 : index
          %swap3A_1270 = tpu.vector_load %arg16[%swap3A_1268, %swap3A_1269] {strides = array<i32>} : memref<80x128xf32, #tpu.memory_space<vmem>>, vector<1x16xf32>,
          %swap3A_1271 = vector.shape_cast %swap3A_1270 : vector<1x16xf32> to vector<16xf32>
          %swap3A_1272 = vector.shape_cast %mul3A_1267 : vector<16xf32> to vector<1x16xf32>
          tpu.vector_store %arg16[%swap3A_1268, %swap3A_1269], %swap3A_1272 {strides = array<i32>} : memref<80x128xf32, #tpu.memory_space<vmem>>, vector<1x16xf32>,
          %get3A_1273 = arith.index_cast %add3A_1259 : i32 to index
          %get3A_1274 = arith.constant 16 : index
          %get3A_1275 = tpu.vector_load %arg16[%get3A_1273, %get3A_1274] {strides = array<i32>} : memref<80x128xf32, #tpu.memory_space<vmem>>, vector<1x16xf32>,
          %get3A_1276 = vector.shape_cast %get3A_1275 : vector<1x16xf32> to vector<16xf32>
          %mul3A_1277 = arith.mulf %get3A_1276, %broadcast_in_dim3A_1262 : vector<16xf32>
          %swap3A_1278 = arith.index_cast %add3A_1259 : i32 to index
          %swap3A_1279 = arith.constant 16 : index
          %swap3A_1280 = tpu.vector_load %arg16[%swap3A_1278, %swap3A_1279] {strides = array<i32>} : memref<80x128xf32, #tpu.memory_space<vmem>>, vector<1x16xf32>,
          %swap3A_1281 = vector.shape_cast %swap3A_1280 : vector<1x16xf32> to vector<16xf32>
          %swap3A_1282 = vector.shape_cast %mul3A_1277 : vector<16xf32> to vector<1x16xf32>
          tpu.vector_store %arg16[%swap3A_1278, %swap3A_1279], %swap3A_1282 {strides = array<i32>} : memref<80x128xf32, #tpu.memory_space<vmem>>, vector<1x16xf32>,
          %get3A_1283 = arith.index_cast %add3A_1259 : i32 to index
          %get3A_1284 = arith.constant 32 : index
          %get3A_1285 = tpu.vector_load %arg16[%get3A_1283, %get3A_1284] {strides = array<i32>} : memref<80x128xf32, #tpu.memory_space<vmem>>, vector<1x16xf32>,
          %get3A_1286 = vector.shape_cast %get3A_1285 : vector<1x16xf32> to vector<16xf32>
          %mul3A_1287 = arith.mulf %get3A_1286, %broadcast_in_dim3A_1262 : vector<16xf32>
          %swap3A_1288 = arith.index_cast %add3A_1259 : i32 to index
          %swap3A_1289 = arith.constant 32 : index
          %swap3A_1290 = tpu.vector_load %arg16[%swap3A_1288, %swap3A_1289] {strides = array<i32>} : memref<80x128xf32, #tpu.memory_space<vmem>>, vector<1x16xf32>,
          %swap3A_1291 = vector.shape_cast %swap3A_1290 : vector<1x16xf32> to vector<16xf32>
          %swap3A_1292 = vector.shape_cast %mul3A_1287 : vector<16xf32> to vector<1x16xf32>
          tpu.vector_store %arg16[%swap3A_1288, %swap3A_1289], %swap3A_1292 {strides = array<i32>} : memref<80x128xf32, #tpu.memory_space<vmem>>, vector<1x16xf32>,
          %get3A_1293 = arith.index_cast %add3A_1259 : i32 to index
          %get3A_1294 = arith.constant 48 : index
          %get3A_1295 = tpu.vector_load %arg16[%get3A_1293, %get3A_1294] {strides = array<i32>} : memref<80x128xf32, #tpu.memory_space<vmem>>, vector<1x16xf32>,
          %get3A_1296 = vector.shape_cast %get3A_1295 : vector<1x16xf32> to vector<16xf32>
          %mul3A_1297 = arith.mulf %get3A_1296, %broadcast_in_dim3A_1262 : vector<16xf32>
          %swap3A_1298 = arith.index_cast %add3A_1259 : i32 to index
          %swap3A_1299 = arith.constant 48 : index
          %swap3A_1300 = tpu.vector_load %arg16[%swap3A_1298, %swap3A_1299] {strides = array<i32>} : memref<80x128xf32, #tpu.memory_space<vmem>>, vector<1x16xf32>,
          %swap3A_1301 = vector.shape_cast %swap3A_1300 : vector<1x16xf32> to vector<16xf32>
          %swap3A_1302 = vector.shape_cast %mul3A_1297 : vector<16xf32> to vector<1x16xf32>
          tpu.vector_store %arg16[%swap3A_1298, %swap3A_1299], %swap3A_1302 {strides = array<i32>} : memref<80x128xf32, #tpu.memory_space<vmem>>, vector<1x16xf32>,
          %get3A_1303 = arith.index_cast %add3A_1259 : i32 to index
          %get3A_1304 = arith.constant 64 : index
          %get3A_1305 = tpu.vector_load %arg16[%get3A_1303, %get3A_1304] {strides = array<i32>} : memref<80x128xf32, #tpu.memory_space<vmem>>, vector<1x16xf32>,
          %get3A_1306 = vector.shape_cast %get3A_1305 : vector<1x16xf32> to vector<16xf32>
          %mul3A_1307 = arith.mulf %get3A_1306, %broadcast_in_dim3A_1262 : vector<16xf32>
          %swap3A_1308 = arith.index_cast %add3A_1259 : i32 to index
          %swap3A_1309 = arith.constant 64 : index
          %swap3A_1310 = tpu.vector_load %arg16[%swap3A_1308, %swap3A_1309] {strides = array<i32>} : memref<80x128xf32, #tpu.memory_space<vmem>>, vector<1x16xf32>,
          %swap3A_1311 = vector.shape_cast %swap3A_1310 : vector<1x16xf32> to vector<16xf32>
          %swap3A_1312 = vector.shape_cast %mul3A_1307 : vector<16xf32> to vector<1x16xf32>
          tpu.vector_store %arg16[%swap3A_1308, %swap3A_1309], %swap3A_1312 {strides = array<i32>} : memref<80x128xf32, #tpu.memory_space<vmem>>, vector<1x16xf32>,
          %get3A_1313 = arith.index_cast %add3A_1259 : i32 to index
          %get3A_1314 = arith.constant 80 : index
          %get3A_1315 = tpu.vector_load %arg16[%get3A_1313, %get3A_1314] {strides = array<i32>} : memref<80x128xf32, #tpu.memory_space<vmem>>, vector<1x16xf32>,
          %get3A_1316 = vector.shape_cast %get3A_1315 : vector<1x16xf32> to vector<16xf32>
          %mul3A_1317 = arith.mulf %get3A_1316, %broadcast_in_dim3A_1262 : vector<16xf32>
          %swap3A_1318 = arith.index_cast %add3A_1259 : i32 to index
          %swap3A_1319 = arith.constant 80 : index
          %swap3A_1320 = tpu.vector_load %arg16[%swap3A_1318, %swap3A_1319] {strides = array<i32>} : memref<80x128xf32, #tpu.memory_space<vmem>>, vector<1x16xf32>,
          %swap3A_1321 = vector.shape_cast %swap3A_1320 : vector<1x16xf32> to vector<16xf32>
          %swap3A_1322 = vector.shape_cast %mul3A_1317 : vector<16xf32> to vector<1x16xf32>
          tpu.vector_store %arg16[%swap3A_1318, %swap3A_1319], %swap3A_1322 {strides = array<i32>} : memref<80x128xf32, #tpu.memory_space<vmem>>, vector<1x16xf32>,
          %get3A_1323 = arith.index_cast %add3A_1259 : i32 to index
          %get3A_1324 = arith.constant 96 : index
          %get3A_1325 = tpu.vector_load %arg16[%get3A_1323, %get3A_1324] {strides = array<i32>} : memref<80x128xf32, #tpu.memory_space<vmem>>, vector<1x16xf32>,
          %get3A_1326 = vector.shape_cast %get3A_1325 : vector<1x16xf32> to vector<16xf32>
          %mul3A_1327 = arith.mulf %get3A_1326, %broadcast_in_dim3A_1262 : vector<16xf32>
          %swap3A_1328 = arith.index_cast %add3A_1259 : i32 to index
          %swap3A_1329 = arith.constant 96 : index
          %swap3A_1330 = tpu.vector_load %arg16[%swap3A_1328, %swap3A_1329] {strides = array<i32>} : memref<80x128xf32, #tpu.memory_space<vmem>>, vector<1x16xf32>,
          %swap3A_1331 = vector.shape_cast %swap3A_1330 : vector<1x16xf32> to vector<16xf32>
          %swap3A_1332 = vector.shape_cast %mul3A_1327 : vector<16xf32> to vector<1x16xf32>
          tpu.vector_store %arg16[%swap3A_1328, %swap3A_1329], %swap3A_1332 {strides = array<i32>} : memref<80x128xf32, #tpu.memory_space<vmem>>, vector<1x16xf32>,
          %get3A_1333 = arith.index_cast %add3A_1259 : i32 to index
          %get3A_1334 = arith.constant 112 : index
          %get3A_1335 = tpu.vector_load %arg16[%get3A_1333, %get3A_1334] {strides = array<i32>} : memref<80x128xf32, #tpu.memory_space<vmem>>, vector<1x16xf32>,
          %get3A_1336 = vector.shape_cast %get3A_1335 : vector<1x16xf32> to vector<16xf32>
          %mul3A_1337 = arith.mulf %get3A_1336, %broadcast_in_dim3A_1262 : vector<16xf32>
          %swap3A_1338 = arith.index_cast %add3A_1259 : i32 to index
          %swap3A_1339 = arith.constant 112 : index
          %swap3A_1340 = tpu.vector_load %arg16[%swap3A_1338, %swap3A_1339] {strides = array<i32>} : memref<80x128xf32, #tpu.memory_space<vmem>>, vector<1x16xf32>,
          %swap3A_1341 = vector.shape_cast %swap3A_1340 : vector<1x16xf32> to vector<16xf32>
          %swap3A_1342 = vector.shape_cast %mul3A_1337 : vector<16xf32> to vector<1x16xf32>
          tpu.vector_store %arg16[%swap3A_1338, %swap3A_1339], %swap3A_1342 {strides = array<i32>} : memref<80x128xf32, #tpu.memory_space<vmem>>, vector<1x16xf32>,
          %mul3A_1343 = arith.constant 16 : i32
          %mul3A_1344 = arith.muli %scan3A_208, %mul3A_1343 : i32
          %add3A_1345 = arith.constant 13 : i32
          %add3A_1346 = arith.addi %mul3A_1344, %add3A_1345 : i32
          %slice3A_1347 = vector.extract_strided_slice %get3A_213 {offsets = [13], sizes = [1], strides = [1]} : vector<16xf32> to vector<1xf32>
          %squeeze3A_1348 = vector.extract %slice3A_1347[0] : f32 from vector<1xf32>
          %broadcast_in_dim3A_1349 = vector.broadcast %squeeze3A_1348 : f32 to vector<16xf32>
          %get3A_1350 = arith.index_cast %add3A_1346 : i32 to index
          %get3A_1351 = arith.constant 0 : index
          %get3A_1352 = tpu.vector_load %arg16[%get3A_1350, %get3A_1351] {strides = array<i32>} : memref<80x128xf32, #tpu.memory_space<vmem>>, vector<1x16xf32>,
          %get3A_1353 = vector.shape_cast %get3A_1352 : vector<1x16xf32> to vector<16xf32>
          %mul3A_1354 = arith.mulf %get3A_1353, %broadcast_in_dim3A_1349 : vector<16xf32>
          %swap3A_1355 = arith.index_cast %add3A_1346 : i32 to index
          %swap3A_1356 = arith.constant 0 : index
          %swap3A_1357 = tpu.vector_load %arg16[%swap3A_1355, %swap3A_1356] {strides = array<i32>} : memref<80x128xf32, #tpu.memory_space<vmem>>, vector<1x16xf32>,
          %swap3A_1358 = vector.shape_cast %swap3A_1357 : vector<1x16xf32> to vector<16xf32>
          %swap3A_1359 = vector.shape_cast %mul3A_1354 : vector<16xf32> to vector<1x16xf32>
          tpu.vector_store %arg16[%swap3A_1355, %swap3A_1356], %swap3A_1359 {strides = array<i32>} : memref<80x128xf32, #tpu.memory_space<vmem>>, vector<1x16xf32>,
          %get3A_1360 = arith.index_cast %add3A_1346 : i32 to index
          %get3A_1361 = arith.constant 16 : index
          %get3A_1362 = tpu.vector_load %arg16[%get3A_1360, %get3A_1361] {strides = array<i32>} : memref<80x128xf32, #tpu.memory_space<vmem>>, vector<1x16xf32>,
          %get3A_1363 = vector.shape_cast %get3A_1362 : vector<1x16xf32> to vector<16xf32>
          %mul3A_1364 = arith.mulf %get3A_1363, %broadcast_in_dim3A_1349 : vector<16xf32>
          %swap3A_1365 = arith.index_cast %add3A_1346 : i32 to index
          %swap3A_1366 = arith.constant 16 : index
          %swap3A_1367 = tpu.vector_load %arg16[%swap3A_1365, %swap3A_1366] {strides = array<i32>} : memref<80x128xf32, #tpu.memory_space<vmem>>, vector<1x16xf32>,
          %swap3A_1368 = vector.shape_cast %swap3A_1367 : vector<1x16xf32> to vector<16xf32>
          %swap3A_1369 = vector.shape_cast %mul3A_1364 : vector<16xf32> to vector<1x16xf32>
          tpu.vector_store %arg16[%swap3A_1365, %swap3A_1366], %swap3A_1369 {strides = array<i32>} : memref<80x128xf32, #tpu.memory_space<vmem>>, vector<1x16xf32>,
          %get3A_1370 = arith.index_cast %add3A_1346 : i32 to index
          %get3A_1371 = arith.constant 32 : index
          %get3A_1372 = tpu.vector_load %arg16[%get3A_1370, %get3A_1371] {strides = array<i32>} : memref<80x128xf32, #tpu.memory_space<vmem>>, vector<1x16xf32>,
          %get3A_1373 = vector.shape_cast %get3A_1372 : vector<1x16xf32> to vector<16xf32>
          %mul3A_1374 = arith.mulf %get3A_1373, %broadcast_in_dim3A_1349 : vector<16xf32>
          %swap3A_1375 = arith.index_cast %add3A_1346 : i32 to index
          %swap3A_1376 = arith.constant 32 : index
          %swap3A_1377 = tpu.vector_load %arg16[%swap3A_1375, %swap3A_1376] {strides = array<i32>} : memref<80x128xf32, #tpu.memory_space<vmem>>, vector<1x16xf32>,
          %swap3A_1378 = vector.shape_cast %swap3A_1377 : vector<1x16xf32> to vector<16xf32>
          %swap3A_1379 = vector.shape_cast %mul3A_1374 : vector<16xf32> to vector<1x16xf32>
          tpu.vector_store %arg16[%swap3A_1375, %swap3A_1376], %swap3A_1379 {strides = array<i32>} : memref<80x128xf32, #tpu.memory_space<vmem>>, vector<1x16xf32>,
          %get3A_1380 = arith.index_cast %add3A_1346 : i32 to index
          %get3A_1381 = arith.constant 48 : index
          %get3A_1382 = tpu.vector_load %arg16[%get3A_1380, %get3A_1381] {strides = array<i32>} : memref<80x128xf32, #tpu.memory_space<vmem>>, vector<1x16xf32>,
          %get3A_1383 = vector.shape_cast %get3A_1382 : vector<1x16xf32> to vector<16xf32>
          %mul3A_1384 = arith.mulf %get3A_1383, %broadcast_in_dim3A_1349 : vector<16xf32>
          %swap3A_1385 = arith.index_cast %add3A_1346 : i32 to index
          %swap3A_1386 = arith.constant 48 : index
          %swap3A_1387 = tpu.vector_load %arg16[%swap3A_1385, %swap3A_1386] {strides = array<i32>} : memref<80x128xf32, #tpu.memory_space<vmem>>, vector<1x16xf32>,
          %swap3A_1388 = vector.shape_cast %swap3A_1387 : vector<1x16xf32> to vector<16xf32>
          %swap3A_1389 = vector.shape_cast %mul3A_1384 : vector<16xf32> to vector<1x16xf32>
          tpu.vector_store %arg16[%swap3A_1385, %swap3A_1386], %swap3A_1389 {strides = array<i32>} : memref<80x128xf32, #tpu.memory_space<vmem>>, vector<1x16xf32>,
          %get3A_1390 = arith.index_cast %add3A_1346 : i32 to index
          %get3A_1391 = arith.constant 64 : index
          %get3A_1392 = tpu.vector_load %arg16[%get3A_1390, %get3A_1391] {strides = array<i32>} : memref<80x128xf32, #tpu.memory_space<vmem>>, vector<1x16xf32>,
          %get3A_1393 = vector.shape_cast %get3A_1392 : vector<1x16xf32> to vector<16xf32>
          %mul3A_1394 = arith.mulf %get3A_1393, %broadcast_in_dim3A_1349 : vector<16xf32>
          %swap3A_1395 = arith.index_cast %add3A_1346 : i32 to index
          %swap3A_1396 = arith.constant 64 : index
          %swap3A_1397 = tpu.vector_load %arg16[%swap3A_1395, %swap3A_1396] {strides = array<i32>} : memref<80x128xf32, #tpu.memory_space<vmem>>, vector<1x16xf32>,
          %swap3A_1398 = vector.shape_cast %swap3A_1397 : vector<1x16xf32> to vector<16xf32>
          %swap3A_1399 = vector.shape_cast %mul3A_1394 : vector<16xf32> to vector<1x16xf32>
          tpu.vector_store %arg16[%swap3A_1395, %swap3A_1396], %swap3A_1399 {strides = array<i32>} : memref<80x128xf32, #tpu.memory_space<vmem>>, vector<1x16xf32>,
          %get3A_1400 = arith.index_cast %add3A_1346 : i32 to index
          %get3A_1401 = arith.constant 80 : index
          %get3A_1402 = tpu.vector_load %arg16[%get3A_1400, %get3A_1401] {strides = array<i32>} : memref<80x128xf32, #tpu.memory_space<vmem>>, vector<1x16xf32>,
          %get3A_1403 = vector.shape_cast %get3A_1402 : vector<1x16xf32> to vector<16xf32>
          %mul3A_1404 = arith.mulf %get3A_1403, %broadcast_in_dim3A_1349 : vector<16xf32>
          %swap3A_1405 = arith.index_cast %add3A_1346 : i32 to index
          %swap3A_1406 = arith.constant 80 : index
          %swap3A_1407 = tpu.vector_load %arg16[%swap3A_1405, %swap3A_1406] {strides = array<i32>} : memref<80x128xf32, #tpu.memory_space<vmem>>, vector<1x16xf32>,
          %swap3A_1408 = vector.shape_cast %swap3A_1407 : vector<1x16xf32> to vector<16xf32>
          %swap3A_1409 = vector.shape_cast %mul3A_1404 : vector<16xf32> to vector<1x16xf32>
          tpu.vector_store %arg16[%swap3A_1405, %swap3A_1406], %swap3A_1409 {strides = array<i32>} : memref<80x128xf32, #tpu.memory_space<vmem>>, vector<1x16xf32>,
          %get3A_1410 = arith.index_cast %add3A_1346 : i32 to index
          %get3A_1411 = arith.constant 96 : index
          %get3A_1412 = tpu.vector_load %arg16[%get3A_1410, %get3A_1411] {strides = array<i32>} : memref<80x128xf32, #tpu.memory_space<vmem>>, vector<1x16xf32>,
          %get3A_1413 = vector.shape_cast %get3A_1412 : vector<1x16xf32> to vector<16xf32>
          %mul3A_1414 = arith.mulf %get3A_1413, %broadcast_in_dim3A_1349 : vector<16xf32>
          %swap3A_1415 = arith.index_cast %add3A_1346 : i32 to index
          %swap3A_1416 = arith.constant 96 : index
          %swap3A_1417 = tpu.vector_load %arg16[%swap3A_1415, %swap3A_1416] {strides = array<i32>} : memref<80x128xf32, #tpu.memory_space<vmem>>, vector<1x16xf32>,
          %swap3A_1418 = vector.shape_cast %swap3A_1417 : vector<1x16xf32> to vector<16xf32>
          %swap3A_1419 = vector.shape_cast %mul3A_1414 : vector<16xf32> to vector<1x16xf32>
          tpu.vector_store %arg16[%swap3A_1415, %swap3A_1416], %swap3A_1419 {strides = array<i32>} : memref<80x128xf32, #tpu.memory_space<vmem>>, vector<1x16xf32>,
          %get3A_1420 = arith.index_cast %add3A_1346 : i32 to index
          %get3A_1421 = arith.constant 112 : index
          %get3A_1422 = tpu.vector_load %arg16[%get3A_1420, %get3A_1421] {strides = array<i32>} : memref<80x128xf32, #tpu.memory_space<vmem>>, vector<1x16xf32>,
          %get3A_1423 = vector.shape_cast %get3A_1422 : vector<1x16xf32> to vector<16xf32>
          %mul3A_1424 = arith.mulf %get3A_1423, %broadcast_in_dim3A_1349 : vector<16xf32>
          %swap3A_1425 = arith.index_cast %add3A_1346 : i32 to index
          %swap3A_1426 = arith.constant 112 : index
          %swap3A_1427 = tpu.vector_load %arg16[%swap3A_1425, %swap3A_1426] {strides = array<i32>} : memref<80x128xf32, #tpu.memory_space<vmem>>, vector<1x16xf32>,
          %swap3A_1428 = vector.shape_cast %swap3A_1427 : vector<1x16xf32> to vector<16xf32>
          %swap3A_1429 = vector.shape_cast %mul3A_1424 : vector<16xf32> to vector<1x16xf32>
          tpu.vector_store %arg16[%swap3A_1425, %swap3A_1426], %swap3A_1429 {strides = array<i32>} : memref<80x128xf32, #tpu.memory_space<vmem>>, vector<1x16xf32>,
          %mul3A_1430 = arith.constant 16 : i32
          %mul3A_1431 = arith.muli %scan3A_208, %mul3A_1430 : i32
          %add3A_1432 = arith.constant 14 : i32
          %add3A_1433 = arith.addi %mul3A_1431, %add3A_1432 : i32
          %slice3A_1434 = vector.extract_strided_slice %get3A_213 {offsets = [14], sizes = [1], strides = [1]} : vector<16xf32> to vector<1xf32>
          %squeeze3A_1435 = vector.extract %slice3A_1434[0] : f32 from vector<1xf32>
          %broadcast_in_dim3A_1436 = vector.broadcast %squeeze3A_1435 : f32 to vector<16xf32>
          %get3A_1437 = arith.index_cast %add3A_1433 : i32 to index
          %get3A_1438 = arith.constant 0 : index
          %get3A_1439 = tpu.vector_load %arg16[%get3A_1437, %get3A_1438] {strides = array<i32>} : memref<80x128xf32, #tpu.memory_space<vmem>>, vector<1x16xf32>,
          %get3A_1440 = vector.shape_cast %get3A_1439 : vector<1x16xf32> to vector<16xf32>
          %mul3A_1441 = arith.mulf %get3A_1440, %broadcast_in_dim3A_1436 : vector<16xf32>
          %swap3A_1442 = arith.index_cast %add3A_1433 : i32 to index
          %swap3A_1443 = arith.constant 0 : index
          %swap3A_1444 = tpu.vector_load %arg16[%swap3A_1442, %swap3A_1443] {strides = array<i32>} : memref<80x128xf32, #tpu.memory_space<vmem>>, vector<1x16xf32>,
          %swap3A_1445 = vector.shape_cast %swap3A_1444 : vector<1x16xf32> to vector<16xf32>
          %swap3A_1446 = vector.shape_cast %mul3A_1441 : vector<16xf32> to vector<1x16xf32>
          tpu.vector_store %arg16[%swap3A_1442, %swap3A_1443], %swap3A_1446 {strides = array<i32>} : memref<80x128xf32, #tpu.memory_space<vmem>>, vector<1x16xf32>,
          %get3A_1447 = arith.index_cast %add3A_1433 : i32 to index
          %get3A_1448 = arith.constant 16 : index
          %get3A_1449 = tpu.vector_load %arg16[%get3A_1447, %get3A_1448] {strides = array<i32>} : memref<80x128xf32, #tpu.memory_space<vmem>>, vector<1x16xf32>,
          %get3A_1450 = vector.shape_cast %get3A_1449 : vector<1x16xf32> to vector<16xf32>
          %mul3A_1451 = arith.mulf %get3A_1450, %broadcast_in_dim3A_1436 : vector<16xf32>
          %swap3A_1452 = arith.index_cast %add3A_1433 : i32 to index
          %swap3A_1453 = arith.constant 16 : index
          %swap3A_1454 = tpu.vector_load %arg16[%swap3A_1452, %swap3A_1453] {strides = array<i32>} : memref<80x128xf32, #tpu.memory_space<vmem>>, vector<1x16xf32>,
          %swap3A_1455 = vector.shape_cast %swap3A_1454 : vector<1x16xf32> to vector<16xf32>
          %swap3A_1456 = vector.shape_cast %mul3A_1451 : vector<16xf32> to vector<1x16xf32>
          tpu.vector_store %arg16[%swap3A_1452, %swap3A_1453], %swap3A_1456 {strides = array<i32>} : memref<80x128xf32, #tpu.memory_space<vmem>>, vector<1x16xf32>,
          %get3A_1457 = arith.index_cast %add3A_1433 : i32 to index
          %get3A_1458 = arith.constant 32 : index
          %get3A_1459 = tpu.vector_load %arg16[%get3A_1457, %get3A_1458] {strides = array<i32>} : memref<80x128xf32, #tpu.memory_space<vmem>>, vector<1x16xf32>,
          %get3A_1460 = vector.shape_cast %get3A_1459 : vector<1x16xf32> to vector<16xf32>
          %mul3A_1461 = arith.mulf %get3A_1460, %broadcast_in_dim3A_1436 : vector<16xf32>
          %swap3A_1462 = arith.index_cast %add3A_1433 : i32 to index
          %swap3A_1463 = arith.constant 32 : index
          %swap3A_1464 = tpu.vector_load %arg16[%swap3A_1462, %swap3A_1463] {strides = array<i32>} : memref<80x128xf32, #tpu.memory_space<vmem>>, vector<1x16xf32>,
          %swap3A_1465 = vector.shape_cast %swap3A_1464 : vector<1x16xf32> to vector<16xf32>
          %swap3A_1466 = vector.shape_cast %mul3A_1461 : vector<16xf32> to vector<1x16xf32>
          tpu.vector_store %arg16[%swap3A_1462, %swap3A_1463], %swap3A_1466 {strides = array<i32>} : memref<80x128xf32, #tpu.memory_space<vmem>>, vector<1x16xf32>,
          %get3A_1467 = arith.index_cast %add3A_1433 : i32 to index
          %get3A_1468 = arith.constant 48 : index
          %get3A_1469 = tpu.vector_load %arg16[%get3A_1467, %get3A_1468] {strides = array<i32>} : memref<80x128xf32, #tpu.memory_space<vmem>>, vector<1x16xf32>,
          %get3A_1470 = vector.shape_cast %get3A_1469 : vector<1x16xf32> to vector<16xf32>
          %mul3A_1471 = arith.mulf %get3A_1470, %broadcast_in_dim3A_1436 : vector<16xf32>
          %swap3A_1472 = arith.index_cast %add3A_1433 : i32 to index
          %swap3A_1473 = arith.constant 48 : index
          %swap3A_1474 = tpu.vector_load %arg16[%swap3A_1472, %swap3A_1473] {strides = array<i32>} : memref<80x128xf32, #tpu.memory_space<vmem>>, vector<1x16xf32>,
          %swap3A_1475 = vector.shape_cast %swap3A_1474 : vector<1x16xf32> to vector<16xf32>
          %swap3A_1476 = vector.shape_cast %mul3A_1471 : vector<16xf32> to vector<1x16xf32>
          tpu.vector_store %arg16[%swap3A_1472, %swap3A_1473], %swap3A_1476 {strides = array<i32>} : memref<80x128xf32, #tpu.memory_space<vmem>>, vector<1x16xf32>,
          %get3A_1477 = arith.index_cast %add3A_1433 : i32 to index
          %get3A_1478 = arith.constant 64 : index
          %get3A_1479 = tpu.vector_load %arg16[%get3A_1477, %get3A_1478] {strides = array<i32>} : memref<80x128xf32, #tpu.memory_space<vmem>>, vector<1x16xf32>,
          %get3A_1480 = vector.shape_cast %get3A_1479 : vector<1x16xf32> to vector<16xf32>
          %mul3A_1481 = arith.mulf %get3A_1480, %broadcast_in_dim3A_1436 : vector<16xf32>
          %swap3A_1482 = arith.index_cast %add3A_1433 : i32 to index
          %swap3A_1483 = arith.constant 64 : index
          %swap3A_1484 = tpu.vector_load %arg16[%swap3A_1482, %swap3A_1483] {strides = array<i32>} : memref<80x128xf32, #tpu.memory_space<vmem>>, vector<1x16xf32>,
          %swap3A_1485 = vector.shape_cast %swap3A_1484 : vector<1x16xf32> to vector<16xf32>
          %swap3A_1486 = vector.shape_cast %mul3A_1481 : vector<16xf32> to vector<1x16xf32>
          tpu.vector_store %arg16[%swap3A_1482, %swap3A_1483], %swap3A_1486 {strides = array<i32>} : memref<80x128xf32, #tpu.memory_space<vmem>>, vector<1x16xf32>,
          %get3A_1487 = arith.index_cast %add3A_1433 : i32 to index
          %get3A_1488 = arith.constant 80 : index
          %get3A_1489 = tpu.vector_load %arg16[%get3A_1487, %get3A_1488] {strides = array<i32>} : memref<80x128xf32, #tpu.memory_space<vmem>>, vector<1x16xf32>,
          %get3A_1490 = vector.shape_cast %get3A_1489 : vector<1x16xf32> to vector<16xf32>
          %mul3A_1491 = arith.mulf %get3A_1490, %broadcast_in_dim3A_1436 : vector<16xf32>
          %swap3A_1492 = arith.index_cast %add3A_1433 : i32 to index
          %swap3A_1493 = arith.constant 80 : index
          %swap3A_1494 = tpu.vector_load %arg16[%swap3A_1492, %swap3A_1493] {strides = array<i32>} : memref<80x128xf32, #tpu.memory_space<vmem>>, vector<1x16xf32>,
          %swap3A_1495 = vector.shape_cast %swap3A_1494 : vector<1x16xf32> to vector<16xf32>
          %swap3A_1496 = vector.shape_cast %mul3A_1491 : vector<16xf32> to vector<1x16xf32>
          tpu.vector_store %arg16[%swap3A_1492, %swap3A_1493], %swap3A_1496 {strides = array<i32>} : memref<80x128xf32, #tpu.memory_space<vmem>>, vector<1x16xf32>,
          %get3A_1497 = arith.index_cast %add3A_1433 : i32 to index
          %get3A_1498 = arith.constant 96 : index
          %get3A_1499 = tpu.vector_load %arg16[%get3A_1497, %get3A_1498] {strides = array<i32>} : memref<80x128xf32, #tpu.memory_space<vmem>>, vector<1x16xf32>,
          %get3A_1500 = vector.shape_cast %get3A_1499 : vector<1x16xf32> to vector<16xf32>
          %mul3A_1501 = arith.mulf %get3A_1500, %broadcast_in_dim3A_1436 : vector<16xf32>
          %swap3A_1502 = arith.index_cast %add3A_1433 : i32 to index
          %swap3A_1503 = arith.constant 96 : index
          %swap3A_1504 = tpu.vector_load %arg16[%swap3A_1502, %swap3A_1503] {strides = array<i32>} : memref<80x128xf32, #tpu.memory_space<vmem>>, vector<1x16xf32>,
          %swap3A_1505 = vector.shape_cast %swap3A_1504 : vector<1x16xf32> to vector<16xf32>
          %swap3A_1506 = vector.shape_cast %mul3A_1501 : vector<16xf32> to vector<1x16xf32>
          tpu.vector_store %arg16[%swap3A_1502, %swap3A_1503], %swap3A_1506 {strides = array<i32>} : memref<80x128xf32, #tpu.memory_space<vmem>>, vector<1x16xf32>,
          %get3A_1507 = arith.index_cast %add3A_1433 : i32 to index
          %get3A_1508 = arith.constant 112 : index
          %get3A_1509 = tpu.vector_load %arg16[%get3A_1507, %get3A_1508] {strides = array<i32>} : memref<80x128xf32, #tpu.memory_space<vmem>>, vector<1x16xf32>,
          %get3A_1510 = vector.shape_cast %get3A_1509 : vector<1x16xf32> to vector<16xf32>
          %mul3A_1511 = arith.mulf %get3A_1510, %broadcast_in_dim3A_1436 : vector<16xf32>
          %swap3A_1512 = arith.index_cast %add3A_1433 : i32 to index
          %swap3A_1513 = arith.constant 112 : index
          %swap3A_1514 = tpu.vector_load %arg16[%swap3A_1512, %swap3A_1513] {strides = array<i32>} : memref<80x128xf32, #tpu.memory_space<vmem>>, vector<1x16xf32>,
          %swap3A_1515 = vector.shape_cast %swap3A_1514 : vector<1x16xf32> to vector<16xf32>
          %swap3A_1516 = vector.shape_cast %mul3A_1511 : vector<16xf32> to vector<1x16xf32>
          tpu.vector_store %arg16[%swap3A_1512, %swap3A_1513], %swap3A_1516 {strides = array<i32>} : memref<80x128xf32, #tpu.memory_space<vmem>>, vector<1x16xf32>,
          %mul3A_1517 = arith.constant 16 : i32
          %mul3A_1518 = arith.muli %scan3A_208, %mul3A_1517 : i32
          %add3A_1519 = arith.constant 15 : i32
          %add3A_1520 = arith.addi %mul3A_1518, %add3A_1519 : i32
          %slice3A_1521 = vector.extract_strided_slice %get3A_213 {offsets = [15], sizes = [1], strides = [1]} : vector<16xf32> to vector<1xf32>
          %squeeze3A_1522 = vector.extract %slice3A_1521[0] : f32 from vector<1xf32>
          %broadcast_in_dim3A_1523 = vector.broadcast %squeeze3A_1522 : f32 to vector<16xf32>
          %get3A_1524 = arith.index_cast %add3A_1520 : i32 to index
          %get3A_1525 = arith.constant 0 : index
          %get3A_1526 = tpu.vector_load %arg16[%get3A_1524, %get3A_1525] {strides = array<i32>} : memref<80x128xf32, #tpu.memory_space<vmem>>, vector<1x16xf32>,
          %get3A_1527 = vector.shape_cast %get3A_1526 : vector<1x16xf32> to vector<16xf32>
          %mul3A_1528 = arith.mulf %get3A_1527, %broadcast_in_dim3A_1523 : vector<16xf32>
          %swap3A_1529 = arith.index_cast %add3A_1520 : i32 to index
          %swap3A_1530 = arith.constant 0 : index
          %swap3A_1531 = tpu.vector_load %arg16[%swap3A_1529, %swap3A_1530] {strides = array<i32>} : memref<80x128xf32, #tpu.memory_space<vmem>>, vector<1x16xf32>,
          %swap3A_1532 = vector.shape_cast %swap3A_1531 : vector<1x16xf32> to vector<16xf32>
          %swap3A_1533 = vector.shape_cast %mul3A_1528 : vector<16xf32> to vector<1x16xf32>
          tpu.vector_store %arg16[%swap3A_1529, %swap3A_1530], %swap3A_1533 {strides = array<i32>} : memref<80x128xf32, #tpu.memory_space<vmem>>, vector<1x16xf32>,
          %get3A_1534 = arith.index_cast %add3A_1520 : i32 to index
          %get3A_1535 = arith.constant 16 : index
          %get3A_1536 = tpu.vector_load %arg16[%get3A_1534, %get3A_1535] {strides = array<i32>} : memref<80x128xf32, #tpu.memory_space<vmem>>, vector<1x16xf32>,
          %get3A_1537 = vector.shape_cast %get3A_1536 : vector<1x16xf32> to vector<16xf32>
          %mul3A_1538 = arith.mulf %get3A_1537, %broadcast_in_dim3A_1523 : vector<16xf32>
          %swap3A_1539 = arith.index_cast %add3A_1520 : i32 to index
          %swap3A_1540 = arith.constant 16 : index
          %swap3A_1541 = tpu.vector_load %arg16[%swap3A_1539, %swap3A_1540] {strides = array<i32>} : memref<80x128xf32, #tpu.memory_space<vmem>>, vector<1x16xf32>,
          %swap3A_1542 = vector.shape_cast %swap3A_1541 : vector<1x16xf32> to vector<16xf32>
          %swap3A_1543 = vector.shape_cast %mul3A_1538 : vector<16xf32> to vector<1x16xf32>
          tpu.vector_store %arg16[%swap3A_1539, %swap3A_1540], %swap3A_1543 {strides = array<i32>} : memref<80x128xf32, #tpu.memory_space<vmem>>, vector<1x16xf32>,
          %get3A_1544 = arith.index_cast %add3A_1520 : i32 to index
          %get3A_1545 = arith.constant 32 : index
          %get3A_1546 = tpu.vector_load %arg16[%get3A_1544, %get3A_1545] {strides = array<i32>} : memref<80x128xf32, #tpu.memory_space<vmem>>, vector<1x16xf32>,
          %get3A_1547 = vector.shape_cast %get3A_1546 : vector<1x16xf32> to vector<16xf32>
          %mul3A_1548 = arith.mulf %get3A_1547, %broadcast_in_dim3A_1523 : vector<16xf32>
          %swap3A_1549 = arith.index_cast %add3A_1520 : i32 to index
          %swap3A_1550 = arith.constant 32 : index
          %swap3A_1551 = tpu.vector_load %arg16[%swap3A_1549, %swap3A_1550] {strides = array<i32>} : memref<80x128xf32, #tpu.memory_space<vmem>>, vector<1x16xf32>,
          %swap3A_1552 = vector.shape_cast %swap3A_1551 : vector<1x16xf32> to vector<16xf32>
          %swap3A_1553 = vector.shape_cast %mul3A_1548 : vector<16xf32> to vector<1x16xf32>
          tpu.vector_store %arg16[%swap3A_1549, %swap3A_1550], %swap3A_1553 {strides = array<i32>} : memref<80x128xf32, #tpu.memory_space<vmem>>, vector<1x16xf32>,
          %get3A_1554 = arith.index_cast %add3A_1520 : i32 to index
          %get3A_1555 = arith.constant 48 : index
          %get3A_1556 = tpu.vector_load %arg16[%get3A_1554, %get3A_1555] {strides = array<i32>} : memref<80x128xf32, #tpu.memory_space<vmem>>, vector<1x16xf32>,
          %get3A_1557 = vector.shape_cast %get3A_1556 : vector<1x16xf32> to vector<16xf32>
          %mul3A_1558 = arith.mulf %get3A_1557, %broadcast_in_dim3A_1523 : vector<16xf32>
          %swap3A_1559 = arith.index_cast %add3A_1520 : i32 to index
          %swap3A_1560 = arith.constant 48 : index
          %swap3A_1561 = tpu.vector_load %arg16[%swap3A_1559, %swap3A_1560] {strides = array<i32>} : memref<80x128xf32, #tpu.memory_space<vmem>>, vector<1x16xf32>,
          %swap3A_1562 = vector.shape_cast %swap3A_1561 : vector<1x16xf32> to vector<16xf32>
          %swap3A_1563 = vector.shape_cast %mul3A_1558 : vector<16xf32> to vector<1x16xf32>
          tpu.vector_store %arg16[%swap3A_1559, %swap3A_1560], %swap3A_1563 {strides = array<i32>} : memref<80x128xf32, #tpu.memory_space<vmem>>, vector<1x16xf32>,
          %get3A_1564 = arith.index_cast %add3A_1520 : i32 to index
          %get3A_1565 = arith.constant 64 : index
          %get3A_1566 = tpu.vector_load %arg16[%get3A_1564, %get3A_1565] {strides = array<i32>} : memref<80x128xf32, #tpu.memory_space<vmem>>, vector<1x16xf32>,
          %get3A_1567 = vector.shape_cast %get3A_1566 : vector<1x16xf32> to vector<16xf32>
          %mul3A_1568 = arith.mulf %get3A_1567, %broadcast_in_dim3A_1523 : vector<16xf32>
          %swap3A_1569 = arith.index_cast %add3A_1520 : i32 to index
          %swap3A_1570 = arith.constant 64 : index
          %swap3A_1571 = tpu.vector_load %arg16[%swap3A_1569, %swap3A_1570] {strides = array<i32>} : memref<80x128xf32, #tpu.memory_space<vmem>>, vector<1x16xf32>,
          %swap3A_1572 = vector.shape_cast %swap3A_1571 : vector<1x16xf32> to vector<16xf32>
          %swap3A_1573 = vector.shape_cast %mul3A_1568 : vector<16xf32> to vector<1x16xf32>
          tpu.vector_store %arg16[%swap3A_1569, %swap3A_1570], %swap3A_1573 {strides = array<i32>} : memref<80x128xf32, #tpu.memory_space<vmem>>, vector<1x16xf32>,
          %get3A_1574 = arith.index_cast %add3A_1520 : i32 to index
          %get3A_1575 = arith.constant 80 : index
          %get3A_1576 = tpu.vector_load %arg16[%get3A_1574, %get3A_1575] {strides = array<i32>} : memref<80x128xf32, #tpu.memory_space<vmem>>, vector<1x16xf32>,
          %get3A_1577 = vector.shape_cast %get3A_1576 : vector<1x16xf32> to vector<16xf32>
          %mul3A_1578 = arith.mulf %get3A_1577, %broadcast_in_dim3A_1523 : vector<16xf32>
          %swap3A_1579 = arith.index_cast %add3A_1520 : i32 to index
          %swap3A_1580 = arith.constant 80 : index
          %swap3A_1581 = tpu.vector_load %arg16[%swap3A_1579, %swap3A_1580] {strides = array<i32>} : memref<80x128xf32, #tpu.memory_space<vmem>>, vector<1x16xf32>,
          %swap3A_1582 = vector.shape_cast %swap3A_1581 : vector<1x16xf32> to vector<16xf32>
          %swap3A_1583 = vector.shape_cast %mul3A_1578 : vector<16xf32> to vector<1x16xf32>
          tpu.vector_store %arg16[%swap3A_1579, %swap3A_1580], %swap3A_1583 {strides = array<i32>} : memref<80x128xf32, #tpu.memory_space<vmem>>, vector<1x16xf32>,
          %get3A_1584 = arith.index_cast %add3A_1520 : i32 to index
          %get3A_1585 = arith.constant 96 : index
          %get3A_1586 = tpu.vector_load %arg16[%get3A_1584, %get3A_1585] {strides = array<i32>} : memref<80x128xf32, #tpu.memory_space<vmem>>, vector<1x16xf32>,
          %get3A_1587 = vector.shape_cast %get3A_1586 : vector<1x16xf32> to vector<16xf32>
          %mul3A_1588 = arith.mulf %get3A_1587, %broadcast_in_dim3A_1523 : vector<16xf32>
          %swap3A_1589 = arith.index_cast %add3A_1520 : i32 to index
          %swap3A_1590 = arith.constant 96 : index
          %swap3A_1591 = tpu.vector_load %arg16[%swap3A_1589, %swap3A_1590] {strides = array<i32>} : memref<80x128xf32, #tpu.memory_space<vmem>>, vector<1x16xf32>,
          %swap3A_1592 = vector.shape_cast %swap3A_1591 : vector<1x16xf32> to vector<16xf32>
          %swap3A_1593 = vector.shape_cast %mul3A_1588 : vector<16xf32> to vector<1x16xf32>
          tpu.vector_store %arg16[%swap3A_1589, %swap3A_1590], %swap3A_1593 {strides = array<i32>} : memref<80x128xf32, #tpu.memory_space<vmem>>, vector<1x16xf32>,
          %get3A_1594 = arith.index_cast %add3A_1520 : i32 to index
          %get3A_1595 = arith.constant 112 : index
          %get3A_1596 = tpu.vector_load %arg16[%get3A_1594, %get3A_1595] {strides = array<i32>} : memref<80x128xf32, #tpu.memory_space<vmem>>, vector<1x16xf32>,
          %get3A_1597 = vector.shape_cast %get3A_1596 : vector<1x16xf32> to vector<16xf32>
          %mul3A_1598 = arith.mulf %get3A_1597, %broadcast_in_dim3A_1523 : vector<16xf32>
          %swap3A_1599 = arith.index_cast %add3A_1520 : i32 to index
          %swap3A_1600 = arith.constant 112 : index
          %swap3A_1601 = tpu.vector_load %arg16[%swap3A_1599, %swap3A_1600] {strides = array<i32>} : memref<80x128xf32, #tpu.memory_space<vmem>>, vector<1x16xf32>,
          %swap3A_1602 = vector.shape_cast %swap3A_1601 : vector<1x16xf32> to vector<16xf32>
          %swap3A_1603 = vector.shape_cast %mul3A_1598 : vector<16xf32> to vector<1x16xf32>
          tpu.vector_store %arg16[%swap3A_1599, %swap3A_1600], %swap3A_1603 {strides = array<i32>} : memref<80x128xf32, #tpu.memory_space<vmem>>, vector<1x16xf32>,
        }
        %scan3A_204 = arith.constant 5 : i32
        %dma_start3A_205 = arith.constant 0 : i32
        %dma_start3A_206 = arith.constant 0 : i32
        %dma_start3A_207 = tpu.memref_slice %arg17[%dma_start3A_205, %dma_start3A_206] : memref<5128x128xf32, #tpu.memory_space<vmem_shared>> -> memref<5128x128xf32, #tpu.memory_space<vmem_shared>>
        tpu.enqueue_indirect_dma source(%arg16 : memref<80x128xf32, #tpu.memory_space<vmem>>) target(%dma_start3A_207 : memref<5128x128xf32, #tpu.memory_space<vmem_shared>>) offsets(%arg12 : memref<80xi32, #tpu.memory_space<vmem>>) semaphore(%arg23 : memref<!tpu.dma_semaphore, #tpu.memory_space<semaphore_mem>>) {add = true}
      } else {
      }
      %add3A_168 = arith.constant 2 : i32
      %add3A_169 = arith.addi %scan3A_97, %add3A_168 : i32
      %lt3A_170 = arith.constant 250 : i32
      %lt3A_171 = arith.cmpi slt, %add3A_169, %lt3A_170 : i32
      %and3A_172 = arith.andi %eq3A_113, %lt3A_171 : i1
      %convert_element_type3A_173 = arith.extui %and3A_172 : i1 to i32
      %cond3A_174 = arith.constant 0 : i32
      %cond3A_175 = arith.cmpi ne, %convert_element_type3A_173, %cond3A_174 : i32
      scf.if %cond3A_175 {
        %add3A_187 = arith.constant 2 : i32
        %add3A_188 = arith.addi %scan3A_97, %add3A_187 : i32
        %mul3A_189 = arith.constant 80 : i32
        %mul3A_190 = arith.muli %add3A_188, %mul3A_189 : i32
        %add3A_191 = arith.addi %mul3A_2, %mul3A_190 : i32
        %dma_start3A_192 = tpu.memref_slice %arg3[%add3A_191] : memref<320000xi32, #tpu.memory_space<hbm>> -> memref<80xi32, #tpu.memory_space<hbm>>
        %dma_start3A_193 = tpu.memref_slice %arg3[%add3A_191] : memref<320000xi32, #tpu.memory_space<hbm>> -> memref<80xi32, #tpu.memory_space<hbm>>
        tpu.enqueue_dma source(%dma_start3A_193 : memref<80xi32, #tpu.memory_space<hbm>>) target(%arg9 : memref<80xi32, #tpu.memory_space<vmem>>) target_semaphore(%arg18 : memref<!tpu.dma_semaphore, #tpu.memory_space<semaphore_mem>>)
        %dma_start3A_194 = tpu.memref_slice %arg4[%add3A_191] : memref<320000xi32, #tpu.memory_space<hbm>> -> memref<80xi32, #tpu.memory_space<hbm>>
        %dma_start3A_195 = tpu.memref_slice %arg4[%add3A_191] : memref<320000xi32, #tpu.memory_space<hbm>> -> memref<80xi32, #tpu.memory_space<hbm>>
        tpu.enqueue_dma source(%dma_start3A_195 : memref<80xi32, #tpu.memory_space<hbm>>) target(%arg7 : memref<80xi32, #tpu.memory_space<vmem>>) target_semaphore(%arg18 : memref<!tpu.dma_semaphore, #tpu.memory_space<semaphore_mem>>)
        %dma_start3A_196 = tpu.memref_slice %arg5[%add3A_191] : memref<320000xf32, #tpu.memory_space<hbm>> -> memref<80xf32, #tpu.memory_space<hbm>>
        %dma_start3A_197 = tpu.memref_slice %arg5[%add3A_191] : memref<320000xf32, #tpu.memory_space<hbm>> -> memref<80xf32, #tpu.memory_space<hbm>>
        tpu.enqueue_dma source(%dma_start3A_197 : memref<80xf32, #tpu.memory_space<hbm>>) target(%arg13 : memref<80xf32, #tpu.memory_space<vmem>>) target_semaphore(%arg18 : memref<!tpu.dma_semaphore, #tpu.memory_space<semaphore_mem>>)
      } else {
      }
      %not3A_176 = arith.constant true
      %not3A_177 = arith.xori %eq3A_113, %not3A_176 : i1
      %add3A_178 = arith.constant 2 : i32
      %add3A_179 = arith.addi %scan3A_97, %add3A_178 : i32
      %lt3A_180 = arith.constant 250 : i32
      %lt3A_181 = arith.cmpi slt, %add3A_179, %lt3A_180 : i32
      %and3A_182 = arith.andi %not3A_177, %lt3A_181 : i1
      %convert_element_type3A_183 = arith.extui %and3A_182 : i1 to i32
      %cond3A_184 = arith.constant 0 : i32
      %cond3A_185 = arith.cmpi ne, %convert_element_type3A_183, %cond3A_184 : i32
      scf.if %cond3A_185 {
        %add3A_187 = arith.constant 2 : i32
        %add3A_188 = arith.addi %scan3A_97, %add3A_187 : i32
        %mul3A_189 = arith.constant 80 : i32
        %mul3A_190 = arith.muli %add3A_188, %mul3A_189 : i32
        %add3A_191 = arith.addi %mul3A_2, %mul3A_190 : i32
        %dma_start3A_192 = tpu.memref_slice %arg3[%add3A_191] : memref<320000xi32, #tpu.memory_space<hbm>> -> memref<80xi32, #tpu.memory_space<hbm>>
        %dma_start3A_193 = tpu.memref_slice %arg3[%add3A_191] : memref<320000xi32, #tpu.memory_space<hbm>> -> memref<80xi32, #tpu.memory_space<hbm>>
        tpu.enqueue_dma source(%dma_start3A_193 : memref<80xi32, #tpu.memory_space<hbm>>) target(%arg10 : memref<80xi32, #tpu.memory_space<vmem>>) target_semaphore(%arg19 : memref<!tpu.dma_semaphore, #tpu.memory_space<semaphore_mem>>)
        %dma_start3A_194 = tpu.memref_slice %arg4[%add3A_191] : memref<320000xi32, #tpu.memory_space<hbm>> -> memref<80xi32, #tpu.memory_space<hbm>>
        %dma_start3A_195 = tpu.memref_slice %arg4[%add3A_191] : memref<320000xi32, #tpu.memory_space<hbm>> -> memref<80xi32, #tpu.memory_space<hbm>>
        tpu.enqueue_dma source(%dma_start3A_195 : memref<80xi32, #tpu.memory_space<hbm>>) target(%arg8 : memref<80xi32, #tpu.memory_space<vmem>>) target_semaphore(%arg19 : memref<!tpu.dma_semaphore, #tpu.memory_space<semaphore_mem>>)
        %dma_start3A_196 = tpu.memref_slice %arg5[%add3A_191] : memref<320000xf32, #tpu.memory_space<hbm>> -> memref<80xf32, #tpu.memory_space<hbm>>
        %dma_start3A_197 = tpu.memref_slice %arg5[%add3A_191] : memref<320000xf32, #tpu.memory_space<hbm>> -> memref<80xf32, #tpu.memory_space<hbm>>
        tpu.enqueue_dma source(%dma_start3A_197 : memref<80xf32, #tpu.memory_space<hbm>>) target(%arg14 : memref<80xf32, #tpu.memory_space<vmem>>) target_semaphore(%arg19 : memref<!tpu.dma_semaphore, #tpu.memory_space<semaphore_mem>>)
      } else {
      }
      %convert_element_type3A_186 = arith.extui %select_n3A_157 : i1 to i32
      scf.yield %convert_element_type3A_186 : i32
    }
    %scan3A_69 = arith.constant 250 : i32
    %get3A_70 = arith.constant 0 : index
    %get3A_71 = tpu.vector_load %arg9[%get3A_70] {strides = array<i32>} : memref<80xi32, #tpu.memory_space<vmem>>, vector<16xi32>,
    %get3A_72 = vector.shape_cast %get3A_71 : vector<16xi32> to vector<16xi32>
    %slice3A_73 = vector.extract_strided_slice %get3A_72 {offsets = [0], sizes = [1], strides = [1]} : vector<16xi32> to vector<1xi32>
    %squeeze3A_74 = vector.extract %slice3A_73[0] : i32 from vector<1xi32>
    %get3A_75 = arith.constant 64 : index
    %get3A_76 = tpu.vector_load %arg9[%get3A_75] {strides = array<i32>} : memref<80xi32, #tpu.memory_space<vmem>>, vector<16xi32>,
    %get3A_77 = vector.shape_cast %get3A_76 : vector<16xi32> to vector<16xi32>
    %slice3A_78 = vector.extract_strided_slice %get3A_77 {offsets = [15], sizes = [1], strides = [1]} : vector<16xi32> to vector<1xi32>
    %squeeze3A_79 = vector.extract %slice3A_78[0] : i32 from vector<1xi32>
    %ge3A_80 = arith.cmpi sge, %squeeze3A_79, %mul3A_0 : i32
    %add3A_81 = arith.constant 5120 : i32
    %add3A_82 = arith.addi %mul3A_0, %add3A_81 : i32
    %lt3A_83 = arith.cmpi slt, %squeeze3A_74, %add3A_82 : i32
    %and3A_84 = arith.andi %ge3A_80, %lt3A_83 : i1
    %convert_element_type3A_85 = arith.extui %and3A_84 : i1 to i32
    %cond3A_86 = arith.constant 0 : i32
    %cond3A_87 = arith.cmpi ne, %convert_element_type3A_85, %cond3A_86 : i32
    scf.if %cond3A_87 {
      %dma_wait3A_97 = arith.constant 0 : i32
      %dma_wait3A_98 = arith.constant 0 : i32
      %dma_wait3A_99 = tpu.memref_slice %arg17[%dma_wait3A_97, %dma_wait3A_98] : memref<5128x128xf32, #tpu.memory_space<vmem_shared>> -> memref<80x128xf32, #tpu.memory_space<vmem_shared>>
      %dma_wait3A_100 = arith.constant 0 : i32
      %dma_wait3A_101 = arith.constant 0 : i32
      %dma_wait3A_102 = tpu.memref_slice %arg17[%dma_wait3A_100, %dma_wait3A_101] : memref<5128x128xf32, #tpu.memory_space<vmem_shared>> -> memref<80x128xf32, #tpu.memory_space<vmem_shared>>
      tpu.wait_dma2 semaphore(%arg22 : memref<!tpu.dma_semaphore, #tpu.memory_space<semaphore_mem>>) src(%arg15 : memref<80x128xf32, #tpu.memory_space<vmem>>) dst(%dma_wait3A_102 : memref<80x128xf32, #tpu.memory_space<vmem_shared>>)
    } else {
    }
    %ne3A = arith.constant 0 : i32
    %ne3A_88 = arith.cmpi ne, %scan3A_68, %ne3A : i32
    %convert_element_type3A_89 = arith.extui %ne3A_88 : i1 to i32
    %cond3A_90 = arith.constant 0 : i32
    %cond3A_91 = arith.cmpi ne, %convert_element_type3A_89, %cond3A_90 : i32
    scf.if %cond3A_91 {
      %dma_wait3A_97 = arith.constant 0 : i32
      %dma_wait3A_98 = arith.constant 0 : i32
      %dma_wait3A_99 = tpu.memref_slice %arg17[%dma_wait3A_97, %dma_wait3A_98] : memref<5128x128xf32, #tpu.memory_space<vmem_shared>> -> memref<80x128xf32, #tpu.memory_space<vmem_shared>>
      %dma_wait3A_100 = arith.constant 0 : i32
      %dma_wait3A_101 = arith.constant 0 : i32
      %dma_wait3A_102 = tpu.memref_slice %arg17[%dma_wait3A_100, %dma_wait3A_101] : memref<5128x128xf32, #tpu.memory_space<vmem_shared>> -> memref<80x128xf32, #tpu.memory_space<vmem_shared>>
      tpu.wait_dma2 semaphore(%arg23 : memref<!tpu.dma_semaphore, #tpu.memory_space<semaphore_mem>>) src(%arg16 : memref<80x128xf32, #tpu.memory_space<vmem>>) dst(%dma_wait3A_102 : memref<80x128xf32, #tpu.memory_space<vmem_shared>>)
    } else {
    }
    %barrier3A_92 = arith.constant 0 : index
    tpu.barrier barrier_id(%barrier3A_92)
    %mul3A_93 = arith.constant 320 : i32
    %mul3A_94 = arith.muli %arg1, %mul3A_93 : i32
    %mul3A_95 = arith.constant 320 : i32
    %mul3A_96 = arith.muli %arg1, %mul3A_95 : i32
    "tpu.region"() ({
      %run_scoped3A = tpu.sem_alloc : memref<!tpu.dma_semaphore, #tpu.memory_space<semaphore_mem>>
      %dma_start3A_97 = arith.constant 0 : i32
      %dma_start3A_98 = tpu.memref_slice %arg6[%arg0, %mul3A_96, %dma_start3A_97] : memref<2x5120x128xf32, #tpu.memory_space<hbm>> -> memref<1x320x128xf32, #tpu.memory_space<hbm>>
      %dma_start3A_99 = tpu.memref_squeeze %dma_start3A_98 : memref<1x320x128xf32, #tpu.memory_space<hbm>> -> memref<320x128xf32, #tpu.memory_space<hbm>>
      %dma_start3A_100 = arith.constant 0 : i32
      %dma_start3A_101 = tpu.memref_slice %arg17[%mul3A_94, %dma_start3A_100] : memref<5128x128xf32, #tpu.memory_space<vmem_shared>> -> memref<320x128xf32, #tpu.memory_space<vmem_shared>>
      tpu.enqueue_dma source(%dma_start3A_101 : memref<320x128xf32, #tpu.memory_space<vmem_shared>>) target(%dma_start3A_99 : memref<320x128xf32, #tpu.memory_space<hbm>>) target_semaphore(%run_scoped3A : memref<!tpu.dma_semaphore, #tpu.memory_space<semaphore_mem>>)
      %dma_wait3A_102 = arith.constant 0 : i32
      %dma_wait3A_103 = tpu.memref_slice %arg6[%arg0, %mul3A_96, %dma_wait3A_102] : memref<2x5120x128xf32, #tpu.memory_space<hbm>> -> memref<1x320x128xf32, #tpu.memory_space<hbm>>
      %dma_wait3A_104 = tpu.memref_squeeze %dma_wait3A_103 : memref<1x320x128xf32, #tpu.memory_space<hbm>> -> memref<320x128xf32, #tpu.memory_space<hbm>>
      %dma_wait3A_105 = arith.constant 0 : i32
      %dma_wait3A_106 = tpu.memref_slice %arg17[%mul3A_94, %dma_wait3A_105] : memref<5128x128xf32, #tpu.memory_space<vmem_shared>> -> memref<320x128xf32, #tpu.memory_space<vmem_shared>>
      tpu.wait_dma2 semaphore(%run_scoped3A : memref<!tpu.dma_semaphore, #tpu.memory_space<semaphore_mem>>) src(%dma_wait3A_106 : memref<320x128xf32, #tpu.memory_space<vmem_shared>>) dst(%dma_wait3A_104 : memref<320x128xf32, #tpu.memory_space<hbm>>)
      tpu.yield
    }) : () -> ()
    return
  }
}

module attributes {stable_mosaic.version = 14 : i64} {
  func.func @mm(%arg0: i32, %arg1: memref<2000x128xf32, #tpu.memory_space<vmem>>, %arg2: memref<128x128xf32, #tpu.memory_space<vmem>>, %arg3: memref<1x128xf32, #tpu.memory_space<vmem>>, %arg4: memref<2000x128xf32, #tpu.memory_space<vmem>>) attributes {dimension_semantics = [#tpu.dimension_semantics<arbitrary>], iteration_bounds = array<i64: 5>, scalar_prefetch = 0 : i64, scratch_operands = 0 : i64, tpu.core_type = #tpu.core_type<tc>, window_params = [{transform_indices = @transform_0, window_bounds = array<i64: 2000, 128>}, {pipeline_mode = #tpu.pipeline_mode<synchronous>, transform_indices = @transform_1, window_bounds = array<i64: 128, 128>}, {pipeline_mode = #tpu.pipeline_mode<synchronous>, transform_indices = @transform_2, window_bounds = array<i64: 1, 128>}, {transform_indices = @transform_3, window_bounds = array<i64: 2000, 128>}]} {
    %get3A = arith.constant 0 : index
    %get3A_0 = arith.constant 0 : index
    %get3A_1 = vector.load %arg1[%get3A, %get3A_0] : memref<2000x128xf32, #tpu.memory_space<vmem>>, vector<2000x128xf32>
    %get3A_2 = arith.constant 0 : index
    %get3A_3 = arith.constant 0 : index
    %get3A_4 = vector.load %arg2[%get3A_2, %get3A_3] : memref<128x128xf32, #tpu.memory_space<vmem>>, vector<128x128xf32>
    %dot_general3A = arith.constant dense<0.000000e+00> : vector<2000x128xf32>
    %dot_general3A_5 = tpu.matmul %get3A_1, %get3A_4, %dot_general3A {dimension_numbers = #tpu.dot_dimension_numbers<[1], [0], [0], [1], [0, 0, 1, 1], [], []>, transpose_lhs_hint = false} : vector<2000x128xf32>, vector<128x128xf32>, vector<2000x128xf32> -> vector<2000x128xf32>
    %get3A_6 = arith.constant 0 : index
    %get3A_7 = arith.constant 0 : index
    %get3A_8 = vector.load %arg3[%get3A_6, %get3A_7] : memref<1x128xf32, #tpu.memory_space<vmem>>, vector<1x128xf32>
    %add3A = vector.broadcast %get3A_8 : vector<1x128xf32> to vector<2000x128xf32>
    %add3A_9 = arith.addf %dot_general3A_5, %add3A : vector<2000x128xf32>
    %swap3A = arith.constant 0 : index
    %swap3A_10 = arith.constant 0 : index
    %swap3A_11 = vector.load %arg4[%swap3A, %swap3A_10] : memref<2000x128xf32, #tpu.memory_space<vmem>>, vector<2000x128xf32>
    tpu.vector_store %arg4[%swap3A, %swap3A_10], %add3A_9 {strides = array<i32>} : memref<2000x128xf32, #tpu.memory_space<vmem>>, vector<2000x128xf32>,
    return
  }
  func.func @transform_0(%arg0: i32) -> (i32, i32) {
    %c0_i32 = arith.constant 0 : i32
    %c0_i32_0 = arith.constant 0 : i32
    return %arg0, %c0_i32 : i32, i32
  }
  func.func @transform_1(%arg0: i32) -> (i32, i32) {
    %c0_i32 = arith.constant 0 : i32
    %c0_i32_0 = arith.constant 0 : i32
    %c0_i32_1 = arith.constant 0 : i32
    return %c0_i32, %c0_i32_0 : i32, i32
  }
  func.func @transform_2(%arg0: i32) -> (i32, i32) {
    %c0_i32 = arith.constant 0 : i32
    %c0_i32_0 = arith.constant 0 : i32
    %c0_i32_1 = arith.constant 0 : i32
    return %c0_i32, %c0_i32_0 : i32, i32
  }
  func.func @transform_3(%arg0: i32) -> (i32, i32) {
    %c0_i32 = arith.constant 0 : i32
    %c0_i32_0 = arith.constant 0 : i32
    return %arg0, %c0_i32 : i32, i32
  }
}

</mosaic_0001>

<sc_bundles>
// kernel: kernel.5.cloned.1.call-start
scs
__scs_entry_jumppad:
0x0: {  	(pc) =	sbr.rel $0x88, $3  }
0x1: {  	(tag) =	ssettag $0x0;
	lr =	simm.s32 $0x1  }
0x2: {  	[smem:$0x3F9B] =	sst lr;
	_ =	strace $0xD0000000  }
0x3: {  	_ = 	snop  }
0x4: {  	_ = 	snop  }
0x5: {  	_ = 	snop  }
0x6: {  	_ = 	snop  }
0x7: {  	_ = 	snop  }
__scs_overlays_trampoline_lowered:
0x8: {  	[smem:$0x3FAA] =	sst s0  }
0x9: {  	[smem:$0x3FAB] =	sst s1  }
0xa: {  	[smem:$0x3FAC] =	sst s2  }
0xb: {  	[smem:$0x3FAD] =	sst s3  }
0xc: {  	[smem:$0x3FAE] =	sst s4  }
0xd: {  	[smem:$0x3FAF] =	sst s5  }
0xe: {  	[smem:$0x3FB0] =	sst s6  }
0xf: {  	[smem:$0x3FB1] =	sst s7  }
0x10: {  	[smem:$0x3FB2] =	sst s8  }
0x11: {  	[smem:$0x3FB3] =	sst s9;
	s0 =	simm.s32 @!p0 $0x0  }
0x12: {  	s1 =	sld [smem:$0x3F99];
	s0 =	simm.s32 @p0 $0x1  }
0x13: {  	[smem:$0x3FB4] =	sst s0;
	s0 =	simm.s32 @!p1 $0x0  }
0x14: {  	s2 =	sld [smem:$0x3F98];
	s0 =	simm.s32 @p1 $0x1  }
0x15: {  	[smem:$0x3FB5] =	sst s0;
	s0 =	simm.s32 @!p2 $0x0  }
0x16: {  	s3 =	sld [smem:$0x3FDB];
	s0 =	simm.s32 @p2 $0x1  }
0x17: {  	s4 =	simm.s32 $0x1BF5;
	[smem:$0x3FB7] =	sst s0  }
0x18: {  	s0 =	sld [smem:$0x3F9A];
	_ =	swait.ge [sflag:s4], $0x0  }
0x19: {  	s7 =	sld [smem:$0x3F9B]  }
0x1a: {  	s8 =	sadd.s32 $0xFFFFE003, lr  }
0x1b: {  	s9 =	sadd.s32 $0xFFFFFEF7, lr;
	s5 =	simm.s32 $0xFFFFFFFF;
	p2 =	slt.u32 s8, $0xFFFFF086  }
0x1c: {  	p1 =	slt.u32 s9, $0xF7A;
	s5 =	simm.s32 @!p2 $0x0  }
0x1d: {  	s5 =	simm.s32 @p1 $0x1;
	p0 =	seq.s32 s7, s2  }
0x1e: {  	s7 =	smul.u32 @!p0 $0xF7A, s2;
	p2 =	seq.s32 @!p0 s5, $0x0  }
0x1f: {  	s9 =	smul.u32 $0xF7A, s1;
	s8 =	simm.s32 @!p0 $0x1BF5;
	p2 =	por !p2, p0  }
0x20: {  	[sflag:s8] =	ssyncset.s32 @!p0 $0xFFFFF086;
	s6 =	sadd.s32 @!p0 s3, s7;
	s7 =	simm.s32 @!p0 $0x108  }
0x21: {  	s3 =	sadd.s32 s3, s9;
	s6 =	sadd.s32 @!p0 $0x88, s6;
	s7 =	simm.s32 @p2 $0x1082  }
0x22: {  	[simem:s7], [sflag:s8] =	dma.local @!p0 [hbm:s6], $0xF7A  }
0x23: {  	s9 =	sor.u32 $0xD0000000, s2;
	s6 =	simm.s32 $0x108;
	_ =	swait.ge @!p0 [sflag:s8], $0x0  }
0x24: {  	s3 =	sadd.s32 $0x88, s3;
	s6 =	simm.s32 @!p1 $0x1082;
	[sflag:s4] =	ssyncset.s32 $0xFFFFF086  }
0x25: {  	[simem:s6], [sflag:s4] =	dma.local [hbm:s3], $0xF7A  }
0x26: {  	[smem:$0x3F9B] =	sst s1;
	(tag) =	ssettag s2;
	_ =	strace s9  }
0x27: {  	s1 =	sld [smem:$0x3FAB]  }
0x28: {  	s2 =	sld [smem:$0x3FAC]  }
0x29: {  	s4 =	sld [smem:$0x3FAE]  }
0x2a: {  	p0 =	seq.s32 s5, $0x0;
	s5 =	sld [smem:$0x3FAF]  }
0x2b: {  	s6 =	sld [smem:$0x3FB0]  }
0x2c: {  	s7 =	sld [smem:$0x3FB1]  }
0x2d: {  	s3 =	simm.s32 $0x108;
	s8 =	sld [smem:$0x3FB2]  }
0x2e: {  	s3 =	simm.s32 @!p0 $0x1082;
	s9 =	sld [smem:$0x3FB3]  }
0x2f: {  	lr =	sadd.s32 s0, s3;
	s0 =	sld [smem:$0x3FAA]  }
0x30: {  	s3 =	sld [smem:$0x3FAD]  }
0x31: {  	[smem:$0x3FB6] =	sst s10  }
0x32: {  	s10 =	sld [smem:$0x3FB4];
	_ =	sdelay $0x3  }
0x33: {  	p0 =	seq.s32 s10, $0x1;
	s10 =	sld [smem:$0x3FB6];
	_ =	sdelay $0x3  }
0x34: {  	[smem:$0x3FB6] =	sst s10  }
0x35: {  	s10 =	sld [smem:$0x3FB5];
	_ =	sdelay $0x3  }
0x36: {  	p1 =	seq.s32 s10, $0x1;
	s10 =	sld [smem:$0x3FB6];
	_ =	sdelay $0x3  }
0x37: {  	[smem:$0x3FB6] =	sst s10  }
0x38: {  	s10 =	sld [smem:$0x3FB7]  }
0x39: {  	_ = 	snop;
	(pc) =	sbr.ind lr, $3  }
0x3a: {  	_ = 	snop  }
0x3b: {  	_ = 	snop  }
0x3c: {  	p2 =	seq.s32 s10, $0x1;
	s10 =	sld [smem:$0x3FB6]  }
0x3d: {  	_ =	shalt  }
0x3e: {  	_ =	shalt  }
0x3f: {  	_ =	shalt  }
0x40: {  	_ =	shalt  }
0x41: {  	_ =	shalt  }
0x42: {  	_ =	shalt  }
0x43: {  	_ =	shalt  }
0x44: {  	_ =	shalt  }
0x45: {  	_ =	shalt  }
0x46: {  	_ =	shalt  }
0x47: {  	_ =	shalt  }
0x48: {  	_ =	shalt  }
0x49: {  	_ =	shalt  }
0x4a: {  	_ =	shalt  }
0x4b: {  	_ =	shalt  }
0x4c: {  	_ =	shalt  }
0x4d: {  	_ =	shalt  }
0x4e: {  	_ =	shalt  }
0x4f: {  	_ =	shalt  }
0x50: {  	_ =	shalt  }
0x51: {  	_ =	shalt  }
0x52: {  	_ =	shalt  }
0x53: {  	_ =	shalt  }
0x54: {  	_ =	shalt  }
0x55: {  	_ =	shalt  }
0x56: {  	_ =	shalt  }
0x57: {  	_ =	shalt  }
0x58: {  	_ =	shalt  }
0x59: {  	_ =	shalt  }
0x5a: {  	_ =	shalt  }
0x5b: {  	_ =	shalt  }
0x5c: {  	_ =	shalt  }
0x5d: {  	_ =	shalt  }
0x5e: {  	_ =	shalt  }
0x5f: {  	_ =	shalt  }
0x60: {  	_ =	shalt  }
0x61: {  	_ =	shalt  }
0x62: {  	_ =	shalt  }
0x63: {  	_ =	shalt  }
0x64: {  	_ =	shalt  }
0x65: {  	_ =	shalt  }
0x66: {  	_ =	shalt  }
0x67: {  	_ =	shalt  }
0x68: {  	_ =	shalt  }
0x69: {  	_ =	shalt  }
0x6a: {  	_ =	shalt  }
0x6b: {  	_ =	shalt  }
0x6c: {  	_ =	shalt  }
0x6d: {  	_ =	shalt  }
0x6e: {  	_ =	shalt  }
0x6f: {  	_ =	shalt  }
0x70: {  	_ =	shalt  }
0x71: {  	_ =	shalt  }
0x72: {  	_ =	shalt  }
0x73: {  	_ =	shalt  }
0x74: {  	_ =	shalt  }
0x75: {  	_ =	shalt  }
0x76: {  	_ =	shalt  }
0x77: {  	_ =	shalt  }
0x78: {  	_ =	shalt  }
0x79: {  	_ =	shalt  }
0x7a: {  	_ =	shalt  }
0x7b: {  	_ =	shalt  }
0x7c: {  	_ =	shalt  }
0x7d: {  	_ =	shalt  }
0x7e: {  	_ =	shalt  }
0x7f: {  	_ =	shalt  }
0x80: {  	_ =	shalt  }
0x81: {  	_ =	shalt  }
0x82: {  	_ =	shalt  }
0x83: {  	_ =	shalt  }
0x84: {  	_ =	shalt  }
0x85: {  	_ =	shalt  }
0x86: {  	_ =	shalt  }
0x87: {  	_ =	shalt  }
.Lfunc_end0:
.L_simem_size_0:
called_computation_lowered:
.L_overlay_start_0:
0x88: {  	s2 =	sld [smem:$0x3FD9]  }
0x89: {  	s3 =	sld [smem:$0x3FFE];
	_ =	sdelay $0x1  }
0x8a: {  	s1 =	srdreg.scid  }
0x8b: {  	s0 =	sand.u32 $0x1, s1  }
0x8c: {  	s17 =	sshll.u32 s0, $0xA;
	s2 =	sadd.s32 s3, s2  }
0x8d: {  	s2 =	sadd.s32 s2, s17  }
0x8e: {  	[smem:$0x3FC2] =	sst s2  }
0x8f: {  	_ = 	snop  }
0x90: {  	s2 =	sld [smem:$0x3FC9]  }
0x91: {  	s18 =	sld [smem:$0x3FC8]  }
0x92: {  	s4 =	sld [smem:$0x3FC7]  }
0x93: {  	s5 =	sld [smem:$0x3FC6];
	(tm) =	ssettm $0x1  }
0x94: {  	s6 =	sld [smem:$0x3FFB];
	_ =	sdelay $0x3  }
0x95: {  	_ =	strace s6  }
0x96: {  	s6 =	sld [smem:$0x3FFC];
	_ =	sdelay $0x3  }
0x97: {  	_ =	strace s6  }
0x98: {  	s6 =	sld [smem:$0x3FFD];
	_ =	sdelay $0x3  }
0x99: {  	_ =	strace s6  }
0x9a: {  	_ =	strace $0x8FFFFFFF  }
0x9b: {  	s19 =	sld [smem:$0x3FDB];
	_ =	sdelay $0x1  }
0x9c: {  	s7 =	simm.s32 $_scs_section_size  }
0x9d: {  	s8 =	simm.s32 $_size__tile_overlayer_lowered;
	s9 =	simm.s32 $_tile_overlayer_lowered  }
0x9e: {  	s22 =	simm.s32 $0x1BFF;
	s21 =	sshll.u32 s9, $0x1;
	s6 =	sadd.s32 s7, s19  }
0x9f: {  	s10 =	simm.s32 $0x0;
	s20 =	sshll.u32 s8, $0x1;
	s8 =	sadd.s32 s21, s6  }
0xa0: {  	[timem:s10], [sflag:s22] =	dma.local [hbm:s8], s20  }
0xa1: {  	_ =	swait.ge [sflag:s22], s20  }
0xa2: {  	s7 =	ssub.s32 $0x0, s20;
	[sflag:s22] =	ssyncset.done $0x0  }
0xa3: {  	[sflag:s22] =	ssyncadd.s32 s7;
	_ =	sdelay $0x1  }
0xa4: {  	s23 =	simm.s32 $0x1B8B  }
0xa5: {  	_ =	swait.ge [sflag:s23], $0x1  }
0xa6: {  	[sflag:s23] =	ssyncset.done $0x0  }
0xa7: {  	s25 =	simm.s32 $0x1B8E;
	s24 =	sld [smem:$0x3FFE];
	[sflag:s23] =	ssyncadd.s32 $0xFFFFFFFF  }
0xa8: {  	s26 =	simm.s32 $execute0_lowered;
	[smem:$0x3FD2] =	sst s25  }
0xa9: {  	s8 =	sshll.u32 s26, $0x1;
	_ =	strace $0x80000046;
	[dreg:$0x1] =	wrdreg $0xFFFFFFFF  }
0xaa: {  	s28 =	simm.s32 $_size_execute0_lowered;
	s6 =	sadd.s32 s6, s8;
	[dreg:$0x0] =	wrdreg $0x0  }
0xab: {  	s8 =	sshll.u32 s28, $0x1;
	[dreg:$0x2] =	wrdreg s6  }
0xac: {  	[dreg:$0x3] =	wrdreg s8  }
0xad: {  	[dreg:$0x4] =	wrdreg $0xC0  }
0xae: {  	_ =	task [dreg:s10], $0x5FFFF  }
0xaf: {  	[dreg:$0x1] =	wrdreg $0xFFFFFFFF  }
0xb0: {  	[dreg:$0x0] =	wrdreg $0x60  }
0xb1: {  	[dreg:$0x2] =	wrdreg s2  }
0xb2: {  	[dreg:$0x3] =	wrdreg s18  }
0xb3: {  	[dreg:$0x4] =	wrdreg s4  }
0xb4: {  	[dreg:$0x5] =	wrdreg s5  }
0xb5: {  	[dreg:$0x6] =	wrdreg s24  }
0xb6: {  	[dreg:$0x7] =	wrdreg $0x54000  }
0xb7: {  	[dreg:$0x8] =	wrdreg $0x9  }
0xb8: {  	_ =	task.clear_ibuf [dreg:s10], $0x9FFFF;
	_ =	strace $0x90000046  }
0xb9: {  	s29 =	simm.s32 $0x9;
	_ =	strace $0x80000048  }
0xba: {  	_ =	swait.ge [sflag:s29], $0x1  }
0xbb: {  	[sflag:s29] =	ssyncadd.s32 $0xFFFFFFFF  }
0xbc: {  	_ =	strace $0x90000048  }
0xbd: {  	_ =	sfence  }
0xbe: {  	s30 =	sld [smem:$0x0];
	_ =	sdelay $0x2  }
0xbf: {  	s31 =	sshll.u32 s1, $0xD;
	s1 =	sshrl.u32 s1, $0x2  }
0xc0: {  	s3 =	sand.u32 $0x4000, s31;
	s1 =	sadd.s32 s1, s30  }
0xc1: {  	s0 =	sor.u32 s3, s0;
	s1 =	sshll.u32 s1, $0x11  }
0xc2: {  	s0 =	sor.u32 s1, s0  }
0xc3: {  	s0 =	sadd.s32 $0x8F2B, s0  }
0xc4: {  	[sflag:s0] =	ssyncadd.remote.s32 $0x1  }
0xc5: {  	_ =	sfence.sel $0xFFFF  }
0xc6: {  	[dreg:$0x0] =	wrdreg $0xFFFFFFFF;
	(pc) =	sbr.abs _section_cstart, $3  }
0xc7: {  	[dreg:$0x1] =	wrdreg $0xFFFFFFFF  }
0xc8: {  	_ =	task.clear_ibuf [dreg:s10], $0x2FFFF;
	_ =	strace $0x9FFFFFFF  }
0xc9: {  	(tm) =	ssettm $0x7FFFFFFF  }
tec
execute0_lowered:
.L_overlay_start_1:
0x0: {  	(tag) =	ssettag $0x1  }
0x1: {  	s0 =	rddreg [dreg:$0x0]  }
0x2: {  	s1 =	rddreg [dreg:$0x1]  }
0x3: {  	s2 =	rddreg [dreg:$0x2]  }
0x4: {  	s4 =	rddreg [dreg:$0x3]  }
0x5: {  	s3 =	srdreg.scid;
	s5 =	rddreg [dreg:$0x4]  }
0x6: {  	s13 =	stileid.u32;
	s6 =	rddreg [dreg:$0x5]  }
0x7: {  	s7 =	simm.s32 $0x0;
	s28 =	simm.s32 $0x50;
	s9 =	smul.u32 $0xA000, s13  }
0x8: {  	s29 =	simm.s32 $0x200;
	s3 =	sand.u32 $0x1, s3;
	s20 =	smul.u32 $0x28000, s13  }
0x9: {  	s30 =	simm.s32 $0x4;
	[smem:$0x7FF] =	sst s7;
	s8 =	smul.u32 $0xA0000, s3  }
0xa: {  	s12 =	sadd.s32 $0xA0000, s6;
	_ =	strace $0x80000047;
	s10 =	ssub.s32 $0x2, s3  }
0xb: {  	s11 =	sshrl.u32 s10, $0x1;
	s8 =	sadd.s32 s9, s8;
	s9 =	sshrl.u32 s20, $0x2  }
0xc: {  	[dreg:$0xa] =	wrdreg s12;
	s11 =	ssub.s32 s10, s11;
	s9 =	sadd.s32 s9, s6  }
0xd: {  	s10 =	smul.u32 $0x1400, s3;
	s8 =	sshrl.u32 s8, $0x3;
	s21 =	sadd.s32 $0x2800, s9  }
0xe: {  	s5 =	sadd.s32 s8, s5;
	s22 =	sadd.s32 $0x5000, s9;
	[dreg:$0x7] =	wrdreg s21  }
0xf: {  	s8 =	smul.u32 $0x4E20, s13;
	s23 =	sadd.s32 $0x7800, s9;
	[dreg:$0x8] =	wrdreg s22  }
0x10: {  	s31 =	simm.s32 $0x280;
	p0 =	sne.s32 s13, $0xF;
	[dreg:$0x9] =	wrdreg s23  }
0x11: {  	s21 =	sadd.s32 $0x1400, s10;
	s22 =	sadd.s32 $0xA00, s5;
	s24 =	sshrl.u32 s8, $0x3  }
0x12: {  	s23 =	smax.u32 s11, $0x1;
	s5 =	simm.s32 $0x1;
	s25 =	sadd.s32 s1, s24  }
.Ltmp0:
0x13: {  	s14 =	sadd.s32 s2, s24;
	[dreg:$0xb] =	wrdreg s25;
	(pc) =	sbr.rel .LBB2_1-.Ltmp0, $4  }
0x14: {  	s11 =	simm.s32 $0x0;
	s3 =	sadd.s32 s4, s24;
	[dreg:$0xc] =	wrdreg s14  }
0x15: {  	s26 =	sadd.s32 $0xA, s24;
	s24 =	simm.s32 $0x400;
	[dreg:$0xd] =	wrdreg s3  }
0x16: {  	s18 =	sadd.s32 s1, s26;
	s19 =	sadd.s32 s2, s26;
	s20 =	sadd.s32 s4, s26  }
0x17: {  	v1 =	vimm.f32 $0.0e+00;
	v0 =	vmov s10;
	s25 =	simm.s32 $0x7;
	s26 =	simm.s32 $0x3;
	s3 =	simm.s32 $0x2C00  }
.LBB2_13:
0x18: {  	v2 =	vld [tilespmem:$0x100]  }
0x19: {  	v3 =	vld [tilespmem:$0x140];
	_ =	sdelay $0x3  }
0x1a: {  	(v2sf) =	vpush v2, $0x0  }
0x1b: {  	(v2sf) =	vpush v3, $0xF;
	_ =	sdelay $0xd  }
0x1c: {  	s12 =	spop (v2sf)  }
0x1d: {  	s13 =	spop (v2sf);
	p1 =	sge.s32 s12, s21  }
0x1e: {  	p2 =	slt.s32 @!p1 s13, s10  }
0x1f: {  	p1 =	por p2, p1  }
0x20: {  	s12 =	simm.s32 @!p1 $0x5  }
0x21: {  	_ =	swait.ge @!p1 [sflag:s12], $0x2800  }
0x22: {  	[sflag:s12] =	ssyncset.done @!p1 $0x0  }
0x23: {  	[sflag:s12] =	ssyncadd.s32 @!p1 $0xFFFFD800;
	s12 =	simm.s32 @p3 $0x6  }
0x24: {  	s16 =	stileid.u32;
	_ =	swait.ge @p3 [sflag:s12], $0x2800  }
0x25: {  	s17 =	sshrl.u32 s9, $0x3;
	s11 =	sadd.s32 $0x1, s11;
	[sflag:s12] =	ssyncset.done @p3 $0x0  }
0x26: {  	p1 =	sne.s32 s11, s23;
	[sflag:s12] =	ssyncadd.s32 @p3 $0xFFFFD800;
	s12 =	sshll.u32 s16, $0x6  }
.Ltmp1:
0x27: {  	[bflag:$0x0] =	sbarrier.arrive $0xFFFF;
	s12 =	sor.u32 $0x1C07, s12;
	(pc) =	sbr.rel @!p1 .LBB2_14-.Ltmp1, $4  }
0x28: {  	[hbm:s22], [sflag:s12] =	dma.local [spmem:s17], $0x1400  }
0x29: {  	_ =	swait.ge [sflag:s25], $0x1400  }
0x2a: {  	[sflag:s25] =	ssyncset.done $0x0  }
0x2b: {  	[sflag:s25] =	ssyncadd.s32 $0xFFFFEC00  }
.LBB2_1:
0x2c: {  	s12 =	simm.s32 $0x0;
	s13 =	simm.s32 $0x200  }
.LBB2_2:
0x2d: {  	p1 =	sne.s32 s13, $0x9E00;
	[tilespmem:s12+$0x470] =	vst v1  }
0x2e: {  	[tilespmem:s12+$0x400] =	vst v1  }
0x2f: {  	[tilespmem:s12+$0x410] =	vst v1  }
.Ltmp2:
0x30: {  	[tilespmem:s12+$0x420] =	vst v1;
	(pc) =	sbr.rel @p1 .LBB2_2-.Ltmp2, $4  }
0x31: {  	[tilespmem:s12+$0x430] =	vst v1  }
0x32: {  	[tilespmem:s12+$0x440] =	vst v1  }
0x33: {  	[tilespmem:s12+$0x450] =	vst v1  }
0x34: {  	[tilespmem:s12+$0x460] =	vst v1;
	s12 =	sshra.s32 s13, $0x2;
	s13 =	sadd.s32 $0x200, s13  }
0x35: {  	[tilespmem:s12+$0x470] =	vst v1  }
0x36: {  	[tilespmem:s12+$0x400] =	vst v1  }
0x37: {  	[tilespmem:s12+$0x410] =	vst v1  }
0x38: {  	[tilespmem:s12+$0x420] =	vst v1  }
0x39: {  	[tilespmem:s12+$0x430] =	vst v1  }
0x3a: {  	[tilespmem:s12+$0x440] =	vst v1  }
0x3b: {  	[tilespmem:s12+$0x450] =	vst v1  }
0x3c: {  	[tilespmem:s12+$0x460] =	vst v1  }
0x3d: {  	[spmem:s9] =	stream.linear.scatter [tilespmem:s24], [sflag:$0x7], $0x2800, $0x38;
	[tilespmem:$0xF440] =	vst v63  }
0x3e: {  	_ =	swait.ge [sflag:s25], $0x2800  }
0x3f: {  	[sflag:s25] =	ssyncset.done $0x0  }
0x40: {  	s15 =	rddreg [dreg:$0x7];
	[sflag:s25] =	ssyncadd.s32 $0xFFFFD800  }
0x41: {  	[spmem:s15] =	stream.linear.scatter [tilespmem:s24], [sflag:$0x7], $0x2800, $0x38;
	[tilespmem:$0xF440] =	vst v63  }
0x42: {  	_ =	swait.ge [sflag:s25], $0x2800  }
0x43: {  	[sflag:s25] =	ssyncset.done $0x0  }
0x44: {  	s16 =	rddreg [dreg:$0x8];
	[sflag:s25] =	ssyncadd.s32 $0xFFFFD800  }
0x45: {  	[spmem:s16] =	stream.linear.scatter [tilespmem:s24], [sflag:$0x7], $0x2800, $0x38;
	[tilespmem:$0xF440] =	vst v63  }
0x46: {  	_ =	swait.ge [sflag:s25], $0x2800  }
0x47: {  	[sflag:s25] =	ssyncset.done $0x0  }
0x48: {  	s17 =	rddreg [dreg:$0x9];
	[sflag:s25] =	ssyncadd.s32 $0xFFFFD800  }
0x49: {  	[spmem:s17] =	stream.linear.scatter [tilespmem:s24], [sflag:$0x7], $0x2800, $0x38;
	[tilespmem:$0xF440] =	vst v63  }
0x4a: {  	_ =	swait.ge [sflag:s25], $0x2800  }
0x4b: {  	[sflag:s25] =	ssyncset.done $0x0  }
0x4c: {  	s12 =	simm.s32 @!p0 $0x400;
	s13 =	rddreg [dreg:$0xa];
	[sflag:s25] =	ssyncadd.s32 $0xFFFFD800  }
0x4d: {  	[spmem:s13] =	stream.linear.scatter @!p0 [tilespmem:s12], [sflag:$0x7], $0x400, $0x38;
	[tilespmem:$0xF440] =	vst v63  }
0x4e: {  	s12 =	simm.s32 @!p0 $0x7  }
0x4f: {  	_ =	swait.ge @!p0 [sflag:s12], $0x400  }
0x50: {  	[sflag:s12] =	ssyncset.done @!p0 $0x0  }
0x51: {  	[sflag:s12] =	ssyncadd.s32 @!p0 $0xFFFFFC00  }
0x52: {  	[bflag:$0x0] =	sbarrier.arrive $0xFFFF  }
0x53: {  	s14 =	simm.s32 $0x100;
	s13 =	rddreg [dreg:$0xb]  }
0x54: {  	[tilespmem:s14], [sflag:$0x1] =	stream.linear.gather [hbm4b:s13+s7], $0x50, $0x38;
	[tilespmem:$0xF440] =	vst v63  }
0x55: {  	s15 =	rddreg [dreg:$0xc]  }
0x56: {  	[tilespmem:s7], [sflag:$0x1] =	stream.linear.gather [hbm4b:s15+s7], $0x50, $0x38;
	[tilespmem:$0xF440] =	vst v63  }
0x57: {  	s17 =	simm.s32 $0x300;
	s16 =	rddreg [dreg:$0xd]  }
0x58: {  	[tilespmem:s17], [sflag:$0x1] =	stream.linear.gather [hbm4b:s16+s7], $0x50, $0x38;
	[tilespmem:$0xF440] =	vst v63  }
0x59: {  	s14 =	simm.s32 $0x180  }
0x5a: {  	[tilespmem:s14], [sflag:$0x2] =	stream.linear.gather [hbm4b:s18+s7], $0x50, $0x38;
	[tilespmem:$0xF440] =	vst v63  }
0x5b: {  	s15 =	simm.s32 $0x80  }
0x5c: {  	[tilespmem:s15], [sflag:$0x2] =	stream.linear.gather [hbm4b:s19+s7], $0x50, $0x38;
	[tilespmem:$0xF440] =	vst v63  }
0x5d: {  	s16 =	simm.s32 $0x380  }
0x5e: {  	[tilespmem:s16], [sflag:$0x2] =	stream.linear.gather [hbm4b:s20+s7], $0x50, $0x38;
	[tilespmem:$0xF440] =	vst v63  }
0x5f: {  	_ =	swait.ge [sflag:s5], $0x50  }
0x60: {  	[sflag:s5] =	ssyncset.done $0x0  }
0x61: {  	[sflag:s5] =	ssyncadd.s32 $0xFFFFFFB0  }
0x62: {  	_ =	swait.ge [sflag:s5], $0x50  }
0x63: {  	[sflag:s5] =	ssyncset.done $0x0  }
0x64: {  	[sflag:s5] =	ssyncadd.s32 $0xFFFFFFB0  }
0x65: {  	_ =	swait.ge [sflag:s5], $0x50  }
0x66: {  	[sflag:s5] =	ssyncset.done $0x0  }
0x67: {  	[sflag:s5] =	ssyncadd.s32 $0xFFFFFFB0  }
0x68: {  	v2 =	vld [tilespmem:$0x100]  }
0x69: {  	v3 =	vld [tilespmem:$0x140];
	_ =	sdelay $0x3  }
0x6a: {  	(v2sf) =	vpush v2, $0x0  }
0x6b: {  	(v2sf) =	vpush v3, $0xF;
	_ =	sdelay $0xd  }
0x6c: {  	s17 =	spop (v2sf)  }
0x6d: {  	s13 =	spop (v2sf);
	p1 =	sge.s32 s17, s21  }
.Ltmp3:
0x6e: {  	p2 =	slt.s32 @!p1 s13, s10;
	(pc) =	sbr.rel .LBB2_4-.Ltmp3, $4  }
0x6f: {  	p1 =	por p2, p1  }
0x70: {  	s12 =	simm.s32 @!p1 $0x50;
	s13 =	simm.s32 @!p1 $0x0;
	s14 =	simm.s32 @!p1 $0x400  }
0x71: {  	[tilespmem:s14], [sflag:$0x3] =	stream.indirect.gather @!p1 [hbm4b:s0+s12], $0x80, s13, s12, $0xb8;
	[tilespmem:$0xF440] =	vst v63  }
0x72: {  	p2 =	por $0x1, $0x1;
	s12 =	simm.s32 $0x0  }
.LBB2_12:
0x73: {  	p5 =	sgt.u32 s12, $0xF7  }
0x74: {  	p4 =	sne.s32 @!p5 s13, $0x0  }
0x75: {  	s13 =	sadd.s32 $0x2, s12;
	p4 =	por p4, p5  }
0x76: {  	s14 =	smul.u32 @!p4 $0x50, s13;
	_ =	sdelay $0x1  }
0x77: {  	p1 =	por !p1, !p1;
	s14 =	sadd.s32 @!p4 s8, s14  }
0x78: {  	p1 =	por p5, p1;
	s16 =	simm.s32 @!p4 $0x0;
	s14 =	sshrl.u32 @!p4 s14, $0x3  }
0x79: {  	s17 =	simm.s32 @!p4 $0x100;
	s13 =	smul.u32 @!p1 $0x50, s13;
	s15 =	sadd.s32 @!p4 s1, s14  }
0x7a: {  	[tilespmem:s17], [sflag:$0x1] =	stream.linear.gather @!p4 [hbm4b:s15+s16], $0x50, $0x38;
	[tilespmem:$0xF440] =	vst v63  }
0x7b: {  	s13 =	sadd.s32 @!p1 s8, s13;
	s15 =	sadd.s32 @!p4 s2, s14  }
0x7c: {  	[tilespmem:s16], [sflag:$0x1] =	stream.linear.gather @!p4 [hbm4b:s15+s16], $0x50, $0x38;
	[tilespmem:$0xF440] =	vst v63  }
0x7d: {  	s13 =	sshrl.u32 @!p1 s13, $0x3;
	s14 =	sadd.s32 @!p4 s4, s14;
	s15 =	simm.s32 @!p4 $0x300  }
0x7e: {  	[tilespmem:s15], [sflag:$0x1] =	stream.linear.gather @!p4 [hbm4b:s14+s16], $0x50, $0x38;
	[tilespmem:$0xF440] =	vst v63  }
0x7f: {  	s14 =	sadd.s32 @!p1 s1, s13;
	s15 =	simm.s32 @!p1 $0x0;
	s16 =	simm.s32 @!p1 $0x180  }
0x80: {  	[tilespmem:s16], [sflag:$0x2] =	stream.linear.gather @!p1 [hbm4b:s14+s15], $0x50, $0x38;
	[tilespmem:$0xF440] =	vst v63  }
0x81: {  	s14 =	sadd.s32 @!p1 s2, s13;
	s16 =	simm.s32 @!p1 $0x80  }
0x82: {  	[tilespmem:s16], [sflag:$0x2] =	stream.linear.gather @!p1 [hbm4b:s14+s15], $0x50, $0x38;
	[tilespmem:$0xF440] =	vst v63  }
0x83: {  	s12 =	sadd.s32 $0x1, s12;
	s13 =	sadd.s32 @!p1 s4, s13;
	s14 =	simm.s32 @!p1 $0x380  }
0x84: {  	[tilespmem:s14], [sflag:$0x2] =	stream.linear.gather @!p1 [hbm4b:s13+s15], $0x50, $0x38;
	[tilespmem:$0xF440] =	vst v63  }
0x85: {  	p1 =	sne.s32 s12, $0xFA  }
.Ltmp4:
0x86: {  	_ = 	snop;
	(pc) =	sbr.rel @!p1 .LBB2_13-.Ltmp4, $2  }
0x87: {  	_ =	sdelay $0x2  }
0x88: {  	p2 =	por !p2, !p2  }
.LBB2_4:
0x89: {  	s13 =	sand.u32 $0x1, s12  }
0x8a: {  	p1 =	seq.s32 s13, $0x1  }
0x8b: {  	s14 =	simm.s32 @!p1 $0x2  }
0x8c: {  	_ =	swait.ge @!p1 [sflag:s14], $0x50  }
0x8d: {  	[sflag:s14] =	ssyncset.done @!p1 $0x0  }
0x8e: {  	[sflag:s14] =	ssyncadd.s32 @!p1 $0xFFFFFFB0  }
0x8f: {  	_ =	swait.ge @!p1 [sflag:s14], $0x50  }
0x90: {  	[sflag:s14] =	ssyncset.done @!p1 $0x0  }
0x91: {  	[sflag:s14] =	ssyncadd.s32 @!p1 $0xFFFFFFB0  }
0x92: {  	_ =	swait.ge @!p1 [sflag:s14], $0x50  }
0x93: {  	p3 =	por p2, p1;
	[sflag:s14] =	ssyncset.done @!p1 $0x0  }
0x94: {  	[sflag:s14] =	ssyncadd.s32 @!p1 $0xFFFFFFB0;
	s14 =	simm.s32 @!p3 $0x6  }
0x95: {  	_ =	swait.ge @!p3 [sflag:s14], $0x2800  }
0x96: {  	[sflag:s14] =	ssyncset.done @!p3 $0x0  }
0x97: {  	[sflag:s14] =	ssyncadd.s32 @!p3 $0xFFFFD800  }
0x98: {  	v2 =	vld @!p1 [tilespmem:$0x180];
	_ =	sdelay $0x1  }
0x99: {  	v3 =	vld @!p1 [tilespmem:$0x1C0];
	_ =	sdelay $0x2  }
0x9a: {  	(v2sf) =	vpush @!p1 v2, $0x0;
	_ =	sdelay $0x1  }
0x9b: {  	(v2sf) =	vpush @!p1 v3, $0xF;
	_ =	sdelay $0xc  }
0x9c: {  	s14 =	spop @!p1 (v2sf)  }
0x9d: {  	p3 =	sge.s32 @!p1 s14, s21  }
0x9e: {  	s14 =	spop @!p1 (v2sf);
	p4 =	por p3, p1  }
0x9f: {  	p4 =	slt.s32 @!p4 s14, s10  }
0xa0: {  	p3 =	por @!p1 p4, p3  }
0xa1: {  	p3 =	por p3, p1  }
0xa2: {  	s14 =	simm.s32 @!p3 $0x50;
	s15 =	simm.s32 @!p3 $0x80;
	s16 =	simm.s32 @!p3 $0x2C00  }
0xa3: {  	[tilespmem:s16], [sflag:$0x4] =	stream.indirect.gather @!p3 [hbm4b:s0+s14], $0x80, s15, s14, $0xb8;
	[tilespmem:$0xF440] =	vst v63  }
0xa4: {  	p3 =	seq.s32 s12, $0xF9  }
0xa5: {  	p4 =	por !p1, p3  }
0xa6: {  	s14 =	simm.s32 @!p4 $0x1  }
0xa7: {  	_ =	swait.ge @!p4 [sflag:s14], $0x50  }
0xa8: {  	[sflag:s14] =	ssyncset.done @!p4 $0x0  }
0xa9: {  	[sflag:s14] =	ssyncadd.s32 @!p4 $0xFFFFFFB0  }
0xaa: {  	_ =	swait.ge @!p4 [sflag:s14], $0x50  }
0xab: {  	[sflag:s14] =	ssyncset.done @!p4 $0x0  }
0xac: {  	[sflag:s14] =	ssyncadd.s32 @!p4 $0xFFFFFFB0  }
0xad: {  	p2 =	por @!p3 p2, !p1;
	_ =	swait.ge @!p4 [sflag:s14], $0x50  }
0xae: {  	p2 =	por p2, p3;
	[sflag:s14] =	ssyncset.done @!p4 $0x0  }
0xaf: {  	[sflag:s14] =	ssyncadd.s32 @!p4 $0xFFFFFFB0;
	s14 =	simm.s32 @!p2 $0x5  }
0xb0: {  	_ =	swait.ge @!p2 [sflag:s14], $0x2800  }
0xb1: {  	[sflag:s14] =	ssyncset.done @!p2 $0x0  }
0xb2: {  	[sflag:s14] =	ssyncadd.s32 @!p2 $0xFFFFD800  }
0xb3: {  	v2 =	vld @!p4 [tilespmem:$0x100];
	_ =	sdelay $0x2  }
0xb4: {  	v3 =	vld @!p4 [tilespmem:$0x140];
	_ =	sdelay $0x1  }
0xb5: {  	(v2sf) =	vpush @!p4 v2, $0x0;
	_ =	sdelay $0x2  }
0xb6: {  	(v2sf) =	vpush @!p4 v3, $0xF;
	_ =	sdelay $0xb  }
0xb7: {  	s14 =	spop @!p4 (v2sf)  }
0xb8: {  	p2 =	sge.s32 @!p4 s14, s21  }
0xb9: {  	p5 =	por @!p3 p2, !p1  }
0xba: {  	s14 =	spop @!p4 (v2sf);
	p5 =	por p5, p3  }
0xbb: {  	p5 =	slt.s32 @!p5 s14, s10  }
0xbc: {  	p2 =	por @!p4 p5, p2  }
0xbd: {  	p2 =	por @!p3 p2, !p1  }
0xbe: {  	p2 =	por p2, p3  }
0xbf: {  	s14 =	simm.s32 @!p2 $0x50;
	s15 =	simm.s32 @!p2 $0x0;
	s16 =	simm.s32 @!p2 $0x400  }
0xc0: {  	[tilespmem:s16], [sflag:$0x3] =	stream.indirect.gather @!p2 [hbm4b:s0+s14], $0x80, s15, s14, $0xb8;
	[tilespmem:$0xF440] =	vst v63  }
0xc1: {  	v2 =	vld [tilespmem:$0x100]  }
0xc2: {  	v3 =	vld [tilespmem:$0x140];
	_ =	sdelay $0x3  }
0xc3: {  	(v2sf) =	vpush v2, $0x0  }
0xc4: {  	(v2sf) =	vpush v3, $0xF;
	_ =	sdelay $0x2  }
0xc5: {  	v4 =	vld [tilespmem:$0x180]  }
0xc6: {  	v3 =	vld [tilespmem:$0x1C0];
	_ =	sdelay $0x3  }
0xc7: {  	(v2sf) =	vpush v4, $0x0  }
0xc8: {  	(v2sf) =	vpush v3, $0xF;
	_ =	sdelay $0x4  }
0xc9: {  	s16 =	spop (v2sf)  }
0xca: {  	s17 =	spop (v2sf)  }
0xcb: {  	p5 =	slt.s32 s16, s21;
	p4 =	sge.s32 s17, s10  }
0xcc: {  	p2 =	por !p5, !p4  }
0xcd: {  	p6 =	sne.s32 s13, $0x0;
	p2 =	por !p2, !p2  }
0xce: {  	p3 =	por p6, !p2  }
.Ltmp5:
0xcf: {  	_ = 	snop;
	(pc) =	sbr.rel @p3 .LBB2_8-.Ltmp5, $3  }
0xd0: {  	_ =	sdelay $0x1  }
0xd1: {  	s14 =	spop (v2sf)  }
0xd2: {  	s15 =	spop (v2sf)  }
0xd3: {  	_ =	swait.ge [sflag:s26], $0x2800  }
0xd4: {  	[sflag:s26] =	ssyncset.done $0x0  }
0xd5: {  	[sflag:s26] =	ssyncadd.s32 $0xFFFFD800  }
0xd6: {  	v3 =	vld [tilespmem:$0x110]  }
0xd7: {  	v4 =	vld [tilespmem:$0x120]  }
0xd8: {  	v5 =	vld [tilespmem:$0x130]  }
0xd9: {  	v6 =	vld [tilespmem:$0x140]  }
0xda: {  	v2 =	vsub.s32 v2, v0  }
0xdb: {  	v2 =	vmin.u32 v2, $0x1400;
	v3 =	vsub.s32 v3, v0  }
0xdc: {  	[tilespmem:$0x200] =	vst v2;
	v2 =	vmin.u32 v3, $0x1400;
	v3 =	vsub.s32 v4, v0  }
0xdd: {  	[tilespmem:$0x210] =	vst v2;
	v2 =	vmin.u32 v3, $0x1400;
	v3 =	vsub.s32 v5, v0  }
0xde: {  	[tilespmem:$0x220] =	vst v2;
	v2 =	vmin.u32 v3, $0x1400;
	v3 =	vsub.s32 v6, v0  }
0xdf: {  	[tilespmem:$0x230] =	vst v2;
	v2 =	vmin.u32 v3, $0x1400  }
0xe0: {  	s16 =	simm.s32 $0x0;
	[tilespmem:$0x240] =	vst v2  }
.LBB2_6:
0xe1: {  	s17 =	sshll.u32 s16, $0x4  }
0xe2: {  	s17 =	sand.u32 $0x3FFFFFF0, s17  }
0xe3: {  	v2 =	vld [tilespmem:s17+$0x300];
	s17 =	sshll.u32 s16, $0xB  }
0xe4: {  	s17 =	sand.u32 $0x3FFFF800, s17  }
0xe5: {  	v3 =	vld [tilespmem:s17+$0x400]  }
0xe6: {  	v4 =	vld [tilespmem:s17+$0x410]  }
0xe7: {  	v5 =	vld [tilespmem:s17+$0x420]  }
0xe8: {  	v7 =	vld [tilespmem:s17+$0x430];
	v6 =	vbroadcast v2, $0x0  }
0xe9: {  	v8 =	vld [tilespmem:s17+$0x440]  }
0xea: {  	v9 =	vld [tilespmem:s17+$0x450];
	v3 =	vmul.f32 v6, v3  }
0xeb: {  	v10 =	vld [tilespmem:s17+$0x460];
	v4 =	vmul.f32 v4, v6  }
0xec: {  	v24 =	vld [tilespmem:s17+$0x470];
	[tilespmem:s17+$0x400] =	vst v3;
	v3 =	vmul.f32 v5, v6  }
0xed: {  	v26 =	vld [tilespmem:s17+$0x480];
	v25 =	vmul.f32 v7, v6;
	[tilespmem:s17+$0x410] =	vst v4  }
0xee: {  	v27 =	vld [tilespmem:s17+$0x490];
	[tilespmem:s17+$0x420] =	vst v3;
	v3 =	vmul.f32 v8, v6  }
0xef: {  	v29 =	vld [tilespmem:s17+$0x4A0];
	v28 =	vmul.f32 v9, v6;
	[tilespmem:s17+$0x430] =	vst v25  }
0xf0: {  	v11 =	vld [tilespmem:s17+$0x4B0];
	v30 =	vbroadcast v2, $0x1;
	[tilespmem:s17+$0x440] =	vst v3;
	v3 =	vmul.f32 v10, v6  }
0xf1: {  	v32 =	vld [tilespmem:s17+$0x4C0];
	v31 =	vmul.f32 v24, v6;
	[tilespmem:s17+$0x450] =	vst v28  }
0xf2: {  	v33 =	vld [tilespmem:s17+$0x4D0];
	[tilespmem:s17+$0x460] =	vst v3;
	v3 =	vmul.f32 v26, v30  }
0xf3: {  	v35 =	vld [tilespmem:s17+$0x4E0];
	v34 =	vmul.f32 v27, v30;
	[tilespmem:s17+$0x470] =	vst v31  }
0xf4: {  	v36 =	vld [tilespmem:s17+$0x4F0];
	[tilespmem:s17+$0x480] =	vst v3;
	v3 =	vmul.f32 v29, v30  }
0xf5: {  	v38 =	vld [tilespmem:s17+$0x500];
	v37 =	vmul.f32 v11, v30;
	[tilespmem:s17+$0x490] =	vst v34  }
0xf6: {  	v39 =	vld [tilespmem:s17+$0x510];
	[tilespmem:s17+$0x4A0] =	vst v3;
	v3 =	vmul.f32 v32, v30  }
0xf7: {  	v41 =	vld [tilespmem:s17+$0x520];
	v40 =	vmul.f32 v33, v30;
	[tilespmem:s17+$0x4B0] =	vst v37  }
0xf8: {  	v43 =	vld [tilespmem:s17+$0x530];
	v42 =	vbroadcast v2, $0x2;
	[tilespmem:s17+$0x4C0] =	vst v3;
	v3 =	vmul.f32 v35, v30  }
0xf9: {  	v45 =	vld [tilespmem:s17+$0x540];
	v44 =	vmul.f32 v36, v30;
	[tilespmem:s17+$0x4D0] =	vst v40  }
0xfa: {  	v46 =	vld [tilespmem:s17+$0x550];
	[tilespmem:s17+$0x4E0] =	vst v3;
	v3 =	vmul.f32 v38, v42  }
0xfb: {  	v48 =	vld [tilespmem:s17+$0x560];
	v47 =	vmul.f32 v39, v42;
	[tilespmem:s17+$0x4F0] =	vst v44  }
0xfc: {  	v49 =	vld [tilespmem:s17+$0x570];
	[tilespmem:s17+$0x500] =	vst v3;
	v3 =	vmul.f32 v41, v42  }
0xfd: {  	v51 =	vld [tilespmem:s17+$0x580];
	v50 =	vmul.f32 v43, v42;
	[tilespmem:s17+$0x510] =	vst v47  }
0xfe: {  	v52 =	vld [tilespmem:s17+$0x590];
	[tilespmem:s17+$0x520] =	vst v3;
	v3 =	vmul.f32 v45, v42  }
0xff: {  	v54 =	vld [tilespmem:s17+$0x5A0];
	v53 =	vmul.f32 v46, v42;
	[tilespmem:s17+$0x530] =	vst v50  }
0x100: {  	v56 =	vld [tilespmem:s17+$0x5B0];
	v55 =	vbroadcast v2, $0x3;
	[tilespmem:s17+$0x540] =	vst v3;
	v3 =	vmul.f32 v48, v42  }
0x101: {  	v58 =	vld [tilespmem:s17+$0x5C0];
	v57 =	vmul.f32 v49, v42;
	[tilespmem:s17+$0x550] =	vst v53  }
0x102: {  	v59 =	vld [tilespmem:s17+$0x5D0];
	[tilespmem:s17+$0x560] =	vst v3;
	v3 =	vmul.f32 v51, v55  }
0x103: {  	v61 =	vld [tilespmem:s17+$0x5E0];
	v60 =	vmul.f32 v52, v55;
	[tilespmem:s17+$0x570] =	vst v57  }
0x104: {  	v62 =	vld [tilespmem:s17+$0x5F0];
	[tilespmem:s17+$0x580] =	vst v3;
	v3 =	vmul.f32 v54, v55  }
0x105: {  	v12 =	vld [tilespmem:s17+$0x600];
	v63 =	vmul.f32 v56, v55;
	[tilespmem:s17+$0x590] =	vst v60  }
0x106: {  	v13 =	vld [tilespmem:s17+$0x610];
	[tilespmem:s17+$0x5A0] =	vst v3;
	v3 =	vmul.f32 v58, v55  }
0x107: {  	v15 =	vld [tilespmem:s17+$0x620];
	v14 =	vmul.f32 v59, v55;
	[tilespmem:s17+$0x5B0] =	vst v63  }
0x108: {  	v17 =	vld [tilespmem:s17+$0x630];
	v16 =	vbroadcast v2, $0x4;
	[tilespmem:s17+$0x5C0] =	vst v3;
	v3 =	vmul.f32 v61, v55  }
0x109: {  	v19 =	vld [tilespmem:s17+$0x640];
	v18 =	vmul.f32 v62, v55;
	[tilespmem:s17+$0x5D0] =	vst v14  }
0x10a: {  	v20 =	vld [tilespmem:s17+$0x650];
	[tilespmem:s17+$0x5E0] =	vst v3;
	v3 =	vmul.f32 v12, v16  }
0x10b: {  	v22 =	vld [tilespmem:s17+$0x660];
	v21 =	vmul.f32 v13, v16;
	[tilespmem:s17+$0x5F0] =	vst v18  }
0x10c: {  	v23 =	vld [tilespmem:s17+$0x670];
	[tilespmem:s17+$0x600] =	vst v3;
	v3 =	vmul.f32 v15, v16  }
0x10d: {  	v24 =	vmul.f32 v17, v16;
	[tilespmem:s17+$0x610] =	vst v21;
	v25 =	vld [tilespmem:s17+$0x680]  }
0x10e: {  	v33 =	vld [tilespmem:s17+$0x6D0];
	[tilespmem:s17+$0x620] =	vst v3;
	v3 =	vmul.f32 v19, v16  }
0x10f: {  	v27 =	vmul.f32 v20, v16;
	[tilespmem:s17+$0x630] =	vst v24;
	v28 =	vld [tilespmem:s17+$0x6A0]  }
0x110: {  	v36 =	vld [tilespmem:s17+$0x6F0];
	v29 =	vbroadcast v2, $0x5;
	[tilespmem:s17+$0x640] =	vst v3;
	v3 =	vmul.f32 v22, v16  }
0x111: {  	[tilespmem:s17+$0x650] =	vst v27;
	v31 =	vmul.f32 v23, v16;
	v32 =	vld [tilespmem:s17+$0x6C0]  }
0x112: {  	v26 =	vld [tilespmem:s17+$0x690];
	[tilespmem:s17+$0x660] =	vst v3;
	v3 =	vmul.f32 v25, v29  }
0x113: {  	[tilespmem:s17+$0x670] =	vst v31;
	v40 =	vmul.f32 v33, v29;
	v35 =	vld [tilespmem:s17+$0x6E0]  }
0x114: {  	v30 =	vld [tilespmem:s17+$0x6B0];
	[tilespmem:s17+$0x680] =	vst v3;
	v3 =	vmul.f32 v28, v29  }
0x115: {  	v44 =	vmul.f32 v36, v29;
	[tilespmem:s17+$0x6D0] =	vst v40;
	v38 =	vld [tilespmem:s17+$0x700]  }
0x116: {  	v39 =	vld [tilespmem:s17+$0x710];
	[tilespmem:s17+$0x6A0] =	vst v3;
	v3 =	vmul.f32 v32, v29  }
0x117: {  	v34 =	vmul.f32 v26, v29;
	[tilespmem:s17+$0x6F0] =	vst v44;
	v41 =	vld [tilespmem:s17+$0x720]  }
0x118: {  	v43 =	vld [tilespmem:s17+$0x730];
	v42 =	vbroadcast v2, $0x6;
	[tilespmem:s17+$0x6C0] =	vst v3;
	v3 =	vmul.f32 v35, v29  }
0x119: {  	[tilespmem:s17+$0x690] =	vst v34;
	v37 =	vmul.f32 v30, v29;
	v45 =	vld [tilespmem:s17+$0x740]  }
0x11a: {  	v46 =	vld [tilespmem:s17+$0x750];
	[tilespmem:s17+$0x6E0] =	vst v3;
	v3 =	vmul.f32 v38, v42  }
0x11b: {  	[tilespmem:s17+$0x6B0] =	vst v37;
	v48 =	vld [tilespmem:s17+$0x760];
	v47 =	vmul.f32 v39, v42  }
0x11c: {  	v49 =	vld [tilespmem:s17+$0x770];
	[tilespmem:s17+$0x700] =	vst v3;
	v3 =	vmul.f32 v41, v42  }
0x11d: {  	v50 =	vmul.f32 v43, v42;
	v51 =	vld [tilespmem:s17+$0x780];
	[tilespmem:s17+$0x710] =	vst v47  }
0x11e: {  	v52 =	vld [tilespmem:s17+$0x790];
	[tilespmem:s17+$0x720] =	vst v3;
	v3 =	vmul.f32 v45, v42  }
0x11f: {  	v53 =	vmul.f32 v46, v42;
	[tilespmem:s17+$0x730] =	vst v50;
	v54 =	vld [tilespmem:s17+$0x7A0]  }
0x120: {  	v56 =	vld [tilespmem:s17+$0x7B0];
	v55 =	vbroadcast v2, $0x7;
	[tilespmem:s17+$0x740] =	vst v3;
	v3 =	vmul.f32 v48, v42  }
0x121: {  	v57 =	vmul.f32 v49, v42;
	[tilespmem:s17+$0x750] =	vst v53;
	v58 =	vld [tilespmem:s17+$0x7C0]  }
0x122: {  	v59 =	vld [tilespmem:s17+$0x7D0];
	[tilespmem:s17+$0x760] =	vst v3;
	v3 =	vmul.f32 v51, v55  }
0x123: {  	[tilespmem:s17+$0x770] =	vst v57;
	v61 =	vld [tilespmem:s17+$0x7E0];
	v60 =	vmul.f32 v52, v55  }
0x124: {  	v62 =	vld [tilespmem:s17+$0x7F0];
	[tilespmem:s17+$0x780] =	vst v3;
	v3 =	vmul.f32 v54, v55  }
0x125: {  	v63 =	vmul.f32 v56, v55;
	v12 =	vld [tilespmem:s17+$0x800];
	[tilespmem:s17+$0x790] =	vst v60  }
0x126: {  	v13 =	vld [tilespmem:s17+$0x810];
	[tilespmem:s17+$0x7A0] =	vst v3;
	v3 =	vmul.f32 v58, v55  }
0x127: {  	v14 =	vmul.f32 v59, v55;
	[tilespmem:s17+$0x7B0] =	vst v63;
	v15 =	vld [tilespmem:s17+$0x820]  }
0x128: {  	v17 =	vld [tilespmem:s17+$0x830];
	v16 =	vbroadcast v2, $0x8;
	[tilespmem:s17+$0x7C0] =	vst v3;
	v3 =	vmul.f32 v61, v55  }
0x129: {  	v18 =	vmul.f32 v62, v55;
	[tilespmem:s17+$0x7D0] =	vst v14;
	v19 =	vld [tilespmem:s17+$0x840]  }
0x12a: {  	v20 =	vld [tilespmem:s17+$0x850];
	[tilespmem:s17+$0x7E0] =	vst v3;
	v3 =	vmul.f32 v12, v16  }
0x12b: {  	[tilespmem:s17+$0x7F0] =	vst v18;
	v22 =	vld [tilespmem:s17+$0x860];
	v21 =	vmul.f32 v13, v16  }
0x12c: {  	v23 =	vld [tilespmem:s17+$0x870];
	[tilespmem:s17+$0x800] =	vst v3;
	v3 =	vmul.f32 v15, v16  }
0x12d: {  	v24 =	vmul.f32 v17, v16;
	v25 =	vld [tilespmem:s17+$0x880];
	[tilespmem:s17+$0x810] =	vst v21  }
0x12e: {  	v26 =	vld [tilespmem:s17+$0x890];
	[tilespmem:s17+$0x820] =	vst v3;
	v3 =	vmul.f32 v19, v16  }
0x12f: {  	v27 =	vmul.f32 v20, v16;
	[tilespmem:s17+$0x830] =	vst v24;
	v28 =	vld [tilespmem:s17+$0x8A0]  }
0x130: {  	v30 =	vld [tilespmem:s17+$0x8B0];
	v29 =	vbroadcast v2, $0x9;
	[tilespmem:s17+$0x840] =	vst v3;
	v3 =	vmul.f32 v22, v16  }
0x131: {  	v31 =	vmul.f32 v23, v16;
	[tilespmem:s17+$0x850] =	vst v27;
	v32 =	vld [tilespmem:s17+$0x8C0]  }
0x132: {  	v33 =	vld [tilespmem:s17+$0x8D0];
	[tilespmem:s17+$0x860] =	vst v3;
	v3 =	vmul.f32 v25, v29  }
0x133: {  	[tilespmem:s17+$0x870] =	vst v31;
	v35 =	vld [tilespmem:s17+$0x8E0];
	v34 =	vmul.f32 v26, v29  }
0x134: {  	v36 =	vld [tilespmem:s17+$0x8F0];
	[tilespmem:s17+$0x880] =	vst v3;
	v3 =	vmul.f32 v28, v29  }
0x135: {  	v37 =	vmul.f32 v30, v29;
	v38 =	vld [tilespmem:s17+$0x900];
	[tilespmem:s17+$0x890] =	vst v34  }
0x136: {  	v39 =	vld [tilespmem:s17+$0x910];
	[tilespmem:s17+$0x8A0] =	vst v3;
	v3 =	vmul.f32 v32, v29  }
0x137: {  	v40 =	vmul.f32 v33, v29;
	[tilespmem:s17+$0x8B0] =	vst v37;
	v41 =	vld [tilespmem:s17+$0x920]  }
0x138: {  	v43 =	vld [tilespmem:s17+$0x930];
	v42 =	vbroadcast v2, $0xA;
	[tilespmem:s17+$0x8C0] =	vst v3;
	v3 =	vmul.f32 v35, v29  }
0x139: {  	v44 =	vmul.f32 v36, v29;
	[tilespmem:s17+$0x8D0] =	vst v40;
	v45 =	vld [tilespmem:s17+$0x940]  }
0x13a: {  	v46 =	vld [tilespmem:s17+$0x950];
	[tilespmem:s17+$0x8E0] =	vst v3;
	v3 =	vmul.f32 v38, v42  }
0x13b: {  	[tilespmem:s17+$0x8F0] =	vst v44;
	v48 =	vld [tilespmem:s17+$0x960];
	v47 =	vmul.f32 v39, v42  }
0x13c: {  	v49 =	vld [tilespmem:s17+$0x970];
	[tilespmem:s17+$0x900] =	vst v3;
	v3 =	vmul.f32 v41, v42  }
0x13d: {  	v50 =	vmul.f32 v43, v42;
	v51 =	vld [tilespmem:s17+$0x980];
	[tilespmem:s17+$0x910] =	vst v47  }
0x13e: {  	v52 =	vld [tilespmem:s17+$0x990];
	[tilespmem:s17+$0x920] =	vst v3;
	v3 =	vmul.f32 v45, v42  }
0x13f: {  	v53 =	vmul.f32 v46, v42;
	[tilespmem:s17+$0x930] =	vst v50;
	v54 =	vld [tilespmem:s17+$0x9A0]  }
0x140: {  	v56 =	vld [tilespmem:s17+$0x9B0];
	v55 =	vbroadcast v2, $0xB;
	[tilespmem:s17+$0x940] =	vst v3;
	v3 =	vmul.f32 v48, v42  }
0x141: {  	v57 =	vmul.f32 v49, v42;
	[tilespmem:s17+$0x950] =	vst v53;
	v58 =	vld [tilespmem:s17+$0x9C0]  }
0x142: {  	v59 =	vld [tilespmem:s17+$0x9D0];
	[tilespmem:s17+$0x960] =	vst v3;
	v3 =	vmul.f32 v51, v55  }
0x143: {  	[tilespmem:s17+$0x970] =	vst v57;
	v61 =	vld [tilespmem:s17+$0x9E0];
	v60 =	vmul.f32 v52, v55  }
0x144: {  	v62 =	vld [tilespmem:s17+$0x9F0];
	[tilespmem:s17+$0x980] =	vst v3;
	v3 =	vmul.f32 v54, v55  }
0x145: {  	v63 =	vmul.f32 v56, v55;
	v12 =	vld [tilespmem:s17+$0xA00];
	[tilespmem:s17+$0x990] =	vst v60  }
0x146: {  	v13 =	vld [tilespmem:s17+$0xA10];
	[tilespmem:s17+$0x9A0] =	vst v3;
	v3 =	vmul.f32 v58, v55  }
0x147: {  	v14 =	vmul.f32 v59, v55;
	[tilespmem:s17+$0x9B0] =	vst v63;
	v15 =	vld [tilespmem:s17+$0xA20]  }
0x148: {  	v17 =	vld [tilespmem:s17+$0xA30];
	v16 =	vbroadcast v2, $0xC;
	[tilespmem:s17+$0x9C0] =	vst v3;
	v3 =	vmul.f32 v61, v55  }
0x149: {  	v18 =	vmul.f32 v62, v55;
	[tilespmem:s17+$0x9D0] =	vst v14;
	v19 =	vld [tilespmem:s17+$0xA40]  }
0x14a: {  	v20 =	vld [tilespmem:s17+$0xA50];
	[tilespmem:s17+$0x9E0] =	vst v3;
	v3 =	vmul.f32 v12, v16  }
0x14b: {  	[tilespmem:s17+$0x9F0] =	vst v18;
	v22 =	vld [tilespmem:s17+$0xA60];
	v21 =	vmul.f32 v13, v16  }
0x14c: {  	v23 =	vld [tilespmem:s17+$0xA70];
	[tilespmem:s17+$0xA00] =	vst v3;
	v3 =	vmul.f32 v15, v16  }
0x14d: {  	v24 =	vmul.f32 v17, v16;
	v25 =	vld [tilespmem:s17+$0xA80];
	[tilespmem:s17+$0xA10] =	vst v21  }
0x14e: {  	v26 =	vld [tilespmem:s17+$0xA90];
	[tilespmem:s17+$0xA20] =	vst v3;
	v3 =	vmul.f32 v19, v16  }
0x14f: {  	v27 =	vmul.f32 v20, v16;
	[tilespmem:s17+$0xA30] =	vst v24;
	v28 =	vld [tilespmem:s17+$0xAA0]  }
0x150: {  	v30 =	vld [tilespmem:s17+$0xAB0];
	v29 =	vbroadcast v2, $0xD;
	[tilespmem:s17+$0xA40] =	vst v3;
	v3 =	vmul.f32 v22, v16  }
0x151: {  	v31 =	vmul.f32 v23, v16;
	[tilespmem:s17+$0xA50] =	vst v27;
	v32 =	vld [tilespmem:s17+$0xAC0]  }
0x152: {  	v33 =	vld [tilespmem:s17+$0xAD0];
	[tilespmem:s17+$0xA60] =	vst v3;
	v3 =	vmul.f32 v25, v29  }
0x153: {  	[tilespmem:s17+$0xA70] =	vst v31;
	v35 =	vld [tilespmem:s17+$0xAE0];
	v34 =	vmul.f32 v26, v29  }
0x154: {  	v36 =	vld [tilespmem:s17+$0xAF0];
	[tilespmem:s17+$0xA80] =	vst v3;
	v3 =	vmul.f32 v28, v29  }
0x155: {  	v37 =	vmul.f32 v30, v29;
	v38 =	vld [tilespmem:s17+$0xB00];
	[tilespmem:s17+$0xA90] =	vst v34  }
0x156: {  	v39 =	vld [tilespmem:s17+$0xB10];
	[tilespmem:s17+$0xAA0] =	vst v3;
	v3 =	vmul.f32 v32, v29  }
0x157: {  	v40 =	vmul.f32 v33, v29;
	[tilespmem:s17+$0xAB0] =	vst v37;
	v41 =	vld [tilespmem:s17+$0xB20]  }
0x158: {  	v43 =	vld [tilespmem:s17+$0xB30];
	v42 =	vbroadcast v2, $0xE;
	[tilespmem:s17+$0xAC0] =	vst v3;
	v3 =	vmul.f32 v35, v29  }
0x159: {  	v44 =	vmul.f32 v36, v29;
	[tilespmem:s17+$0xAD0] =	vst v40;
	v45 =	vld [tilespmem:s17+$0xB40]  }
0x15a: {  	v46 =	vld [tilespmem:s17+$0xB50];
	[tilespmem:s17+$0xAE0] =	vst v3;
	v3 =	vmul.f32 v38, v42  }
0x15b: {  	[tilespmem:s17+$0xAF0] =	vst v44;
	v48 =	vld [tilespmem:s17+$0xB60];
	v47 =	vmul.f32 v39, v42  }
0x15c: {  	v49 =	vld [tilespmem:s17+$0xB70];
	[tilespmem:s17+$0xB00] =	vst v3;
	v3 =	vmul.f32 v41, v42  }
0x15d: {  	v50 =	vmul.f32 v43, v42;
	v51 =	vld [tilespmem:s17+$0xB80];
	[tilespmem:s17+$0xB10] =	vst v47  }
0x15e: {  	v52 =	vld [tilespmem:s17+$0xB90];
	[tilespmem:s17+$0xB20] =	vst v3;
	v3 =	vmul.f32 v45, v42  }
0x15f: {  	v53 =	vmul.f32 v46, v42;
	[tilespmem:s17+$0xB30] =	vst v50;
	v54 =	vld [tilespmem:s17+$0xBA0]  }
0x160: {  	v2 =	vbroadcast v2, $0xF;
	v58 =	vld [tilespmem:s17+$0xBD0];
	[tilespmem:s17+$0xB40] =	vst v3;
	v3 =	vmul.f32 v48, v42  }
0x161: {  	v57 =	vld [tilespmem:s17+$0xBC0];
	v56 =	vmul.f32 v49, v42;
	[tilespmem:s17+$0xB50] =	vst v53  }
0x162: {  	v55 =	vld [tilespmem:s17+$0xBB0];
	[tilespmem:s17+$0xB60] =	vst v3;
	v3 =	vmul.f32 v51, v2  }
0x163: {  	v60 =	vld [tilespmem:s17+$0xBE0];
	v59 =	vmul.f32 v52, v2;
	[tilespmem:s17+$0xB70] =	vst v56  }
0x164: {  	v61 =	vld [tilespmem:s17+$0xBF0];
	[tilespmem:s17+$0xB80] =	vst v3;
	v3 =	vmul.f32 v54, v2  }
0x165: {  	[tilespmem:s17+$0xB90] =	vst v59;
	v63 =	vmul.f32 v58, v2  }
0x166: {  	p3 =	sne.s32 s16, $0x4;
	[tilespmem:s17+$0xBA0] =	vst v3;
	v3 =	vmul.f32 v57, v2  }
.Ltmp6:
0x167: {  	v62 =	vmul.f32 v55, v2;
	[tilespmem:s17+$0xBD0] =	vst v63;
	(pc) =	sbr.rel @p3 .LBB2_6-.Ltmp6, $4  }
0x168: {  	[tilespmem:s17+$0xBC0] =	vst v3;
	v3 =	vmul.f32 v60, v2  }
0x169: {  	[tilespmem:s17+$0xBB0] =	vst v62;
	v2 =	vmul.f32 v61, v2  }
0x16a: {  	[tilespmem:s17+$0xBE0] =	vst v3  }
0x16b: {  	s16 =	sadd.s32 $0x1, s16;
	[tilespmem:s17+$0xBF0] =	vst v2  }
0x16c: {  	[spmem:s6] =	stream.indirect.scatter.add.f32 [tilespmem:s24], [sflag:$0x5], $0x80, s29, s28, $0xb8;
	[tilespmem:$0xF440] =	vst v63  }
.LBB2_8:
0x16d: {  	p3 =	sge.s32 s15, s10;
	p4 =	slt.s32 s14, s21  }
0x16e: {  	p3 =	por !p4, !p3  }
0x16f: {  	p4 =	seq.s32 s13, $0x0;
	p3 =	por !p3, !p3  }
0x170: {  	p2 =	por @!p4 p3, p3  }
0x171: {  	p4 =	por !p2, !p1  }
0x172: {  	p4 =	por !p4, !p4  }
.Ltmp7:
0x173: {  	_ = 	snop;
	(pc) =	sbr.rel @!p4 .LBB2_12-.Ltmp7, $1  }
0x174: {  	_ =	sdelay $0x3  }
0x175: {  	_ =	swait.ge [sflag:s30], $0x2800  }
0x176: {  	[sflag:s30] =	ssyncset.done $0x0  }
0x177: {  	[sflag:s30] =	ssyncadd.s32 $0xFFFFD800  }
0x178: {  	v2 =	vld [tilespmem:$0x180]  }
0x179: {  	v3 =	vld [tilespmem:$0x190]  }
0x17a: {  	v4 =	vld [tilespmem:$0x1A0]  }
0x17b: {  	v5 =	vld [tilespmem:$0x1B0]  }
0x17c: {  	v6 =	vld [tilespmem:$0x1C0]  }
0x17d: {  	v2 =	vsub.s32 v2, v0  }
0x17e: {  	v3 =	vsub.s32 v3, v0;
	v2 =	vmin.u32 v2, $0x1400  }
0x17f: {  	[tilespmem:$0x280] =	vst v2;
	v2 =	vmin.u32 v3, $0x1400;
	v3 =	vsub.s32 v4, v0  }
0x180: {  	[tilespmem:$0x290] =	vst v2;
	v2 =	vmin.u32 v3, $0x1400;
	v3 =	vsub.s32 v5, v0  }
0x181: {  	[tilespmem:$0x2A0] =	vst v2;
	v2 =	vmin.u32 v3, $0x1400;
	v3 =	vsub.s32 v6, v0  }
0x182: {  	[tilespmem:$0x2B0] =	vst v2;
	v2 =	vmin.u32 v3, $0x1400  }
0x183: {  	s14 =	simm.s32 $0x0;
	[tilespmem:$0x2C0] =	vst v2  }
.LBB2_10:
0x184: {  	s15 =	sshll.u32 s14, $0x4  }
0x185: {  	s15 =	sand.u32 $0x3FFFFFF0, s15  }
0x186: {  	s17 =	sshll.u32 s14, $0xB;
	v2 =	vld [tilespmem:s15+$0x380]  }
0x187: {  	s15 =	sand.u32 $0x3FFFF800, s17  }
0x188: {  	v3 =	vld [tilespmem:s15+$0x2C00]  }
0x189: {  	v4 =	vld [tilespmem:s15+$0x2C10]  }
0x18a: {  	v5 =	vld [tilespmem:s15+$0x2C20]  }
0x18b: {  	v7 =	vld [tilespmem:s15+$0x2C30];
	v6 =	vbroadcast v2, $0x0  }
0x18c: {  	v8 =	vld [tilespmem:s15+$0x2C40]  }
0x18d: {  	v9 =	vld [tilespmem:s15+$0x2C50];
	v3 =	vmul.f32 v6, v3  }
0x18e: {  	v10 =	vld [tilespmem:s15+$0x2C60];
	v4 =	vmul.f32 v4, v6  }
0x18f: {  	v24 =	vld [tilespmem:s15+$0x2C70];
	[tilespmem:s15+$0x2C00] =	vst v3;
	v3 =	vmul.f32 v5, v6  }
0x190: {  	v26 =	vld [tilespmem:s15+$0x2C80];
	v25 =	vmul.f32 v7, v6;
	[tilespmem:s15+$0x2C10] =	vst v4  }
0x191: {  	v27 =	vld [tilespmem:s15+$0x2C90];
	[tilespmem:s15+$0x2C20] =	vst v3;
	v3 =	vmul.f32 v8, v6  }
0x192: {  	v29 =	vld [tilespmem:s15+$0x2CA0];
	v28 =	vmul.f32 v9, v6;
	[tilespmem:s15+$0x2C30] =	vst v25  }
0x193: {  	v11 =	vld [tilespmem:s15+$0x2CB0];
	v30 =	vbroadcast v2, $0x1;
	[tilespmem:s15+$0x2C40] =	vst v3;
	v3 =	vmul.f32 v10, v6  }
0x194: {  	v32 =	vld [tilespmem:s15+$0x2CC0];
	v31 =	vmul.f32 v24, v6;
	[tilespmem:s15+$0x2C50] =	vst v28  }
0x195: {  	v33 =	vld [tilespmem:s15+$0x2CD0];
	[tilespmem:s15+$0x2C60] =	vst v3;
	v3 =	vmul.f32 v26, v30  }
0x196: {  	v35 =	vld [tilespmem:s15+$0x2CE0];
	v34 =	vmul.f32 v27, v30;
	[tilespmem:s15+$0x2C70] =	vst v31  }
0x197: {  	v36 =	vld [tilespmem:s15+$0x2CF0];
	[tilespmem:s15+$0x2C80] =	vst v3;
	v3 =	vmul.f32 v29, v30  }
0x198: {  	v38 =	vld [tilespmem:s15+$0x2D00];
	v37 =	vmul.f32 v11, v30;
	[tilespmem:s15+$0x2C90] =	vst v34  }
0x199: {  	v39 =	vld [tilespmem:s15+$0x2D10];
	[tilespmem:s15+$0x2CA0] =	vst v3;
	v3 =	vmul.f32 v32, v30  }
0x19a: {  	v41 =	vld [tilespmem:s15+$0x2D20];
	v40 =	vmul.f32 v33, v30;
	[tilespmem:s15+$0x2CB0] =	vst v37  }
0x19b: {  	v43 =	vld [tilespmem:s15+$0x2D30];
	v42 =	vbroadcast v2, $0x2;
	[tilespmem:s15+$0x2CC0] =	vst v3;
	v3 =	vmul.f32 v35, v30  }
0x19c: {  	v45 =	vld [tilespmem:s15+$0x2D40];
	v44 =	vmul.f32 v36, v30;
	[tilespmem:s15+$0x2CD0] =	vst v40  }
0x19d: {  	v46 =	vld [tilespmem:s15+$0x2D50];
	[tilespmem:s15+$0x2CE0] =	vst v3;
	v3 =	vmul.f32 v38, v42  }
0x19e: {  	v48 =	vld [tilespmem:s15+$0x2D60];
	v47 =	vmul.f32 v39, v42;
	[tilespmem:s15+$0x2CF0] =	vst v44  }
0x19f: {  	v49 =	vld [tilespmem:s15+$0x2D70];
	[tilespmem:s15+$0x2D00] =	vst v3;
	v3 =	vmul.f32 v41, v42  }
0x1a0: {  	v51 =	vld [tilespmem:s15+$0x2D80];
	v50 =	vmul.f32 v43, v42;
	[tilespmem:s15+$0x2D10] =	vst v47  }
0x1a1: {  	v52 =	vld [tilespmem:s15+$0x2D90];
	[tilespmem:s15+$0x2D20] =	vst v3;
	v3 =	vmul.f32 v45, v42  }
0x1a2: {  	v54 =	vld [tilespmem:s15+$0x2DA0];
	v53 =	vmul.f32 v46, v42;
	[tilespmem:s15+$0x2D30] =	vst v50  }
0x1a3: {  	v56 =	vld [tilespmem:s15+$0x2DB0];
	v55 =	vbroadcast v2, $0x3;
	[tilespmem:s15+$0x2D40] =	vst v3;
	v3 =	vmul.f32 v48, v42  }
0x1a4: {  	v58 =	vld [tilespmem:s15+$0x2DC0];
	v57 =	vmul.f32 v49, v42;
	[tilespmem:s15+$0x2D50] =	vst v53  }
0x1a5: {  	v59 =	vld [tilespmem:s15+$0x2DD0];
	[tilespmem:s15+$0x2D60] =	vst v3;
	v3 =	vmul.f32 v51, v55  }
0x1a6: {  	v61 =	vld [tilespmem:s15+$0x2DE0];
	v60 =	vmul.f32 v52, v55;
	[tilespmem:s15+$0x2D70] =	vst v57  }
0x1a7: {  	v62 =	vld [tilespmem:s15+$0x2DF0];
	[tilespmem:s15+$0x2D80] =	vst v3;
	v3 =	vmul.f32 v54, v55  }
0x1a8: {  	v12 =	vld [tilespmem:s15+$0x2E00];
	v63 =	vmul.f32 v56, v55;
	[tilespmem:s15+$0x2D90] =	vst v60  }
0x1a9: {  	v13 =	vld [tilespmem:s15+$0x2E10];
	[tilespmem:s15+$0x2DA0] =	vst v3;
	v3 =	vmul.f32 v58, v55  }
0x1aa: {  	v15 =	vld [tilespmem:s15+$0x2E20];
	v14 =	vmul.f32 v59, v55;
	[tilespmem:s15+$0x2DB0] =	vst v63  }
0x1ab: {  	v17 =	vld [tilespmem:s15+$0x2E30];
	v16 =	vbroadcast v2, $0x4;
	[tilespmem:s15+$0x2DC0] =	vst v3;
	v3 =	vmul.f32 v61, v55  }
0x1ac: {  	v19 =	vld [tilespmem:s15+$0x2E40];
	v18 =	vmul.f32 v62, v55;
	[tilespmem:s15+$0x2DD0] =	vst v14  }
0x1ad: {  	v20 =	vld [tilespmem:s15+$0x2E50];
	[tilespmem:s15+$0x2DE0] =	vst v3;
	v3 =	vmul.f32 v12, v16  }
0x1ae: {  	v22 =	vld [tilespmem:s15+$0x2E60];
	v21 =	vmul.f32 v13, v16;
	[tilespmem:s15+$0x2DF0] =	vst v18  }
0x1af: {  	v23 =	vld [tilespmem:s15+$0x2E70];
	[tilespmem:s15+$0x2E00] =	vst v3;
	v3 =	vmul.f32 v15, v16  }
0x1b0: {  	v24 =	vmul.f32 v17, v16;
	[tilespmem:s15+$0x2E10] =	vst v21;
	v25 =	vld [tilespmem:s15+$0x2E80]  }
0x1b1: {  	v33 =	vld [tilespmem:s15+$0x2ED0];
	[tilespmem:s15+$0x2E20] =	vst v3;
	v3 =	vmul.f32 v19, v16  }
0x1b2: {  	v27 =	vmul.f32 v20, v16;
	[tilespmem:s15+$0x2E30] =	vst v24;
	v28 =	vld [tilespmem:s15+$0x2EA0]  }
0x1b3: {  	v36 =	vld [tilespmem:s15+$0x2EF0];
	v29 =	vbroadcast v2, $0x5;
	[tilespmem:s15+$0x2E40] =	vst v3;
	v3 =	vmul.f32 v22, v16  }
0x1b4: {  	[tilespmem:s15+$0x2E50] =	vst v27;
	v31 =	vmul.f32 v23, v16;
	v32 =	vld [tilespmem:s15+$0x2EC0]  }
0x1b5: {  	v26 =	vld [tilespmem:s15+$0x2E90];
	[tilespmem:s15+$0x2E60] =	vst v3;
	v3 =	vmul.f32 v25, v29  }
0x1b6: {  	[tilespmem:s15+$0x2E70] =	vst v31;
	v40 =	vmul.f32 v33, v29;
	v35 =	vld [tilespmem:s15+$0x2EE0]  }
0x1b7: {  	v30 =	vld [tilespmem:s15+$0x2EB0];
	[tilespmem:s15+$0x2E80] =	vst v3;
	v3 =	vmul.f32 v28, v29  }
0x1b8: {  	v44 =	vmul.f32 v36, v29;
	[tilespmem:s15+$0x2ED0] =	vst v40;
	v38 =	vld [tilespmem:s15+$0x2F00]  }
0x1b9: {  	v39 =	vld [tilespmem:s15+$0x2F10];
	[tilespmem:s15+$0x2EA0] =	vst v3;
	v3 =	vmul.f32 v32, v29  }
0x1ba: {  	v34 =	vmul.f32 v26, v29;
	[tilespmem:s15+$0x2EF0] =	vst v44;
	v41 =	vld [tilespmem:s15+$0x2F20]  }
0x1bb: {  	v43 =	vld [tilespmem:s15+$0x2F30];
	v42 =	vbroadcast v2, $0x6;
	[tilespmem:s15+$0x2EC0] =	vst v3;
	v3 =	vmul.f32 v35, v29  }
0x1bc: {  	[tilespmem:s15+$0x2E90] =	vst v34;
	v37 =	vmul.f32 v30, v29;
	v45 =	vld [tilespmem:s15+$0x2F40]  }
0x1bd: {  	v46 =	vld [tilespmem:s15+$0x2F50];
	[tilespmem:s15+$0x2EE0] =	vst v3;
	v3 =	vmul.f32 v38, v42  }
0x1be: {  	[tilespmem:s15+$0x2EB0] =	vst v37;
	v48 =	vld [tilespmem:s15+$0x2F60];
	v47 =	vmul.f32 v39, v42  }
0x1bf: {  	v49 =	vld [tilespmem:s15+$0x2F70];
	[tilespmem:s15+$0x2F00] =	vst v3;
	v3 =	vmul.f32 v41, v42  }
0x1c0: {  	v50 =	vmul.f32 v43, v42;
	v51 =	vld [tilespmem:s15+$0x2F80];
	[tilespmem:s15+$0x2F10] =	vst v47  }
0x1c1: {  	v52 =	vld [tilespmem:s15+$0x2F90];
	[tilespmem:s15+$0x2F20] =	vst v3;
	v3 =	vmul.f32 v45, v42  }
0x1c2: {  	v53 =	vmul.f32 v46, v42;
	[tilespmem:s15+$0x2F30] =	vst v50;
	v54 =	vld [tilespmem:s15+$0x2FA0]  }
0x1c3: {  	v56 =	vld [tilespmem:s15+$0x2FB0];
	v55 =	vbroadcast v2, $0x7;
	[tilespmem:s15+$0x2F40] =	vst v3;
	v3 =	vmul.f32 v48, v42  }
0x1c4: {  	v57 =	vmul.f32 v49, v42;
	[tilespmem:s15+$0x2F50] =	vst v53;
	v58 =	vld [tilespmem:s15+$0x2FC0]  }
0x1c5: {  	v59 =	vld [tilespmem:s15+$0x2FD0];
	[tilespmem:s15+$0x2F60] =	vst v3;
	v3 =	vmul.f32 v51, v55  }
0x1c6: {  	[tilespmem:s15+$0x2F70] =	vst v57;
	v61 =	vld [tilespmem:s15+$0x2FE0];
	v60 =	vmul.f32 v52, v55  }
0x1c7: {  	v62 =	vld [tilespmem:s15+$0x2FF0];
	[tilespmem:s15+$0x2F80] =	vst v3;
	v3 =	vmul.f32 v54, v55  }
0x1c8: {  	v63 =	vmul.f32 v56, v55;
	v12 =	vld [tilespmem:s15+$0x3000];
	[tilespmem:s15+$0x2F90] =	vst v60  }
0x1c9: {  	v13 =	vld [tilespmem:s15+$0x3010];
	[tilespmem:s15+$0x2FA0] =	vst v3;
	v3 =	vmul.f32 v58, v55  }
0x1ca: {  	v14 =	vmul.f32 v59, v55;
	[tilespmem:s15+$0x2FB0] =	vst v63;
	v15 =	vld [tilespmem:s15+$0x3020]  }
0x1cb: {  	v17 =	vld [tilespmem:s15+$0x3030];
	v16 =	vbroadcast v2, $0x8;
	[tilespmem:s15+$0x2FC0] =	vst v3;
	v3 =	vmul.f32 v61, v55  }
0x1cc: {  	v18 =	vmul.f32 v62, v55;
	[tilespmem:s15+$0x2FD0] =	vst v14;
	v19 =	vld [tilespmem:s15+$0x3040]  }
0x1cd: {  	v20 =	vld [tilespmem:s15+$0x3050];
	[tilespmem:s15+$0x2FE0] =	vst v3;
	v3 =	vmul.f32 v12, v16  }
0x1ce: {  	[tilespmem:s15+$0x2FF0] =	vst v18;
	v22 =	vld [tilespmem:s15+$0x3060];
	v21 =	vmul.f32 v13, v16  }
0x1cf: {  	v23 =	vld [tilespmem:s15+$0x3070];
	[tilespmem:s15+$0x3000] =	vst v3;
	v3 =	vmul.f32 v15, v16  }
0x1d0: {  	v24 =	vmul.f32 v17, v16;
	v25 =	vld [tilespmem:s15+$0x3080];
	[tilespmem:s15+$0x3010] =	vst v21  }
0x1d1: {  	v26 =	vld [tilespmem:s15+$0x3090];
	[tilespmem:s15+$0x3020] =	vst v3;
	v3 =	vmul.f32 v19, v16  }
0x1d2: {  	v27 =	vmul.f32 v20, v16;
	[tilespmem:s15+$0x3030] =	vst v24;
	v28 =	vld [tilespmem:s15+$0x30A0]  }
0x1d3: {  	v30 =	vld [tilespmem:s15+$0x30B0];
	v29 =	vbroadcast v2, $0x9;
	[tilespmem:s15+$0x3040] =	vst v3;
	v3 =	vmul.f32 v22, v16  }
0x1d4: {  	v31 =	vmul.f32 v23, v16;
	[tilespmem:s15+$0x3050] =	vst v27;
	v32 =	vld [tilespmem:s15+$0x30C0]  }
0x1d5: {  	v33 =	vld [tilespmem:s15+$0x30D0];
	[tilespmem:s15+$0x3060] =	vst v3;
	v3 =	vmul.f32 v25, v29  }
0x1d6: {  	[tilespmem:s15+$0x3070] =	vst v31;
	v35 =	vld [tilespmem:s15+$0x30E0];
	v34 =	vmul.f32 v26, v29  }
0x1d7: {  	v36 =	vld [tilespmem:s15+$0x30F0];
	[tilespmem:s15+$0x3080] =	vst v3;
	v3 =	vmul.f32 v28, v29  }
0x1d8: {  	v37 =	vmul.f32 v30, v29;
	v38 =	vld [tilespmem:s15+$0x3100];
	[tilespmem:s15+$0x3090] =	vst v34  }
0x1d9: {  	v39 =	vld [tilespmem:s15+$0x3110];
	[tilespmem:s15+$0x30A0] =	vst v3;
	v3 =	vmul.f32 v32, v29  }
0x1da: {  	v40 =	vmul.f32 v33, v29;
	[tilespmem:s15+$0x30B0] =	vst v37;
	v41 =	vld [tilespmem:s15+$0x3120]  }
0x1db: {  	v43 =	vld [tilespmem:s15+$0x3130];
	v42 =	vbroadcast v2, $0xA;
	[tilespmem:s15+$0x30C0] =	vst v3;
	v3 =	vmul.f32 v35, v29  }
0x1dc: {  	v44 =	vmul.f32 v36, v29;
	[tilespmem:s15+$0x30D0] =	vst v40;
	v45 =	vld [tilespmem:s15+$0x3140]  }
0x1dd: {  	v46 =	vld [tilespmem:s15+$0x3150];
	[tilespmem:s15+$0x30E0] =	vst v3;
	v3 =	vmul.f32 v38, v42  }
0x1de: {  	[tilespmem:s15+$0x30F0] =	vst v44;
	v48 =	vld [tilespmem:s15+$0x3160];
	v47 =	vmul.f32 v39, v42  }
0x1df: {  	v49 =	vld [tilespmem:s15+$0x3170];
	[tilespmem:s15+$0x3100] =	vst v3;
	v3 =	vmul.f32 v41, v42  }
0x1e0: {  	v50 =	vmul.f32 v43, v42;
	v51 =	vld [tilespmem:s15+$0x3180];
	[tilespmem:s15+$0x3110] =	vst v47  }
0x1e1: {  	v52 =	vld [tilespmem:s15+$0x3190];
	[tilespmem:s15+$0x3120] =	vst v3;
	v3 =	vmul.f32 v45, v42  }
0x1e2: {  	v53 =	vmul.f32 v46, v42;
	[tilespmem:s15+$0x3130] =	vst v50;
	v54 =	vld [tilespmem:s15+$0x31A0]  }
0x1e3: {  	v56 =	vld [tilespmem:s15+$0x31B0];
	v55 =	vbroadcast v2, $0xB;
	[tilespmem:s15+$0x3140] =	vst v3;
	v3 =	vmul.f32 v48, v42  }
0x1e4: {  	v57 =	vmul.f32 v49, v42;
	[tilespmem:s15+$0x3150] =	vst v53;
	v58 =	vld [tilespmem:s15+$0x31C0]  }
0x1e5: {  	v59 =	vld [tilespmem:s15+$0x31D0];
	[tilespmem:s15+$0x3160] =	vst v3;
	v3 =	vmul.f32 v51, v55  }
0x1e6: {  	[tilespmem:s15+$0x3170] =	vst v57;
	v61 =	vld [tilespmem:s15+$0x31E0];
	v60 =	vmul.f32 v52, v55  }
0x1e7: {  	v62 =	vld [tilespmem:s15+$0x31F0];
	[tilespmem:s15+$0x3180] =	vst v3;
	v3 =	vmul.f32 v54, v55  }
0x1e8: {  	v63 =	vmul.f32 v56, v55;
	v12 =	vld [tilespmem:s15+$0x3200];
	[tilespmem:s15+$0x3190] =	vst v60  }
0x1e9: {  	v13 =	vld [tilespmem:s15+$0x3210];
	[tilespmem:s15+$0x31A0] =	vst v3;
	v3 =	vmul.f32 v58, v55  }
0x1ea: {  	v14 =	vmul.f32 v59, v55;
	[tilespmem:s15+$0x31B0] =	vst v63;
	v15 =	vld [tilespmem:s15+$0x3220]  }
0x1eb: {  	v17 =	vld [tilespmem:s15+$0x3230];
	v16 =	vbroadcast v2, $0xC;
	[tilespmem:s15+$0x31C0] =	vst v3;
	v3 =	vmul.f32 v61, v55  }
0x1ec: {  	v18 =	vmul.f32 v62, v55;
	[tilespmem:s15+$0x31D0] =	vst v14;
	v19 =	vld [tilespmem:s15+$0x3240]  }
0x1ed: {  	v20 =	vld [tilespmem:s15+$0x3250];
	[tilespmem:s15+$0x31E0] =	vst v3;
	v3 =	vmul.f32 v12, v16  }
0x1ee: {  	[tilespmem:s15+$0x31F0] =	vst v18;
	v22 =	vld [tilespmem:s15+$0x3260];
	v21 =	vmul.f32 v13, v16  }
0x1ef: {  	v23 =	vld [tilespmem:s15+$0x3270];
	[tilespmem:s15+$0x3200] =	vst v3;
	v3 =	vmul.f32 v15, v16  }
0x1f0: {  	v24 =	vmul.f32 v17, v16;
	v25 =	vld [tilespmem:s15+$0x3280];
	[tilespmem:s15+$0x3210] =	vst v21  }
0x1f1: {  	v26 =	vld [tilespmem:s15+$0x3290];
	[tilespmem:s15+$0x3220] =	vst v3;
	v3 =	vmul.f32 v19, v16  }
0x1f2: {  	v27 =	vmul.f32 v20, v16;
	[tilespmem:s15+$0x3230] =	vst v24;
	v28 =	vld [tilespmem:s15+$0x32A0]  }
0x1f3: {  	v30 =	vld [tilespmem:s15+$0x32B0];
	v29 =	vbroadcast v2, $0xD;
	[tilespmem:s15+$0x3240] =	vst v3;
	v3 =	vmul.f32 v22, v16  }
0x1f4: {  	v31 =	vmul.f32 v23, v16;
	[tilespmem:s15+$0x3250] =	vst v27;
	v32 =	vld [tilespmem:s15+$0x32C0]  }
0x1f5: {  	v33 =	vld [tilespmem:s15+$0x32D0];
	[tilespmem:s15+$0x3260] =	vst v3;
	v3 =	vmul.f32 v25, v29  }
0x1f6: {  	[tilespmem:s15+$0x3270] =	vst v31;
	v35 =	vld [tilespmem:s15+$0x32E0];
	v34 =	vmul.f32 v26, v29  }
0x1f7: {  	v36 =	vld [tilespmem:s15+$0x32F0];
	[tilespmem:s15+$0x3280] =	vst v3;
	v3 =	vmul.f32 v28, v29  }
0x1f8: {  	v37 =	vmul.f32 v30, v29;
	v38 =	vld [tilespmem:s15+$0x3300];
	[tilespmem:s15+$0x3290] =	vst v34  }
0x1f9: {  	v39 =	vld [tilespmem:s15+$0x3310];
	[tilespmem:s15+$0x32A0] =	vst v3;
	v3 =	vmul.f32 v32, v29  }
0x1fa: {  	v40 =	vmul.f32 v33, v29;
	[tilespmem:s15+$0x32B0] =	vst v37;
	v41 =	vld [tilespmem:s15+$0x3320]  }
0x1fb: {  	v43 =	vld [tilespmem:s15+$0x3330];
	v42 =	vbroadcast v2, $0xE;
	[tilespmem:s15+$0x32C0] =	vst v3;
	v3 =	vmul.f32 v35, v29  }
0x1fc: {  	v44 =	vmul.f32 v36, v29;
	[tilespmem:s15+$0x32D0] =	vst v40;
	v45 =	vld [tilespmem:s15+$0x3340]  }
0x1fd: {  	v46 =	vld [tilespmem:s15+$0x3350];
	[tilespmem:s15+$0x32E0] =	vst v3;
	v3 =	vmul.f32 v38, v42  }
0x1fe: {  	[tilespmem:s15+$0x32F0] =	vst v44;
	v48 =	vld [tilespmem:s15+$0x3360];
	v47 =	vmul.f32 v39, v42  }
0x1ff: {  	v49 =	vld [tilespmem:s15+$0x3370];
	[tilespmem:s15+$0x3300] =	vst v3;
	v3 =	vmul.f32 v41, v42  }
0x200: {  	v50 =	vmul.f32 v43, v42;
	v51 =	vld [tilespmem:s15+$0x3380];
	[tilespmem:s15+$0x3310] =	vst v47  }
0x201: {  	v52 =	vld [tilespmem:s15+$0x3390];
	[tilespmem:s15+$0x3320] =	vst v3;
	v3 =	vmul.f32 v45, v42  }
0x202: {  	v53 =	vmul.f32 v46, v42;
	[tilespmem:s15+$0x3330] =	vst v50;
	v54 =	vld [tilespmem:s15+$0x33A0]  }
0x203: {  	v2 =	vbroadcast v2, $0xF;
	v58 =	vld [tilespmem:s15+$0x33D0];
	[tilespmem:s15+$0x3340] =	vst v3;
	v3 =	vmul.f32 v48, v42  }
0x204: {  	v57 =	vld [tilespmem:s15+$0x33C0];
	v56 =	vmul.f32 v49, v42;
	[tilespmem:s15+$0x3350] =	vst v53  }
0x205: {  	v55 =	vld [tilespmem:s15+$0x33B0];
	[tilespmem:s15+$0x3360] =	vst v3;
	v3 =	vmul.f32 v51, v2  }
0x206: {  	v60 =	vld [tilespmem:s15+$0x33E0];
	v59 =	vmul.f32 v52, v2;
	[tilespmem:s15+$0x3370] =	vst v56  }
0x207: {  	v61 =	vld [tilespmem:s15+$0x33F0];
	[tilespmem:s15+$0x3380] =	vst v3;
	v3 =	vmul.f32 v54, v2  }
0x208: {  	[tilespmem:s15+$0x3390] =	vst v59;
	v63 =	vmul.f32 v58, v2  }
0x209: {  	p4 =	sne.s32 s14, $0x4;
	[tilespmem:s15+$0x33A0] =	vst v3;
	v3 =	vmul.f32 v57, v2  }
.Ltmp8:
0x20a: {  	v62 =	vmul.f32 v55, v2;
	[tilespmem:s15+$0x33D0] =	vst v63;
	(pc) =	sbr.rel @p4 .LBB2_10-.Ltmp8, $4  }
0x20b: {  	[tilespmem:s15+$0x33C0] =	vst v3;
	v3 =	vmul.f32 v60, v2  }
0x20c: {  	[tilespmem:s15+$0x33B0] =	vst v62;
	v2 =	vmul.f32 v61, v2  }
0x20d: {  	[tilespmem:s15+$0x33E0] =	vst v3  }
0x20e: {  	s14 =	sadd.s32 $0x1, s14;
	[tilespmem:s15+$0x33F0] =	vst v2  }
.Ltmp9:
0x20f: {  	(pc) =	sbr.rel .LBB2_12-.Ltmp9, $2  }
0x210: {  	_ =	sdelay $0x2  }
0x211: {  	[spmem:s6] =	stream.indirect.scatter.add.f32 [tilespmem:s3], [sflag:$0x6], $0x80, s31, s28, $0xb8;
	[tilespmem:$0xF440] =	vst v63  }
.LBB2_14:
0x212: {  	_ =	sfence.sel $0x180000  }
0x213: {  	[bflag:$0x0] =	sbarrier.arrive $0xFFFF  }
0x214: {  	_ =	strace $0x90000047  }
0x215: {  	s0 =	stileid.u32;
	[bflag:$0x2] =	sbarrier.arrive $0xFFFF  }
0x216: {  	p0 =	sne.s32 s0, $0x0;
	s0 =	rddreg [dreg:$0x6]  }
0x217: {  	s0 =	sadd.s32 @!p0 $0x100000, s0  }
0x218: {  	[sflag:s0] =	ssyncadd.tile.s32 @!p0 $0x1;
	_ =	shalt  }
.Lfunc_end2:
_tile_overlayer_lowered:
.L_overlay_start_2:
0x219: {  	(tag) =	ssettag $0x2  }
0x21a: {  	s0 =	rddreg [dreg:$0x0];
	s2 =	stileid.u32  }
0x21b: {  	s1 =	rddreg [dreg:$0x1];
	p0 =	sne.s32 s2, $0x0  }
0x21c: {  	s3 =	rddreg [dreg:$0x2];
	[bflag:$0x3] =	sbarrier.arrive $0xFFFF;
	s2 =	simm.s32 @!p0 $0x1C07  }
0x21d: {  	[timem:s3], [sflag:s2] =	dma.local @!p0 [hbm:s0], s1  }
0x21e: {  	s0 =	simm.s32 @!p0 $0x7  }
0x21f: {  	_ =	swait.ge @!p0 [sflag:s0], s1  }
0x220: {  	s1 =	ssub.s32 @!p0 $0x0, s1;
	[sflag:s0] =	ssyncset.done @!p0 $0x0  }
0x221: {  	[sflag:s0] =	ssyncadd.s32 @!p0 s1  }
0x222: {  	[bflag:$0x3] =	sbarrier.arrive $0xFFFF  }
0x223: {  	_ =	shalt  }

</sc_bundles>
